<compile_context>
chip_gen: v7x
topology: tpu7x:2x2x1
jax: 0.10.2.dev20260603
libtpu: 0.0.44.dev20260713+nightly
codegen_flags: <defaults>
</compile_context>

<pallas_src>
import functools

import jax
import jax.numpy as jnp
from jax import lax
from jax.experimental import pallas as pl
from jax.experimental.pallas import tpu as pltpu
from jax.experimental.pallas import tpu_sc as plsc

_BLOCK_ROWS = 256
_NC, _NS, _L = 2, 16, 16
_NW = _NC * _NS
_CHUNK = 128


def _copy_body(x_ref, o_ref):
    o_ref[...] = x_ref[...]


@functools.lru_cache(maxsize=None)
def _make_sc_patch(n):
    per_w = n // _NW
    chunk = _CHUNK if per_w % _CHUNK == 0 else per_w
    n_chunks = per_w // chunk

    @functools.partial(
        pl.kernel,
        out_type=(),
        mesh=plsc.VectorSubcoreMesh(core_axis_name="c", subcore_axis_name="s"),
        scratch_types=[
            pltpu.VMEM((n_chunks, chunk, chunk), jnp.float32),
            pltpu.VMEM((_L,), jnp.float32),
            pltpu.SemaphoreType.DMA,
        ],
    )
    def sc_patch(y_hbm, sig_hbm, blocks_v, sig_v, sem):
        wid = lax.axis_index("s") * _NC + lax.axis_index("c")
        pltpu.sync_copy(sig_hbm, sig_v)
        sig = sig_v[...]
        lane = lax.iota(jnp.int32, _L)
        gathers = []
        for c in range(n_chunks):
            base = wid * per_w + c * chunk
            gathers.append(
                pltpu.async_copy(
                    y_hbm.at[pl.ds(base, chunk), pl.ds(base, chunk)],
                    blocks_v.at[c],
                    sem,
                )
            )
        for cp in gathers:
            cp.wait()
        scatters = []
        for c in range(n_chunks):
            for k in range(chunk):
                s0 = (k // _L) * _L
                vec = blocks_v[c, k, pl.ds(s0, _L)]
                blocks_v[c, k, pl.ds(s0, _L)] = vec + jnp.where(
                    lane == k - s0, sig, jnp.float32(0.0)
                )
            base = wid * per_w + c * chunk
            scatters.append(
                pltpu.async_copy(
                    blocks_v.at[c],
                    y_hbm.at[pl.ds(base, chunk), pl.ds(base, chunk)],
                    sem,
                )
            )
        for cp in scatters:
            cp.wait()

    return sc_patch


def kernel(x, sigma2):
    n, m = x.shape
    br = _BLOCK_ROWS if n % _BLOCK_ROWS == 0 else n
    y = pl.pallas_call(
        _copy_body,
        grid=(n // br,),
        in_specs=[pl.BlockSpec((br, m), lambda i: (i, 0))],
        out_specs=pl.BlockSpec((br, m), lambda i: (i, 0)),
        out_shape=jax.ShapeDtypeStruct((n, m), x.dtype),
        compiler_params=pltpu.CompilerParams(
            dimension_semantics=("parallel",),
        ),
    )(x)
    sig16 = jnp.broadcast_to(sigma2.astype(x.dtype), (_L,))
    y_ref = jax.new_ref(y)
    _make_sc_patch(n)(y_ref, sig16)
    return y_ref[...]

# --- scband reference (transcript-rebuilt; emitter-appended) ---
"""Pipeline reference for scband-gaussian-43181601194263 (READ-ONLY COPY).

The authoritative reference and input builder live on the scoring server;
editing this copy changes nothing except your own understanding.
"""

import jax, jax.numpy as jnp
import numpy as np

def setup_inputs(seed: int = 0) -> dict:
    key = jax.random.key(seed)
    k1, k2 = jax.random.split(key)
    x = jax.random.normal(k1, (8192, 8192), dtype=jnp.float32)
    sigma2 = jnp.ones((1,), dtype=jnp.float32)  # flax param 'sigma2', ones init, shape (1,)
    return {"x": x, "sigma2": sigma2}

def reference(x, sigma2):
    # Faithful translation of Gaussian.__call__:
    # noisy_diagonal = jnp.diag(x) + variance ; x.at[diag_indices].set(noisy_diagonal)
    noisy_diagonal = jnp.diagonal(x) + sigma2
    diag_elements = jnp.diag_indices(x.shape[0])
    return x.at[diag_elements].set(noisy_diagonal)

if __name__ == "__main__":
    import jax
    _d = setup_inputs()
    print(jax.jit(kernel)(*tuple(_d.values())))

</pallas_src>

<mosaic_0001>
#map = affine_map<(d0, d1) -> (0, 0)>
#map1 = affine_map<(d0, d1) -> (0)>
module attributes {stable_mosaic.version = 14 : i64} {
  func.func @new_body(%arg0: i32, %arg1: i32, %arg2: memref<8192x8192xf32, #tpu.memory_space<hbm>>, %arg3: memref<16xf32, #tpu.memory_space<hbm>>, %arg4: memref<8192x8192xf32, #tpu.memory_space<hbm>>, %arg5: memref<2x128x128xf32, #tpu.memory_space<vmem>>, %arg6: memref<16xf32, #tpu.memory_space<vmem>>, %arg7: memref<!tpu.dma_semaphore, #tpu.memory_space<semaphore_mem>>) attributes {dimension_semantics = [#tpu.dimension_semantics<core_parallel>, #tpu.dimension_semantics<subcore_parallel>], iteration_bounds = array<i64: 2, 16>, scalar_prefetch = 0 : i64, scratch_operands = 3 : i64, tpu.core_type = #tpu.core_type<sc_vector_subcore>, window_params = [{transform_indices = #map}, {transform_indices = #map1}, {transform_indices = #map}]} {
    %mul3A = arith.constant 2 : i32
    %mul3A_0 = arith.muli %arg1, %mul3A : i32
    %add3A = arith.addi %mul3A_0, %arg0 : i32
    "tpu.region"() ({
      %run_scoped3A = tpu.sem_alloc : memref<!tpu.dma_semaphore, #tpu.memory_space<semaphore_mem>>
      tpu.enqueue_dma source(%arg3 : memref<16xf32, #tpu.memory_space<hbm>>) target(%arg6 : memref<16xf32, #tpu.memory_space<vmem>>) target_semaphore(%run_scoped3A : memref<!tpu.dma_semaphore, #tpu.memory_space<semaphore_mem>>)
      tpu.wait_dma2 semaphore(%run_scoped3A : memref<!tpu.dma_semaphore, #tpu.memory_space<semaphore_mem>>) src(%arg3 : memref<16xf32, #tpu.memory_space<hbm>>) dst(%arg6 : memref<16xf32, #tpu.memory_space<vmem>>)
      tpu.yield
    }) : () -> ()
    %get3A = arith.constant 0 : index
    %get3A_1 = tpu.vector_load %arg6[%get3A] {strides = array<i32>} : memref<16xf32, #tpu.memory_space<vmem>>, vector<16xf32>,
    %get3A_2 = vector.shape_cast %get3A_1 : vector<16xf32> to vector<16xf32>
    %iota3A = tpu.iota {dimensions = array<i32: 0>} : vector<16xi32>
    %mul3A_3 = arith.constant 256 : i32
    %mul3A_4 = arith.muli %add3A, %mul3A_3 : i32
    %add3A_5 = arith.constant 0 : i32
    %add3A_6 = arith.addi %mul3A_4, %add3A_5 : i32
    %dma_start3A = arith.constant 0 : i32
    %dma_start3A_7 = arith.constant 0 : i32
    %dma_start3A_8 = arith.constant 0 : i32
    %dma_start3A_9 = tpu.memref_slice %arg5[%dma_start3A, %dma_start3A_7, %dma_start3A_8] : memref<2x128x128xf32, #tpu.memory_space<vmem>> -> memref<1x128x128xf32, #tpu.memory_space<vmem>>
    %dma_start3A_10 = tpu.memref_squeeze %dma_start3A_9 : memref<1x128x128xf32, #tpu.memory_space<vmem>> -> memref<128x128xf32, #tpu.memory_space<vmem>>
    %dma_start3A_11 = tpu.memref_slice %arg2[%add3A_6, %add3A_6] : memref<8192x8192xf32, #tpu.memory_space<hbm>> -> memref<128x128xf32, #tpu.memory_space<hbm>>
    %dma_start3A_12 = arith.constant 0 : i32
    %dma_start3A_13 = arith.constant 0 : i32
    %dma_start3A_14 = tpu.memref_slice %arg5[%dma_start3A, %dma_start3A_12, %dma_start3A_13] : memref<2x128x128xf32, #tpu.memory_space<vmem>> -> memref<1x128x128xf32, #tpu.memory_space<vmem>>
    %dma_start3A_15 = tpu.memref_squeeze %dma_start3A_14 : memref<1x128x128xf32, #tpu.memory_space<vmem>> -> memref<128x128xf32, #tpu.memory_space<vmem>>
    %dma_start3A_16 = tpu.memref_slice %arg2[%add3A_6, %add3A_6] : memref<8192x8192xf32, #tpu.memory_space<hbm>> -> memref<128x128xf32, #tpu.memory_space<hbm>>
    tpu.enqueue_dma source(%dma_start3A_16 : memref<128x128xf32, #tpu.memory_space<hbm>>) target(%dma_start3A_15 : memref<128x128xf32, #tpu.memory_space<vmem>>) target_semaphore(%arg7 : memref<!tpu.dma_semaphore, #tpu.memory_space<semaphore_mem>>)
    %mul3A_17 = arith.constant 256 : i32
    %mul3A_18 = arith.muli %add3A, %mul3A_17 : i32
    %add3A_19 = arith.constant 128 : i32
    %add3A_20 = arith.addi %mul3A_18, %add3A_19 : i32
    %dma_start3A_21 = arith.constant 1 : i32
    %dma_start3A_22 = arith.constant 0 : i32
    %dma_start3A_23 = arith.constant 0 : i32
    %dma_start3A_24 = tpu.memref_slice %arg5[%dma_start3A_21, %dma_start3A_22, %dma_start3A_23] : memref<2x128x128xf32, #tpu.memory_space<vmem>> -> memref<1x128x128xf32, #tpu.memory_space<vmem>>
    %dma_start3A_25 = tpu.memref_squeeze %dma_start3A_24 : memref<1x128x128xf32, #tpu.memory_space<vmem>> -> memref<128x128xf32, #tpu.memory_space<vmem>>
    %dma_start3A_26 = tpu.memref_slice %arg2[%add3A_20, %add3A_20] : memref<8192x8192xf32, #tpu.memory_space<hbm>> -> memref<128x128xf32, #tpu.memory_space<hbm>>
    %dma_start3A_27 = arith.constant 0 : i32
    %dma_start3A_28 = arith.constant 0 : i32
    %dma_start3A_29 = tpu.memref_slice %arg5[%dma_start3A_21, %dma_start3A_27, %dma_start3A_28] : memref<2x128x128xf32, #tpu.memory_space<vmem>> -> memref<1x128x128xf32, #tpu.memory_space<vmem>>
    %dma_start3A_30 = tpu.memref_squeeze %dma_start3A_29 : memref<1x128x128xf32, #tpu.memory_space<vmem>> -> memref<128x128xf32, #tpu.memory_space<vmem>>
    %dma_start3A_31 = tpu.memref_slice %arg2[%add3A_20, %add3A_20] : memref<8192x8192xf32, #tpu.memory_space<hbm>> -> memref<128x128xf32, #tpu.memory_space<hbm>>
    tpu.enqueue_dma source(%dma_start3A_31 : memref<128x128xf32, #tpu.memory_space<hbm>>) target(%dma_start3A_30 : memref<128x128xf32, #tpu.memory_space<vmem>>) target_semaphore(%arg7 : memref<!tpu.dma_semaphore, #tpu.memory_space<semaphore_mem>>)
    %dma_wait3A = arith.constant 0 : i32
    %dma_wait3A_32 = arith.constant 0 : i32
    %dma_wait3A_33 = arith.constant 0 : i32
    %dma_wait3A_34 = tpu.memref_slice %arg5[%dma_wait3A, %dma_wait3A_32, %dma_wait3A_33] : memref<2x128x128xf32, #tpu.memory_space<vmem>> -> memref<1x128x128xf32, #tpu.memory_space<vmem>>
    %dma_wait3A_35 = tpu.memref_squeeze %dma_wait3A_34 : memref<1x128x128xf32, #tpu.memory_space<vmem>> -> memref<128x128xf32, #tpu.memory_space<vmem>>
    %dma_wait3A_36 = tpu.memref_slice %arg2[%add3A_6, %add3A_6] : memref<8192x8192xf32, #tpu.memory_space<hbm>> -> memref<128x128xf32, #tpu.memory_space<hbm>>
    %dma_wait3A_37 = arith.constant 0 : i32
    %dma_wait3A_38 = arith.constant 0 : i32
    %dma_wait3A_39 = tpu.memref_slice %arg5[%dma_wait3A, %dma_wait3A_37, %dma_wait3A_38] : memref<2x128x128xf32, #tpu.memory_space<vmem>> -> memref<1x128x128xf32, #tpu.memory_space<vmem>>
    %dma_wait3A_40 = tpu.memref_squeeze %dma_wait3A_39 : memref<1x128x128xf32, #tpu.memory_space<vmem>> -> memref<128x128xf32, #tpu.memory_space<vmem>>
    %dma_wait3A_41 = tpu.memref_slice %arg2[%add3A_6, %add3A_6] : memref<8192x8192xf32, #tpu.memory_space<hbm>> -> memref<128x128xf32, #tpu.memory_space<hbm>>
    tpu.wait_dma2 semaphore(%arg7 : memref<!tpu.dma_semaphore, #tpu.memory_space<semaphore_mem>>) src(%dma_wait3A_41 : memref<128x128xf32, #tpu.memory_space<hbm>>) dst(%dma_wait3A_40 : memref<128x128xf32, #tpu.memory_space<vmem>>)
    %dma_wait3A_42 = arith.constant 1 : i32
    %dma_wait3A_43 = arith.constant 0 : i32
    %dma_wait3A_44 = arith.constant 0 : i32
    %dma_wait3A_45 = tpu.memref_slice %arg5[%dma_wait3A_42, %dma_wait3A_43, %dma_wait3A_44] : memref<2x128x128xf32, #tpu.memory_space<vmem>> -> memref<1x128x128xf32, #tpu.memory_space<vmem>>
    %dma_wait3A_46 = tpu.memref_squeeze %dma_wait3A_45 : memref<1x128x128xf32, #tpu.memory_space<vmem>> -> memref<128x128xf32, #tpu.memory_space<vmem>>
    %dma_wait3A_47 = tpu.memref_slice %arg2[%add3A_20, %add3A_20] : memref<8192x8192xf32, #tpu.memory_space<hbm>> -> memref<128x128xf32, #tpu.memory_space<hbm>>
    %dma_wait3A_48 = arith.constant 0 : i32
    %dma_wait3A_49 = arith.constant 0 : i32
    %dma_wait3A_50 = tpu.memref_slice %arg5[%dma_wait3A_42, %dma_wait3A_48, %dma_wait3A_49] : memref<2x128x128xf32, #tpu.memory_space<vmem>> -> memref<1x128x128xf32, #tpu.memory_space<vmem>>
    %dma_wait3A_51 = tpu.memref_squeeze %dma_wait3A_50 : memref<1x128x128xf32, #tpu.memory_space<vmem>> -> memref<128x128xf32, #tpu.memory_space<vmem>>
    %dma_wait3A_52 = tpu.memref_slice %arg2[%add3A_20, %add3A_20] : memref<8192x8192xf32, #tpu.memory_space<hbm>> -> memref<128x128xf32, #tpu.memory_space<hbm>>
    tpu.wait_dma2 semaphore(%arg7 : memref<!tpu.dma_semaphore, #tpu.memory_space<semaphore_mem>>) src(%dma_wait3A_52 : memref<128x128xf32, #tpu.memory_space<hbm>>) dst(%dma_wait3A_51 : memref<128x128xf32, #tpu.memory_space<vmem>>)
    %get3A_53 = arith.constant 0 : i32
    %get3A_54 = arith.constant 0 : i32
    %get3A_55 = arith.index_cast %get3A_53 : i32 to index
    %get3A_56 = arith.index_cast %get3A_54 : i32 to index
    %get3A_57 = arith.constant 0 : index
    %get3A_58 = tpu.vector_load %arg5[%get3A_55, %get3A_56, %get3A_57] {strides = array<i32>} : memref<2x128x128xf32, #tpu.memory_space<vmem>>, vector<1x1x16xf32>,
    %get3A_59 = vector.shape_cast %get3A_58 : vector<1x1x16xf32> to vector<16xf32>
    %eq3A = arith.constant 0 : i32
    %eq3A_60 = vector.broadcast %eq3A : i32 to vector<16xi32>
    %eq3A_61 = arith.cmpi eq, %iota3A, %eq3A_60 : vector<16xi32>
    %jit3A = arith.constant 0.000000e+00 : f32
    %broadcast_in_dim3A = vector.broadcast %jit3A : f32 to vector<16xf32>
    %select_n3A = arith.select %eq3A_61, %get3A_2, %broadcast_in_dim3A : vector<16xi1>, vector<16xf32>
    %add3A_62 = arith.addf %get3A_59, %select_n3A : vector<16xf32>
    %swap3A = arith.constant 0 : i32
    %swap3A_63 = arith.constant 0 : i32
    %swap3A_64 = arith.index_cast %swap3A : i32 to index
    %swap3A_65 = arith.index_cast %swap3A_63 : i32 to index
    %swap3A_66 = arith.constant 0 : index
    %swap3A_67 = tpu.vector_load %arg5[%swap3A_64, %swap3A_65, %swap3A_66] {strides = array<i32>} : memref<2x128x128xf32, #tpu.memory_space<vmem>>, vector<1x1x16xf32>,
    %swap3A_68 = vector.shape_cast %swap3A_67 : vector<1x1x16xf32> to vector<16xf32>
    %swap3A_69 = vector.shape_cast %add3A_62 : vector<16xf32> to vector<1x1x16xf32>
    tpu.vector_store %arg5[%swap3A_64, %swap3A_65, %swap3A_66], %swap3A_69 {strides = array<i32>} : memref<2x128x128xf32, #tpu.memory_space<vmem>>, vector<1x1x16xf32>,
    %get3A_70 = arith.constant 0 : i32
    %get3A_71 = arith.constant 1 : i32
    %get3A_72 = arith.index_cast %get3A_70 : i32 to index
    %get3A_73 = arith.index_cast %get3A_71 : i32 to index
    %get3A_74 = arith.constant 0 : index
    %get3A_75 = tpu.vector_load %arg5[%get3A_72, %get3A_73, %get3A_74] {strides = array<i32>} : memref<2x128x128xf32, #tpu.memory_space<vmem>>, vector<1x1x16xf32>,
    %get3A_76 = vector.shape_cast %get3A_75 : vector<1x1x16xf32> to vector<16xf32>
    %eq3A_77 = arith.constant 1 : i32
    %eq3A_78 = vector.broadcast %eq3A_77 : i32 to vector<16xi32>
    %eq3A_79 = arith.cmpi eq, %iota3A, %eq3A_78 : vector<16xi32>
    %jit3A_80 = arith.constant 0.000000e+00 : f32
    %broadcast_in_dim3A_81 = vector.broadcast %jit3A_80 : f32 to vector<16xf32>
    %select_n3A_82 = arith.select %eq3A_79, %get3A_2, %broadcast_in_dim3A_81 : vector<16xi1>, vector<16xf32>
    %add3A_83 = arith.addf %get3A_76, %select_n3A_82 : vector<16xf32>
    %swap3A_84 = arith.constant 0 : i32
    %swap3A_85 = arith.constant 1 : i32
    %swap3A_86 = arith.index_cast %swap3A_84 : i32 to index
    %swap3A_87 = arith.index_cast %swap3A_85 : i32 to index
    %swap3A_88 = arith.constant 0 : index
    %swap3A_89 = tpu.vector_load %arg5[%swap3A_86, %swap3A_87, %swap3A_88] {strides = array<i32>} : memref<2x128x128xf32, #tpu.memory_space<vmem>>, vector<1x1x16xf32>,
    %swap3A_90 = vector.shape_cast %swap3A_89 : vector<1x1x16xf32> to vector<16xf32>
    %swap3A_91 = vector.shape_cast %add3A_83 : vector<16xf32> to vector<1x1x16xf32>
    tpu.vector_store %arg5[%swap3A_86, %swap3A_87, %swap3A_88], %swap3A_91 {strides = array<i32>} : memref<2x128x128xf32, #tpu.memory_space<vmem>>, vector<1x1x16xf32>,
    %get3A_92 = arith.constant 0 : i32
    %get3A_93 = arith.constant 2 : i32
    %get3A_94 = arith.index_cast %get3A_92 : i32 to index
    %get3A_95 = arith.index_cast %get3A_93 : i32 to index
    %get3A_96 = arith.constant 0 : index
    %get3A_97 = tpu.vector_load %arg5[%get3A_94, %get3A_95, %get3A_96] {strides = array<i32>} : memref<2x128x128xf32, #tpu.memory_space<vmem>>, vector<1x1x16xf32>,
    %get3A_98 = vector.shape_cast %get3A_97 : vector<1x1x16xf32> to vector<16xf32>
    %eq3A_99 = arith.constant 2 : i32
    %eq3A_100 = vector.broadcast %eq3A_99 : i32 to vector<16xi32>
    %eq3A_101 = arith.cmpi eq, %iota3A, %eq3A_100 : vector<16xi32>
    %jit3A_102 = arith.constant 0.000000e+00 : f32
    %broadcast_in_dim3A_103 = vector.broadcast %jit3A_102 : f32 to vector<16xf32>
    %select_n3A_104 = arith.select %eq3A_101, %get3A_2, %broadcast_in_dim3A_103 : vector<16xi1>, vector<16xf32>
    %add3A_105 = arith.addf %get3A_98, %select_n3A_104 : vector<16xf32>
    %swap3A_106 = arith.constant 0 : i32
    %swap3A_107 = arith.constant 2 : i32
    %swap3A_108 = arith.index_cast %swap3A_106 : i32 to index
    %swap3A_109 = arith.index_cast %swap3A_107 : i32 to index
    %swap3A_110 = arith.constant 0 : index
    %swap3A_111 = tpu.vector_load %arg5[%swap3A_108, %swap3A_109, %swap3A_110] {strides = array<i32>} : memref<2x128x128xf32, #tpu.memory_space<vmem>>, vector<1x1x16xf32>,
    %swap3A_112 = vector.shape_cast %swap3A_111 : vector<1x1x16xf32> to vector<16xf32>
    %swap3A_113 = vector.shape_cast %add3A_105 : vector<16xf32> to vector<1x1x16xf32>
    tpu.vector_store %arg5[%swap3A_108, %swap3A_109, %swap3A_110], %swap3A_113 {strides = array<i32>} : memref<2x128x128xf32, #tpu.memory_space<vmem>>, vector<1x1x16xf32>,
    %get3A_114 = arith.constant 0 : i32
    %get3A_115 = arith.constant 3 : i32
    %get3A_116 = arith.index_cast %get3A_114 : i32 to index
    %get3A_117 = arith.index_cast %get3A_115 : i32 to index
    %get3A_118 = arith.constant 0 : index
    %get3A_119 = tpu.vector_load %arg5[%get3A_116, %get3A_117, %get3A_118] {strides = array<i32>} : memref<2x128x128xf32, #tpu.memory_space<vmem>>, vector<1x1x16xf32>,
    %get3A_120 = vector.shape_cast %get3A_119 : vector<1x1x16xf32> to vector<16xf32>
    %eq3A_121 = arith.constant 3 : i32
    %eq3A_122 = vector.broadcast %eq3A_121 : i32 to vector<16xi32>
    %eq3A_123 = arith.cmpi eq, %iota3A, %eq3A_122 : vector<16xi32>
    %jit3A_124 = arith.constant 0.000000e+00 : f32
    %broadcast_in_dim3A_125 = vector.broadcast %jit3A_124 : f32 to vector<16xf32>
    %select_n3A_126 = arith.select %eq3A_123, %get3A_2, %broadcast_in_dim3A_125 : vector<16xi1>, vector<16xf32>
    %add3A_127 = arith.addf %get3A_120, %select_n3A_126 : vector<16xf32>
    %swap3A_128 = arith.constant 0 : i32
    %swap3A_129 = arith.constant 3 : i32
    %swap3A_130 = arith.index_cast %swap3A_128 : i32 to index
    %swap3A_131 = arith.index_cast %swap3A_129 : i32 to index
    %swap3A_132 = arith.constant 0 : index
    %swap3A_133 = tpu.vector_load %arg5[%swap3A_130, %swap3A_131, %swap3A_132] {strides = array<i32>} : memref<2x128x128xf32, #tpu.memory_space<vmem>>, vector<1x1x16xf32>,
    %swap3A_134 = vector.shape_cast %swap3A_133 : vector<1x1x16xf32> to vector<16xf32>
    %swap3A_135 = vector.shape_cast %add3A_127 : vector<16xf32> to vector<1x1x16xf32>
    tpu.vector_store %arg5[%swap3A_130, %swap3A_131, %swap3A_132], %swap3A_135 {strides = array<i32>} : memref<2x128x128xf32, #tpu.memory_space<vmem>>, vector<1x1x16xf32>,
    %get3A_136 = arith.constant 0 : i32
    %get3A_137 = arith.constant 4 : i32
    %get3A_138 = arith.index_cast %get3A_136 : i32 to index
    %get3A_139 = arith.index_cast %get3A_137 : i32 to index
    %get3A_140 = arith.constant 0 : index
    %get3A_141 = tpu.vector_load %arg5[%get3A_138, %get3A_139, %get3A_140] {strides = array<i32>} : memref<2x128x128xf32, #tpu.memory_space<vmem>>, vector<1x1x16xf32>,
    %get3A_142 = vector.shape_cast %get3A_141 : vector<1x1x16xf32> to vector<16xf32>
    %eq3A_143 = arith.constant 4 : i32
    %eq3A_144 = vector.broadcast %eq3A_143 : i32 to vector<16xi32>
    %eq3A_145 = arith.cmpi eq, %iota3A, %eq3A_144 : vector<16xi32>
    %jit3A_146 = arith.constant 0.000000e+00 : f32
    %broadcast_in_dim3A_147 = vector.broadcast %jit3A_146 : f32 to vector<16xf32>
    %select_n3A_148 = arith.select %eq3A_145, %get3A_2, %broadcast_in_dim3A_147 : vector<16xi1>, vector<16xf32>
    %add3A_149 = arith.addf %get3A_142, %select_n3A_148 : vector<16xf32>
    %swap3A_150 = arith.constant 0 : i32
    %swap3A_151 = arith.constant 4 : i32
    %swap3A_152 = arith.index_cast %swap3A_150 : i32 to index
    %swap3A_153 = arith.index_cast %swap3A_151 : i32 to index
    %swap3A_154 = arith.constant 0 : index
    %swap3A_155 = tpu.vector_load %arg5[%swap3A_152, %swap3A_153, %swap3A_154] {strides = array<i32>} : memref<2x128x128xf32, #tpu.memory_space<vmem>>, vector<1x1x16xf32>,
    %swap3A_156 = vector.shape_cast %swap3A_155 : vector<1x1x16xf32> to vector<16xf32>
    %swap3A_157 = vector.shape_cast %add3A_149 : vector<16xf32> to vector<1x1x16xf32>
    tpu.vector_store %arg5[%swap3A_152, %swap3A_153, %swap3A_154], %swap3A_157 {strides = array<i32>} : memref<2x128x128xf32, #tpu.memory_space<vmem>>, vector<1x1x16xf32>,
    %get3A_158 = arith.constant 0 : i32
    %get3A_159 = arith.constant 5 : i32
    %get3A_160 = arith.index_cast %get3A_158 : i32 to index
    %get3A_161 = arith.index_cast %get3A_159 : i32 to index
    %get3A_162 = arith.constant 0 : index
    %get3A_163 = tpu.vector_load %arg5[%get3A_160, %get3A_161, %get3A_162] {strides = array<i32>} : memref<2x128x128xf32, #tpu.memory_space<vmem>>, vector<1x1x16xf32>,
    %get3A_164 = vector.shape_cast %get3A_163 : vector<1x1x16xf32> to vector<16xf32>
    %eq3A_165 = arith.constant 5 : i32
    %eq3A_166 = vector.broadcast %eq3A_165 : i32 to vector<16xi32>
    %eq3A_167 = arith.cmpi eq, %iota3A, %eq3A_166 : vector<16xi32>
    %jit3A_168 = arith.constant 0.000000e+00 : f32
    %broadcast_in_dim3A_169 = vector.broadcast %jit3A_168 : f32 to vector<16xf32>
    %select_n3A_170 = arith.select %eq3A_167, %get3A_2, %broadcast_in_dim3A_169 : vector<16xi1>, vector<16xf32>
    %add3A_171 = arith.addf %get3A_164, %select_n3A_170 : vector<16xf32>
    %swap3A_172 = arith.constant 0 : i32
    %swap3A_173 = arith.constant 5 : i32
    %swap3A_174 = arith.index_cast %swap3A_172 : i32 to index
    %swap3A_175 = arith.index_cast %swap3A_173 : i32 to index
    %swap3A_176 = arith.constant 0 : index
    %swap3A_177 = tpu.vector_load %arg5[%swap3A_174, %swap3A_175, %swap3A_176] {strides = array<i32>} : memref<2x128x128xf32, #tpu.memory_space<vmem>>, vector<1x1x16xf32>,
    %swap3A_178 = vector.shape_cast %swap3A_177 : vector<1x1x16xf32> to vector<16xf32>
    %swap3A_179 = vector.shape_cast %add3A_171 : vector<16xf32> to vector<1x1x16xf32>
    tpu.vector_store %arg5[%swap3A_174, %swap3A_175, %swap3A_176], %swap3A_179 {strides = array<i32>} : memref<2x128x128xf32, #tpu.memory_space<vmem>>, vector<1x1x16xf32>,
    %get3A_180 = arith.constant 0 : i32
    %get3A_181 = arith.constant 6 : i32
    %get3A_182 = arith.index_cast %get3A_180 : i32 to index
    %get3A_183 = arith.index_cast %get3A_181 : i32 to index
    %get3A_184 = arith.constant 0 : index
    %get3A_185 = tpu.vector_load %arg5[%get3A_182, %get3A_183, %get3A_184] {strides = array<i32>} : memref<2x128x128xf32, #tpu.memory_space<vmem>>, vector<1x1x16xf32>,
    %get3A_186 = vector.shape_cast %get3A_185 : vector<1x1x16xf32> to vector<16xf32>
    %eq3A_187 = arith.constant 6 : i32
    %eq3A_188 = vector.broadcast %eq3A_187 : i32 to vector<16xi32>
    %eq3A_189 = arith.cmpi eq, %iota3A, %eq3A_188 : vector<16xi32>
    %jit3A_190 = arith.constant 0.000000e+00 : f32
    %broadcast_in_dim3A_191 = vector.broadcast %jit3A_190 : f32 to vector<16xf32>
    %select_n3A_192 = arith.select %eq3A_189, %get3A_2, %broadcast_in_dim3A_191 : vector<16xi1>, vector<16xf32>
    %add3A_193 = arith.addf %get3A_186, %select_n3A_192 : vector<16xf32>
    %swap3A_194 = arith.constant 0 : i32
    %swap3A_195 = arith.constant 6 : i32
    %swap3A_196 = arith.index_cast %swap3A_194 : i32 to index
    %swap3A_197 = arith.index_cast %swap3A_195 : i32 to index
    %swap3A_198 = arith.constant 0 : index
    %swap3A_199 = tpu.vector_load %arg5[%swap3A_196, %swap3A_197, %swap3A_198] {strides = array<i32>} : memref<2x128x128xf32, #tpu.memory_space<vmem>>, vector<1x1x16xf32>,
    %swap3A_200 = vector.shape_cast %swap3A_199 : vector<1x1x16xf32> to vector<16xf32>
    %swap3A_201 = vector.shape_cast %add3A_193 : vector<16xf32> to vector<1x1x16xf32>
    tpu.vector_store %arg5[%swap3A_196, %swap3A_197, %swap3A_198], %swap3A_201 {strides = array<i32>} : memref<2x128x128xf32, #tpu.memory_space<vmem>>, vector<1x1x16xf32>,
    %get3A_202 = arith.constant 0 : i32
    %get3A_203 = arith.constant 7 : i32
    %get3A_204 = arith.index_cast %get3A_202 : i32 to index
    %get3A_205 = arith.index_cast %get3A_203 : i32 to index
    %get3A_206 = arith.constant 0 : index
    %get3A_207 = tpu.vector_load %arg5[%get3A_204, %get3A_205, %get3A_206] {strides = array<i32>} : memref<2x128x128xf32, #tpu.memory_space<vmem>>, vector<1x1x16xf32>,
    %get3A_208 = vector.shape_cast %get3A_207 : vector<1x1x16xf32> to vector<16xf32>
    %eq3A_209 = arith.constant 7 : i32
    %eq3A_210 = vector.broadcast %eq3A_209 : i32 to vector<16xi32>
    %eq3A_211 = arith.cmpi eq, %iota3A, %eq3A_210 : vector<16xi32>
    %jit3A_212 = arith.constant 0.000000e+00 : f32
    %broadcast_in_dim3A_213 = vector.broadcast %jit3A_212 : f32 to vector<16xf32>
    %select_n3A_214 = arith.select %eq3A_211, %get3A_2, %broadcast_in_dim3A_213 : vector<16xi1>, vector<16xf32>
    %add3A_215 = arith.addf %get3A_208, %select_n3A_214 : vector<16xf32>
    %swap3A_216 = arith.constant 0 : i32
    %swap3A_217 = arith.constant 7 : i32
    %swap3A_218 = arith.index_cast %swap3A_216 : i32 to index
    %swap3A_219 = arith.index_cast %swap3A_217 : i32 to index
    %swap3A_220 = arith.constant 0 : index
    %swap3A_221 = tpu.vector_load %arg5[%swap3A_218, %swap3A_219, %swap3A_220] {strides = array<i32>} : memref<2x128x128xf32, #tpu.memory_space<vmem>>, vector<1x1x16xf32>,
    %swap3A_222 = vector.shape_cast %swap3A_221 : vector<1x1x16xf32> to vector<16xf32>
    %swap3A_223 = vector.shape_cast %add3A_215 : vector<16xf32> to vector<1x1x16xf32>
    tpu.vector_store %arg5[%swap3A_218, %swap3A_219, %swap3A_220], %swap3A_223 {strides = array<i32>} : memref<2x128x128xf32, #tpu.memory_space<vmem>>, vector<1x1x16xf32>,
    %get3A_224 = arith.constant 0 : i32
    %get3A_225 = arith.constant 8 : i32
    %get3A_226 = arith.index_cast %get3A_224 : i32 to index
    %get3A_227 = arith.index_cast %get3A_225 : i32 to index
    %get3A_228 = arith.constant 0 : index
    %get3A_229 = tpu.vector_load %arg5[%get3A_226, %get3A_227, %get3A_228] {strides = array<i32>} : memref<2x128x128xf32, #tpu.memory_space<vmem>>, vector<1x1x16xf32>,
    %get3A_230 = vector.shape_cast %get3A_229 : vector<1x1x16xf32> to vector<16xf32>
    %eq3A_231 = arith.constant 8 : i32
    %eq3A_232 = vector.broadcast %eq3A_231 : i32 to vector<16xi32>
    %eq3A_233 = arith.cmpi eq, %iota3A, %eq3A_232 : vector<16xi32>
    %jit3A_234 = arith.constant 0.000000e+00 : f32
    %broadcast_in_dim3A_235 = vector.broadcast %jit3A_234 : f32 to vector<16xf32>
    %select_n3A_236 = arith.select %eq3A_233, %get3A_2, %broadcast_in_dim3A_235 : vector<16xi1>, vector<16xf32>
    %add3A_237 = arith.addf %get3A_230, %select_n3A_236 : vector<16xf32>
    %swap3A_238 = arith.constant 0 : i32
    %swap3A_239 = arith.constant 8 : i32
    %swap3A_240 = arith.index_cast %swap3A_238 : i32 to index
    %swap3A_241 = arith.index_cast %swap3A_239 : i32 to index
    %swap3A_242 = arith.constant 0 : index
    %swap3A_243 = tpu.vector_load %arg5[%swap3A_240, %swap3A_241, %swap3A_242] {strides = array<i32>} : memref<2x128x128xf32, #tpu.memory_space<vmem>>, vector<1x1x16xf32>,
    %swap3A_244 = vector.shape_cast %swap3A_243 : vector<1x1x16xf32> to vector<16xf32>
    %swap3A_245 = vector.shape_cast %add3A_237 : vector<16xf32> to vector<1x1x16xf32>
    tpu.vector_store %arg5[%swap3A_240, %swap3A_241, %swap3A_242], %swap3A_245 {strides = array<i32>} : memref<2x128x128xf32, #tpu.memory_space<vmem>>, vector<1x1x16xf32>,
    %get3A_246 = arith.constant 0 : i32
    %get3A_247 = arith.constant 9 : i32
    %get3A_248 = arith.index_cast %get3A_246 : i32 to index
    %get3A_249 = arith.index_cast %get3A_247 : i32 to index
    %get3A_250 = arith.constant 0 : index
    %get3A_251 = tpu.vector_load %arg5[%get3A_248, %get3A_249, %get3A_250] {strides = array<i32>} : memref<2x128x128xf32, #tpu.memory_space<vmem>>, vector<1x1x16xf32>,
    %get3A_252 = vector.shape_cast %get3A_251 : vector<1x1x16xf32> to vector<16xf32>
    %eq3A_253 = arith.constant 9 : i32
    %eq3A_254 = vector.broadcast %eq3A_253 : i32 to vector<16xi32>
    %eq3A_255 = arith.cmpi eq, %iota3A, %eq3A_254 : vector<16xi32>
    %jit3A_256 = arith.constant 0.000000e+00 : f32
    %broadcast_in_dim3A_257 = vector.broadcast %jit3A_256 : f32 to vector<16xf32>
    %select_n3A_258 = arith.select %eq3A_255, %get3A_2, %broadcast_in_dim3A_257 : vector<16xi1>, vector<16xf32>
    %add3A_259 = arith.addf %get3A_252, %select_n3A_258 : vector<16xf32>
    %swap3A_260 = arith.constant 0 : i32
    %swap3A_261 = arith.constant 9 : i32
    %swap3A_262 = arith.index_cast %swap3A_260 : i32 to index
    %swap3A_263 = arith.index_cast %swap3A_261 : i32 to index
    %swap3A_264 = arith.constant 0 : index
    %swap3A_265 = tpu.vector_load %arg5[%swap3A_262, %swap3A_263, %swap3A_264] {strides = array<i32>} : memref<2x128x128xf32, #tpu.memory_space<vmem>>, vector<1x1x16xf32>,
    %swap3A_266 = vector.shape_cast %swap3A_265 : vector<1x1x16xf32> to vector<16xf32>
    %swap3A_267 = vector.shape_cast %add3A_259 : vector<16xf32> to vector<1x1x16xf32>
    tpu.vector_store %arg5[%swap3A_262, %swap3A_263, %swap3A_264], %swap3A_267 {strides = array<i32>} : memref<2x128x128xf32, #tpu.memory_space<vmem>>, vector<1x1x16xf32>,
    %get3A_268 = arith.constant 0 : i32
    %get3A_269 = arith.constant 10 : i32
    %get3A_270 = arith.index_cast %get3A_268 : i32 to index
    %get3A_271 = arith.index_cast %get3A_269 : i32 to index
    %get3A_272 = arith.constant 0 : index
    %get3A_273 = tpu.vector_load %arg5[%get3A_270, %get3A_271, %get3A_272] {strides = array<i32>} : memref<2x128x128xf32, #tpu.memory_space<vmem>>, vector<1x1x16xf32>,
    %get3A_274 = vector.shape_cast %get3A_273 : vector<1x1x16xf32> to vector<16xf32>
    %eq3A_275 = arith.constant 10 : i32
    %eq3A_276 = vector.broadcast %eq3A_275 : i32 to vector<16xi32>
    %eq3A_277 = arith.cmpi eq, %iota3A, %eq3A_276 : vector<16xi32>
    %jit3A_278 = arith.constant 0.000000e+00 : f32
    %broadcast_in_dim3A_279 = vector.broadcast %jit3A_278 : f32 to vector<16xf32>
    %select_n3A_280 = arith.select %eq3A_277, %get3A_2, %broadcast_in_dim3A_279 : vector<16xi1>, vector<16xf32>
    %add3A_281 = arith.addf %get3A_274, %select_n3A_280 : vector<16xf32>
    %swap3A_282 = arith.constant 0 : i32
    %swap3A_283 = arith.constant 10 : i32
    %swap3A_284 = arith.index_cast %swap3A_282 : i32 to index
    %swap3A_285 = arith.index_cast %swap3A_283 : i32 to index
    %swap3A_286 = arith.constant 0 : index
    %swap3A_287 = tpu.vector_load %arg5[%swap3A_284, %swap3A_285, %swap3A_286] {strides = array<i32>} : memref<2x128x128xf32, #tpu.memory_space<vmem>>, vector<1x1x16xf32>,
    %swap3A_288 = vector.shape_cast %swap3A_287 : vector<1x1x16xf32> to vector<16xf32>
    %swap3A_289 = vector.shape_cast %add3A_281 : vector<16xf32> to vector<1x1x16xf32>
    tpu.vector_store %arg5[%swap3A_284, %swap3A_285, %swap3A_286], %swap3A_289 {strides = array<i32>} : memref<2x128x128xf32, #tpu.memory_space<vmem>>, vector<1x1x16xf32>,
    %get3A_290 = arith.constant 0 : i32
    %get3A_291 = arith.constant 11 : i32
    %get3A_292 = arith.index_cast %get3A_290 : i32 to index
    %get3A_293 = arith.index_cast %get3A_291 : i32 to index
    %get3A_294 = arith.constant 0 : index
    %get3A_295 = tpu.vector_load %arg5[%get3A_292, %get3A_293, %get3A_294] {strides = array<i32>} : memref<2x128x128xf32, #tpu.memory_space<vmem>>, vector<1x1x16xf32>,
    %get3A_296 = vector.shape_cast %get3A_295 : vector<1x1x16xf32> to vector<16xf32>
    %eq3A_297 = arith.constant 11 : i32
    %eq3A_298 = vector.broadcast %eq3A_297 : i32 to vector<16xi32>
    %eq3A_299 = arith.cmpi eq, %iota3A, %eq3A_298 : vector<16xi32>
    %jit3A_300 = arith.constant 0.000000e+00 : f32
    %broadcast_in_dim3A_301 = vector.broadcast %jit3A_300 : f32 to vector<16xf32>
    %select_n3A_302 = arith.select %eq3A_299, %get3A_2, %broadcast_in_dim3A_301 : vector<16xi1>, vector<16xf32>
    %add3A_303 = arith.addf %get3A_296, %select_n3A_302 : vector<16xf32>
    %swap3A_304 = arith.constant 0 : i32
    %swap3A_305 = arith.constant 11 : i32
    %swap3A_306 = arith.index_cast %swap3A_304 : i32 to index
    %swap3A_307 = arith.index_cast %swap3A_305 : i32 to index
    %swap3A_308 = arith.constant 0 : index
    %swap3A_309 = tpu.vector_load %arg5[%swap3A_306, %swap3A_307, %swap3A_308] {strides = array<i32>} : memref<2x128x128xf32, #tpu.memory_space<vmem>>, vector<1x1x16xf32>,
    %swap3A_310 = vector.shape_cast %swap3A_309 : vector<1x1x16xf32> to vector<16xf32>
    %swap3A_311 = vector.shape_cast %add3A_303 : vector<16xf32> to vector<1x1x16xf32>
    tpu.vector_store %arg5[%swap3A_306, %swap3A_307, %swap3A_308], %swap3A_311 {strides = array<i32>} : memref<2x128x128xf32, #tpu.memory_space<vmem>>, vector<1x1x16xf32>,
    %get3A_312 = arith.constant 0 : i32
    %get3A_313 = arith.constant 12 : i32
    %get3A_314 = arith.index_cast %get3A_312 : i32 to index
    %get3A_315 = arith.index_cast %get3A_313 : i32 to index
    %get3A_316 = arith.constant 0 : index
    %get3A_317 = tpu.vector_load %arg5[%get3A_314, %get3A_315, %get3A_316] {strides = array<i32>} : memref<2x128x128xf32, #tpu.memory_space<vmem>>, vector<1x1x16xf32>,
    %get3A_318 = vector.shape_cast %get3A_317 : vector<1x1x16xf32> to vector<16xf32>
    %eq3A_319 = arith.constant 12 : i32
    %eq3A_320 = vector.broadcast %eq3A_319 : i32 to vector<16xi32>
    %eq3A_321 = arith.cmpi eq, %iota3A, %eq3A_320 : vector<16xi32>
    %jit3A_322 = arith.constant 0.000000e+00 : f32
    %broadcast_in_dim3A_323 = vector.broadcast %jit3A_322 : f32 to vector<16xf32>
    %select_n3A_324 = arith.select %eq3A_321, %get3A_2, %broadcast_in_dim3A_323 : vector<16xi1>, vector<16xf32>
    %add3A_325 = arith.addf %get3A_318, %select_n3A_324 : vector<16xf32>
    %swap3A_326 = arith.constant 0 : i32
    %swap3A_327 = arith.constant 12 : i32
    %swap3A_328 = arith.index_cast %swap3A_326 : i32 to index
    %swap3A_329 = arith.index_cast %swap3A_327 : i32 to index
    %swap3A_330 = arith.constant 0 : index
    %swap3A_331 = tpu.vector_load %arg5[%swap3A_328, %swap3A_329, %swap3A_330] {strides = array<i32>} : memref<2x128x128xf32, #tpu.memory_space<vmem>>, vector<1x1x16xf32>,
    %swap3A_332 = vector.shape_cast %swap3A_331 : vector<1x1x16xf32> to vector<16xf32>
    %swap3A_333 = vector.shape_cast %add3A_325 : vector<16xf32> to vector<1x1x16xf32>
    tpu.vector_store %arg5[%swap3A_328, %swap3A_329, %swap3A_330], %swap3A_333 {strides = array<i32>} : memref<2x128x128xf32, #tpu.memory_space<vmem>>, vector<1x1x16xf32>,
    %get3A_334 = arith.constant 0 : i32
    %get3A_335 = arith.constant 13 : i32
    %get3A_336 = arith.index_cast %get3A_334 : i32 to index
    %get3A_337 = arith.index_cast %get3A_335 : i32 to index
    %get3A_338 = arith.constant 0 : index
    %get3A_339 = tpu.vector_load %arg5[%get3A_336, %get3A_337, %get3A_338] {strides = array<i32>} : memref<2x128x128xf32, #tpu.memory_space<vmem>>, vector<1x1x16xf32>,
    %get3A_340 = vector.shape_cast %get3A_339 : vector<1x1x16xf32> to vector<16xf32>
    %eq3A_341 = arith.constant 13 : i32
    %eq3A_342 = vector.broadcast %eq3A_341 : i32 to vector<16xi32>
    %eq3A_343 = arith.cmpi eq, %iota3A, %eq3A_342 : vector<16xi32>
    %jit3A_344 = arith.constant 0.000000e+00 : f32
    %broadcast_in_dim3A_345 = vector.broadcast %jit3A_344 : f32 to vector<16xf32>
    %select_n3A_346 = arith.select %eq3A_343, %get3A_2, %broadcast_in_dim3A_345 : vector<16xi1>, vector<16xf32>
    %add3A_347 = arith.addf %get3A_340, %select_n3A_346 : vector<16xf32>
    %swap3A_348 = arith.constant 0 : i32
    %swap3A_349 = arith.constant 13 : i32
    %swap3A_350 = arith.index_cast %swap3A_348 : i32 to index
    %swap3A_351 = arith.index_cast %swap3A_349 : i32 to index
    %swap3A_352 = arith.constant 0 : index
    %swap3A_353 = tpu.vector_load %arg5[%swap3A_350, %swap3A_351, %swap3A_352] {strides = array<i32>} : memref<2x128x128xf32, #tpu.memory_space<vmem>>, vector<1x1x16xf32>,
    %swap3A_354 = vector.shape_cast %swap3A_353 : vector<1x1x16xf32> to vector<16xf32>
    %swap3A_355 = vector.shape_cast %add3A_347 : vector<16xf32> to vector<1x1x16xf32>
    tpu.vector_store %arg5[%swap3A_350, %swap3A_351, %swap3A_352], %swap3A_355 {strides = array<i32>} : memref<2x128x128xf32, #tpu.memory_space<vmem>>, vector<1x1x16xf32>,
    %get3A_356 = arith.constant 0 : i32
    %get3A_357 = arith.constant 14 : i32
    %get3A_358 = arith.index_cast %get3A_356 : i32 to index
    %get3A_359 = arith.index_cast %get3A_357 : i32 to index
    %get3A_360 = arith.constant 0 : index
    %get3A_361 = tpu.vector_load %arg5[%get3A_358, %get3A_359, %get3A_360] {strides = array<i32>} : memref<2x128x128xf32, #tpu.memory_space<vmem>>, vector<1x1x16xf32>,
    %get3A_362 = vector.shape_cast %get3A_361 : vector<1x1x16xf32> to vector<16xf32>
    %eq3A_363 = arith.constant 14 : i32
    %eq3A_364 = vector.broadcast %eq3A_363 : i32 to vector<16xi32>
    %eq3A_365 = arith.cmpi eq, %iota3A, %eq3A_364 : vector<16xi32>
    %jit3A_366 = arith.constant 0.000000e+00 : f32
    %broadcast_in_dim3A_367 = vector.broadcast %jit3A_366 : f32 to vector<16xf32>
    %select_n3A_368 = arith.select %eq3A_365, %get3A_2, %broadcast_in_dim3A_367 : vector<16xi1>, vector<16xf32>
    %add3A_369 = arith.addf %get3A_362, %select_n3A_368 : vector<16xf32>
    %swap3A_370 = arith.constant 0 : i32
    %swap3A_371 = arith.constant 14 : i32
    %swap3A_372 = arith.index_cast %swap3A_370 : i32 to index
    %swap3A_373 = arith.index_cast %swap3A_371 : i32 to index
    %swap3A_374 = arith.constant 0 : index
    %swap3A_375 = tpu.vector_load %arg5[%swap3A_372, %swap3A_373, %swap3A_374] {strides = array<i32>} : memref<2x128x128xf32, #tpu.memory_space<vmem>>, vector<1x1x16xf32>,
    %swap3A_376 = vector.shape_cast %swap3A_375 : vector<1x1x16xf32> to vector<16xf32>
    %swap3A_377 = vector.shape_cast %add3A_369 : vector<16xf32> to vector<1x1x16xf32>
    tpu.vector_store %arg5[%swap3A_372, %swap3A_373, %swap3A_374], %swap3A_377 {strides = array<i32>} : memref<2x128x128xf32, #tpu.memory_space<vmem>>, vector<1x1x16xf32>,
    %get3A_378 = arith.constant 0 : i32
    %get3A_379 = arith.constant 15 : i32
    %get3A_380 = arith.index_cast %get3A_378 : i32 to index
    %get3A_381 = arith.index_cast %get3A_379 : i32 to index
    %get3A_382 = arith.constant 0 : index
    %get3A_383 = tpu.vector_load %arg5[%get3A_380, %get3A_381, %get3A_382] {strides = array<i32>} : memref<2x128x128xf32, #tpu.memory_space<vmem>>, vector<1x1x16xf32>,
    %get3A_384 = vector.shape_cast %get3A_383 : vector<1x1x16xf32> to vector<16xf32>
    %eq3A_385 = arith.constant 15 : i32
    %eq3A_386 = vector.broadcast %eq3A_385 : i32 to vector<16xi32>
    %eq3A_387 = arith.cmpi eq, %iota3A, %eq3A_386 : vector<16xi32>
    %jit3A_388 = arith.constant 0.000000e+00 : f32
    %broadcast_in_dim3A_389 = vector.broadcast %jit3A_388 : f32 to vector<16xf32>
    %select_n3A_390 = arith.select %eq3A_387, %get3A_2, %broadcast_in_dim3A_389 : vector<16xi1>, vector<16xf32>
    %add3A_391 = arith.addf %get3A_384, %select_n3A_390 : vector<16xf32>
    %swap3A_392 = arith.constant 0 : i32
    %swap3A_393 = arith.constant 15 : i32
    %swap3A_394 = arith.index_cast %swap3A_392 : i32 to index
    %swap3A_395 = arith.index_cast %swap3A_393 : i32 to index
    %swap3A_396 = arith.constant 0 : index
    %swap3A_397 = tpu.vector_load %arg5[%swap3A_394, %swap3A_395, %swap3A_396] {strides = array<i32>} : memref<2x128x128xf32, #tpu.memory_space<vmem>>, vector<1x1x16xf32>,
    %swap3A_398 = vector.shape_cast %swap3A_397 : vector<1x1x16xf32> to vector<16xf32>
    %swap3A_399 = vector.shape_cast %add3A_391 : vector<16xf32> to vector<1x1x16xf32>
    tpu.vector_store %arg5[%swap3A_394, %swap3A_395, %swap3A_396], %swap3A_399 {strides = array<i32>} : memref<2x128x128xf32, #tpu.memory_space<vmem>>, vector<1x1x16xf32>,
    %get3A_400 = arith.constant 0 : i32
    %get3A_401 = arith.constant 16 : i32
    %get3A_402 = arith.index_cast %get3A_400 : i32 to index
    %get3A_403 = arith.index_cast %get3A_401 : i32 to index
    %get3A_404 = arith.constant 16 : index
    %get3A_405 = tpu.vector_load %arg5[%get3A_402, %get3A_403, %get3A_404] {strides = array<i32>} : memref<2x128x128xf32, #tpu.memory_space<vmem>>, vector<1x1x16xf32>,
    %get3A_406 = vector.shape_cast %get3A_405 : vector<1x1x16xf32> to vector<16xf32>
    %eq3A_407 = arith.constant 0 : i32
    %eq3A_408 = vector.broadcast %eq3A_407 : i32 to vector<16xi32>
    %eq3A_409 = arith.cmpi eq, %iota3A, %eq3A_408 : vector<16xi32>
    %jit3A_410 = arith.constant 0.000000e+00 : f32
    %broadcast_in_dim3A_411 = vector.broadcast %jit3A_410 : f32 to vector<16xf32>
    %select_n3A_412 = arith.select %eq3A_409, %get3A_2, %broadcast_in_dim3A_411 : vector<16xi1>, vector<16xf32>
    %add3A_413 = arith.addf %get3A_406, %select_n3A_412 : vector<16xf32>
    %swap3A_414 = arith.constant 0 : i32
    %swap3A_415 = arith.constant 16 : i32
    %swap3A_416 = arith.index_cast %swap3A_414 : i32 to index
    %swap3A_417 = arith.index_cast %swap3A_415 : i32 to index
    %swap3A_418 = arith.constant 16 : index
    %swap3A_419 = tpu.vector_load %arg5[%swap3A_416, %swap3A_417, %swap3A_418] {strides = array<i32>} : memref<2x128x128xf32, #tpu.memory_space<vmem>>, vector<1x1x16xf32>,
    %swap3A_420 = vector.shape_cast %swap3A_419 : vector<1x1x16xf32> to vector<16xf32>
    %swap3A_421 = vector.shape_cast %add3A_413 : vector<16xf32> to vector<1x1x16xf32>
    tpu.vector_store %arg5[%swap3A_416, %swap3A_417, %swap3A_418], %swap3A_421 {strides = array<i32>} : memref<2x128x128xf32, #tpu.memory_space<vmem>>, vector<1x1x16xf32>,
    %get3A_422 = arith.constant 0 : i32
    %get3A_423 = arith.constant 17 : i32
    %get3A_424 = arith.index_cast %get3A_422 : i32 to index
    %get3A_425 = arith.index_cast %get3A_423 : i32 to index
    %get3A_426 = arith.constant 16 : index
    %get3A_427 = tpu.vector_load %arg5[%get3A_424, %get3A_425, %get3A_426] {strides = array<i32>} : memref<2x128x128xf32, #tpu.memory_space<vmem>>, vector<1x1x16xf32>,
    %get3A_428 = vector.shape_cast %get3A_427 : vector<1x1x16xf32> to vector<16xf32>
    %eq3A_429 = arith.constant 1 : i32
    %eq3A_430 = vector.broadcast %eq3A_429 : i32 to vector<16xi32>
    %eq3A_431 = arith.cmpi eq, %iota3A, %eq3A_430 : vector<16xi32>
    %jit3A_432 = arith.constant 0.000000e+00 : f32
    %broadcast_in_dim3A_433 = vector.broadcast %jit3A_432 : f32 to vector<16xf32>
    %select_n3A_434 = arith.select %eq3A_431, %get3A_2, %broadcast_in_dim3A_433 : vector<16xi1>, vector<16xf32>
    %add3A_435 = arith.addf %get3A_428, %select_n3A_434 : vector<16xf32>
    %swap3A_436 = arith.constant 0 : i32
    %swap3A_437 = arith.constant 17 : i32
    %swap3A_438 = arith.index_cast %swap3A_436 : i32 to index
    %swap3A_439 = arith.index_cast %swap3A_437 : i32 to index
    %swap3A_440 = arith.constant 16 : index
    %swap3A_441 = tpu.vector_load %arg5[%swap3A_438, %swap3A_439, %swap3A_440] {strides = array<i32>} : memref<2x128x128xf32, #tpu.memory_space<vmem>>, vector<1x1x16xf32>,
    %swap3A_442 = vector.shape_cast %swap3A_441 : vector<1x1x16xf32> to vector<16xf32>
    %swap3A_443 = vector.shape_cast %add3A_435 : vector<16xf32> to vector<1x1x16xf32>
    tpu.vector_store %arg5[%swap3A_438, %swap3A_439, %swap3A_440], %swap3A_443 {strides = array<i32>} : memref<2x128x128xf32, #tpu.memory_space<vmem>>, vector<1x1x16xf32>,
    %get3A_444 = arith.constant 0 : i32
    %get3A_445 = arith.constant 18 : i32
    %get3A_446 = arith.index_cast %get3A_444 : i32 to index
    %get3A_447 = arith.index_cast %get3A_445 : i32 to index
    %get3A_448 = arith.constant 16 : index
    %get3A_449 = tpu.vector_load %arg5[%get3A_446, %get3A_447, %get3A_448] {strides = array<i32>} : memref<2x128x128xf32, #tpu.memory_space<vmem>>, vector<1x1x16xf32>,
    %get3A_450 = vector.shape_cast %get3A_449 : vector<1x1x16xf32> to vector<16xf32>
    %eq3A_451 = arith.constant 2 : i32
    %eq3A_452 = vector.broadcast %eq3A_451 : i32 to vector<16xi32>
    %eq3A_453 = arith.cmpi eq, %iota3A, %eq3A_452 : vector<16xi32>
    %jit3A_454 = arith.constant 0.000000e+00 : f32
    %broadcast_in_dim3A_455 = vector.broadcast %jit3A_454 : f32 to vector<16xf32>
    %select_n3A_456 = arith.select %eq3A_453, %get3A_2, %broadcast_in_dim3A_455 : vector<16xi1>, vector<16xf32>
    %add3A_457 = arith.addf %get3A_450, %select_n3A_456 : vector<16xf32>
    %swap3A_458 = arith.constant 0 : i32
    %swap3A_459 = arith.constant 18 : i32
    %swap3A_460 = arith.index_cast %swap3A_458 : i32 to index
    %swap3A_461 = arith.index_cast %swap3A_459 : i32 to index
    %swap3A_462 = arith.constant 16 : index
    %swap3A_463 = tpu.vector_load %arg5[%swap3A_460, %swap3A_461, %swap3A_462] {strides = array<i32>} : memref<2x128x128xf32, #tpu.memory_space<vmem>>, vector<1x1x16xf32>,
    %swap3A_464 = vector.shape_cast %swap3A_463 : vector<1x1x16xf32> to vector<16xf32>
    %swap3A_465 = vector.shape_cast %add3A_457 : vector<16xf32> to vector<1x1x16xf32>
    tpu.vector_store %arg5[%swap3A_460, %swap3A_461, %swap3A_462], %swap3A_465 {strides = array<i32>} : memref<2x128x128xf32, #tpu.memory_space<vmem>>, vector<1x1x16xf32>,
    %get3A_466 = arith.constant 0 : i32
    %get3A_467 = arith.constant 19 : i32
    %get3A_468 = arith.index_cast %get3A_466 : i32 to index
    %get3A_469 = arith.index_cast %get3A_467 : i32 to index
    %get3A_470 = arith.constant 16 : index
    %get3A_471 = tpu.vector_load %arg5[%get3A_468, %get3A_469, %get3A_470] {strides = array<i32>} : memref<2x128x128xf32, #tpu.memory_space<vmem>>, vector<1x1x16xf32>,
    %get3A_472 = vector.shape_cast %get3A_471 : vector<1x1x16xf32> to vector<16xf32>
    %eq3A_473 = arith.constant 3 : i32
    %eq3A_474 = vector.broadcast %eq3A_473 : i32 to vector<16xi32>
    %eq3A_475 = arith.cmpi eq, %iota3A, %eq3A_474 : vector<16xi32>
    %jit3A_476 = arith.constant 0.000000e+00 : f32
    %broadcast_in_dim3A_477 = vector.broadcast %jit3A_476 : f32 to vector<16xf32>
    %select_n3A_478 = arith.select %eq3A_475, %get3A_2, %broadcast_in_dim3A_477 : vector<16xi1>, vector<16xf32>
    %add3A_479 = arith.addf %get3A_472, %select_n3A_478 : vector<16xf32>
    %swap3A_480 = arith.constant 0 : i32
    %swap3A_481 = arith.constant 19 : i32
    %swap3A_482 = arith.index_cast %swap3A_480 : i32 to index
    %swap3A_483 = arith.index_cast %swap3A_481 : i32 to index
    %swap3A_484 = arith.constant 16 : index
    %swap3A_485 = tpu.vector_load %arg5[%swap3A_482, %swap3A_483, %swap3A_484] {strides = array<i32>} : memref<2x128x128xf32, #tpu.memory_space<vmem>>, vector<1x1x16xf32>,
    %swap3A_486 = vector.shape_cast %swap3A_485 : vector<1x1x16xf32> to vector<16xf32>
    %swap3A_487 = vector.shape_cast %add3A_479 : vector<16xf32> to vector<1x1x16xf32>
    tpu.vector_store %arg5[%swap3A_482, %swap3A_483, %swap3A_484], %swap3A_487 {strides = array<i32>} : memref<2x128x128xf32, #tpu.memory_space<vmem>>, vector<1x1x16xf32>,
    %get3A_488 = arith.constant 0 : i32
    %get3A_489 = arith.constant 20 : i32
    %get3A_490 = arith.index_cast %get3A_488 : i32 to index
    %get3A_491 = arith.index_cast %get3A_489 : i32 to index
    %get3A_492 = arith.constant 16 : index
    %get3A_493 = tpu.vector_load %arg5[%get3A_490, %get3A_491, %get3A_492] {strides = array<i32>} : memref<2x128x128xf32, #tpu.memory_space<vmem>>, vector<1x1x16xf32>,
    %get3A_494 = vector.shape_cast %get3A_493 : vector<1x1x16xf32> to vector<16xf32>
    %eq3A_495 = arith.constant 4 : i32
    %eq3A_496 = vector.broadcast %eq3A_495 : i32 to vector<16xi32>
    %eq3A_497 = arith.cmpi eq, %iota3A, %eq3A_496 : vector<16xi32>
    %jit3A_498 = arith.constant 0.000000e+00 : f32
    %broadcast_in_dim3A_499 = vector.broadcast %jit3A_498 : f32 to vector<16xf32>
    %select_n3A_500 = arith.select %eq3A_497, %get3A_2, %broadcast_in_dim3A_499 : vector<16xi1>, vector<16xf32>
    %add3A_501 = arith.addf %get3A_494, %select_n3A_500 : vector<16xf32>
    %swap3A_502 = arith.constant 0 : i32
    %swap3A_503 = arith.constant 20 : i32
    %swap3A_504 = arith.index_cast %swap3A_502 : i32 to index
    %swap3A_505 = arith.index_cast %swap3A_503 : i32 to index
    %swap3A_506 = arith.constant 16 : index
    %swap3A_507 = tpu.vector_load %arg5[%swap3A_504, %swap3A_505, %swap3A_506] {strides = array<i32>} : memref<2x128x128xf32, #tpu.memory_space<vmem>>, vector<1x1x16xf32>,
    %swap3A_508 = vector.shape_cast %swap3A_507 : vector<1x1x16xf32> to vector<16xf32>
    %swap3A_509 = vector.shape_cast %add3A_501 : vector<16xf32> to vector<1x1x16xf32>
    tpu.vector_store %arg5[%swap3A_504, %swap3A_505, %swap3A_506], %swap3A_509 {strides = array<i32>} : memref<2x128x128xf32, #tpu.memory_space<vmem>>, vector<1x1x16xf32>,
    %get3A_510 = arith.constant 0 : i32
    %get3A_511 = arith.constant 21 : i32
    %get3A_512 = arith.index_cast %get3A_510 : i32 to index
    %get3A_513 = arith.index_cast %get3A_511 : i32 to index
    %get3A_514 = arith.constant 16 : index
    %get3A_515 = tpu.vector_load %arg5[%get3A_512, %get3A_513, %get3A_514] {strides = array<i32>} : memref<2x128x128xf32, #tpu.memory_space<vmem>>, vector<1x1x16xf32>,
    %get3A_516 = vector.shape_cast %get3A_515 : vector<1x1x16xf32> to vector<16xf32>
    %eq3A_517 = arith.constant 5 : i32
    %eq3A_518 = vector.broadcast %eq3A_517 : i32 to vector<16xi32>
    %eq3A_519 = arith.cmpi eq, %iota3A, %eq3A_518 : vector<16xi32>
    %jit3A_520 = arith.constant 0.000000e+00 : f32
    %broadcast_in_dim3A_521 = vector.broadcast %jit3A_520 : f32 to vector<16xf32>
    %select_n3A_522 = arith.select %eq3A_519, %get3A_2, %broadcast_in_dim3A_521 : vector<16xi1>, vector<16xf32>
    %add3A_523 = arith.addf %get3A_516, %select_n3A_522 : vector<16xf32>
    %swap3A_524 = arith.constant 0 : i32
    %swap3A_525 = arith.constant 21 : i32
    %swap3A_526 = arith.index_cast %swap3A_524 : i32 to index
    %swap3A_527 = arith.index_cast %swap3A_525 : i32 to index
    %swap3A_528 = arith.constant 16 : index
    %swap3A_529 = tpu.vector_load %arg5[%swap3A_526, %swap3A_527, %swap3A_528] {strides = array<i32>} : memref<2x128x128xf32, #tpu.memory_space<vmem>>, vector<1x1x16xf32>,
    %swap3A_530 = vector.shape_cast %swap3A_529 : vector<1x1x16xf32> to vector<16xf32>
    %swap3A_531 = vector.shape_cast %add3A_523 : vector<16xf32> to vector<1x1x16xf32>
    tpu.vector_store %arg5[%swap3A_526, %swap3A_527, %swap3A_528], %swap3A_531 {strides = array<i32>} : memref<2x128x128xf32, #tpu.memory_space<vmem>>, vector<1x1x16xf32>,
    %get3A_532 = arith.constant 0 : i32
    %get3A_533 = arith.constant 22 : i32
    %get3A_534 = arith.index_cast %get3A_532 : i32 to index
    %get3A_535 = arith.index_cast %get3A_533 : i32 to index
    %get3A_536 = arith.constant 16 : index
    %get3A_537 = tpu.vector_load %arg5[%get3A_534, %get3A_535, %get3A_536] {strides = array<i32>} : memref<2x128x128xf32, #tpu.memory_space<vmem>>, vector<1x1x16xf32>,
    %get3A_538 = vector.shape_cast %get3A_537 : vector<1x1x16xf32> to vector<16xf32>
    %eq3A_539 = arith.constant 6 : i32
    %eq3A_540 = vector.broadcast %eq3A_539 : i32 to vector<16xi32>
    %eq3A_541 = arith.cmpi eq, %iota3A, %eq3A_540 : vector<16xi32>
    %jit3A_542 = arith.constant 0.000000e+00 : f32
    %broadcast_in_dim3A_543 = vector.broadcast %jit3A_542 : f32 to vector<16xf32>
    %select_n3A_544 = arith.select %eq3A_541, %get3A_2, %broadcast_in_dim3A_543 : vector<16xi1>, vector<16xf32>
    %add3A_545 = arith.addf %get3A_538, %select_n3A_544 : vector<16xf32>
    %swap3A_546 = arith.constant 0 : i32
    %swap3A_547 = arith.constant 22 : i32
    %swap3A_548 = arith.index_cast %swap3A_546 : i32 to index
    %swap3A_549 = arith.index_cast %swap3A_547 : i32 to index
    %swap3A_550 = arith.constant 16 : index
    %swap3A_551 = tpu.vector_load %arg5[%swap3A_548, %swap3A_549, %swap3A_550] {strides = array<i32>} : memref<2x128x128xf32, #tpu.memory_space<vmem>>, vector<1x1x16xf32>,
    %swap3A_552 = vector.shape_cast %swap3A_551 : vector<1x1x16xf32> to vector<16xf32>
    %swap3A_553 = vector.shape_cast %add3A_545 : vector<16xf32> to vector<1x1x16xf32>
    tpu.vector_store %arg5[%swap3A_548, %swap3A_549, %swap3A_550], %swap3A_553 {strides = array<i32>} : memref<2x128x128xf32, #tpu.memory_space<vmem>>, vector<1x1x16xf32>,
    %get3A_554 = arith.constant 0 : i32
    %get3A_555 = arith.constant 23 : i32
    %get3A_556 = arith.index_cast %get3A_554 : i32 to index
    %get3A_557 = arith.index_cast %get3A_555 : i32 to index
    %get3A_558 = arith.constant 16 : index
    %get3A_559 = tpu.vector_load %arg5[%get3A_556, %get3A_557, %get3A_558] {strides = array<i32>} : memref<2x128x128xf32, #tpu.memory_space<vmem>>, vector<1x1x16xf32>,
    %get3A_560 = vector.shape_cast %get3A_559 : vector<1x1x16xf32> to vector<16xf32>
    %eq3A_561 = arith.constant 7 : i32
    %eq3A_562 = vector.broadcast %eq3A_561 : i32 to vector<16xi32>
    %eq3A_563 = arith.cmpi eq, %iota3A, %eq3A_562 : vector<16xi32>
    %jit3A_564 = arith.constant 0.000000e+00 : f32
    %broadcast_in_dim3A_565 = vector.broadcast %jit3A_564 : f32 to vector<16xf32>
    %select_n3A_566 = arith.select %eq3A_563, %get3A_2, %broadcast_in_dim3A_565 : vector<16xi1>, vector<16xf32>
    %add3A_567 = arith.addf %get3A_560, %select_n3A_566 : vector<16xf32>
    %swap3A_568 = arith.constant 0 : i32
    %swap3A_569 = arith.constant 23 : i32
    %swap3A_570 = arith.index_cast %swap3A_568 : i32 to index
    %swap3A_571 = arith.index_cast %swap3A_569 : i32 to index
    %swap3A_572 = arith.constant 16 : index
    %swap3A_573 = tpu.vector_load %arg5[%swap3A_570, %swap3A_571, %swap3A_572] {strides = array<i32>} : memref<2x128x128xf32, #tpu.memory_space<vmem>>, vector<1x1x16xf32>,
    %swap3A_574 = vector.shape_cast %swap3A_573 : vector<1x1x16xf32> to vector<16xf32>
    %swap3A_575 = vector.shape_cast %add3A_567 : vector<16xf32> to vector<1x1x16xf32>
    tpu.vector_store %arg5[%swap3A_570, %swap3A_571, %swap3A_572], %swap3A_575 {strides = array<i32>} : memref<2x128x128xf32, #tpu.memory_space<vmem>>, vector<1x1x16xf32>,
    %get3A_576 = arith.constant 0 : i32
    %get3A_577 = arith.constant 24 : i32
    %get3A_578 = arith.index_cast %get3A_576 : i32 to index
    %get3A_579 = arith.index_cast %get3A_577 : i32 to index
    %get3A_580 = arith.constant 16 : index
    %get3A_581 = tpu.vector_load %arg5[%get3A_578, %get3A_579, %get3A_580] {strides = array<i32>} : memref<2x128x128xf32, #tpu.memory_space<vmem>>, vector<1x1x16xf32>,
    %get3A_582 = vector.shape_cast %get3A_581 : vector<1x1x16xf32> to vector<16xf32>
    %eq3A_583 = arith.constant 8 : i32
    %eq3A_584 = vector.broadcast %eq3A_583 : i32 to vector<16xi32>
    %eq3A_585 = arith.cmpi eq, %iota3A, %eq3A_584 : vector<16xi32>
    %jit3A_586 = arith.constant 0.000000e+00 : f32
    %broadcast_in_dim3A_587 = vector.broadcast %jit3A_586 : f32 to vector<16xf32>
    %select_n3A_588 = arith.select %eq3A_585, %get3A_2, %broadcast_in_dim3A_587 : vector<16xi1>, vector<16xf32>
    %add3A_589 = arith.addf %get3A_582, %select_n3A_588 : vector<16xf32>
    %swap3A_590 = arith.constant 0 : i32
    %swap3A_591 = arith.constant 24 : i32
    %swap3A_592 = arith.index_cast %swap3A_590 : i32 to index
    %swap3A_593 = arith.index_cast %swap3A_591 : i32 to index
    %swap3A_594 = arith.constant 16 : index
    %swap3A_595 = tpu.vector_load %arg5[%swap3A_592, %swap3A_593, %swap3A_594] {strides = array<i32>} : memref<2x128x128xf32, #tpu.memory_space<vmem>>, vector<1x1x16xf32>,
    %swap3A_596 = vector.shape_cast %swap3A_595 : vector<1x1x16xf32> to vector<16xf32>
    %swap3A_597 = vector.shape_cast %add3A_589 : vector<16xf32> to vector<1x1x16xf32>
    tpu.vector_store %arg5[%swap3A_592, %swap3A_593, %swap3A_594], %swap3A_597 {strides = array<i32>} : memref<2x128x128xf32, #tpu.memory_space<vmem>>, vector<1x1x16xf32>,
    %get3A_598 = arith.constant 0 : i32
    %get3A_599 = arith.constant 25 : i32
    %get3A_600 = arith.index_cast %get3A_598 : i32 to index
    %get3A_601 = arith.index_cast %get3A_599 : i32 to index
    %get3A_602 = arith.constant 16 : index
    %get3A_603 = tpu.vector_load %arg5[%get3A_600, %get3A_601, %get3A_602] {strides = array<i32>} : memref<2x128x128xf32, #tpu.memory_space<vmem>>, vector<1x1x16xf32>,
    %get3A_604 = vector.shape_cast %get3A_603 : vector<1x1x16xf32> to vector<16xf32>
    %eq3A_605 = arith.constant 9 : i32
    %eq3A_606 = vector.broadcast %eq3A_605 : i32 to vector<16xi32>
    %eq3A_607 = arith.cmpi eq, %iota3A, %eq3A_606 : vector<16xi32>
    %jit3A_608 = arith.constant 0.000000e+00 : f32
    %broadcast_in_dim3A_609 = vector.broadcast %jit3A_608 : f32 to vector<16xf32>
    %select_n3A_610 = arith.select %eq3A_607, %get3A_2, %broadcast_in_dim3A_609 : vector<16xi1>, vector<16xf32>
    %add3A_611 = arith.addf %get3A_604, %select_n3A_610 : vector<16xf32>
    %swap3A_612 = arith.constant 0 : i32
    %swap3A_613 = arith.constant 25 : i32
    %swap3A_614 = arith.index_cast %swap3A_612 : i32 to index
    %swap3A_615 = arith.index_cast %swap3A_613 : i32 to index
    %swap3A_616 = arith.constant 16 : index
    %swap3A_617 = tpu.vector_load %arg5[%swap3A_614, %swap3A_615, %swap3A_616] {strides = array<i32>} : memref<2x128x128xf32, #tpu.memory_space<vmem>>, vector<1x1x16xf32>,
    %swap3A_618 = vector.shape_cast %swap3A_617 : vector<1x1x16xf32> to vector<16xf32>
    %swap3A_619 = vector.shape_cast %add3A_611 : vector<16xf32> to vector<1x1x16xf32>
    tpu.vector_store %arg5[%swap3A_614, %swap3A_615, %swap3A_616], %swap3A_619 {strides = array<i32>} : memref<2x128x128xf32, #tpu.memory_space<vmem>>, vector<1x1x16xf32>,
    %get3A_620 = arith.constant 0 : i32
    %get3A_621 = arith.constant 26 : i32
    %get3A_622 = arith.index_cast %get3A_620 : i32 to index
    %get3A_623 = arith.index_cast %get3A_621 : i32 to index
    %get3A_624 = arith.constant 16 : index
    %get3A_625 = tpu.vector_load %arg5[%get3A_622, %get3A_623, %get3A_624] {strides = array<i32>} : memref<2x128x128xf32, #tpu.memory_space<vmem>>, vector<1x1x16xf32>,
    %get3A_626 = vector.shape_cast %get3A_625 : vector<1x1x16xf32> to vector<16xf32>
    %eq3A_627 = arith.constant 10 : i32
    %eq3A_628 = vector.broadcast %eq3A_627 : i32 to vector<16xi32>
    %eq3A_629 = arith.cmpi eq, %iota3A, %eq3A_628 : vector<16xi32>
    %jit3A_630 = arith.constant 0.000000e+00 : f32
    %broadcast_in_dim3A_631 = vector.broadcast %jit3A_630 : f32 to vector<16xf32>
    %select_n3A_632 = arith.select %eq3A_629, %get3A_2, %broadcast_in_dim3A_631 : vector<16xi1>, vector<16xf32>
    %add3A_633 = arith.addf %get3A_626, %select_n3A_632 : vector<16xf32>
    %swap3A_634 = arith.constant 0 : i32
    %swap3A_635 = arith.constant 26 : i32
    %swap3A_636 = arith.index_cast %swap3A_634 : i32 to index
    %swap3A_637 = arith.index_cast %swap3A_635 : i32 to index
    %swap3A_638 = arith.constant 16 : index
    %swap3A_639 = tpu.vector_load %arg5[%swap3A_636, %swap3A_637, %swap3A_638] {strides = array<i32>} : memref<2x128x128xf32, #tpu.memory_space<vmem>>, vector<1x1x16xf32>,
    %swap3A_640 = vector.shape_cast %swap3A_639 : vector<1x1x16xf32> to vector<16xf32>
    %swap3A_641 = vector.shape_cast %add3A_633 : vector<16xf32> to vector<1x1x16xf32>
    tpu.vector_store %arg5[%swap3A_636, %swap3A_637, %swap3A_638], %swap3A_641 {strides = array<i32>} : memref<2x128x128xf32, #tpu.memory_space<vmem>>, vector<1x1x16xf32>,
    %get3A_642 = arith.constant 0 : i32
    %get3A_643 = arith.constant 27 : i32
    %get3A_644 = arith.index_cast %get3A_642 : i32 to index
    %get3A_645 = arith.index_cast %get3A_643 : i32 to index
    %get3A_646 = arith.constant 16 : index
    %get3A_647 = tpu.vector_load %arg5[%get3A_644, %get3A_645, %get3A_646] {strides = array<i32>} : memref<2x128x128xf32, #tpu.memory_space<vmem>>, vector<1x1x16xf32>,
    %get3A_648 = vector.shape_cast %get3A_647 : vector<1x1x16xf32> to vector<16xf32>
    %eq3A_649 = arith.constant 11 : i32
    %eq3A_650 = vector.broadcast %eq3A_649 : i32 to vector<16xi32>
    %eq3A_651 = arith.cmpi eq, %iota3A, %eq3A_650 : vector<16xi32>
    %jit3A_652 = arith.constant 0.000000e+00 : f32
    %broadcast_in_dim3A_653 = vector.broadcast %jit3A_652 : f32 to vector<16xf32>
    %select_n3A_654 = arith.select %eq3A_651, %get3A_2, %broadcast_in_dim3A_653 : vector<16xi1>, vector<16xf32>
    %add3A_655 = arith.addf %get3A_648, %select_n3A_654 : vector<16xf32>
    %swap3A_656 = arith.constant 0 : i32
    %swap3A_657 = arith.constant 27 : i32
    %swap3A_658 = arith.index_cast %swap3A_656 : i32 to index
    %swap3A_659 = arith.index_cast %swap3A_657 : i32 to index
    %swap3A_660 = arith.constant 16 : index
    %swap3A_661 = tpu.vector_load %arg5[%swap3A_658, %swap3A_659, %swap3A_660] {strides = array<i32>} : memref<2x128x128xf32, #tpu.memory_space<vmem>>, vector<1x1x16xf32>,
    %swap3A_662 = vector.shape_cast %swap3A_661 : vector<1x1x16xf32> to vector<16xf32>
    %swap3A_663 = vector.shape_cast %add3A_655 : vector<16xf32> to vector<1x1x16xf32>
    tpu.vector_store %arg5[%swap3A_658, %swap3A_659, %swap3A_660], %swap3A_663 {strides = array<i32>} : memref<2x128x128xf32, #tpu.memory_space<vmem>>, vector<1x1x16xf32>,
    %get3A_664 = arith.constant 0 : i32
    %get3A_665 = arith.constant 28 : i32
    %get3A_666 = arith.index_cast %get3A_664 : i32 to index
    %get3A_667 = arith.index_cast %get3A_665 : i32 to index
    %get3A_668 = arith.constant 16 : index
    %get3A_669 = tpu.vector_load %arg5[%get3A_666, %get3A_667, %get3A_668] {strides = array<i32>} : memref<2x128x128xf32, #tpu.memory_space<vmem>>, vector<1x1x16xf32>,
    %get3A_670 = vector.shape_cast %get3A_669 : vector<1x1x16xf32> to vector<16xf32>
    %eq3A_671 = arith.constant 12 : i32
    %eq3A_672 = vector.broadcast %eq3A_671 : i32 to vector<16xi32>
    %eq3A_673 = arith.cmpi eq, %iota3A, %eq3A_672 : vector<16xi32>
    %jit3A_674 = arith.constant 0.000000e+00 : f32
    %broadcast_in_dim3A_675 = vector.broadcast %jit3A_674 : f32 to vector<16xf32>
    %select_n3A_676 = arith.select %eq3A_673, %get3A_2, %broadcast_in_dim3A_675 : vector<16xi1>, vector<16xf32>
    %add3A_677 = arith.addf %get3A_670, %select_n3A_676 : vector<16xf32>
    %swap3A_678 = arith.constant 0 : i32
    %swap3A_679 = arith.constant 28 : i32
    %swap3A_680 = arith.index_cast %swap3A_678 : i32 to index
    %swap3A_681 = arith.index_cast %swap3A_679 : i32 to index
    %swap3A_682 = arith.constant 16 : index
    %swap3A_683 = tpu.vector_load %arg5[%swap3A_680, %swap3A_681, %swap3A_682] {strides = array<i32>} : memref<2x128x128xf32, #tpu.memory_space<vmem>>, vector<1x1x16xf32>,
    %swap3A_684 = vector.shape_cast %swap3A_683 : vector<1x1x16xf32> to vector<16xf32>
    %swap3A_685 = vector.shape_cast %add3A_677 : vector<16xf32> to vector<1x1x16xf32>
    tpu.vector_store %arg5[%swap3A_680, %swap3A_681, %swap3A_682], %swap3A_685 {strides = array<i32>} : memref<2x128x128xf32, #tpu.memory_space<vmem>>, vector<1x1x16xf32>,
    %get3A_686 = arith.constant 0 : i32
    %get3A_687 = arith.constant 29 : i32
    %get3A_688 = arith.index_cast %get3A_686 : i32 to index
    %get3A_689 = arith.index_cast %get3A_687 : i32 to index
    %get3A_690 = arith.constant 16 : index
    %get3A_691 = tpu.vector_load %arg5[%get3A_688, %get3A_689, %get3A_690] {strides = array<i32>} : memref<2x128x128xf32, #tpu.memory_space<vmem>>, vector<1x1x16xf32>,
    %get3A_692 = vector.shape_cast %get3A_691 : vector<1x1x16xf32> to vector<16xf32>
    %eq3A_693 = arith.constant 13 : i32
    %eq3A_694 = vector.broadcast %eq3A_693 : i32 to vector<16xi32>
    %eq3A_695 = arith.cmpi eq, %iota3A, %eq3A_694 : vector<16xi32>
    %jit3A_696 = arith.constant 0.000000e+00 : f32
    %broadcast_in_dim3A_697 = vector.broadcast %jit3A_696 : f32 to vector<16xf32>
    %select_n3A_698 = arith.select %eq3A_695, %get3A_2, %broadcast_in_dim3A_697 : vector<16xi1>, vector<16xf32>
    %add3A_699 = arith.addf %get3A_692, %select_n3A_698 : vector<16xf32>
    %swap3A_700 = arith.constant 0 : i32
    %swap3A_701 = arith.constant 29 : i32
    %swap3A_702 = arith.index_cast %swap3A_700 : i32 to index
    %swap3A_703 = arith.index_cast %swap3A_701 : i32 to index
    %swap3A_704 = arith.constant 16 : index
    %swap3A_705 = tpu.vector_load %arg5[%swap3A_702, %swap3A_703, %swap3A_704] {strides = array<i32>} : memref<2x128x128xf32, #tpu.memory_space<vmem>>, vector<1x1x16xf32>,
    %swap3A_706 = vector.shape_cast %swap3A_705 : vector<1x1x16xf32> to vector<16xf32>
    %swap3A_707 = vector.shape_cast %add3A_699 : vector<16xf32> to vector<1x1x16xf32>
    tpu.vector_store %arg5[%swap3A_702, %swap3A_703, %swap3A_704], %swap3A_707 {strides = array<i32>} : memref<2x128x128xf32, #tpu.memory_space<vmem>>, vector<1x1x16xf32>,
    %get3A_708 = arith.constant 0 : i32
    %get3A_709 = arith.constant 30 : i32
    %get3A_710 = arith.index_cast %get3A_708 : i32 to index
    %get3A_711 = arith.index_cast %get3A_709 : i32 to index
    %get3A_712 = arith.constant 16 : index
    %get3A_713 = tpu.vector_load %arg5[%get3A_710, %get3A_711, %get3A_712] {strides = array<i32>} : memref<2x128x128xf32, #tpu.memory_space<vmem>>, vector<1x1x16xf32>,
    %get3A_714 = vector.shape_cast %get3A_713 : vector<1x1x16xf32> to vector<16xf32>
    %eq3A_715 = arith.constant 14 : i32
    %eq3A_716 = vector.broadcast %eq3A_715 : i32 to vector<16xi32>
    %eq3A_717 = arith.cmpi eq, %iota3A, %eq3A_716 : vector<16xi32>
    %jit3A_718 = arith.constant 0.000000e+00 : f32
    %broadcast_in_dim3A_719 = vector.broadcast %jit3A_718 : f32 to vector<16xf32>
    %select_n3A_720 = arith.select %eq3A_717, %get3A_2, %broadcast_in_dim3A_719 : vector<16xi1>, vector<16xf32>
    %add3A_721 = arith.addf %get3A_714, %select_n3A_720 : vector<16xf32>
    %swap3A_722 = arith.constant 0 : i32
    %swap3A_723 = arith.constant 30 : i32
    %swap3A_724 = arith.index_cast %swap3A_722 : i32 to index
    %swap3A_725 = arith.index_cast %swap3A_723 : i32 to index
    %swap3A_726 = arith.constant 16 : index
    %swap3A_727 = tpu.vector_load %arg5[%swap3A_724, %swap3A_725, %swap3A_726] {strides = array<i32>} : memref<2x128x128xf32, #tpu.memory_space<vmem>>, vector<1x1x16xf32>,
    %swap3A_728 = vector.shape_cast %swap3A_727 : vector<1x1x16xf32> to vector<16xf32>
    %swap3A_729 = vector.shape_cast %add3A_721 : vector<16xf32> to vector<1x1x16xf32>
    tpu.vector_store %arg5[%swap3A_724, %swap3A_725, %swap3A_726], %swap3A_729 {strides = array<i32>} : memref<2x128x128xf32, #tpu.memory_space<vmem>>, vector<1x1x16xf32>,
    %get3A_730 = arith.constant 0 : i32
    %get3A_731 = arith.constant 31 : i32
    %get3A_732 = arith.index_cast %get3A_730 : i32 to index
    %get3A_733 = arith.index_cast %get3A_731 : i32 to index
    %get3A_734 = arith.constant 16 : index
    %get3A_735 = tpu.vector_load %arg5[%get3A_732, %get3A_733, %get3A_734] {strides = array<i32>} : memref<2x128x128xf32, #tpu.memory_space<vmem>>, vector<1x1x16xf32>,
    %get3A_736 = vector.shape_cast %get3A_735 : vector<1x1x16xf32> to vector<16xf32>
    %eq3A_737 = arith.constant 15 : i32
    %eq3A_738 = vector.broadcast %eq3A_737 : i32 to vector<16xi32>
    %eq3A_739 = arith.cmpi eq, %iota3A, %eq3A_738 : vector<16xi32>
    %jit3A_740 = arith.constant 0.000000e+00 : f32
    %broadcast_in_dim3A_741 = vector.broadcast %jit3A_740 : f32 to vector<16xf32>
    %select_n3A_742 = arith.select %eq3A_739, %get3A_2, %broadcast_in_dim3A_741 : vector<16xi1>, vector<16xf32>
    %add3A_743 = arith.addf %get3A_736, %select_n3A_742 : vector<16xf32>
    %swap3A_744 = arith.constant 0 : i32
    %swap3A_745 = arith.constant 31 : i32
    %swap3A_746 = arith.index_cast %swap3A_744 : i32 to index
    %swap3A_747 = arith.index_cast %swap3A_745 : i32 to index
    %swap3A_748 = arith.constant 16 : index
    %swap3A_749 = tpu.vector_load %arg5[%swap3A_746, %swap3A_747, %swap3A_748] {strides = array<i32>} : memref<2x128x128xf32, #tpu.memory_space<vmem>>, vector<1x1x16xf32>,
    %swap3A_750 = vector.shape_cast %swap3A_749 : vector<1x1x16xf32> to vector<16xf32>
    %swap3A_751 = vector.shape_cast %add3A_743 : vector<16xf32> to vector<1x1x16xf32>
    tpu.vector_store %arg5[%swap3A_746, %swap3A_747, %swap3A_748], %swap3A_751 {strides = array<i32>} : memref<2x128x128xf32, #tpu.memory_space<vmem>>, vector<1x1x16xf32>,
    %get3A_752 = arith.constant 0 : i32
    %get3A_753 = arith.constant 32 : i32
    %get3A_754 = arith.index_cast %get3A_752 : i32 to index
    %get3A_755 = arith.index_cast %get3A_753 : i32 to index
    %get3A_756 = arith.constant 32 : index
    %get3A_757 = tpu.vector_load %arg5[%get3A_754, %get3A_755, %get3A_756] {strides = array<i32>} : memref<2x128x128xf32, #tpu.memory_space<vmem>>, vector<1x1x16xf32>,
    %get3A_758 = vector.shape_cast %get3A_757 : vector<1x1x16xf32> to vector<16xf32>
    %eq3A_759 = arith.constant 0 : i32
    %eq3A_760 = vector.broadcast %eq3A_759 : i32 to vector<16xi32>
    %eq3A_761 = arith.cmpi eq, %iota3A, %eq3A_760 : vector<16xi32>
    %jit3A_762 = arith.constant 0.000000e+00 : f32
    %broadcast_in_dim3A_763 = vector.broadcast %jit3A_762 : f32 to vector<16xf32>
    %select_n3A_764 = arith.select %eq3A_761, %get3A_2, %broadcast_in_dim3A_763 : vector<16xi1>, vector<16xf32>
    %add3A_765 = arith.addf %get3A_758, %select_n3A_764 : vector<16xf32>
    %swap3A_766 = arith.constant 0 : i32
    %swap3A_767 = arith.constant 32 : i32
    %swap3A_768 = arith.index_cast %swap3A_766 : i32 to index
    %swap3A_769 = arith.index_cast %swap3A_767 : i32 to index
    %swap3A_770 = arith.constant 32 : index
    %swap3A_771 = tpu.vector_load %arg5[%swap3A_768, %swap3A_769, %swap3A_770] {strides = array<i32>} : memref<2x128x128xf32, #tpu.memory_space<vmem>>, vector<1x1x16xf32>,
    %swap3A_772 = vector.shape_cast %swap3A_771 : vector<1x1x16xf32> to vector<16xf32>
    %swap3A_773 = vector.shape_cast %add3A_765 : vector<16xf32> to vector<1x1x16xf32>
    tpu.vector_store %arg5[%swap3A_768, %swap3A_769, %swap3A_770], %swap3A_773 {strides = array<i32>} : memref<2x128x128xf32, #tpu.memory_space<vmem>>, vector<1x1x16xf32>,
    %get3A_774 = arith.constant 0 : i32
    %get3A_775 = arith.constant 33 : i32
    %get3A_776 = arith.index_cast %get3A_774 : i32 to index
    %get3A_777 = arith.index_cast %get3A_775 : i32 to index
    %get3A_778 = arith.constant 32 : index
    %get3A_779 = tpu.vector_load %arg5[%get3A_776, %get3A_777, %get3A_778] {strides = array<i32>} : memref<2x128x128xf32, #tpu.memory_space<vmem>>, vector<1x1x16xf32>,
    %get3A_780 = vector.shape_cast %get3A_779 : vector<1x1x16xf32> to vector<16xf32>
    %eq3A_781 = arith.constant 1 : i32
    %eq3A_782 = vector.broadcast %eq3A_781 : i32 to vector<16xi32>
    %eq3A_783 = arith.cmpi eq, %iota3A, %eq3A_782 : vector<16xi32>
    %jit3A_784 = arith.constant 0.000000e+00 : f32
    %broadcast_in_dim3A_785 = vector.broadcast %jit3A_784 : f32 to vector<16xf32>
    %select_n3A_786 = arith.select %eq3A_783, %get3A_2, %broadcast_in_dim3A_785 : vector<16xi1>, vector<16xf32>
    %add3A_787 = arith.addf %get3A_780, %select_n3A_786 : vector<16xf32>
    %swap3A_788 = arith.constant 0 : i32
    %swap3A_789 = arith.constant 33 : i32
    %swap3A_790 = arith.index_cast %swap3A_788 : i32 to index
    %swap3A_791 = arith.index_cast %swap3A_789 : i32 to index
    %swap3A_792 = arith.constant 32 : index
    %swap3A_793 = tpu.vector_load %arg5[%swap3A_790, %swap3A_791, %swap3A_792] {strides = array<i32>} : memref<2x128x128xf32, #tpu.memory_space<vmem>>, vector<1x1x16xf32>,
    %swap3A_794 = vector.shape_cast %swap3A_793 : vector<1x1x16xf32> to vector<16xf32>
    %swap3A_795 = vector.shape_cast %add3A_787 : vector<16xf32> to vector<1x1x16xf32>
    tpu.vector_store %arg5[%swap3A_790, %swap3A_791, %swap3A_792], %swap3A_795 {strides = array<i32>} : memref<2x128x128xf32, #tpu.memory_space<vmem>>, vector<1x1x16xf32>,
    %get3A_796 = arith.constant 0 : i32
    %get3A_797 = arith.constant 34 : i32
    %get3A_798 = arith.index_cast %get3A_796 : i32 to index
    %get3A_799 = arith.index_cast %get3A_797 : i32 to index
    %get3A_800 = arith.constant 32 : index
    %get3A_801 = tpu.vector_load %arg5[%get3A_798, %get3A_799, %get3A_800] {strides = array<i32>} : memref<2x128x128xf32, #tpu.memory_space<vmem>>, vector<1x1x16xf32>,
    %get3A_802 = vector.shape_cast %get3A_801 : vector<1x1x16xf32> to vector<16xf32>
    %eq3A_803 = arith.constant 2 : i32
    %eq3A_804 = vector.broadcast %eq3A_803 : i32 to vector<16xi32>
    %eq3A_805 = arith.cmpi eq, %iota3A, %eq3A_804 : vector<16xi32>
    %jit3A_806 = arith.constant 0.000000e+00 : f32
    %broadcast_in_dim3A_807 = vector.broadcast %jit3A_806 : f32 to vector<16xf32>
    %select_n3A_808 = arith.select %eq3A_805, %get3A_2, %broadcast_in_dim3A_807 : vector<16xi1>, vector<16xf32>
    %add3A_809 = arith.addf %get3A_802, %select_n3A_808 : vector<16xf32>
    %swap3A_810 = arith.constant 0 : i32
    %swap3A_811 = arith.constant 34 : i32
    %swap3A_812 = arith.index_cast %swap3A_810 : i32 to index
    %swap3A_813 = arith.index_cast %swap3A_811 : i32 to index
    %swap3A_814 = arith.constant 32 : index
    %swap3A_815 = tpu.vector_load %arg5[%swap3A_812, %swap3A_813, %swap3A_814] {strides = array<i32>} : memref<2x128x128xf32, #tpu.memory_space<vmem>>, vector<1x1x16xf32>,
    %swap3A_816 = vector.shape_cast %swap3A_815 : vector<1x1x16xf32> to vector<16xf32>
    %swap3A_817 = vector.shape_cast %add3A_809 : vector<16xf32> to vector<1x1x16xf32>
    tpu.vector_store %arg5[%swap3A_812, %swap3A_813, %swap3A_814], %swap3A_817 {strides = array<i32>} : memref<2x128x128xf32, #tpu.memory_space<vmem>>, vector<1x1x16xf32>,
    %get3A_818 = arith.constant 0 : i32
    %get3A_819 = arith.constant 35 : i32
    %get3A_820 = arith.index_cast %get3A_818 : i32 to index
    %get3A_821 = arith.index_cast %get3A_819 : i32 to index
    %get3A_822 = arith.constant 32 : index
    %get3A_823 = tpu.vector_load %arg5[%get3A_820, %get3A_821, %get3A_822] {strides = array<i32>} : memref<2x128x128xf32, #tpu.memory_space<vmem>>, vector<1x1x16xf32>,
    %get3A_824 = vector.shape_cast %get3A_823 : vector<1x1x16xf32> to vector<16xf32>
    %eq3A_825 = arith.constant 3 : i32
    %eq3A_826 = vector.broadcast %eq3A_825 : i32 to vector<16xi32>
    %eq3A_827 = arith.cmpi eq, %iota3A, %eq3A_826 : vector<16xi32>
    %jit3A_828 = arith.constant 0.000000e+00 : f32
    %broadcast_in_dim3A_829 = vector.broadcast %jit3A_828 : f32 to vector<16xf32>
    %select_n3A_830 = arith.select %eq3A_827, %get3A_2, %broadcast_in_dim3A_829 : vector<16xi1>, vector<16xf32>
    %add3A_831 = arith.addf %get3A_824, %select_n3A_830 : vector<16xf32>
    %swap3A_832 = arith.constant 0 : i32
    %swap3A_833 = arith.constant 35 : i32
    %swap3A_834 = arith.index_cast %swap3A_832 : i32 to index
    %swap3A_835 = arith.index_cast %swap3A_833 : i32 to index
    %swap3A_836 = arith.constant 32 : index
    %swap3A_837 = tpu.vector_load %arg5[%swap3A_834, %swap3A_835, %swap3A_836] {strides = array<i32>} : memref<2x128x128xf32, #tpu.memory_space<vmem>>, vector<1x1x16xf32>,
    %swap3A_838 = vector.shape_cast %swap3A_837 : vector<1x1x16xf32> to vector<16xf32>
    %swap3A_839 = vector.shape_cast %add3A_831 : vector<16xf32> to vector<1x1x16xf32>
    tpu.vector_store %arg5[%swap3A_834, %swap3A_835, %swap3A_836], %swap3A_839 {strides = array<i32>} : memref<2x128x128xf32, #tpu.memory_space<vmem>>, vector<1x1x16xf32>,
    %get3A_840 = arith.constant 0 : i32
    %get3A_841 = arith.constant 36 : i32
    %get3A_842 = arith.index_cast %get3A_840 : i32 to index
    %get3A_843 = arith.index_cast %get3A_841 : i32 to index
    %get3A_844 = arith.constant 32 : index
    %get3A_845 = tpu.vector_load %arg5[%get3A_842, %get3A_843, %get3A_844] {strides = array<i32>} : memref<2x128x128xf32, #tpu.memory_space<vmem>>, vector<1x1x16xf32>,
    %get3A_846 = vector.shape_cast %get3A_845 : vector<1x1x16xf32> to vector<16xf32>
    %eq3A_847 = arith.constant 4 : i32
    %eq3A_848 = vector.broadcast %eq3A_847 : i32 to vector<16xi32>
    %eq3A_849 = arith.cmpi eq, %iota3A, %eq3A_848 : vector<16xi32>
    %jit3A_850 = arith.constant 0.000000e+00 : f32
    %broadcast_in_dim3A_851 = vector.broadcast %jit3A_850 : f32 to vector<16xf32>
    %select_n3A_852 = arith.select %eq3A_849, %get3A_2, %broadcast_in_dim3A_851 : vector<16xi1>, vector<16xf32>
    %add3A_853 = arith.addf %get3A_846, %select_n3A_852 : vector<16xf32>
    %swap3A_854 = arith.constant 0 : i32
    %swap3A_855 = arith.constant 36 : i32
    %swap3A_856 = arith.index_cast %swap3A_854 : i32 to index
    %swap3A_857 = arith.index_cast %swap3A_855 : i32 to index
    %swap3A_858 = arith.constant 32 : index
    %swap3A_859 = tpu.vector_load %arg5[%swap3A_856, %swap3A_857, %swap3A_858] {strides = array<i32>} : memref<2x128x128xf32, #tpu.memory_space<vmem>>, vector<1x1x16xf32>,
    %swap3A_860 = vector.shape_cast %swap3A_859 : vector<1x1x16xf32> to vector<16xf32>
    %swap3A_861 = vector.shape_cast %add3A_853 : vector<16xf32> to vector<1x1x16xf32>
    tpu.vector_store %arg5[%swap3A_856, %swap3A_857, %swap3A_858], %swap3A_861 {strides = array<i32>} : memref<2x128x128xf32, #tpu.memory_space<vmem>>, vector<1x1x16xf32>,
    %get3A_862 = arith.constant 0 : i32
    %get3A_863 = arith.constant 37 : i32
    %get3A_864 = arith.index_cast %get3A_862 : i32 to index
    %get3A_865 = arith.index_cast %get3A_863 : i32 to index
    %get3A_866 = arith.constant 32 : index
    %get3A_867 = tpu.vector_load %arg5[%get3A_864, %get3A_865, %get3A_866] {strides = array<i32>} : memref<2x128x128xf32, #tpu.memory_space<vmem>>, vector<1x1x16xf32>,
    %get3A_868 = vector.shape_cast %get3A_867 : vector<1x1x16xf32> to vector<16xf32>
    %eq3A_869 = arith.constant 5 : i32
    %eq3A_870 = vector.broadcast %eq3A_869 : i32 to vector<16xi32>
    %eq3A_871 = arith.cmpi eq, %iota3A, %eq3A_870 : vector<16xi32>
    %jit3A_872 = arith.constant 0.000000e+00 : f32
    %broadcast_in_dim3A_873 = vector.broadcast %jit3A_872 : f32 to vector<16xf32>
    %select_n3A_874 = arith.select %eq3A_871, %get3A_2, %broadcast_in_dim3A_873 : vector<16xi1>, vector<16xf32>
    %add3A_875 = arith.addf %get3A_868, %select_n3A_874 : vector<16xf32>
    %swap3A_876 = arith.constant 0 : i32
    %swap3A_877 = arith.constant 37 : i32
    %swap3A_878 = arith.index_cast %swap3A_876 : i32 to index
    %swap3A_879 = arith.index_cast %swap3A_877 : i32 to index
    %swap3A_880 = arith.constant 32 : index
    %swap3A_881 = tpu.vector_load %arg5[%swap3A_878, %swap3A_879, %swap3A_880] {strides = array<i32>} : memref<2x128x128xf32, #tpu.memory_space<vmem>>, vector<1x1x16xf32>,
    %swap3A_882 = vector.shape_cast %swap3A_881 : vector<1x1x16xf32> to vector<16xf32>
    %swap3A_883 = vector.shape_cast %add3A_875 : vector<16xf32> to vector<1x1x16xf32>
    tpu.vector_store %arg5[%swap3A_878, %swap3A_879, %swap3A_880], %swap3A_883 {strides = array<i32>} : memref<2x128x128xf32, #tpu.memory_space<vmem>>, vector<1x1x16xf32>,
    %get3A_884 = arith.constant 0 : i32
    %get3A_885 = arith.constant 38 : i32
    %get3A_886 = arith.index_cast %get3A_884 : i32 to index
    %get3A_887 = arith.index_cast %get3A_885 : i32 to index
    %get3A_888 = arith.constant 32 : index
    %get3A_889 = tpu.vector_load %arg5[%get3A_886, %get3A_887, %get3A_888] {strides = array<i32>} : memref<2x128x128xf32, #tpu.memory_space<vmem>>, vector<1x1x16xf32>,
    %get3A_890 = vector.shape_cast %get3A_889 : vector<1x1x16xf32> to vector<16xf32>
    %eq3A_891 = arith.constant 6 : i32
    %eq3A_892 = vector.broadcast %eq3A_891 : i32 to vector<16xi32>
    %eq3A_893 = arith.cmpi eq, %iota3A, %eq3A_892 : vector<16xi32>
    %jit3A_894 = arith.constant 0.000000e+00 : f32
    %broadcast_in_dim3A_895 = vector.broadcast %jit3A_894 : f32 to vector<16xf32>
    %select_n3A_896 = arith.select %eq3A_893, %get3A_2, %broadcast_in_dim3A_895 : vector<16xi1>, vector<16xf32>
    %add3A_897 = arith.addf %get3A_890, %select_n3A_896 : vector<16xf32>
    %swap3A_898 = arith.constant 0 : i32
    %swap3A_899 = arith.constant 38 : i32
    %swap3A_900 = arith.index_cast %swap3A_898 : i32 to index
    %swap3A_901 = arith.index_cast %swap3A_899 : i32 to index
    %swap3A_902 = arith.constant 32 : index
    %swap3A_903 = tpu.vector_load %arg5[%swap3A_900, %swap3A_901, %swap3A_902] {strides = array<i32>} : memref<2x128x128xf32, #tpu.memory_space<vmem>>, vector<1x1x16xf32>,
    %swap3A_904 = vector.shape_cast %swap3A_903 : vector<1x1x16xf32> to vector<16xf32>
    %swap3A_905 = vector.shape_cast %add3A_897 : vector<16xf32> to vector<1x1x16xf32>
    tpu.vector_store %arg5[%swap3A_900, %swap3A_901, %swap3A_902], %swap3A_905 {strides = array<i32>} : memref<2x128x128xf32, #tpu.memory_space<vmem>>, vector<1x1x16xf32>,
    %get3A_906 = arith.constant 0 : i32
    %get3A_907 = arith.constant 39 : i32
    %get3A_908 = arith.index_cast %get3A_906 : i32 to index
    %get3A_909 = arith.index_cast %get3A_907 : i32 to index
    %get3A_910 = arith.constant 32 : index
    %get3A_911 = tpu.vector_load %arg5[%get3A_908, %get3A_909, %get3A_910] {strides = array<i32>} : memref<2x128x128xf32, #tpu.memory_space<vmem>>, vector<1x1x16xf32>,
    %get3A_912 = vector.shape_cast %get3A_911 : vector<1x1x16xf32> to vector<16xf32>
    %eq3A_913 = arith.constant 7 : i32
    %eq3A_914 = vector.broadcast %eq3A_913 : i32 to vector<16xi32>
    %eq3A_915 = arith.cmpi eq, %iota3A, %eq3A_914 : vector<16xi32>
    %jit3A_916 = arith.constant 0.000000e+00 : f32
    %broadcast_in_dim3A_917 = vector.broadcast %jit3A_916 : f32 to vector<16xf32>
    %select_n3A_918 = arith.select %eq3A_915, %get3A_2, %broadcast_in_dim3A_917 : vector<16xi1>, vector<16xf32>
    %add3A_919 = arith.addf %get3A_912, %select_n3A_918 : vector<16xf32>
    %swap3A_920 = arith.constant 0 : i32
    %swap3A_921 = arith.constant 39 : i32
    %swap3A_922 = arith.index_cast %swap3A_920 : i32 to index
    %swap3A_923 = arith.index_cast %swap3A_921 : i32 to index
    %swap3A_924 = arith.constant 32 : index
    %swap3A_925 = tpu.vector_load %arg5[%swap3A_922, %swap3A_923, %swap3A_924] {strides = array<i32>} : memref<2x128x128xf32, #tpu.memory_space<vmem>>, vector<1x1x16xf32>,
    %swap3A_926 = vector.shape_cast %swap3A_925 : vector<1x1x16xf32> to vector<16xf32>
    %swap3A_927 = vector.shape_cast %add3A_919 : vector<16xf32> to vector<1x1x16xf32>
    tpu.vector_store %arg5[%swap3A_922, %swap3A_923, %swap3A_924], %swap3A_927 {strides = array<i32>} : memref<2x128x128xf32, #tpu.memory_space<vmem>>, vector<1x1x16xf32>,
    %get3A_928 = arith.constant 0 : i32
    %get3A_929 = arith.constant 40 : i32
    %get3A_930 = arith.index_cast %get3A_928 : i32 to index
    %get3A_931 = arith.index_cast %get3A_929 : i32 to index
    %get3A_932 = arith.constant 32 : index
    %get3A_933 = tpu.vector_load %arg5[%get3A_930, %get3A_931, %get3A_932] {strides = array<i32>} : memref<2x128x128xf32, #tpu.memory_space<vmem>>, vector<1x1x16xf32>,
    %get3A_934 = vector.shape_cast %get3A_933 : vector<1x1x16xf32> to vector<16xf32>
    %eq3A_935 = arith.constant 8 : i32
    %eq3A_936 = vector.broadcast %eq3A_935 : i32 to vector<16xi32>
    %eq3A_937 = arith.cmpi eq, %iota3A, %eq3A_936 : vector<16xi32>
    %jit3A_938 = arith.constant 0.000000e+00 : f32
    %broadcast_in_dim3A_939 = vector.broadcast %jit3A_938 : f32 to vector<16xf32>
    %select_n3A_940 = arith.select %eq3A_937, %get3A_2, %broadcast_in_dim3A_939 : vector<16xi1>, vector<16xf32>
    %add3A_941 = arith.addf %get3A_934, %select_n3A_940 : vector<16xf32>
    %swap3A_942 = arith.constant 0 : i32
    %swap3A_943 = arith.constant 40 : i32
    %swap3A_944 = arith.index_cast %swap3A_942 : i32 to index
    %swap3A_945 = arith.index_cast %swap3A_943 : i32 to index
    %swap3A_946 = arith.constant 32 : index
    %swap3A_947 = tpu.vector_load %arg5[%swap3A_944, %swap3A_945, %swap3A_946] {strides = array<i32>} : memref<2x128x128xf32, #tpu.memory_space<vmem>>, vector<1x1x16xf32>,
    %swap3A_948 = vector.shape_cast %swap3A_947 : vector<1x1x16xf32> to vector<16xf32>
    %swap3A_949 = vector.shape_cast %add3A_941 : vector<16xf32> to vector<1x1x16xf32>
    tpu.vector_store %arg5[%swap3A_944, %swap3A_945, %swap3A_946], %swap3A_949 {strides = array<i32>} : memref<2x128x128xf32, #tpu.memory_space<vmem>>, vector<1x1x16xf32>,
    %get3A_950 = arith.constant 0 : i32
    %get3A_951 = arith.constant 41 : i32
    %get3A_952 = arith.index_cast %get3A_950 : i32 to index
    %get3A_953 = arith.index_cast %get3A_951 : i32 to index
    %get3A_954 = arith.constant 32 : index
    %get3A_955 = tpu.vector_load %arg5[%get3A_952, %get3A_953, %get3A_954] {strides = array<i32>} : memref<2x128x128xf32, #tpu.memory_space<vmem>>, vector<1x1x16xf32>,
    %get3A_956 = vector.shape_cast %get3A_955 : vector<1x1x16xf32> to vector<16xf32>
    %eq3A_957 = arith.constant 9 : i32
    %eq3A_958 = vector.broadcast %eq3A_957 : i32 to vector<16xi32>
    %eq3A_959 = arith.cmpi eq, %iota3A, %eq3A_958 : vector<16xi32>
    %jit3A_960 = arith.constant 0.000000e+00 : f32
    %broadcast_in_dim3A_961 = vector.broadcast %jit3A_960 : f32 to vector<16xf32>
    %select_n3A_962 = arith.select %eq3A_959, %get3A_2, %broadcast_in_dim3A_961 : vector<16xi1>, vector<16xf32>
    %add3A_963 = arith.addf %get3A_956, %select_n3A_962 : vector<16xf32>
    %swap3A_964 = arith.constant 0 : i32
    %swap3A_965 = arith.constant 41 : i32
    %swap3A_966 = arith.index_cast %swap3A_964 : i32 to index
    %swap3A_967 = arith.index_cast %swap3A_965 : i32 to index
    %swap3A_968 = arith.constant 32 : index
    %swap3A_969 = tpu.vector_load %arg5[%swap3A_966, %swap3A_967, %swap3A_968] {strides = array<i32>} : memref<2x128x128xf32, #tpu.memory_space<vmem>>, vector<1x1x16xf32>,
    %swap3A_970 = vector.shape_cast %swap3A_969 : vector<1x1x16xf32> to vector<16xf32>
    %swap3A_971 = vector.shape_cast %add3A_963 : vector<16xf32> to vector<1x1x16xf32>
    tpu.vector_store %arg5[%swap3A_966, %swap3A_967, %swap3A_968], %swap3A_971 {strides = array<i32>} : memref<2x128x128xf32, #tpu.memory_space<vmem>>, vector<1x1x16xf32>,
    %get3A_972 = arith.constant 0 : i32
    %get3A_973 = arith.constant 42 : i32
    %get3A_974 = arith.index_cast %get3A_972 : i32 to index
    %get3A_975 = arith.index_cast %get3A_973 : i32 to index
    %get3A_976 = arith.constant 32 : index
    %get3A_977 = tpu.vector_load %arg5[%get3A_974, %get3A_975, %get3A_976] {strides = array<i32>} : memref<2x128x128xf32, #tpu.memory_space<vmem>>, vector<1x1x16xf32>,
    %get3A_978 = vector.shape_cast %get3A_977 : vector<1x1x16xf32> to vector<16xf32>
    %eq3A_979 = arith.constant 10 : i32
    %eq3A_980 = vector.broadcast %eq3A_979 : i32 to vector<16xi32>
    %eq3A_981 = arith.cmpi eq, %iota3A, %eq3A_980 : vector<16xi32>
    %jit3A_982 = arith.constant 0.000000e+00 : f32
    %broadcast_in_dim3A_983 = vector.broadcast %jit3A_982 : f32 to vector<16xf32>
    %select_n3A_984 = arith.select %eq3A_981, %get3A_2, %broadcast_in_dim3A_983 : vector<16xi1>, vector<16xf32>
    %add3A_985 = arith.addf %get3A_978, %select_n3A_984 : vector<16xf32>
    %swap3A_986 = arith.constant 0 : i32
    %swap3A_987 = arith.constant 42 : i32
    %swap3A_988 = arith.index_cast %swap3A_986 : i32 to index
    %swap3A_989 = arith.index_cast %swap3A_987 : i32 to index
    %swap3A_990 = arith.constant 32 : index
    %swap3A_991 = tpu.vector_load %arg5[%swap3A_988, %swap3A_989, %swap3A_990] {strides = array<i32>} : memref<2x128x128xf32, #tpu.memory_space<vmem>>, vector<1x1x16xf32>,
    %swap3A_992 = vector.shape_cast %swap3A_991 : vector<1x1x16xf32> to vector<16xf32>
    %swap3A_993 = vector.shape_cast %add3A_985 : vector<16xf32> to vector<1x1x16xf32>
    tpu.vector_store %arg5[%swap3A_988, %swap3A_989, %swap3A_990], %swap3A_993 {strides = array<i32>} : memref<2x128x128xf32, #tpu.memory_space<vmem>>, vector<1x1x16xf32>,
    %get3A_994 = arith.constant 0 : i32
    %get3A_995 = arith.constant 43 : i32
    %get3A_996 = arith.index_cast %get3A_994 : i32 to index
    %get3A_997 = arith.index_cast %get3A_995 : i32 to index
    %get3A_998 = arith.constant 32 : index
    %get3A_999 = tpu.vector_load %arg5[%get3A_996, %get3A_997, %get3A_998] {strides = array<i32>} : memref<2x128x128xf32, #tpu.memory_space<vmem>>, vector<1x1x16xf32>,
    %get3A_1000 = vector.shape_cast %get3A_999 : vector<1x1x16xf32> to vector<16xf32>
    %eq3A_1001 = arith.constant 11 : i32
    %eq3A_1002 = vector.broadcast %eq3A_1001 : i32 to vector<16xi32>
    %eq3A_1003 = arith.cmpi eq, %iota3A, %eq3A_1002 : vector<16xi32>
    %jit3A_1004 = arith.constant 0.000000e+00 : f32
    %broadcast_in_dim3A_1005 = vector.broadcast %jit3A_1004 : f32 to vector<16xf32>
    %select_n3A_1006 = arith.select %eq3A_1003, %get3A_2, %broadcast_in_dim3A_1005 : vector<16xi1>, vector<16xf32>
    %add3A_1007 = arith.addf %get3A_1000, %select_n3A_1006 : vector<16xf32>
    %swap3A_1008 = arith.constant 0 : i32
    %swap3A_1009 = arith.constant 43 : i32
    %swap3A_1010 = arith.index_cast %swap3A_1008 : i32 to index
    %swap3A_1011 = arith.index_cast %swap3A_1009 : i32 to index
    %swap3A_1012 = arith.constant 32 : index
    %swap3A_1013 = tpu.vector_load %arg5[%swap3A_1010, %swap3A_1011, %swap3A_1012] {strides = array<i32>} : memref<2x128x128xf32, #tpu.memory_space<vmem>>, vector<1x1x16xf32>,
    %swap3A_1014 = vector.shape_cast %swap3A_1013 : vector<1x1x16xf32> to vector<16xf32>
    %swap3A_1015 = vector.shape_cast %add3A_1007 : vector<16xf32> to vector<1x1x16xf32>
    tpu.vector_store %arg5[%swap3A_1010, %swap3A_1011, %swap3A_1012], %swap3A_1015 {strides = array<i32>} : memref<2x128x128xf32, #tpu.memory_space<vmem>>, vector<1x1x16xf32>,
    %get3A_1016 = arith.constant 0 : i32
    %get3A_1017 = arith.constant 44 : i32
    %get3A_1018 = arith.index_cast %get3A_1016 : i32 to index
    %get3A_1019 = arith.index_cast %get3A_1017 : i32 to index
    %get3A_1020 = arith.constant 32 : index
    %get3A_1021 = tpu.vector_load %arg5[%get3A_1018, %get3A_1019, %get3A_1020] {strides = array<i32>} : memref<2x128x128xf32, #tpu.memory_space<vmem>>, vector<1x1x16xf32>,
    %get3A_1022 = vector.shape_cast %get3A_1021 : vector<1x1x16xf32> to vector<16xf32>
    %eq3A_1023 = arith.constant 12 : i32
    %eq3A_1024 = vector.broadcast %eq3A_1023 : i32 to vector<16xi32>
    %eq3A_1025 = arith.cmpi eq, %iota3A, %eq3A_1024 : vector<16xi32>
    %jit3A_1026 = arith.constant 0.000000e+00 : f32
    %broadcast_in_dim3A_1027 = vector.broadcast %jit3A_1026 : f32 to vector<16xf32>
    %select_n3A_1028 = arith.select %eq3A_1025, %get3A_2, %broadcast_in_dim3A_1027 : vector<16xi1>, vector<16xf32>
    %add3A_1029 = arith.addf %get3A_1022, %select_n3A_1028 : vector<16xf32>
    %swap3A_1030 = arith.constant 0 : i32
    %swap3A_1031 = arith.constant 44 : i32
    %swap3A_1032 = arith.index_cast %swap3A_1030 : i32 to index
    %swap3A_1033 = arith.index_cast %swap3A_1031 : i32 to index
    %swap3A_1034 = arith.constant 32 : index
    %swap3A_1035 = tpu.vector_load %arg5[%swap3A_1032, %swap3A_1033, %swap3A_1034] {strides = array<i32>} : memref<2x128x128xf32, #tpu.memory_space<vmem>>, vector<1x1x16xf32>,
    %swap3A_1036 = vector.shape_cast %swap3A_1035 : vector<1x1x16xf32> to vector<16xf32>
    %swap3A_1037 = vector.shape_cast %add3A_1029 : vector<16xf32> to vector<1x1x16xf32>
    tpu.vector_store %arg5[%swap3A_1032, %swap3A_1033, %swap3A_1034], %swap3A_1037 {strides = array<i32>} : memref<2x128x128xf32, #tpu.memory_space<vmem>>, vector<1x1x16xf32>,
    %get3A_1038 = arith.constant 0 : i32
    %get3A_1039 = arith.constant 45 : i32
    %get3A_1040 = arith.index_cast %get3A_1038 : i32 to index
    %get3A_1041 = arith.index_cast %get3A_1039 : i32 to index
    %get3A_1042 = arith.constant 32 : index
    %get3A_1043 = tpu.vector_load %arg5[%get3A_1040, %get3A_1041, %get3A_1042] {strides = array<i32>} : memref<2x128x128xf32, #tpu.memory_space<vmem>>, vector<1x1x16xf32>,
    %get3A_1044 = vector.shape_cast %get3A_1043 : vector<1x1x16xf32> to vector<16xf32>
    %eq3A_1045 = arith.constant 13 : i32
    %eq3A_1046 = vector.broadcast %eq3A_1045 : i32 to vector<16xi32>
    %eq3A_1047 = arith.cmpi eq, %iota3A, %eq3A_1046 : vector<16xi32>
    %jit3A_1048 = arith.constant 0.000000e+00 : f32
    %broadcast_in_dim3A_1049 = vector.broadcast %jit3A_1048 : f32 to vector<16xf32>
    %select_n3A_1050 = arith.select %eq3A_1047, %get3A_2, %broadcast_in_dim3A_1049 : vector<16xi1>, vector<16xf32>
    %add3A_1051 = arith.addf %get3A_1044, %select_n3A_1050 : vector<16xf32>
    %swap3A_1052 = arith.constant 0 : i32
    %swap3A_1053 = arith.constant 45 : i32
    %swap3A_1054 = arith.index_cast %swap3A_1052 : i32 to index
    %swap3A_1055 = arith.index_cast %swap3A_1053 : i32 to index
    %swap3A_1056 = arith.constant 32 : index
    %swap3A_1057 = tpu.vector_load %arg5[%swap3A_1054, %swap3A_1055, %swap3A_1056] {strides = array<i32>} : memref<2x128x128xf32, #tpu.memory_space<vmem>>, vector<1x1x16xf32>,
    %swap3A_1058 = vector.shape_cast %swap3A_1057 : vector<1x1x16xf32> to vector<16xf32>
    %swap3A_1059 = vector.shape_cast %add3A_1051 : vector<16xf32> to vector<1x1x16xf32>
    tpu.vector_store %arg5[%swap3A_1054, %swap3A_1055, %swap3A_1056], %swap3A_1059 {strides = array<i32>} : memref<2x128x128xf32, #tpu.memory_space<vmem>>, vector<1x1x16xf32>,
    %get3A_1060 = arith.constant 0 : i32
    %get3A_1061 = arith.constant 46 : i32
    %get3A_1062 = arith.index_cast %get3A_1060 : i32 to index
    %get3A_1063 = arith.index_cast %get3A_1061 : i32 to index
    %get3A_1064 = arith.constant 32 : index
    %get3A_1065 = tpu.vector_load %arg5[%get3A_1062, %get3A_1063, %get3A_1064] {strides = array<i32>} : memref<2x128x128xf32, #tpu.memory_space<vmem>>, vector<1x1x16xf32>,
    %get3A_1066 = vector.shape_cast %get3A_1065 : vector<1x1x16xf32> to vector<16xf32>
    %eq3A_1067 = arith.constant 14 : i32
    %eq3A_1068 = vector.broadcast %eq3A_1067 : i32 to vector<16xi32>
    %eq3A_1069 = arith.cmpi eq, %iota3A, %eq3A_1068 : vector<16xi32>
    %jit3A_1070 = arith.constant 0.000000e+00 : f32
    %broadcast_in_dim3A_1071 = vector.broadcast %jit3A_1070 : f32 to vector<16xf32>
    %select_n3A_1072 = arith.select %eq3A_1069, %get3A_2, %broadcast_in_dim3A_1071 : vector<16xi1>, vector<16xf32>
    %add3A_1073 = arith.addf %get3A_1066, %select_n3A_1072 : vector<16xf32>
    %swap3A_1074 = arith.constant 0 : i32
    %swap3A_1075 = arith.constant 46 : i32
    %swap3A_1076 = arith.index_cast %swap3A_1074 : i32 to index
    %swap3A_1077 = arith.index_cast %swap3A_1075 : i32 to index
    %swap3A_1078 = arith.constant 32 : index
    %swap3A_1079 = tpu.vector_load %arg5[%swap3A_1076, %swap3A_1077, %swap3A_1078] {strides = array<i32>} : memref<2x128x128xf32, #tpu.memory_space<vmem>>, vector<1x1x16xf32>,
    %swap3A_1080 = vector.shape_cast %swap3A_1079 : vector<1x1x16xf32> to vector<16xf32>
    %swap3A_1081 = vector.shape_cast %add3A_1073 : vector<16xf32> to vector<1x1x16xf32>
    tpu.vector_store %arg5[%swap3A_1076, %swap3A_1077, %swap3A_1078], %swap3A_1081 {strides = array<i32>} : memref<2x128x128xf32, #tpu.memory_space<vmem>>, vector<1x1x16xf32>,
    %get3A_1082 = arith.constant 0 : i32
    %get3A_1083 = arith.constant 47 : i32
    %get3A_1084 = arith.index_cast %get3A_1082 : i32 to index
    %get3A_1085 = arith.index_cast %get3A_1083 : i32 to index
    %get3A_1086 = arith.constant 32 : index
    %get3A_1087 = tpu.vector_load %arg5[%get3A_1084, %get3A_1085, %get3A_1086] {strides = array<i32>} : memref<2x128x128xf32, #tpu.memory_space<vmem>>, vector<1x1x16xf32>,
    %get3A_1088 = vector.shape_cast %get3A_1087 : vector<1x1x16xf32> to vector<16xf32>
    %eq3A_1089 = arith.constant 15 : i32
    %eq3A_1090 = vector.broadcast %eq3A_1089 : i32 to vector<16xi32>
    %eq3A_1091 = arith.cmpi eq, %iota3A, %eq3A_1090 : vector<16xi32>
    %jit3A_1092 = arith.constant 0.000000e+00 : f32
    %broadcast_in_dim3A_1093 = vector.broadcast %jit3A_1092 : f32 to vector<16xf32>
    %select_n3A_1094 = arith.select %eq3A_1091, %get3A_2, %broadcast_in_dim3A_1093 : vector<16xi1>, vector<16xf32>
    %add3A_1095 = arith.addf %get3A_1088, %select_n3A_1094 : vector<16xf32>
    %swap3A_1096 = arith.constant 0 : i32
    %swap3A_1097 = arith.constant 47 : i32
    %swap3A_1098 = arith.index_cast %swap3A_1096 : i32 to index
    %swap3A_1099 = arith.index_cast %swap3A_1097 : i32 to index
    %swap3A_1100 = arith.constant 32 : index
    %swap3A_1101 = tpu.vector_load %arg5[%swap3A_1098, %swap3A_1099, %swap3A_1100] {strides = array<i32>} : memref<2x128x128xf32, #tpu.memory_space<vmem>>, vector<1x1x16xf32>,
    %swap3A_1102 = vector.shape_cast %swap3A_1101 : vector<1x1x16xf32> to vector<16xf32>
    %swap3A_1103 = vector.shape_cast %add3A_1095 : vector<16xf32> to vector<1x1x16xf32>
    tpu.vector_store %arg5[%swap3A_1098, %swap3A_1099, %swap3A_1100], %swap3A_1103 {strides = array<i32>} : memref<2x128x128xf32, #tpu.memory_space<vmem>>, vector<1x1x16xf32>,
    %get3A_1104 = arith.constant 0 : i32
    %get3A_1105 = arith.constant 48 : i32
    %get3A_1106 = arith.index_cast %get3A_1104 : i32 to index
    %get3A_1107 = arith.index_cast %get3A_1105 : i32 to index
    %get3A_1108 = arith.constant 48 : index
    %get3A_1109 = tpu.vector_load %arg5[%get3A_1106, %get3A_1107, %get3A_1108] {strides = array<i32>} : memref<2x128x128xf32, #tpu.memory_space<vmem>>, vector<1x1x16xf32>,
    %get3A_1110 = vector.shape_cast %get3A_1109 : vector<1x1x16xf32> to vector<16xf32>
    %eq3A_1111 = arith.constant 0 : i32
    %eq3A_1112 = vector.broadcast %eq3A_1111 : i32 to vector<16xi32>
    %eq3A_1113 = arith.cmpi eq, %iota3A, %eq3A_1112 : vector<16xi32>
    %jit3A_1114 = arith.constant 0.000000e+00 : f32
    %broadcast_in_dim3A_1115 = vector.broadcast %jit3A_1114 : f32 to vector<16xf32>
    %select_n3A_1116 = arith.select %eq3A_1113, %get3A_2, %broadcast_in_dim3A_1115 : vector<16xi1>, vector<16xf32>
    %add3A_1117 = arith.addf %get3A_1110, %select_n3A_1116 : vector<16xf32>
    %swap3A_1118 = arith.constant 0 : i32
    %swap3A_1119 = arith.constant 48 : i32
    %swap3A_1120 = arith.index_cast %swap3A_1118 : i32 to index
    %swap3A_1121 = arith.index_cast %swap3A_1119 : i32 to index
    %swap3A_1122 = arith.constant 48 : index
    %swap3A_1123 = tpu.vector_load %arg5[%swap3A_1120, %swap3A_1121, %swap3A_1122] {strides = array<i32>} : memref<2x128x128xf32, #tpu.memory_space<vmem>>, vector<1x1x16xf32>,
    %swap3A_1124 = vector.shape_cast %swap3A_1123 : vector<1x1x16xf32> to vector<16xf32>
    %swap3A_1125 = vector.shape_cast %add3A_1117 : vector<16xf32> to vector<1x1x16xf32>
    tpu.vector_store %arg5[%swap3A_1120, %swap3A_1121, %swap3A_1122], %swap3A_1125 {strides = array<i32>} : memref<2x128x128xf32, #tpu.memory_space<vmem>>, vector<1x1x16xf32>,
    %get3A_1126 = arith.constant 0 : i32
    %get3A_1127 = arith.constant 49 : i32
    %get3A_1128 = arith.index_cast %get3A_1126 : i32 to index
    %get3A_1129 = arith.index_cast %get3A_1127 : i32 to index
    %get3A_1130 = arith.constant 48 : index
    %get3A_1131 = tpu.vector_load %arg5[%get3A_1128, %get3A_1129, %get3A_1130] {strides = array<i32>} : memref<2x128x128xf32, #tpu.memory_space<vmem>>, vector<1x1x16xf32>,
    %get3A_1132 = vector.shape_cast %get3A_1131 : vector<1x1x16xf32> to vector<16xf32>
    %eq3A_1133 = arith.constant 1 : i32
    %eq3A_1134 = vector.broadcast %eq3A_1133 : i32 to vector<16xi32>
    %eq3A_1135 = arith.cmpi eq, %iota3A, %eq3A_1134 : vector<16xi32>
    %jit3A_1136 = arith.constant 0.000000e+00 : f32
    %broadcast_in_dim3A_1137 = vector.broadcast %jit3A_1136 : f32 to vector<16xf32>
    %select_n3A_1138 = arith.select %eq3A_1135, %get3A_2, %broadcast_in_dim3A_1137 : vector<16xi1>, vector<16xf32>
    %add3A_1139 = arith.addf %get3A_1132, %select_n3A_1138 : vector<16xf32>
    %swap3A_1140 = arith.constant 0 : i32
    %swap3A_1141 = arith.constant 49 : i32
    %swap3A_1142 = arith.index_cast %swap3A_1140 : i32 to index
    %swap3A_1143 = arith.index_cast %swap3A_1141 : i32 to index
    %swap3A_1144 = arith.constant 48 : index
    %swap3A_1145 = tpu.vector_load %arg5[%swap3A_1142, %swap3A_1143, %swap3A_1144] {strides = array<i32>} : memref<2x128x128xf32, #tpu.memory_space<vmem>>, vector<1x1x16xf32>,
    %swap3A_1146 = vector.shape_cast %swap3A_1145 : vector<1x1x16xf32> to vector<16xf32>
    %swap3A_1147 = vector.shape_cast %add3A_1139 : vector<16xf32> to vector<1x1x16xf32>
    tpu.vector_store %arg5[%swap3A_1142, %swap3A_1143, %swap3A_1144], %swap3A_1147 {strides = array<i32>} : memref<2x128x128xf32, #tpu.memory_space<vmem>>, vector<1x1x16xf32>,
    %get3A_1148 = arith.constant 0 : i32
    %get3A_1149 = arith.constant 50 : i32
    %get3A_1150 = arith.index_cast %get3A_1148 : i32 to index
    %get3A_1151 = arith.index_cast %get3A_1149 : i32 to index
    %get3A_1152 = arith.constant 48 : index
    %get3A_1153 = tpu.vector_load %arg5[%get3A_1150, %get3A_1151, %get3A_1152] {strides = array<i32>} : memref<2x128x128xf32, #tpu.memory_space<vmem>>, vector<1x1x16xf32>,
    %get3A_1154 = vector.shape_cast %get3A_1153 : vector<1x1x16xf32> to vector<16xf32>
    %eq3A_1155 = arith.constant 2 : i32
    %eq3A_1156 = vector.broadcast %eq3A_1155 : i32 to vector<16xi32>
    %eq3A_1157 = arith.cmpi eq, %iota3A, %eq3A_1156 : vector<16xi32>
    %jit3A_1158 = arith.constant 0.000000e+00 : f32
    %broadcast_in_dim3A_1159 = vector.broadcast %jit3A_1158 : f32 to vector<16xf32>
    %select_n3A_1160 = arith.select %eq3A_1157, %get3A_2, %broadcast_in_dim3A_1159 : vector<16xi1>, vector<16xf32>
    %add3A_1161 = arith.addf %get3A_1154, %select_n3A_1160 : vector<16xf32>
    %swap3A_1162 = arith.constant 0 : i32
    %swap3A_1163 = arith.constant 50 : i32
    %swap3A_1164 = arith.index_cast %swap3A_1162 : i32 to index
    %swap3A_1165 = arith.index_cast %swap3A_1163 : i32 to index
    %swap3A_1166 = arith.constant 48 : index
    %swap3A_1167 = tpu.vector_load %arg5[%swap3A_1164, %swap3A_1165, %swap3A_1166] {strides = array<i32>} : memref<2x128x128xf32, #tpu.memory_space<vmem>>, vector<1x1x16xf32>,
    %swap3A_1168 = vector.shape_cast %swap3A_1167 : vector<1x1x16xf32> to vector<16xf32>
    %swap3A_1169 = vector.shape_cast %add3A_1161 : vector<16xf32> to vector<1x1x16xf32>
    tpu.vector_store %arg5[%swap3A_1164, %swap3A_1165, %swap3A_1166], %swap3A_1169 {strides = array<i32>} : memref<2x128x128xf32, #tpu.memory_space<vmem>>, vector<1x1x16xf32>,
    %get3A_1170 = arith.constant 0 : i32
    %get3A_1171 = arith.constant 51 : i32
    %get3A_1172 = arith.index_cast %get3A_1170 : i32 to index
    %get3A_1173 = arith.index_cast %get3A_1171 : i32 to index
    %get3A_1174 = arith.constant 48 : index
    %get3A_1175 = tpu.vector_load %arg5[%get3A_1172, %get3A_1173, %get3A_1174] {strides = array<i32>} : memref<2x128x128xf32, #tpu.memory_space<vmem>>, vector<1x1x16xf32>,
    %get3A_1176 = vector.shape_cast %get3A_1175 : vector<1x1x16xf32> to vector<16xf32>
    %eq3A_1177 = arith.constant 3 : i32
    %eq3A_1178 = vector.broadcast %eq3A_1177 : i32 to vector<16xi32>
    %eq3A_1179 = arith.cmpi eq, %iota3A, %eq3A_1178 : vector<16xi32>
    %jit3A_1180 = arith.constant 0.000000e+00 : f32
    %broadcast_in_dim3A_1181 = vector.broadcast %jit3A_1180 : f32 to vector<16xf32>
    %select_n3A_1182 = arith.select %eq3A_1179, %get3A_2, %broadcast_in_dim3A_1181 : vector<16xi1>, vector<16xf32>
    %add3A_1183 = arith.addf %get3A_1176, %select_n3A_1182 : vector<16xf32>
    %swap3A_1184 = arith.constant 0 : i32
    %swap3A_1185 = arith.constant 51 : i32
    %swap3A_1186 = arith.index_cast %swap3A_1184 : i32 to index
    %swap3A_1187 = arith.index_cast %swap3A_1185 : i32 to index
    %swap3A_1188 = arith.constant 48 : index
    %swap3A_1189 = tpu.vector_load %arg5[%swap3A_1186, %swap3A_1187, %swap3A_1188] {strides = array<i32>} : memref<2x128x128xf32, #tpu.memory_space<vmem>>, vector<1x1x16xf32>,
    %swap3A_1190 = vector.shape_cast %swap3A_1189 : vector<1x1x16xf32> to vector<16xf32>
    %swap3A_1191 = vector.shape_cast %add3A_1183 : vector<16xf32> to vector<1x1x16xf32>
    tpu.vector_store %arg5[%swap3A_1186, %swap3A_1187, %swap3A_1188], %swap3A_1191 {strides = array<i32>} : memref<2x128x128xf32, #tpu.memory_space<vmem>>, vector<1x1x16xf32>,
    %get3A_1192 = arith.constant 0 : i32
    %get3A_1193 = arith.constant 52 : i32
    %get3A_1194 = arith.index_cast %get3A_1192 : i32 to index
    %get3A_1195 = arith.index_cast %get3A_1193 : i32 to index
    %get3A_1196 = arith.constant 48 : index
    %get3A_1197 = tpu.vector_load %arg5[%get3A_1194, %get3A_1195, %get3A_1196] {strides = array<i32>} : memref<2x128x128xf32, #tpu.memory_space<vmem>>, vector<1x1x16xf32>,
    %get3A_1198 = vector.shape_cast %get3A_1197 : vector<1x1x16xf32> to vector<16xf32>
    %eq3A_1199 = arith.constant 4 : i32
    %eq3A_1200 = vector.broadcast %eq3A_1199 : i32 to vector<16xi32>
    %eq3A_1201 = arith.cmpi eq, %iota3A, %eq3A_1200 : vector<16xi32>
    %jit3A_1202 = arith.constant 0.000000e+00 : f32
    %broadcast_in_dim3A_1203 = vector.broadcast %jit3A_1202 : f32 to vector<16xf32>
    %select_n3A_1204 = arith.select %eq3A_1201, %get3A_2, %broadcast_in_dim3A_1203 : vector<16xi1>, vector<16xf32>
    %add3A_1205 = arith.addf %get3A_1198, %select_n3A_1204 : vector<16xf32>
    %swap3A_1206 = arith.constant 0 : i32
    %swap3A_1207 = arith.constant 52 : i32
    %swap3A_1208 = arith.index_cast %swap3A_1206 : i32 to index
    %swap3A_1209 = arith.index_cast %swap3A_1207 : i32 to index
    %swap3A_1210 = arith.constant 48 : index
    %swap3A_1211 = tpu.vector_load %arg5[%swap3A_1208, %swap3A_1209, %swap3A_1210] {strides = array<i32>} : memref<2x128x128xf32, #tpu.memory_space<vmem>>, vector<1x1x16xf32>,
    %swap3A_1212 = vector.shape_cast %swap3A_1211 : vector<1x1x16xf32> to vector<16xf32>
    %swap3A_1213 = vector.shape_cast %add3A_1205 : vector<16xf32> to vector<1x1x16xf32>
    tpu.vector_store %arg5[%swap3A_1208, %swap3A_1209, %swap3A_1210], %swap3A_1213 {strides = array<i32>} : memref<2x128x128xf32, #tpu.memory_space<vmem>>, vector<1x1x16xf32>,
    %get3A_1214 = arith.constant 0 : i32
    %get3A_1215 = arith.constant 53 : i32
    %get3A_1216 = arith.index_cast %get3A_1214 : i32 to index
    %get3A_1217 = arith.index_cast %get3A_1215 : i32 to index
    %get3A_1218 = arith.constant 48 : index
    %get3A_1219 = tpu.vector_load %arg5[%get3A_1216, %get3A_1217, %get3A_1218] {strides = array<i32>} : memref<2x128x128xf32, #tpu.memory_space<vmem>>, vector<1x1x16xf32>,
    %get3A_1220 = vector.shape_cast %get3A_1219 : vector<1x1x16xf32> to vector<16xf32>
    %eq3A_1221 = arith.constant 5 : i32
    %eq3A_1222 = vector.broadcast %eq3A_1221 : i32 to vector<16xi32>
    %eq3A_1223 = arith.cmpi eq, %iota3A, %eq3A_1222 : vector<16xi32>
    %jit3A_1224 = arith.constant 0.000000e+00 : f32
    %broadcast_in_dim3A_1225 = vector.broadcast %jit3A_1224 : f32 to vector<16xf32>
    %select_n3A_1226 = arith.select %eq3A_1223, %get3A_2, %broadcast_in_dim3A_1225 : vector<16xi1>, vector<16xf32>
    %add3A_1227 = arith.addf %get3A_1220, %select_n3A_1226 : vector<16xf32>
    %swap3A_1228 = arith.constant 0 : i32
    %swap3A_1229 = arith.constant 53 : i32
    %swap3A_1230 = arith.index_cast %swap3A_1228 : i32 to index
    %swap3A_1231 = arith.index_cast %swap3A_1229 : i32 to index
    %swap3A_1232 = arith.constant 48 : index
    %swap3A_1233 = tpu.vector_load %arg5[%swap3A_1230, %swap3A_1231, %swap3A_1232] {strides = array<i32>} : memref<2x128x128xf32, #tpu.memory_space<vmem>>, vector<1x1x16xf32>,
    %swap3A_1234 = vector.shape_cast %swap3A_1233 : vector<1x1x16xf32> to vector<16xf32>
    %swap3A_1235 = vector.shape_cast %add3A_1227 : vector<16xf32> to vector<1x1x16xf32>
    tpu.vector_store %arg5[%swap3A_1230, %swap3A_1231, %swap3A_1232], %swap3A_1235 {strides = array<i32>} : memref<2x128x128xf32, #tpu.memory_space<vmem>>, vector<1x1x16xf32>,
    %get3A_1236 = arith.constant 0 : i32
    %get3A_1237 = arith.constant 54 : i32
    %get3A_1238 = arith.index_cast %get3A_1236 : i32 to index
    %get3A_1239 = arith.index_cast %get3A_1237 : i32 to index
    %get3A_1240 = arith.constant 48 : index
    %get3A_1241 = tpu.vector_load %arg5[%get3A_1238, %get3A_1239, %get3A_1240] {strides = array<i32>} : memref<2x128x128xf32, #tpu.memory_space<vmem>>, vector<1x1x16xf32>,
    %get3A_1242 = vector.shape_cast %get3A_1241 : vector<1x1x16xf32> to vector<16xf32>
    %eq3A_1243 = arith.constant 6 : i32
    %eq3A_1244 = vector.broadcast %eq3A_1243 : i32 to vector<16xi32>
    %eq3A_1245 = arith.cmpi eq, %iota3A, %eq3A_1244 : vector<16xi32>
    %jit3A_1246 = arith.constant 0.000000e+00 : f32
    %broadcast_in_dim3A_1247 = vector.broadcast %jit3A_1246 : f32 to vector<16xf32>
    %select_n3A_1248 = arith.select %eq3A_1245, %get3A_2, %broadcast_in_dim3A_1247 : vector<16xi1>, vector<16xf32>
    %add3A_1249 = arith.addf %get3A_1242, %select_n3A_1248 : vector<16xf32>
    %swap3A_1250 = arith.constant 0 : i32
    %swap3A_1251 = arith.constant 54 : i32
    %swap3A_1252 = arith.index_cast %swap3A_1250 : i32 to index
    %swap3A_1253 = arith.index_cast %swap3A_1251 : i32 to index
    %swap3A_1254 = arith.constant 48 : index
    %swap3A_1255 = tpu.vector_load %arg5[%swap3A_1252, %swap3A_1253, %swap3A_1254] {strides = array<i32>} : memref<2x128x128xf32, #tpu.memory_space<vmem>>, vector<1x1x16xf32>,
    %swap3A_1256 = vector.shape_cast %swap3A_1255 : vector<1x1x16xf32> to vector<16xf32>
    %swap3A_1257 = vector.shape_cast %add3A_1249 : vector<16xf32> to vector<1x1x16xf32>
    tpu.vector_store %arg5[%swap3A_1252, %swap3A_1253, %swap3A_1254], %swap3A_1257 {strides = array<i32>} : memref<2x128x128xf32, #tpu.memory_space<vmem>>, vector<1x1x16xf32>,
    %get3A_1258 = arith.constant 0 : i32
    %get3A_1259 = arith.constant 55 : i32
    %get3A_1260 = arith.index_cast %get3A_1258 : i32 to index
    %get3A_1261 = arith.index_cast %get3A_1259 : i32 to index
    %get3A_1262 = arith.constant 48 : index
    %get3A_1263 = tpu.vector_load %arg5[%get3A_1260, %get3A_1261, %get3A_1262] {strides = array<i32>} : memref<2x128x128xf32, #tpu.memory_space<vmem>>, vector<1x1x16xf32>,
    %get3A_1264 = vector.shape_cast %get3A_1263 : vector<1x1x16xf32> to vector<16xf32>
    %eq3A_1265 = arith.constant 7 : i32
    %eq3A_1266 = vector.broadcast %eq3A_1265 : i32 to vector<16xi32>
    %eq3A_1267 = arith.cmpi eq, %iota3A, %eq3A_1266 : vector<16xi32>
    %jit3A_1268 = arith.constant 0.000000e+00 : f32
    %broadcast_in_dim3A_1269 = vector.broadcast %jit3A_1268 : f32 to vector<16xf32>
    %select_n3A_1270 = arith.select %eq3A_1267, %get3A_2, %broadcast_in_dim3A_1269 : vector<16xi1>, vector<16xf32>
    %add3A_1271 = arith.addf %get3A_1264, %select_n3A_1270 : vector<16xf32>
    %swap3A_1272 = arith.constant 0 : i32
    %swap3A_1273 = arith.constant 55 : i32
    %swap3A_1274 = arith.index_cast %swap3A_1272 : i32 to index
    %swap3A_1275 = arith.index_cast %swap3A_1273 : i32 to index
    %swap3A_1276 = arith.constant 48 : index
    %swap3A_1277 = tpu.vector_load %arg5[%swap3A_1274, %swap3A_1275, %swap3A_1276] {strides = array<i32>} : memref<2x128x128xf32, #tpu.memory_space<vmem>>, vector<1x1x16xf32>,
    %swap3A_1278 = vector.shape_cast %swap3A_1277 : vector<1x1x16xf32> to vector<16xf32>
    %swap3A_1279 = vector.shape_cast %add3A_1271 : vector<16xf32> to vector<1x1x16xf32>
    tpu.vector_store %arg5[%swap3A_1274, %swap3A_1275, %swap3A_1276], %swap3A_1279 {strides = array<i32>} : memref<2x128x128xf32, #tpu.memory_space<vmem>>, vector<1x1x16xf32>,
    %get3A_1280 = arith.constant 0 : i32
    %get3A_1281 = arith.constant 56 : i32
    %get3A_1282 = arith.index_cast %get3A_1280 : i32 to index
    %get3A_1283 = arith.index_cast %get3A_1281 : i32 to index
    %get3A_1284 = arith.constant 48 : index
    %get3A_1285 = tpu.vector_load %arg5[%get3A_1282, %get3A_1283, %get3A_1284] {strides = array<i32>} : memref<2x128x128xf32, #tpu.memory_space<vmem>>, vector<1x1x16xf32>,
    %get3A_1286 = vector.shape_cast %get3A_1285 : vector<1x1x16xf32> to vector<16xf32>
    %eq3A_1287 = arith.constant 8 : i32
    %eq3A_1288 = vector.broadcast %eq3A_1287 : i32 to vector<16xi32>
    %eq3A_1289 = arith.cmpi eq, %iota3A, %eq3A_1288 : vector<16xi32>
    %jit3A_1290 = arith.constant 0.000000e+00 : f32
    %broadcast_in_dim3A_1291 = vector.broadcast %jit3A_1290 : f32 to vector<16xf32>
    %select_n3A_1292 = arith.select %eq3A_1289, %get3A_2, %broadcast_in_dim3A_1291 : vector<16xi1>, vector<16xf32>
    %add3A_1293 = arith.addf %get3A_1286, %select_n3A_1292 : vector<16xf32>
    %swap3A_1294 = arith.constant 0 : i32
    %swap3A_1295 = arith.constant 56 : i32
    %swap3A_1296 = arith.index_cast %swap3A_1294 : i32 to index
    %swap3A_1297 = arith.index_cast %swap3A_1295 : i32 to index
    %swap3A_1298 = arith.constant 48 : index
    %swap3A_1299 = tpu.vector_load %arg5[%swap3A_1296, %swap3A_1297, %swap3A_1298] {strides = array<i32>} : memref<2x128x128xf32, #tpu.memory_space<vmem>>, vector<1x1x16xf32>,
    %swap3A_1300 = vector.shape_cast %swap3A_1299 : vector<1x1x16xf32> to vector<16xf32>
    %swap3A_1301 = vector.shape_cast %add3A_1293 : vector<16xf32> to vector<1x1x16xf32>
    tpu.vector_store %arg5[%swap3A_1296, %swap3A_1297, %swap3A_1298], %swap3A_1301 {strides = array<i32>} : memref<2x128x128xf32, #tpu.memory_space<vmem>>, vector<1x1x16xf32>,
    %get3A_1302 = arith.constant 0 : i32
    %get3A_1303 = arith.constant 57 : i32
    %get3A_1304 = arith.index_cast %get3A_1302 : i32 to index
    %get3A_1305 = arith.index_cast %get3A_1303 : i32 to index
    %get3A_1306 = arith.constant 48 : index
    %get3A_1307 = tpu.vector_load %arg5[%get3A_1304, %get3A_1305, %get3A_1306] {strides = array<i32>} : memref<2x128x128xf32, #tpu.memory_space<vmem>>, vector<1x1x16xf32>,
    %get3A_1308 = vector.shape_cast %get3A_1307 : vector<1x1x16xf32> to vector<16xf32>
    %eq3A_1309 = arith.constant 9 : i32
    %eq3A_1310 = vector.broadcast %eq3A_1309 : i32 to vector<16xi32>
    %eq3A_1311 = arith.cmpi eq, %iota3A, %eq3A_1310 : vector<16xi32>
    %jit3A_1312 = arith.constant 0.000000e+00 : f32
    %broadcast_in_dim3A_1313 = vector.broadcast %jit3A_1312 : f32 to vector<16xf32>
    %select_n3A_1314 = arith.select %eq3A_1311, %get3A_2, %broadcast_in_dim3A_1313 : vector<16xi1>, vector<16xf32>
    %add3A_1315 = arith.addf %get3A_1308, %select_n3A_1314 : vector<16xf32>
    %swap3A_1316 = arith.constant 0 : i32
    %swap3A_1317 = arith.constant 57 : i32
    %swap3A_1318 = arith.index_cast %swap3A_1316 : i32 to index
    %swap3A_1319 = arith.index_cast %swap3A_1317 : i32 to index
    %swap3A_1320 = arith.constant 48 : index
    %swap3A_1321 = tpu.vector_load %arg5[%swap3A_1318, %swap3A_1319, %swap3A_1320] {strides = array<i32>} : memref<2x128x128xf32, #tpu.memory_space<vmem>>, vector<1x1x16xf32>,
    %swap3A_1322 = vector.shape_cast %swap3A_1321 : vector<1x1x16xf32> to vector<16xf32>
    %swap3A_1323 = vector.shape_cast %add3A_1315 : vector<16xf32> to vector<1x1x16xf32>
    tpu.vector_store %arg5[%swap3A_1318, %swap3A_1319, %swap3A_1320], %swap3A_1323 {strides = array<i32>} : memref<2x128x128xf32, #tpu.memory_space<vmem>>, vector<1x1x16xf32>,
    %get3A_1324 = arith.constant 0 : i32
    %get3A_1325 = arith.constant 58 : i32
    %get3A_1326 = arith.index_cast %get3A_1324 : i32 to index
    %get3A_1327 = arith.index_cast %get3A_1325 : i32 to index
    %get3A_1328 = arith.constant 48 : index
    %get3A_1329 = tpu.vector_load %arg5[%get3A_1326, %get3A_1327, %get3A_1328] {strides = array<i32>} : memref<2x128x128xf32, #tpu.memory_space<vmem>>, vector<1x1x16xf32>,
    %get3A_1330 = vector.shape_cast %get3A_1329 : vector<1x1x16xf32> to vector<16xf32>
    %eq3A_1331 = arith.constant 10 : i32
    %eq3A_1332 = vector.broadcast %eq3A_1331 : i32 to vector<16xi32>
    %eq3A_1333 = arith.cmpi eq, %iota3A, %eq3A_1332 : vector<16xi32>
    %jit3A_1334 = arith.constant 0.000000e+00 : f32
    %broadcast_in_dim3A_1335 = vector.broadcast %jit3A_1334 : f32 to vector<16xf32>
    %select_n3A_1336 = arith.select %eq3A_1333, %get3A_2, %broadcast_in_dim3A_1335 : vector<16xi1>, vector<16xf32>
    %add3A_1337 = arith.addf %get3A_1330, %select_n3A_1336 : vector<16xf32>
    %swap3A_1338 = arith.constant 0 : i32
    %swap3A_1339 = arith.constant 58 : i32
    %swap3A_1340 = arith.index_cast %swap3A_1338 : i32 to index
    %swap3A_1341 = arith.index_cast %swap3A_1339 : i32 to index
    %swap3A_1342 = arith.constant 48 : index
    %swap3A_1343 = tpu.vector_load %arg5[%swap3A_1340, %swap3A_1341, %swap3A_1342] {strides = array<i32>} : memref<2x128x128xf32, #tpu.memory_space<vmem>>, vector<1x1x16xf32>,
    %swap3A_1344 = vector.shape_cast %swap3A_1343 : vector<1x1x16xf32> to vector<16xf32>
    %swap3A_1345 = vector.shape_cast %add3A_1337 : vector<16xf32> to vector<1x1x16xf32>
    tpu.vector_store %arg5[%swap3A_1340, %swap3A_1341, %swap3A_1342], %swap3A_1345 {strides = array<i32>} : memref<2x128x128xf32, #tpu.memory_space<vmem>>, vector<1x1x16xf32>,
    %get3A_1346 = arith.constant 0 : i32
    %get3A_1347 = arith.constant 59 : i32
    %get3A_1348 = arith.index_cast %get3A_1346 : i32 to index
    %get3A_1349 = arith.index_cast %get3A_1347 : i32 to index
    %get3A_1350 = arith.constant 48 : index
    %get3A_1351 = tpu.vector_load %arg5[%get3A_1348, %get3A_1349, %get3A_1350] {strides = array<i32>} : memref<2x128x128xf32, #tpu.memory_space<vmem>>, vector<1x1x16xf32>,
    %get3A_1352 = vector.shape_cast %get3A_1351 : vector<1x1x16xf32> to vector<16xf32>
    %eq3A_1353 = arith.constant 11 : i32
    %eq3A_1354 = vector.broadcast %eq3A_1353 : i32 to vector<16xi32>
    %eq3A_1355 = arith.cmpi eq, %iota3A, %eq3A_1354 : vector<16xi32>
    %jit3A_1356 = arith.constant 0.000000e+00 : f32
    %broadcast_in_dim3A_1357 = vector.broadcast %jit3A_1356 : f32 to vector<16xf32>
    %select_n3A_1358 = arith.select %eq3A_1355, %get3A_2, %broadcast_in_dim3A_1357 : vector<16xi1>, vector<16xf32>
    %add3A_1359 = arith.addf %get3A_1352, %select_n3A_1358 : vector<16xf32>
    %swap3A_1360 = arith.constant 0 : i32
    %swap3A_1361 = arith.constant 59 : i32
    %swap3A_1362 = arith.index_cast %swap3A_1360 : i32 to index
    %swap3A_1363 = arith.index_cast %swap3A_1361 : i32 to index
    %swap3A_1364 = arith.constant 48 : index
    %swap3A_1365 = tpu.vector_load %arg5[%swap3A_1362, %swap3A_1363, %swap3A_1364] {strides = array<i32>} : memref<2x128x128xf32, #tpu.memory_space<vmem>>, vector<1x1x16xf32>,
    %swap3A_1366 = vector.shape_cast %swap3A_1365 : vector<1x1x16xf32> to vector<16xf32>
    %swap3A_1367 = vector.shape_cast %add3A_1359 : vector<16xf32> to vector<1x1x16xf32>
    tpu.vector_store %arg5[%swap3A_1362, %swap3A_1363, %swap3A_1364], %swap3A_1367 {strides = array<i32>} : memref<2x128x128xf32, #tpu.memory_space<vmem>>, vector<1x1x16xf32>,
    %get3A_1368 = arith.constant 0 : i32
    %get3A_1369 = arith.constant 60 : i32
    %get3A_1370 = arith.index_cast %get3A_1368 : i32 to index
    %get3A_1371 = arith.index_cast %get3A_1369 : i32 to index
    %get3A_1372 = arith.constant 48 : index
    %get3A_1373 = tpu.vector_load %arg5[%get3A_1370, %get3A_1371, %get3A_1372] {strides = array<i32>} : memref<2x128x128xf32, #tpu.memory_space<vmem>>, vector<1x1x16xf32>,
    %get3A_1374 = vector.shape_cast %get3A_1373 : vector<1x1x16xf32> to vector<16xf32>
    %eq3A_1375 = arith.constant 12 : i32
    %eq3A_1376 = vector.broadcast %eq3A_1375 : i32 to vector<16xi32>
    %eq3A_1377 = arith.cmpi eq, %iota3A, %eq3A_1376 : vector<16xi32>
    %jit3A_1378 = arith.constant 0.000000e+00 : f32
    %broadcast_in_dim3A_1379 = vector.broadcast %jit3A_1378 : f32 to vector<16xf32>
    %select_n3A_1380 = arith.select %eq3A_1377, %get3A_2, %broadcast_in_dim3A_1379 : vector<16xi1>, vector<16xf32>
    %add3A_1381 = arith.addf %get3A_1374, %select_n3A_1380 : vector<16xf32>
    %swap3A_1382 = arith.constant 0 : i32
    %swap3A_1383 = arith.constant 60 : i32
    %swap3A_1384 = arith.index_cast %swap3A_1382 : i32 to index
    %swap3A_1385 = arith.index_cast %swap3A_1383 : i32 to index
    %swap3A_1386 = arith.constant 48 : index
    %swap3A_1387 = tpu.vector_load %arg5[%swap3A_1384, %swap3A_1385, %swap3A_1386] {strides = array<i32>} : memref<2x128x128xf32, #tpu.memory_space<vmem>>, vector<1x1x16xf32>,
    %swap3A_1388 = vector.shape_cast %swap3A_1387 : vector<1x1x16xf32> to vector<16xf32>
    %swap3A_1389 = vector.shape_cast %add3A_1381 : vector<16xf32> to vector<1x1x16xf32>
    tpu.vector_store %arg5[%swap3A_1384, %swap3A_1385, %swap3A_1386], %swap3A_1389 {strides = array<i32>} : memref<2x128x128xf32, #tpu.memory_space<vmem>>, vector<1x1x16xf32>,
    %get3A_1390 = arith.constant 0 : i32
    %get3A_1391 = arith.constant 61 : i32
    %get3A_1392 = arith.index_cast %get3A_1390 : i32 to index
    %get3A_1393 = arith.index_cast %get3A_1391 : i32 to index
    %get3A_1394 = arith.constant 48 : index
    %get3A_1395 = tpu.vector_load %arg5[%get3A_1392, %get3A_1393, %get3A_1394] {strides = array<i32>} : memref<2x128x128xf32, #tpu.memory_space<vmem>>, vector<1x1x16xf32>,
    %get3A_1396 = vector.shape_cast %get3A_1395 : vector<1x1x16xf32> to vector<16xf32>
    %eq3A_1397 = arith.constant 13 : i32
    %eq3A_1398 = vector.broadcast %eq3A_1397 : i32 to vector<16xi32>
    %eq3A_1399 = arith.cmpi eq, %iota3A, %eq3A_1398 : vector<16xi32>
    %jit3A_1400 = arith.constant 0.000000e+00 : f32
    %broadcast_in_dim3A_1401 = vector.broadcast %jit3A_1400 : f32 to vector<16xf32>
    %select_n3A_1402 = arith.select %eq3A_1399, %get3A_2, %broadcast_in_dim3A_1401 : vector<16xi1>, vector<16xf32>
    %add3A_1403 = arith.addf %get3A_1396, %select_n3A_1402 : vector<16xf32>
    %swap3A_1404 = arith.constant 0 : i32
    %swap3A_1405 = arith.constant 61 : i32
    %swap3A_1406 = arith.index_cast %swap3A_1404 : i32 to index
    %swap3A_1407 = arith.index_cast %swap3A_1405 : i32 to index
    %swap3A_1408 = arith.constant 48 : index
    %swap3A_1409 = tpu.vector_load %arg5[%swap3A_1406, %swap3A_1407, %swap3A_1408] {strides = array<i32>} : memref<2x128x128xf32, #tpu.memory_space<vmem>>, vector<1x1x16xf32>,
    %swap3A_1410 = vector.shape_cast %swap3A_1409 : vector<1x1x16xf32> to vector<16xf32>
    %swap3A_1411 = vector.shape_cast %add3A_1403 : vector<16xf32> to vector<1x1x16xf32>
    tpu.vector_store %arg5[%swap3A_1406, %swap3A_1407, %swap3A_1408], %swap3A_1411 {strides = array<i32>} : memref<2x128x128xf32, #tpu.memory_space<vmem>>, vector<1x1x16xf32>,
    %get3A_1412 = arith.constant 0 : i32
    %get3A_1413 = arith.constant 62 : i32
    %get3A_1414 = arith.index_cast %get3A_1412 : i32 to index
    %get3A_1415 = arith.index_cast %get3A_1413 : i32 to index
    %get3A_1416 = arith.constant 48 : index
    %get3A_1417 = tpu.vector_load %arg5[%get3A_1414, %get3A_1415, %get3A_1416] {strides = array<i32>} : memref<2x128x128xf32, #tpu.memory_space<vmem>>, vector<1x1x16xf32>,
    %get3A_1418 = vector.shape_cast %get3A_1417 : vector<1x1x16xf32> to vector<16xf32>
    %eq3A_1419 = arith.constant 14 : i32
    %eq3A_1420 = vector.broadcast %eq3A_1419 : i32 to vector<16xi32>
    %eq3A_1421 = arith.cmpi eq, %iota3A, %eq3A_1420 : vector<16xi32>
    %jit3A_1422 = arith.constant 0.000000e+00 : f32
    %broadcast_in_dim3A_1423 = vector.broadcast %jit3A_1422 : f32 to vector<16xf32>
    %select_n3A_1424 = arith.select %eq3A_1421, %get3A_2, %broadcast_in_dim3A_1423 : vector<16xi1>, vector<16xf32>
    %add3A_1425 = arith.addf %get3A_1418, %select_n3A_1424 : vector<16xf32>
    %swap3A_1426 = arith.constant 0 : i32
    %swap3A_1427 = arith.constant 62 : i32
    %swap3A_1428 = arith.index_cast %swap3A_1426 : i32 to index
    %swap3A_1429 = arith.index_cast %swap3A_1427 : i32 to index
    %swap3A_1430 = arith.constant 48 : index
    %swap3A_1431 = tpu.vector_load %arg5[%swap3A_1428, %swap3A_1429, %swap3A_1430] {strides = array<i32>} : memref<2x128x128xf32, #tpu.memory_space<vmem>>, vector<1x1x16xf32>,
    %swap3A_1432 = vector.shape_cast %swap3A_1431 : vector<1x1x16xf32> to vector<16xf32>
    %swap3A_1433 = vector.shape_cast %add3A_1425 : vector<16xf32> to vector<1x1x16xf32>
    tpu.vector_store %arg5[%swap3A_1428, %swap3A_1429, %swap3A_1430], %swap3A_1433 {strides = array<i32>} : memref<2x128x128xf32, #tpu.memory_space<vmem>>, vector<1x1x16xf32>,
    %get3A_1434 = arith.constant 0 : i32
    %get3A_1435 = arith.constant 63 : i32
    %get3A_1436 = arith.index_cast %get3A_1434 : i32 to index
    %get3A_1437 = arith.index_cast %get3A_1435 : i32 to index
    %get3A_1438 = arith.constant 48 : index
    %get3A_1439 = tpu.vector_load %arg5[%get3A_1436, %get3A_1437, %get3A_1438] {strides = array<i32>} : memref<2x128x128xf32, #tpu.memory_space<vmem>>, vector<1x1x16xf32>,
    %get3A_1440 = vector.shape_cast %get3A_1439 : vector<1x1x16xf32> to vector<16xf32>
    %eq3A_1441 = arith.constant 15 : i32
    %eq3A_1442 = vector.broadcast %eq3A_1441 : i32 to vector<16xi32>
    %eq3A_1443 = arith.cmpi eq, %iota3A, %eq3A_1442 : vector<16xi32>
    %jit3A_1444 = arith.constant 0.000000e+00 : f32
    %broadcast_in_dim3A_1445 = vector.broadcast %jit3A_1444 : f32 to vector<16xf32>
    %select_n3A_1446 = arith.select %eq3A_1443, %get3A_2, %broadcast_in_dim3A_1445 : vector<16xi1>, vector<16xf32>
    %add3A_1447 = arith.addf %get3A_1440, %select_n3A_1446 : vector<16xf32>
    %swap3A_1448 = arith.constant 0 : i32
    %swap3A_1449 = arith.constant 63 : i32
    %swap3A_1450 = arith.index_cast %swap3A_1448 : i32 to index
    %swap3A_1451 = arith.index_cast %swap3A_1449 : i32 to index
    %swap3A_1452 = arith.constant 48 : index
    %swap3A_1453 = tpu.vector_load %arg5[%swap3A_1450, %swap3A_1451, %swap3A_1452] {strides = array<i32>} : memref<2x128x128xf32, #tpu.memory_space<vmem>>, vector<1x1x16xf32>,
    %swap3A_1454 = vector.shape_cast %swap3A_1453 : vector<1x1x16xf32> to vector<16xf32>
    %swap3A_1455 = vector.shape_cast %add3A_1447 : vector<16xf32> to vector<1x1x16xf32>
    tpu.vector_store %arg5[%swap3A_1450, %swap3A_1451, %swap3A_1452], %swap3A_1455 {strides = array<i32>} : memref<2x128x128xf32, #tpu.memory_space<vmem>>, vector<1x1x16xf32>,
    %get3A_1456 = arith.constant 0 : i32
    %get3A_1457 = arith.constant 64 : i32
    %get3A_1458 = arith.index_cast %get3A_1456 : i32 to index
    %get3A_1459 = arith.index_cast %get3A_1457 : i32 to index
    %get3A_1460 = arith.constant 64 : index
    %get3A_1461 = tpu.vector_load %arg5[%get3A_1458, %get3A_1459, %get3A_1460] {strides = array<i32>} : memref<2x128x128xf32, #tpu.memory_space<vmem>>, vector<1x1x16xf32>,
    %get3A_1462 = vector.shape_cast %get3A_1461 : vector<1x1x16xf32> to vector<16xf32>
    %eq3A_1463 = arith.constant 0 : i32
    %eq3A_1464 = vector.broadcast %eq3A_1463 : i32 to vector<16xi32>
    %eq3A_1465 = arith.cmpi eq, %iota3A, %eq3A_1464 : vector<16xi32>
    %jit3A_1466 = arith.constant 0.000000e+00 : f32
    %broadcast_in_dim3A_1467 = vector.broadcast %jit3A_1466 : f32 to vector<16xf32>
    %select_n3A_1468 = arith.select %eq3A_1465, %get3A_2, %broadcast_in_dim3A_1467 : vector<16xi1>, vector<16xf32>
    %add3A_1469 = arith.addf %get3A_1462, %select_n3A_1468 : vector<16xf32>
    %swap3A_1470 = arith.constant 0 : i32
    %swap3A_1471 = arith.constant 64 : i32
    %swap3A_1472 = arith.index_cast %swap3A_1470 : i32 to index
    %swap3A_1473 = arith.index_cast %swap3A_1471 : i32 to index
    %swap3A_1474 = arith.constant 64 : index
    %swap3A_1475 = tpu.vector_load %arg5[%swap3A_1472, %swap3A_1473, %swap3A_1474] {strides = array<i32>} : memref<2x128x128xf32, #tpu.memory_space<vmem>>, vector<1x1x16xf32>,
    %swap3A_1476 = vector.shape_cast %swap3A_1475 : vector<1x1x16xf32> to vector<16xf32>
    %swap3A_1477 = vector.shape_cast %add3A_1469 : vector<16xf32> to vector<1x1x16xf32>
    tpu.vector_store %arg5[%swap3A_1472, %swap3A_1473, %swap3A_1474], %swap3A_1477 {strides = array<i32>} : memref<2x128x128xf32, #tpu.memory_space<vmem>>, vector<1x1x16xf32>,
    %get3A_1478 = arith.constant 0 : i32
    %get3A_1479 = arith.constant 65 : i32
    %get3A_1480 = arith.index_cast %get3A_1478 : i32 to index
    %get3A_1481 = arith.index_cast %get3A_1479 : i32 to index
    %get3A_1482 = arith.constant 64 : index
    %get3A_1483 = tpu.vector_load %arg5[%get3A_1480, %get3A_1481, %get3A_1482] {strides = array<i32>} : memref<2x128x128xf32, #tpu.memory_space<vmem>>, vector<1x1x16xf32>,
    %get3A_1484 = vector.shape_cast %get3A_1483 : vector<1x1x16xf32> to vector<16xf32>
    %eq3A_1485 = arith.constant 1 : i32
    %eq3A_1486 = vector.broadcast %eq3A_1485 : i32 to vector<16xi32>
    %eq3A_1487 = arith.cmpi eq, %iota3A, %eq3A_1486 : vector<16xi32>
    %jit3A_1488 = arith.constant 0.000000e+00 : f32
    %broadcast_in_dim3A_1489 = vector.broadcast %jit3A_1488 : f32 to vector<16xf32>
    %select_n3A_1490 = arith.select %eq3A_1487, %get3A_2, %broadcast_in_dim3A_1489 : vector<16xi1>, vector<16xf32>
    %add3A_1491 = arith.addf %get3A_1484, %select_n3A_1490 : vector<16xf32>
    %swap3A_1492 = arith.constant 0 : i32
    %swap3A_1493 = arith.constant 65 : i32
    %swap3A_1494 = arith.index_cast %swap3A_1492 : i32 to index
    %swap3A_1495 = arith.index_cast %swap3A_1493 : i32 to index
    %swap3A_1496 = arith.constant 64 : index
    %swap3A_1497 = tpu.vector_load %arg5[%swap3A_1494, %swap3A_1495, %swap3A_1496] {strides = array<i32>} : memref<2x128x128xf32, #tpu.memory_space<vmem>>, vector<1x1x16xf32>,
    %swap3A_1498 = vector.shape_cast %swap3A_1497 : vector<1x1x16xf32> to vector<16xf32>
    %swap3A_1499 = vector.shape_cast %add3A_1491 : vector<16xf32> to vector<1x1x16xf32>
    tpu.vector_store %arg5[%swap3A_1494, %swap3A_1495, %swap3A_1496], %swap3A_1499 {strides = array<i32>} : memref<2x128x128xf32, #tpu.memory_space<vmem>>, vector<1x1x16xf32>,
    %get3A_1500 = arith.constant 0 : i32
    %get3A_1501 = arith.constant 66 : i32
    %get3A_1502 = arith.index_cast %get3A_1500 : i32 to index
    %get3A_1503 = arith.index_cast %get3A_1501 : i32 to index
    %get3A_1504 = arith.constant 64 : index
    %get3A_1505 = tpu.vector_load %arg5[%get3A_1502, %get3A_1503, %get3A_1504] {strides = array<i32>} : memref<2x128x128xf32, #tpu.memory_space<vmem>>, vector<1x1x16xf32>,
    %get3A_1506 = vector.shape_cast %get3A_1505 : vector<1x1x16xf32> to vector<16xf32>
    %eq3A_1507 = arith.constant 2 : i32
    %eq3A_1508 = vector.broadcast %eq3A_1507 : i32 to vector<16xi32>
    %eq3A_1509 = arith.cmpi eq, %iota3A, %eq3A_1508 : vector<16xi32>
    %jit3A_1510 = arith.constant 0.000000e+00 : f32
    %broadcast_in_dim3A_1511 = vector.broadcast %jit3A_1510 : f32 to vector<16xf32>
    %select_n3A_1512 = arith.select %eq3A_1509, %get3A_2, %broadcast_in_dim3A_1511 : vector<16xi1>, vector<16xf32>
    %add3A_1513 = arith.addf %get3A_1506, %select_n3A_1512 : vector<16xf32>
    %swap3A_1514 = arith.constant 0 : i32
    %swap3A_1515 = arith.constant 66 : i32
    %swap3A_1516 = arith.index_cast %swap3A_1514 : i32 to index
    %swap3A_1517 = arith.index_cast %swap3A_1515 : i32 to index
    %swap3A_1518 = arith.constant 64 : index
    %swap3A_1519 = tpu.vector_load %arg5[%swap3A_1516, %swap3A_1517, %swap3A_1518] {strides = array<i32>} : memref<2x128x128xf32, #tpu.memory_space<vmem>>, vector<1x1x16xf32>,
    %swap3A_1520 = vector.shape_cast %swap3A_1519 : vector<1x1x16xf32> to vector<16xf32>
    %swap3A_1521 = vector.shape_cast %add3A_1513 : vector<16xf32> to vector<1x1x16xf32>
    tpu.vector_store %arg5[%swap3A_1516, %swap3A_1517, %swap3A_1518], %swap3A_1521 {strides = array<i32>} : memref<2x128x128xf32, #tpu.memory_space<vmem>>, vector<1x1x16xf32>,
    %get3A_1522 = arith.constant 0 : i32
    %get3A_1523 = arith.constant 67 : i32
    %get3A_1524 = arith.index_cast %get3A_1522 : i32 to index
    %get3A_1525 = arith.index_cast %get3A_1523 : i32 to index
    %get3A_1526 = arith.constant 64 : index
    %get3A_1527 = tpu.vector_load %arg5[%get3A_1524, %get3A_1525, %get3A_1526] {strides = array<i32>} : memref<2x128x128xf32, #tpu.memory_space<vmem>>, vector<1x1x16xf32>,
    %get3A_1528 = vector.shape_cast %get3A_1527 : vector<1x1x16xf32> to vector<16xf32>
    %eq3A_1529 = arith.constant 3 : i32
    %eq3A_1530 = vector.broadcast %eq3A_1529 : i32 to vector<16xi32>
    %eq3A_1531 = arith.cmpi eq, %iota3A, %eq3A_1530 : vector<16xi32>
    %jit3A_1532 = arith.constant 0.000000e+00 : f32
    %broadcast_in_dim3A_1533 = vector.broadcast %jit3A_1532 : f32 to vector<16xf32>
    %select_n3A_1534 = arith.select %eq3A_1531, %get3A_2, %broadcast_in_dim3A_1533 : vector<16xi1>, vector<16xf32>
    %add3A_1535 = arith.addf %get3A_1528, %select_n3A_1534 : vector<16xf32>
    %swap3A_1536 = arith.constant 0 : i32
    %swap3A_1537 = arith.constant 67 : i32
    %swap3A_1538 = arith.index_cast %swap3A_1536 : i32 to index
    %swap3A_1539 = arith.index_cast %swap3A_1537 : i32 to index
    %swap3A_1540 = arith.constant 64 : index
    %swap3A_1541 = tpu.vector_load %arg5[%swap3A_1538, %swap3A_1539, %swap3A_1540] {strides = array<i32>} : memref<2x128x128xf32, #tpu.memory_space<vmem>>, vector<1x1x16xf32>,
    %swap3A_1542 = vector.shape_cast %swap3A_1541 : vector<1x1x16xf32> to vector<16xf32>
    %swap3A_1543 = vector.shape_cast %add3A_1535 : vector<16xf32> to vector<1x1x16xf32>
    tpu.vector_store %arg5[%swap3A_1538, %swap3A_1539, %swap3A_1540], %swap3A_1543 {strides = array<i32>} : memref<2x128x128xf32, #tpu.memory_space<vmem>>, vector<1x1x16xf32>,
    %get3A_1544 = arith.constant 0 : i32
    %get3A_1545 = arith.constant 68 : i32
    %get3A_1546 = arith.index_cast %get3A_1544 : i32 to index
    %get3A_1547 = arith.index_cast %get3A_1545 : i32 to index
    %get3A_1548 = arith.constant 64 : index
    %get3A_1549 = tpu.vector_load %arg5[%get3A_1546, %get3A_1547, %get3A_1548] {strides = array<i32>} : memref<2x128x128xf32, #tpu.memory_space<vmem>>, vector<1x1x16xf32>,
    %get3A_1550 = vector.shape_cast %get3A_1549 : vector<1x1x16xf32> to vector<16xf32>
    %eq3A_1551 = arith.constant 4 : i32
    %eq3A_1552 = vector.broadcast %eq3A_1551 : i32 to vector<16xi32>
    %eq3A_1553 = arith.cmpi eq, %iota3A, %eq3A_1552 : vector<16xi32>
    %jit3A_1554 = arith.constant 0.000000e+00 : f32
    %broadcast_in_dim3A_1555 = vector.broadcast %jit3A_1554 : f32 to vector<16xf32>
    %select_n3A_1556 = arith.select %eq3A_1553, %get3A_2, %broadcast_in_dim3A_1555 : vector<16xi1>, vector<16xf32>
    %add3A_1557 = arith.addf %get3A_1550, %select_n3A_1556 : vector<16xf32>
    %swap3A_1558 = arith.constant 0 : i32
    %swap3A_1559 = arith.constant 68 : i32
    %swap3A_1560 = arith.index_cast %swap3A_1558 : i32 to index
    %swap3A_1561 = arith.index_cast %swap3A_1559 : i32 to index
    %swap3A_1562 = arith.constant 64 : index
    %swap3A_1563 = tpu.vector_load %arg5[%swap3A_1560, %swap3A_1561, %swap3A_1562] {strides = array<i32>} : memref<2x128x128xf32, #tpu.memory_space<vmem>>, vector<1x1x16xf32>,
    %swap3A_1564 = vector.shape_cast %swap3A_1563 : vector<1x1x16xf32> to vector<16xf32>
    %swap3A_1565 = vector.shape_cast %add3A_1557 : vector<16xf32> to vector<1x1x16xf32>
    tpu.vector_store %arg5[%swap3A_1560, %swap3A_1561, %swap3A_1562], %swap3A_1565 {strides = array<i32>} : memref<2x128x128xf32, #tpu.memory_space<vmem>>, vector<1x1x16xf32>,
    %get3A_1566 = arith.constant 0 : i32
    %get3A_1567 = arith.constant 69 : i32
    %get3A_1568 = arith.index_cast %get3A_1566 : i32 to index
    %get3A_1569 = arith.index_cast %get3A_1567 : i32 to index
    %get3A_1570 = arith.constant 64 : index
    %get3A_1571 = tpu.vector_load %arg5[%get3A_1568, %get3A_1569, %get3A_1570] {strides = array<i32>} : memref<2x128x128xf32, #tpu.memory_space<vmem>>, vector<1x1x16xf32>,
    %get3A_1572 = vector.shape_cast %get3A_1571 : vector<1x1x16xf32> to vector<16xf32>
    %eq3A_1573 = arith.constant 5 : i32
    %eq3A_1574 = vector.broadcast %eq3A_1573 : i32 to vector<16xi32>
    %eq3A_1575 = arith.cmpi eq, %iota3A, %eq3A_1574 : vector<16xi32>
    %jit3A_1576 = arith.constant 0.000000e+00 : f32
    %broadcast_in_dim3A_1577 = vector.broadcast %jit3A_1576 : f32 to vector<16xf32>
    %select_n3A_1578 = arith.select %eq3A_1575, %get3A_2, %broadcast_in_dim3A_1577 : vector<16xi1>, vector<16xf32>
    %add3A_1579 = arith.addf %get3A_1572, %select_n3A_1578 : vector<16xf32>
    %swap3A_1580 = arith.constant 0 : i32
    %swap3A_1581 = arith.constant 69 : i32
    %swap3A_1582 = arith.index_cast %swap3A_1580 : i32 to index
    %swap3A_1583 = arith.index_cast %swap3A_1581 : i32 to index
    %swap3A_1584 = arith.constant 64 : index
    %swap3A_1585 = tpu.vector_load %arg5[%swap3A_1582, %swap3A_1583, %swap3A_1584] {strides = array<i32>} : memref<2x128x128xf32, #tpu.memory_space<vmem>>, vector<1x1x16xf32>,
    %swap3A_1586 = vector.shape_cast %swap3A_1585 : vector<1x1x16xf32> to vector<16xf32>
    %swap3A_1587 = vector.shape_cast %add3A_1579 : vector<16xf32> to vector<1x1x16xf32>
    tpu.vector_store %arg5[%swap3A_1582, %swap3A_1583, %swap3A_1584], %swap3A_1587 {strides = array<i32>} : memref<2x128x128xf32, #tpu.memory_space<vmem>>, vector<1x1x16xf32>,
    %get3A_1588 = arith.constant 0 : i32
    %get3A_1589 = arith.constant 70 : i32
    %get3A_1590 = arith.index_cast %get3A_1588 : i32 to index
    %get3A_1591 = arith.index_cast %get3A_1589 : i32 to index
    %get3A_1592 = arith.constant 64 : index
    %get3A_1593 = tpu.vector_load %arg5[%get3A_1590, %get3A_1591, %get3A_1592] {strides = array<i32>} : memref<2x128x128xf32, #tpu.memory_space<vmem>>, vector<1x1x16xf32>,
    %get3A_1594 = vector.shape_cast %get3A_1593 : vector<1x1x16xf32> to vector<16xf32>
    %eq3A_1595 = arith.constant 6 : i32
    %eq3A_1596 = vector.broadcast %eq3A_1595 : i32 to vector<16xi32>
    %eq3A_1597 = arith.cmpi eq, %iota3A, %eq3A_1596 : vector<16xi32>
    %jit3A_1598 = arith.constant 0.000000e+00 : f32
    %broadcast_in_dim3A_1599 = vector.broadcast %jit3A_1598 : f32 to vector<16xf32>
    %select_n3A_1600 = arith.select %eq3A_1597, %get3A_2, %broadcast_in_dim3A_1599 : vector<16xi1>, vector<16xf32>
    %add3A_1601 = arith.addf %get3A_1594, %select_n3A_1600 : vector<16xf32>
    %swap3A_1602 = arith.constant 0 : i32
    %swap3A_1603 = arith.constant 70 : i32
    %swap3A_1604 = arith.index_cast %swap3A_1602 : i32 to index
    %swap3A_1605 = arith.index_cast %swap3A_1603 : i32 to index
    %swap3A_1606 = arith.constant 64 : index
    %swap3A_1607 = tpu.vector_load %arg5[%swap3A_1604, %swap3A_1605, %swap3A_1606] {strides = array<i32>} : memref<2x128x128xf32, #tpu.memory_space<vmem>>, vector<1x1x16xf32>,
    %swap3A_1608 = vector.shape_cast %swap3A_1607 : vector<1x1x16xf32> to vector<16xf32>
    %swap3A_1609 = vector.shape_cast %add3A_1601 : vector<16xf32> to vector<1x1x16xf32>
    tpu.vector_store %arg5[%swap3A_1604, %swap3A_1605, %swap3A_1606], %swap3A_1609 {strides = array<i32>} : memref<2x128x128xf32, #tpu.memory_space<vmem>>, vector<1x1x16xf32>,
    %get3A_1610 = arith.constant 0 : i32
    %get3A_1611 = arith.constant 71 : i32
    %get3A_1612 = arith.index_cast %get3A_1610 : i32 to index
    %get3A_1613 = arith.index_cast %get3A_1611 : i32 to index
    %get3A_1614 = arith.constant 64 : index
    %get3A_1615 = tpu.vector_load %arg5[%get3A_1612, %get3A_1613, %get3A_1614] {strides = array<i32>} : memref<2x128x128xf32, #tpu.memory_space<vmem>>, vector<1x1x16xf32>,
    %get3A_1616 = vector.shape_cast %get3A_1615 : vector<1x1x16xf32> to vector<16xf32>
    %eq3A_1617 = arith.constant 7 : i32
    %eq3A_1618 = vector.broadcast %eq3A_1617 : i32 to vector<16xi32>
    %eq3A_1619 = arith.cmpi eq, %iota3A, %eq3A_1618 : vector<16xi32>
    %jit3A_1620 = arith.constant 0.000000e+00 : f32
    %broadcast_in_dim3A_1621 = vector.broadcast %jit3A_1620 : f32 to vector<16xf32>
    %select_n3A_1622 = arith.select %eq3A_1619, %get3A_2, %broadcast_in_dim3A_1621 : vector<16xi1>, vector<16xf32>
    %add3A_1623 = arith.addf %get3A_1616, %select_n3A_1622 : vector<16xf32>
    %swap3A_1624 = arith.constant 0 : i32
    %swap3A_1625 = arith.constant 71 : i32
    %swap3A_1626 = arith.index_cast %swap3A_1624 : i32 to index
    %swap3A_1627 = arith.index_cast %swap3A_1625 : i32 to index
    %swap3A_1628 = arith.constant 64 : index
    %swap3A_1629 = tpu.vector_load %arg5[%swap3A_1626, %swap3A_1627, %swap3A_1628] {strides = array<i32>} : memref<2x128x128xf32, #tpu.memory_space<vmem>>, vector<1x1x16xf32>,
    %swap3A_1630 = vector.shape_cast %swap3A_1629 : vector<1x1x16xf32> to vector<16xf32>
    %swap3A_1631 = vector.shape_cast %add3A_1623 : vector<16xf32> to vector<1x1x16xf32>
    tpu.vector_store %arg5[%swap3A_1626, %swap3A_1627, %swap3A_1628], %swap3A_1631 {strides = array<i32>} : memref<2x128x128xf32, #tpu.memory_space<vmem>>, vector<1x1x16xf32>,
    %get3A_1632 = arith.constant 0 : i32
    %get3A_1633 = arith.constant 72 : i32
    %get3A_1634 = arith.index_cast %get3A_1632 : i32 to index
    %get3A_1635 = arith.index_cast %get3A_1633 : i32 to index
    %get3A_1636 = arith.constant 64 : index
    %get3A_1637 = tpu.vector_load %arg5[%get3A_1634, %get3A_1635, %get3A_1636] {strides = array<i32>} : memref<2x128x128xf32, #tpu.memory_space<vmem>>, vector<1x1x16xf32>,
    %get3A_1638 = vector.shape_cast %get3A_1637 : vector<1x1x16xf32> to vector<16xf32>
    %eq3A_1639 = arith.constant 8 : i32
    %eq3A_1640 = vector.broadcast %eq3A_1639 : i32 to vector<16xi32>
    %eq3A_1641 = arith.cmpi eq, %iota3A, %eq3A_1640 : vector<16xi32>
    %jit3A_1642 = arith.constant 0.000000e+00 : f32
    %broadcast_in_dim3A_1643 = vector.broadcast %jit3A_1642 : f32 to vector<16xf32>
    %select_n3A_1644 = arith.select %eq3A_1641, %get3A_2, %broadcast_in_dim3A_1643 : vector<16xi1>, vector<16xf32>
    %add3A_1645 = arith.addf %get3A_1638, %select_n3A_1644 : vector<16xf32>
    %swap3A_1646 = arith.constant 0 : i32
    %swap3A_1647 = arith.constant 72 : i32
    %swap3A_1648 = arith.index_cast %swap3A_1646 : i32 to index
    %swap3A_1649 = arith.index_cast %swap3A_1647 : i32 to index
    %swap3A_1650 = arith.constant 64 : index
    %swap3A_1651 = tpu.vector_load %arg5[%swap3A_1648, %swap3A_1649, %swap3A_1650] {strides = array<i32>} : memref<2x128x128xf32, #tpu.memory_space<vmem>>, vector<1x1x16xf32>,
    %swap3A_1652 = vector.shape_cast %swap3A_1651 : vector<1x1x16xf32> to vector<16xf32>
    %swap3A_1653 = vector.shape_cast %add3A_1645 : vector<16xf32> to vector<1x1x16xf32>
    tpu.vector_store %arg5[%swap3A_1648, %swap3A_1649, %swap3A_1650], %swap3A_1653 {strides = array<i32>} : memref<2x128x128xf32, #tpu.memory_space<vmem>>, vector<1x1x16xf32>,
    %get3A_1654 = arith.constant 0 : i32
    %get3A_1655 = arith.constant 73 : i32
    %get3A_1656 = arith.index_cast %get3A_1654 : i32 to index
    %get3A_1657 = arith.index_cast %get3A_1655 : i32 to index
    %get3A_1658 = arith.constant 64 : index
    %get3A_1659 = tpu.vector_load %arg5[%get3A_1656, %get3A_1657, %get3A_1658] {strides = array<i32>} : memref<2x128x128xf32, #tpu.memory_space<vmem>>, vector<1x1x16xf32>,
    %get3A_1660 = vector.shape_cast %get3A_1659 : vector<1x1x16xf32> to vector<16xf32>
    %eq3A_1661 = arith.constant 9 : i32
    %eq3A_1662 = vector.broadcast %eq3A_1661 : i32 to vector<16xi32>
    %eq3A_1663 = arith.cmpi eq, %iota3A, %eq3A_1662 : vector<16xi32>
    %jit3A_1664 = arith.constant 0.000000e+00 : f32
    %broadcast_in_dim3A_1665 = vector.broadcast %jit3A_1664 : f32 to vector<16xf32>
    %select_n3A_1666 = arith.select %eq3A_1663, %get3A_2, %broadcast_in_dim3A_1665 : vector<16xi1>, vector<16xf32>
    %add3A_1667 = arith.addf %get3A_1660, %select_n3A_1666 : vector<16xf32>
    %swap3A_1668 = arith.constant 0 : i32
    %swap3A_1669 = arith.constant 73 : i32
    %swap3A_1670 = arith.index_cast %swap3A_1668 : i32 to index
    %swap3A_1671 = arith.index_cast %swap3A_1669 : i32 to index
    %swap3A_1672 = arith.constant 64 : index
    %swap3A_1673 = tpu.vector_load %arg5[%swap3A_1670, %swap3A_1671, %swap3A_1672] {strides = array<i32>} : memref<2x128x128xf32, #tpu.memory_space<vmem>>, vector<1x1x16xf32>,
    %swap3A_1674 = vector.shape_cast %swap3A_1673 : vector<1x1x16xf32> to vector<16xf32>
    %swap3A_1675 = vector.shape_cast %add3A_1667 : vector<16xf32> to vector<1x1x16xf32>
    tpu.vector_store %arg5[%swap3A_1670, %swap3A_1671, %swap3A_1672], %swap3A_1675 {strides = array<i32>} : memref<2x128x128xf32, #tpu.memory_space<vmem>>, vector<1x1x16xf32>,
    %get3A_1676 = arith.constant 0 : i32
    %get3A_1677 = arith.constant 74 : i32
    %get3A_1678 = arith.index_cast %get3A_1676 : i32 to index
    %get3A_1679 = arith.index_cast %get3A_1677 : i32 to index
    %get3A_1680 = arith.constant 64 : index
    %get3A_1681 = tpu.vector_load %arg5[%get3A_1678, %get3A_1679, %get3A_1680] {strides = array<i32>} : memref<2x128x128xf32, #tpu.memory_space<vmem>>, vector<1x1x16xf32>,
    %get3A_1682 = vector.shape_cast %get3A_1681 : vector<1x1x16xf32> to vector<16xf32>
    %eq3A_1683 = arith.constant 10 : i32
    %eq3A_1684 = vector.broadcast %eq3A_1683 : i32 to vector<16xi32>
    %eq3A_1685 = arith.cmpi eq, %iota3A, %eq3A_1684 : vector<16xi32>
    %jit3A_1686 = arith.constant 0.000000e+00 : f32
    %broadcast_in_dim3A_1687 = vector.broadcast %jit3A_1686 : f32 to vector<16xf32>
    %select_n3A_1688 = arith.select %eq3A_1685, %get3A_2, %broadcast_in_dim3A_1687 : vector<16xi1>, vector<16xf32>
    %add3A_1689 = arith.addf %get3A_1682, %select_n3A_1688 : vector<16xf32>
    %swap3A_1690 = arith.constant 0 : i32
    %swap3A_1691 = arith.constant 74 : i32
    %swap3A_1692 = arith.index_cast %swap3A_1690 : i32 to index
    %swap3A_1693 = arith.index_cast %swap3A_1691 : i32 to index
    %swap3A_1694 = arith.constant 64 : index
    %swap3A_1695 = tpu.vector_load %arg5[%swap3A_1692, %swap3A_1693, %swap3A_1694] {strides = array<i32>} : memref<2x128x128xf32, #tpu.memory_space<vmem>>, vector<1x1x16xf32>,
    %swap3A_1696 = vector.shape_cast %swap3A_1695 : vector<1x1x16xf32> to vector<16xf32>
    %swap3A_1697 = vector.shape_cast %add3A_1689 : vector<16xf32> to vector<1x1x16xf32>
    tpu.vector_store %arg5[%swap3A_1692, %swap3A_1693, %swap3A_1694], %swap3A_1697 {strides = array<i32>} : memref<2x128x128xf32, #tpu.memory_space<vmem>>, vector<1x1x16xf32>,
    %get3A_1698 = arith.constant 0 : i32
    %get3A_1699 = arith.constant 75 : i32
    %get3A_1700 = arith.index_cast %get3A_1698 : i32 to index
    %get3A_1701 = arith.index_cast %get3A_1699 : i32 to index
    %get3A_1702 = arith.constant 64 : index
    %get3A_1703 = tpu.vector_load %arg5[%get3A_1700, %get3A_1701, %get3A_1702] {strides = array<i32>} : memref<2x128x128xf32, #tpu.memory_space<vmem>>, vector<1x1x16xf32>,
    %get3A_1704 = vector.shape_cast %get3A_1703 : vector<1x1x16xf32> to vector<16xf32>
    %eq3A_1705 = arith.constant 11 : i32
    %eq3A_1706 = vector.broadcast %eq3A_1705 : i32 to vector<16xi32>
    %eq3A_1707 = arith.cmpi eq, %iota3A, %eq3A_1706 : vector<16xi32>
    %jit3A_1708 = arith.constant 0.000000e+00 : f32
    %broadcast_in_dim3A_1709 = vector.broadcast %jit3A_1708 : f32 to vector<16xf32>
    %select_n3A_1710 = arith.select %eq3A_1707, %get3A_2, %broadcast_in_dim3A_1709 : vector<16xi1>, vector<16xf32>
    %add3A_1711 = arith.addf %get3A_1704, %select_n3A_1710 : vector<16xf32>
    %swap3A_1712 = arith.constant 0 : i32
    %swap3A_1713 = arith.constant 75 : i32
    %swap3A_1714 = arith.index_cast %swap3A_1712 : i32 to index
    %swap3A_1715 = arith.index_cast %swap3A_1713 : i32 to index
    %swap3A_1716 = arith.constant 64 : index
    %swap3A_1717 = tpu.vector_load %arg5[%swap3A_1714, %swap3A_1715, %swap3A_1716] {strides = array<i32>} : memref<2x128x128xf32, #tpu.memory_space<vmem>>, vector<1x1x16xf32>,
    %swap3A_1718 = vector.shape_cast %swap3A_1717 : vector<1x1x16xf32> to vector<16xf32>
    %swap3A_1719 = vector.shape_cast %add3A_1711 : vector<16xf32> to vector<1x1x16xf32>
    tpu.vector_store %arg5[%swap3A_1714, %swap3A_1715, %swap3A_1716], %swap3A_1719 {strides = array<i32>} : memref<2x128x128xf32, #tpu.memory_space<vmem>>, vector<1x1x16xf32>,
    %get3A_1720 = arith.constant 0 : i32
    %get3A_1721 = arith.constant 76 : i32
    %get3A_1722 = arith.index_cast %get3A_1720 : i32 to index
    %get3A_1723 = arith.index_cast %get3A_1721 : i32 to index
    %get3A_1724 = arith.constant 64 : index
    %get3A_1725 = tpu.vector_load %arg5[%get3A_1722, %get3A_1723, %get3A_1724] {strides = array<i32>} : memref<2x128x128xf32, #tpu.memory_space<vmem>>, vector<1x1x16xf32>,
    %get3A_1726 = vector.shape_cast %get3A_1725 : vector<1x1x16xf32> to vector<16xf32>
    %eq3A_1727 = arith.constant 12 : i32
    %eq3A_1728 = vector.broadcast %eq3A_1727 : i32 to vector<16xi32>
    %eq3A_1729 = arith.cmpi eq, %iota3A, %eq3A_1728 : vector<16xi32>
    %jit3A_1730 = arith.constant 0.000000e+00 : f32
    %broadcast_in_dim3A_1731 = vector.broadcast %jit3A_1730 : f32 to vector<16xf32>
    %select_n3A_1732 = arith.select %eq3A_1729, %get3A_2, %broadcast_in_dim3A_1731 : vector<16xi1>, vector<16xf32>
    %add3A_1733 = arith.addf %get3A_1726, %select_n3A_1732 : vector<16xf32>
    %swap3A_1734 = arith.constant 0 : i32
    %swap3A_1735 = arith.constant 76 : i32
    %swap3A_1736 = arith.index_cast %swap3A_1734 : i32 to index
    %swap3A_1737 = arith.index_cast %swap3A_1735 : i32 to index
    %swap3A_1738 = arith.constant 64 : index
    %swap3A_1739 = tpu.vector_load %arg5[%swap3A_1736, %swap3A_1737, %swap3A_1738] {strides = array<i32>} : memref<2x128x128xf32, #tpu.memory_space<vmem>>, vector<1x1x16xf32>,
    %swap3A_1740 = vector.shape_cast %swap3A_1739 : vector<1x1x16xf32> to vector<16xf32>
    %swap3A_1741 = vector.shape_cast %add3A_1733 : vector<16xf32> to vector<1x1x16xf32>
    tpu.vector_store %arg5[%swap3A_1736, %swap3A_1737, %swap3A_1738], %swap3A_1741 {strides = array<i32>} : memref<2x128x128xf32, #tpu.memory_space<vmem>>, vector<1x1x16xf32>,
    %get3A_1742 = arith.constant 0 : i32
    %get3A_1743 = arith.constant 77 : i32
    %get3A_1744 = arith.index_cast %get3A_1742 : i32 to index
    %get3A_1745 = arith.index_cast %get3A_1743 : i32 to index
    %get3A_1746 = arith.constant 64 : index
    %get3A_1747 = tpu.vector_load %arg5[%get3A_1744, %get3A_1745, %get3A_1746] {strides = array<i32>} : memref<2x128x128xf32, #tpu.memory_space<vmem>>, vector<1x1x16xf32>,
    %get3A_1748 = vector.shape_cast %get3A_1747 : vector<1x1x16xf32> to vector<16xf32>
    %eq3A_1749 = arith.constant 13 : i32
    %eq3A_1750 = vector.broadcast %eq3A_1749 : i32 to vector<16xi32>
    %eq3A_1751 = arith.cmpi eq, %iota3A, %eq3A_1750 : vector<16xi32>
    %jit3A_1752 = arith.constant 0.000000e+00 : f32
    %broadcast_in_dim3A_1753 = vector.broadcast %jit3A_1752 : f32 to vector<16xf32>
    %select_n3A_1754 = arith.select %eq3A_1751, %get3A_2, %broadcast_in_dim3A_1753 : vector<16xi1>, vector<16xf32>
    %add3A_1755 = arith.addf %get3A_1748, %select_n3A_1754 : vector<16xf32>
    %swap3A_1756 = arith.constant 0 : i32
    %swap3A_1757 = arith.constant 77 : i32
    %swap3A_1758 = arith.index_cast %swap3A_1756 : i32 to index
    %swap3A_1759 = arith.index_cast %swap3A_1757 : i32 to index
    %swap3A_1760 = arith.constant 64 : index
    %swap3A_1761 = tpu.vector_load %arg5[%swap3A_1758, %swap3A_1759, %swap3A_1760] {strides = array<i32>} : memref<2x128x128xf32, #tpu.memory_space<vmem>>, vector<1x1x16xf32>,
    %swap3A_1762 = vector.shape_cast %swap3A_1761 : vector<1x1x16xf32> to vector<16xf32>
    %swap3A_1763 = vector.shape_cast %add3A_1755 : vector<16xf32> to vector<1x1x16xf32>
    tpu.vector_store %arg5[%swap3A_1758, %swap3A_1759, %swap3A_1760], %swap3A_1763 {strides = array<i32>} : memref<2x128x128xf32, #tpu.memory_space<vmem>>, vector<1x1x16xf32>,
    %get3A_1764 = arith.constant 0 : i32
    %get3A_1765 = arith.constant 78 : i32
    %get3A_1766 = arith.index_cast %get3A_1764 : i32 to index
    %get3A_1767 = arith.index_cast %get3A_1765 : i32 to index
    %get3A_1768 = arith.constant 64 : index
    %get3A_1769 = tpu.vector_load %arg5[%get3A_1766, %get3A_1767, %get3A_1768] {strides = array<i32>} : memref<2x128x128xf32, #tpu.memory_space<vmem>>, vector<1x1x16xf32>,
    %get3A_1770 = vector.shape_cast %get3A_1769 : vector<1x1x16xf32> to vector<16xf32>
    %eq3A_1771 = arith.constant 14 : i32
    %eq3A_1772 = vector.broadcast %eq3A_1771 : i32 to vector<16xi32>
    %eq3A_1773 = arith.cmpi eq, %iota3A, %eq3A_1772 : vector<16xi32>
    %jit3A_1774 = arith.constant 0.000000e+00 : f32
    %broadcast_in_dim3A_1775 = vector.broadcast %jit3A_1774 : f32 to vector<16xf32>
    %select_n3A_1776 = arith.select %eq3A_1773, %get3A_2, %broadcast_in_dim3A_1775 : vector<16xi1>, vector<16xf32>
    %add3A_1777 = arith.addf %get3A_1770, %select_n3A_1776 : vector<16xf32>
    %swap3A_1778 = arith.constant 0 : i32
    %swap3A_1779 = arith.constant 78 : i32
    %swap3A_1780 = arith.index_cast %swap3A_1778 : i32 to index
    %swap3A_1781 = arith.index_cast %swap3A_1779 : i32 to index
    %swap3A_1782 = arith.constant 64 : index
    %swap3A_1783 = tpu.vector_load %arg5[%swap3A_1780, %swap3A_1781, %swap3A_1782] {strides = array<i32>} : memref<2x128x128xf32, #tpu.memory_space<vmem>>, vector<1x1x16xf32>,
    %swap3A_1784 = vector.shape_cast %swap3A_1783 : vector<1x1x16xf32> to vector<16xf32>
    %swap3A_1785 = vector.shape_cast %add3A_1777 : vector<16xf32> to vector<1x1x16xf32>
    tpu.vector_store %arg5[%swap3A_1780, %swap3A_1781, %swap3A_1782], %swap3A_1785 {strides = array<i32>} : memref<2x128x128xf32, #tpu.memory_space<vmem>>, vector<1x1x16xf32>,
    %get3A_1786 = arith.constant 0 : i32
    %get3A_1787 = arith.constant 79 : i32
    %get3A_1788 = arith.index_cast %get3A_1786 : i32 to index
    %get3A_1789 = arith.index_cast %get3A_1787 : i32 to index
    %get3A_1790 = arith.constant 64 : index
    %get3A_1791 = tpu.vector_load %arg5[%get3A_1788, %get3A_1789, %get3A_1790] {strides = array<i32>} : memref<2x128x128xf32, #tpu.memory_space<vmem>>, vector<1x1x16xf32>,
    %get3A_1792 = vector.shape_cast %get3A_1791 : vector<1x1x16xf32> to vector<16xf32>
    %eq3A_1793 = arith.constant 15 : i32
    %eq3A_1794 = vector.broadcast %eq3A_1793 : i32 to vector<16xi32>
    %eq3A_1795 = arith.cmpi eq, %iota3A, %eq3A_1794 : vector<16xi32>
    %jit3A_1796 = arith.constant 0.000000e+00 : f32
    %broadcast_in_dim3A_1797 = vector.broadcast %jit3A_1796 : f32 to vector<16xf32>
    %select_n3A_1798 = arith.select %eq3A_1795, %get3A_2, %broadcast_in_dim3A_1797 : vector<16xi1>, vector<16xf32>
    %add3A_1799 = arith.addf %get3A_1792, %select_n3A_1798 : vector<16xf32>
    %swap3A_1800 = arith.constant 0 : i32
    %swap3A_1801 = arith.constant 79 : i32
    %swap3A_1802 = arith.index_cast %swap3A_1800 : i32 to index
    %swap3A_1803 = arith.index_cast %swap3A_1801 : i32 to index
    %swap3A_1804 = arith.constant 64 : index
    %swap3A_1805 = tpu.vector_load %arg5[%swap3A_1802, %swap3A_1803, %swap3A_1804] {strides = array<i32>} : memref<2x128x128xf32, #tpu.memory_space<vmem>>, vector<1x1x16xf32>,
    %swap3A_1806 = vector.shape_cast %swap3A_1805 : vector<1x1x16xf32> to vector<16xf32>
    %swap3A_1807 = vector.shape_cast %add3A_1799 : vector<16xf32> to vector<1x1x16xf32>
    tpu.vector_store %arg5[%swap3A_1802, %swap3A_1803, %swap3A_1804], %swap3A_1807 {strides = array<i32>} : memref<2x128x128xf32, #tpu.memory_space<vmem>>, vector<1x1x16xf32>,
    %get3A_1808 = arith.constant 0 : i32
    %get3A_1809 = arith.constant 80 : i32
    %get3A_1810 = arith.index_cast %get3A_1808 : i32 to index
    %get3A_1811 = arith.index_cast %get3A_1809 : i32 to index
    %get3A_1812 = arith.constant 80 : index
    %get3A_1813 = tpu.vector_load %arg5[%get3A_1810, %get3A_1811, %get3A_1812] {strides = array<i32>} : memref<2x128x128xf32, #tpu.memory_space<vmem>>, vector<1x1x16xf32>,
    %get3A_1814 = vector.shape_cast %get3A_1813 : vector<1x1x16xf32> to vector<16xf32>
    %eq3A_1815 = arith.constant 0 : i32
    %eq3A_1816 = vector.broadcast %eq3A_1815 : i32 to vector<16xi32>
    %eq3A_1817 = arith.cmpi eq, %iota3A, %eq3A_1816 : vector<16xi32>
    %jit3A_1818 = arith.constant 0.000000e+00 : f32
    %broadcast_in_dim3A_1819 = vector.broadcast %jit3A_1818 : f32 to vector<16xf32>
    %select_n3A_1820 = arith.select %eq3A_1817, %get3A_2, %broadcast_in_dim3A_1819 : vector<16xi1>, vector<16xf32>
    %add3A_1821 = arith.addf %get3A_1814, %select_n3A_1820 : vector<16xf32>
    %swap3A_1822 = arith.constant 0 : i32
    %swap3A_1823 = arith.constant 80 : i32
    %swap3A_1824 = arith.index_cast %swap3A_1822 : i32 to index
    %swap3A_1825 = arith.index_cast %swap3A_1823 : i32 to index
    %swap3A_1826 = arith.constant 80 : index
    %swap3A_1827 = tpu.vector_load %arg5[%swap3A_1824, %swap3A_1825, %swap3A_1826] {strides = array<i32>} : memref<2x128x128xf32, #tpu.memory_space<vmem>>, vector<1x1x16xf32>,
    %swap3A_1828 = vector.shape_cast %swap3A_1827 : vector<1x1x16xf32> to vector<16xf32>
    %swap3A_1829 = vector.shape_cast %add3A_1821 : vector<16xf32> to vector<1x1x16xf32>
    tpu.vector_store %arg5[%swap3A_1824, %swap3A_1825, %swap3A_1826], %swap3A_1829 {strides = array<i32>} : memref<2x128x128xf32, #tpu.memory_space<vmem>>, vector<1x1x16xf32>,
    %get3A_1830 = arith.constant 0 : i32
    %get3A_1831 = arith.constant 81 : i32
    %get3A_1832 = arith.index_cast %get3A_1830 : i32 to index
    %get3A_1833 = arith.index_cast %get3A_1831 : i32 to index
    %get3A_1834 = arith.constant 80 : index
    %get3A_1835 = tpu.vector_load %arg5[%get3A_1832, %get3A_1833, %get3A_1834] {strides = array<i32>} : memref<2x128x128xf32, #tpu.memory_space<vmem>>, vector<1x1x16xf32>,
    %get3A_1836 = vector.shape_cast %get3A_1835 : vector<1x1x16xf32> to vector<16xf32>
    %eq3A_1837 = arith.constant 1 : i32
    %eq3A_1838 = vector.broadcast %eq3A_1837 : i32 to vector<16xi32>
    %eq3A_1839 = arith.cmpi eq, %iota3A, %eq3A_1838 : vector<16xi32>
    %jit3A_1840 = arith.constant 0.000000e+00 : f32
    %broadcast_in_dim3A_1841 = vector.broadcast %jit3A_1840 : f32 to vector<16xf32>
    %select_n3A_1842 = arith.select %eq3A_1839, %get3A_2, %broadcast_in_dim3A_1841 : vector<16xi1>, vector<16xf32>
    %add3A_1843 = arith.addf %get3A_1836, %select_n3A_1842 : vector<16xf32>
    %swap3A_1844 = arith.constant 0 : i32
    %swap3A_1845 = arith.constant 81 : i32
    %swap3A_1846 = arith.index_cast %swap3A_1844 : i32 to index
    %swap3A_1847 = arith.index_cast %swap3A_1845 : i32 to index
    %swap3A_1848 = arith.constant 80 : index
    %swap3A_1849 = tpu.vector_load %arg5[%swap3A_1846, %swap3A_1847, %swap3A_1848] {strides = array<i32>} : memref<2x128x128xf32, #tpu.memory_space<vmem>>, vector<1x1x16xf32>,
    %swap3A_1850 = vector.shape_cast %swap3A_1849 : vector<1x1x16xf32> to vector<16xf32>
    %swap3A_1851 = vector.shape_cast %add3A_1843 : vector<16xf32> to vector<1x1x16xf32>
    tpu.vector_store %arg5[%swap3A_1846, %swap3A_1847, %swap3A_1848], %swap3A_1851 {strides = array<i32>} : memref<2x128x128xf32, #tpu.memory_space<vmem>>, vector<1x1x16xf32>,
    %get3A_1852 = arith.constant 0 : i32
    %get3A_1853 = arith.constant 82 : i32
    %get3A_1854 = arith.index_cast %get3A_1852 : i32 to index
    %get3A_1855 = arith.index_cast %get3A_1853 : i32 to index
    %get3A_1856 = arith.constant 80 : index
    %get3A_1857 = tpu.vector_load %arg5[%get3A_1854, %get3A_1855, %get3A_1856] {strides = array<i32>} : memref<2x128x128xf32, #tpu.memory_space<vmem>>, vector<1x1x16xf32>,
    %get3A_1858 = vector.shape_cast %get3A_1857 : vector<1x1x16xf32> to vector<16xf32>
    %eq3A_1859 = arith.constant 2 : i32
    %eq3A_1860 = vector.broadcast %eq3A_1859 : i32 to vector<16xi32>
    %eq3A_1861 = arith.cmpi eq, %iota3A, %eq3A_1860 : vector<16xi32>
    %jit3A_1862 = arith.constant 0.000000e+00 : f32
    %broadcast_in_dim3A_1863 = vector.broadcast %jit3A_1862 : f32 to vector<16xf32>
    %select_n3A_1864 = arith.select %eq3A_1861, %get3A_2, %broadcast_in_dim3A_1863 : vector<16xi1>, vector<16xf32>
    %add3A_1865 = arith.addf %get3A_1858, %select_n3A_1864 : vector<16xf32>
    %swap3A_1866 = arith.constant 0 : i32
    %swap3A_1867 = arith.constant 82 : i32
    %swap3A_1868 = arith.index_cast %swap3A_1866 : i32 to index
    %swap3A_1869 = arith.index_cast %swap3A_1867 : i32 to index
    %swap3A_1870 = arith.constant 80 : index
    %swap3A_1871 = tpu.vector_load %arg5[%swap3A_1868, %swap3A_1869, %swap3A_1870] {strides = array<i32>} : memref<2x128x128xf32, #tpu.memory_space<vmem>>, vector<1x1x16xf32>,
    %swap3A_1872 = vector.shape_cast %swap3A_1871 : vector<1x1x16xf32> to vector<16xf32>
    %swap3A_1873 = vector.shape_cast %add3A_1865 : vector<16xf32> to vector<1x1x16xf32>
    tpu.vector_store %arg5[%swap3A_1868, %swap3A_1869, %swap3A_1870], %swap3A_1873 {strides = array<i32>} : memref<2x128x128xf32, #tpu.memory_space<vmem>>, vector<1x1x16xf32>,
    %get3A_1874 = arith.constant 0 : i32
    %get3A_1875 = arith.constant 83 : i32
    %get3A_1876 = arith.index_cast %get3A_1874 : i32 to index
    %get3A_1877 = arith.index_cast %get3A_1875 : i32 to index
    %get3A_1878 = arith.constant 80 : index
    %get3A_1879 = tpu.vector_load %arg5[%get3A_1876, %get3A_1877, %get3A_1878] {strides = array<i32>} : memref<2x128x128xf32, #tpu.memory_space<vmem>>, vector<1x1x16xf32>,
    %get3A_1880 = vector.shape_cast %get3A_1879 : vector<1x1x16xf32> to vector<16xf32>
    %eq3A_1881 = arith.constant 3 : i32
    %eq3A_1882 = vector.broadcast %eq3A_1881 : i32 to vector<16xi32>
    %eq3A_1883 = arith.cmpi eq, %iota3A, %eq3A_1882 : vector<16xi32>
    %jit3A_1884 = arith.constant 0.000000e+00 : f32
    %broadcast_in_dim3A_1885 = vector.broadcast %jit3A_1884 : f32 to vector<16xf32>
    %select_n3A_1886 = arith.select %eq3A_1883, %get3A_2, %broadcast_in_dim3A_1885 : vector<16xi1>, vector<16xf32>
    %add3A_1887 = arith.addf %get3A_1880, %select_n3A_1886 : vector<16xf32>
    %swap3A_1888 = arith.constant 0 : i32
    %swap3A_1889 = arith.constant 83 : i32
    %swap3A_1890 = arith.index_cast %swap3A_1888 : i32 to index
    %swap3A_1891 = arith.index_cast %swap3A_1889 : i32 to index
    %swap3A_1892 = arith.constant 80 : index
    %swap3A_1893 = tpu.vector_load %arg5[%swap3A_1890, %swap3A_1891, %swap3A_1892] {strides = array<i32>} : memref<2x128x128xf32, #tpu.memory_space<vmem>>, vector<1x1x16xf32>,
    %swap3A_1894 = vector.shape_cast %swap3A_1893 : vector<1x1x16xf32> to vector<16xf32>
    %swap3A_1895 = vector.shape_cast %add3A_1887 : vector<16xf32> to vector<1x1x16xf32>
    tpu.vector_store %arg5[%swap3A_1890, %swap3A_1891, %swap3A_1892], %swap3A_1895 {strides = array<i32>} : memref<2x128x128xf32, #tpu.memory_space<vmem>>, vector<1x1x16xf32>,
    %get3A_1896 = arith.constant 0 : i32
    %get3A_1897 = arith.constant 84 : i32
    %get3A_1898 = arith.index_cast %get3A_1896 : i32 to index
    %get3A_1899 = arith.index_cast %get3A_1897 : i32 to index
    %get3A_1900 = arith.constant 80 : index
    %get3A_1901 = tpu.vector_load %arg5[%get3A_1898, %get3A_1899, %get3A_1900] {strides = array<i32>} : memref<2x128x128xf32, #tpu.memory_space<vmem>>, vector<1x1x16xf32>,
    %get3A_1902 = vector.shape_cast %get3A_1901 : vector<1x1x16xf32> to vector<16xf32>
    %eq3A_1903 = arith.constant 4 : i32
    %eq3A_1904 = vector.broadcast %eq3A_1903 : i32 to vector<16xi32>
    %eq3A_1905 = arith.cmpi eq, %iota3A, %eq3A_1904 : vector<16xi32>
    %jit3A_1906 = arith.constant 0.000000e+00 : f32
    %broadcast_in_dim3A_1907 = vector.broadcast %jit3A_1906 : f32 to vector<16xf32>
    %select_n3A_1908 = arith.select %eq3A_1905, %get3A_2, %broadcast_in_dim3A_1907 : vector<16xi1>, vector<16xf32>
    %add3A_1909 = arith.addf %get3A_1902, %select_n3A_1908 : vector<16xf32>
    %swap3A_1910 = arith.constant 0 : i32
    %swap3A_1911 = arith.constant 84 : i32
    %swap3A_1912 = arith.index_cast %swap3A_1910 : i32 to index
    %swap3A_1913 = arith.index_cast %swap3A_1911 : i32 to index
    %swap3A_1914 = arith.constant 80 : index
    %swap3A_1915 = tpu.vector_load %arg5[%swap3A_1912, %swap3A_1913, %swap3A_1914] {strides = array<i32>} : memref<2x128x128xf32, #tpu.memory_space<vmem>>, vector<1x1x16xf32>,
    %swap3A_1916 = vector.shape_cast %swap3A_1915 : vector<1x1x16xf32> to vector<16xf32>
    %swap3A_1917 = vector.shape_cast %add3A_1909 : vector<16xf32> to vector<1x1x16xf32>
    tpu.vector_store %arg5[%swap3A_1912, %swap3A_1913, %swap3A_1914], %swap3A_1917 {strides = array<i32>} : memref<2x128x128xf32, #tpu.memory_space<vmem>>, vector<1x1x16xf32>,
    %get3A_1918 = arith.constant 0 : i32
    %get3A_1919 = arith.constant 85 : i32
    %get3A_1920 = arith.index_cast %get3A_1918 : i32 to index
    %get3A_1921 = arith.index_cast %get3A_1919 : i32 to index
    %get3A_1922 = arith.constant 80 : index
    %get3A_1923 = tpu.vector_load %arg5[%get3A_1920, %get3A_1921, %get3A_1922] {strides = array<i32>} : memref<2x128x128xf32, #tpu.memory_space<vmem>>, vector<1x1x16xf32>,
    %get3A_1924 = vector.shape_cast %get3A_1923 : vector<1x1x16xf32> to vector<16xf32>
    %eq3A_1925 = arith.constant 5 : i32
    %eq3A_1926 = vector.broadcast %eq3A_1925 : i32 to vector<16xi32>
    %eq3A_1927 = arith.cmpi eq, %iota3A, %eq3A_1926 : vector<16xi32>
    %jit3A_1928 = arith.constant 0.000000e+00 : f32
    %broadcast_in_dim3A_1929 = vector.broadcast %jit3A_1928 : f32 to vector<16xf32>
    %select_n3A_1930 = arith.select %eq3A_1927, %get3A_2, %broadcast_in_dim3A_1929 : vector<16xi1>, vector<16xf32>
    %add3A_1931 = arith.addf %get3A_1924, %select_n3A_1930 : vector<16xf32>
    %swap3A_1932 = arith.constant 0 : i32
    %swap3A_1933 = arith.constant 85 : i32
    %swap3A_1934 = arith.index_cast %swap3A_1932 : i32 to index
    %swap3A_1935 = arith.index_cast %swap3A_1933 : i32 to index
    %swap3A_1936 = arith.constant 80 : index
    %swap3A_1937 = tpu.vector_load %arg5[%swap3A_1934, %swap3A_1935, %swap3A_1936] {strides = array<i32>} : memref<2x128x128xf32, #tpu.memory_space<vmem>>, vector<1x1x16xf32>,
    %swap3A_1938 = vector.shape_cast %swap3A_1937 : vector<1x1x16xf32> to vector<16xf32>
    %swap3A_1939 = vector.shape_cast %add3A_1931 : vector<16xf32> to vector<1x1x16xf32>
    tpu.vector_store %arg5[%swap3A_1934, %swap3A_1935, %swap3A_1936], %swap3A_1939 {strides = array<i32>} : memref<2x128x128xf32, #tpu.memory_space<vmem>>, vector<1x1x16xf32>,
    %get3A_1940 = arith.constant 0 : i32
    %get3A_1941 = arith.constant 86 : i32
    %get3A_1942 = arith.index_cast %get3A_1940 : i32 to index
    %get3A_1943 = arith.index_cast %get3A_1941 : i32 to index
    %get3A_1944 = arith.constant 80 : index
    %get3A_1945 = tpu.vector_load %arg5[%get3A_1942, %get3A_1943, %get3A_1944] {strides = array<i32>} : memref<2x128x128xf32, #tpu.memory_space<vmem>>, vector<1x1x16xf32>,
    %get3A_1946 = vector.shape_cast %get3A_1945 : vector<1x1x16xf32> to vector<16xf32>
    %eq3A_1947 = arith.constant 6 : i32
    %eq3A_1948 = vector.broadcast %eq3A_1947 : i32 to vector<16xi32>
    %eq3A_1949 = arith.cmpi eq, %iota3A, %eq3A_1948 : vector<16xi32>
    %jit3A_1950 = arith.constant 0.000000e+00 : f32
    %broadcast_in_dim3A_1951 = vector.broadcast %jit3A_1950 : f32 to vector<16xf32>
    %select_n3A_1952 = arith.select %eq3A_1949, %get3A_2, %broadcast_in_dim3A_1951 : vector<16xi1>, vector<16xf32>
    %add3A_1953 = arith.addf %get3A_1946, %select_n3A_1952 : vector<16xf32>
    %swap3A_1954 = arith.constant 0 : i32
    %swap3A_1955 = arith.constant 86 : i32
    %swap3A_1956 = arith.index_cast %swap3A_1954 : i32 to index
    %swap3A_1957 = arith.index_cast %swap3A_1955 : i32 to index
    %swap3A_1958 = arith.constant 80 : index
    %swap3A_1959 = tpu.vector_load %arg5[%swap3A_1956, %swap3A_1957, %swap3A_1958] {strides = array<i32>} : memref<2x128x128xf32, #tpu.memory_space<vmem>>, vector<1x1x16xf32>,
    %swap3A_1960 = vector.shape_cast %swap3A_1959 : vector<1x1x16xf32> to vector<16xf32>
    %swap3A_1961 = vector.shape_cast %add3A_1953 : vector<16xf32> to vector<1x1x16xf32>
    tpu.vector_store %arg5[%swap3A_1956, %swap3A_1957, %swap3A_1958], %swap3A_1961 {strides = array<i32>} : memref<2x128x128xf32, #tpu.memory_space<vmem>>, vector<1x1x16xf32>,
    %get3A_1962 = arith.constant 0 : i32
    %get3A_1963 = arith.constant 87 : i32
    %get3A_1964 = arith.index_cast %get3A_1962 : i32 to index
    %get3A_1965 = arith.index_cast %get3A_1963 : i32 to index
    %get3A_1966 = arith.constant 80 : index
    %get3A_1967 = tpu.vector_load %arg5[%get3A_1964, %get3A_1965, %get3A_1966] {strides = array<i32>} : memref<2x128x128xf32, #tpu.memory_space<vmem>>, vector<1x1x16xf32>,
    %get3A_1968 = vector.shape_cast %get3A_1967 : vector<1x1x16xf32> to vector<16xf32>
    %eq3A_1969 = arith.constant 7 : i32
    %eq3A_1970 = vector.broadcast %eq3A_1969 : i32 to vector<16xi32>
    %eq3A_1971 = arith.cmpi eq, %iota3A, %eq3A_1970 : vector<16xi32>
    %jit3A_1972 = arith.constant 0.000000e+00 : f32
    %broadcast_in_dim3A_1973 = vector.broadcast %jit3A_1972 : f32 to vector<16xf32>
    %select_n3A_1974 = arith.select %eq3A_1971, %get3A_2, %broadcast_in_dim3A_1973 : vector<16xi1>, vector<16xf32>
    %add3A_1975 = arith.addf %get3A_1968, %select_n3A_1974 : vector<16xf32>
    %swap3A_1976 = arith.constant 0 : i32
    %swap3A_1977 = arith.constant 87 : i32
    %swap3A_1978 = arith.index_cast %swap3A_1976 : i32 to index
    %swap3A_1979 = arith.index_cast %swap3A_1977 : i32 to index
    %swap3A_1980 = arith.constant 80 : index
    %swap3A_1981 = tpu.vector_load %arg5[%swap3A_1978, %swap3A_1979, %swap3A_1980] {strides = array<i32>} : memref<2x128x128xf32, #tpu.memory_space<vmem>>, vector<1x1x16xf32>,
    %swap3A_1982 = vector.shape_cast %swap3A_1981 : vector<1x1x16xf32> to vector<16xf32>
    %swap3A_1983 = vector.shape_cast %add3A_1975 : vector<16xf32> to vector<1x1x16xf32>
    tpu.vector_store %arg5[%swap3A_1978, %swap3A_1979, %swap3A_1980], %swap3A_1983 {strides = array<i32>} : memref<2x128x128xf32, #tpu.memory_space<vmem>>, vector<1x1x16xf32>,
    %get3A_1984 = arith.constant 0 : i32
    %get3A_1985 = arith.constant 88 : i32
    %get3A_1986 = arith.index_cast %get3A_1984 : i32 to index
    %get3A_1987 = arith.index_cast %get3A_1985 : i32 to index
    %get3A_1988 = arith.constant 80 : index
    %get3A_1989 = tpu.vector_load %arg5[%get3A_1986, %get3A_1987, %get3A_1988] {strides = array<i32>} : memref<2x128x128xf32, #tpu.memory_space<vmem>>, vector<1x1x16xf32>,
    %get3A_1990 = vector.shape_cast %get3A_1989 : vector<1x1x16xf32> to vector<16xf32>
    %eq3A_1991 = arith.constant 8 : i32
    %eq3A_1992 = vector.broadcast %eq3A_1991 : i32 to vector<16xi32>
    %eq3A_1993 = arith.cmpi eq, %iota3A, %eq3A_1992 : vector<16xi32>
    %jit3A_1994 = arith.constant 0.000000e+00 : f32
    %broadcast_in_dim3A_1995 = vector.broadcast %jit3A_1994 : f32 to vector<16xf32>
    %select_n3A_1996 = arith.select %eq3A_1993, %get3A_2, %broadcast_in_dim3A_1995 : vector<16xi1>, vector<16xf32>
    %add3A_1997 = arith.addf %get3A_1990, %select_n3A_1996 : vector<16xf32>
    %swap3A_1998 = arith.constant 0 : i32
    %swap3A_1999 = arith.constant 88 : i32
    %swap3A_2000 = arith.index_cast %swap3A_1998 : i32 to index
    %swap3A_2001 = arith.index_cast %swap3A_1999 : i32 to index
    %swap3A_2002 = arith.constant 80 : index
    %swap3A_2003 = tpu.vector_load %arg5[%swap3A_2000, %swap3A_2001, %swap3A_2002] {strides = array<i32>} : memref<2x128x128xf32, #tpu.memory_space<vmem>>, vector<1x1x16xf32>,
    %swap3A_2004 = vector.shape_cast %swap3A_2003 : vector<1x1x16xf32> to vector<16xf32>
    %swap3A_2005 = vector.shape_cast %add3A_1997 : vector<16xf32> to vector<1x1x16xf32>
    tpu.vector_store %arg5[%swap3A_2000, %swap3A_2001, %swap3A_2002], %swap3A_2005 {strides = array<i32>} : memref<2x128x128xf32, #tpu.memory_space<vmem>>, vector<1x1x16xf32>,
    %get3A_2006 = arith.constant 0 : i32
    %get3A_2007 = arith.constant 89 : i32
    %get3A_2008 = arith.index_cast %get3A_2006 : i32 to index
    %get3A_2009 = arith.index_cast %get3A_2007 : i32 to index
    %get3A_2010 = arith.constant 80 : index
    %get3A_2011 = tpu.vector_load %arg5[%get3A_2008, %get3A_2009, %get3A_2010] {strides = array<i32>} : memref<2x128x128xf32, #tpu.memory_space<vmem>>, vector<1x1x16xf32>,
    %get3A_2012 = vector.shape_cast %get3A_2011 : vector<1x1x16xf32> to vector<16xf32>
    %eq3A_2013 = arith.constant 9 : i32
    %eq3A_2014 = vector.broadcast %eq3A_2013 : i32 to vector<16xi32>
    %eq3A_2015 = arith.cmpi eq, %iota3A, %eq3A_2014 : vector<16xi32>
    %jit3A_2016 = arith.constant 0.000000e+00 : f32
    %broadcast_in_dim3A_2017 = vector.broadcast %jit3A_2016 : f32 to vector<16xf32>
    %select_n3A_2018 = arith.select %eq3A_2015, %get3A_2, %broadcast_in_dim3A_2017 : vector<16xi1>, vector<16xf32>
    %add3A_2019 = arith.addf %get3A_2012, %select_n3A_2018 : vector<16xf32>
    %swap3A_2020 = arith.constant 0 : i32
    %swap3A_2021 = arith.constant 89 : i32
    %swap3A_2022 = arith.index_cast %swap3A_2020 : i32 to index
    %swap3A_2023 = arith.index_cast %swap3A_2021 : i32 to index
    %swap3A_2024 = arith.constant 80 : index
    %swap3A_2025 = tpu.vector_load %arg5[%swap3A_2022, %swap3A_2023, %swap3A_2024] {strides = array<i32>} : memref<2x128x128xf32, #tpu.memory_space<vmem>>, vector<1x1x16xf32>,
    %swap3A_2026 = vector.shape_cast %swap3A_2025 : vector<1x1x16xf32> to vector<16xf32>
    %swap3A_2027 = vector.shape_cast %add3A_2019 : vector<16xf32> to vector<1x1x16xf32>
    tpu.vector_store %arg5[%swap3A_2022, %swap3A_2023, %swap3A_2024], %swap3A_2027 {strides = array<i32>} : memref<2x128x128xf32, #tpu.memory_space<vmem>>, vector<1x1x16xf32>,
    %get3A_2028 = arith.constant 0 : i32
    %get3A_2029 = arith.constant 90 : i32
    %get3A_2030 = arith.index_cast %get3A_2028 : i32 to index
    %get3A_2031 = arith.index_cast %get3A_2029 : i32 to index
    %get3A_2032 = arith.constant 80 : index
    %get3A_2033 = tpu.vector_load %arg5[%get3A_2030, %get3A_2031, %get3A_2032] {strides = array<i32>} : memref<2x128x128xf32, #tpu.memory_space<vmem>>, vector<1x1x16xf32>,
    %get3A_2034 = vector.shape_cast %get3A_2033 : vector<1x1x16xf32> to vector<16xf32>
    %eq3A_2035 = arith.constant 10 : i32
    %eq3A_2036 = vector.broadcast %eq3A_2035 : i32 to vector<16xi32>
    %eq3A_2037 = arith.cmpi eq, %iota3A, %eq3A_2036 : vector<16xi32>
    %jit3A_2038 = arith.constant 0.000000e+00 : f32
    %broadcast_in_dim3A_2039 = vector.broadcast %jit3A_2038 : f32 to vector<16xf32>
    %select_n3A_2040 = arith.select %eq3A_2037, %get3A_2, %broadcast_in_dim3A_2039 : vector<16xi1>, vector<16xf32>
    %add3A_2041 = arith.addf %get3A_2034, %select_n3A_2040 : vector<16xf32>
    %swap3A_2042 = arith.constant 0 : i32
    %swap3A_2043 = arith.constant 90 : i32
    %swap3A_2044 = arith.index_cast %swap3A_2042 : i32 to index
    %swap3A_2045 = arith.index_cast %swap3A_2043 : i32 to index
    %swap3A_2046 = arith.constant 80 : index
    %swap3A_2047 = tpu.vector_load %arg5[%swap3A_2044, %swap3A_2045, %swap3A_2046] {strides = array<i32>} : memref<2x128x128xf32, #tpu.memory_space<vmem>>, vector<1x1x16xf32>,
    %swap3A_2048 = vector.shape_cast %swap3A_2047 : vector<1x1x16xf32> to vector<16xf32>
    %swap3A_2049 = vector.shape_cast %add3A_2041 : vector<16xf32> to vector<1x1x16xf32>
    tpu.vector_store %arg5[%swap3A_2044, %swap3A_2045, %swap3A_2046], %swap3A_2049 {strides = array<i32>} : memref<2x128x128xf32, #tpu.memory_space<vmem>>, vector<1x1x16xf32>,
    %get3A_2050 = arith.constant 0 : i32
    %get3A_2051 = arith.constant 91 : i32
    %get3A_2052 = arith.index_cast %get3A_2050 : i32 to index
    %get3A_2053 = arith.index_cast %get3A_2051 : i32 to index
    %get3A_2054 = arith.constant 80 : index
    %get3A_2055 = tpu.vector_load %arg5[%get3A_2052, %get3A_2053, %get3A_2054] {strides = array<i32>} : memref<2x128x128xf32, #tpu.memory_space<vmem>>, vector<1x1x16xf32>,
    %get3A_2056 = vector.shape_cast %get3A_2055 : vector<1x1x16xf32> to vector<16xf32>
    %eq3A_2057 = arith.constant 11 : i32
    %eq3A_2058 = vector.broadcast %eq3A_2057 : i32 to vector<16xi32>
    %eq3A_2059 = arith.cmpi eq, %iota3A, %eq3A_2058 : vector<16xi32>
    %jit3A_2060 = arith.constant 0.000000e+00 : f32
    %broadcast_in_dim3A_2061 = vector.broadcast %jit3A_2060 : f32 to vector<16xf32>
    %select_n3A_2062 = arith.select %eq3A_2059, %get3A_2, %broadcast_in_dim3A_2061 : vector<16xi1>, vector<16xf32>
    %add3A_2063 = arith.addf %get3A_2056, %select_n3A_2062 : vector<16xf32>
    %swap3A_2064 = arith.constant 0 : i32
    %swap3A_2065 = arith.constant 91 : i32
    %swap3A_2066 = arith.index_cast %swap3A_2064 : i32 to index
    %swap3A_2067 = arith.index_cast %swap3A_2065 : i32 to index
    %swap3A_2068 = arith.constant 80 : index
    %swap3A_2069 = tpu.vector_load %arg5[%swap3A_2066, %swap3A_2067, %swap3A_2068] {strides = array<i32>} : memref<2x128x128xf32, #tpu.memory_space<vmem>>, vector<1x1x16xf32>,
    %swap3A_2070 = vector.shape_cast %swap3A_2069 : vector<1x1x16xf32> to vector<16xf32>
    %swap3A_2071 = vector.shape_cast %add3A_2063 : vector<16xf32> to vector<1x1x16xf32>
    tpu.vector_store %arg5[%swap3A_2066, %swap3A_2067, %swap3A_2068], %swap3A_2071 {strides = array<i32>} : memref<2x128x128xf32, #tpu.memory_space<vmem>>, vector<1x1x16xf32>,
    %get3A_2072 = arith.constant 0 : i32
    %get3A_2073 = arith.constant 92 : i32
    %get3A_2074 = arith.index_cast %get3A_2072 : i32 to index
    %get3A_2075 = arith.index_cast %get3A_2073 : i32 to index
    %get3A_2076 = arith.constant 80 : index
    %get3A_2077 = tpu.vector_load %arg5[%get3A_2074, %get3A_2075, %get3A_2076] {strides = array<i32>} : memref<2x128x128xf32, #tpu.memory_space<vmem>>, vector<1x1x16xf32>,
    %get3A_2078 = vector.shape_cast %get3A_2077 : vector<1x1x16xf32> to vector<16xf32>
    %eq3A_2079 = arith.constant 12 : i32
    %eq3A_2080 = vector.broadcast %eq3A_2079 : i32 to vector<16xi32>
    %eq3A_2081 = arith.cmpi eq, %iota3A, %eq3A_2080 : vector<16xi32>
    %jit3A_2082 = arith.constant 0.000000e+00 : f32
    %broadcast_in_dim3A_2083 = vector.broadcast %jit3A_2082 : f32 to vector<16xf32>
    %select_n3A_2084 = arith.select %eq3A_2081, %get3A_2, %broadcast_in_dim3A_2083 : vector<16xi1>, vector<16xf32>
    %add3A_2085 = arith.addf %get3A_2078, %select_n3A_2084 : vector<16xf32>
    %swap3A_2086 = arith.constant 0 : i32
    %swap3A_2087 = arith.constant 92 : i32
    %swap3A_2088 = arith.index_cast %swap3A_2086 : i32 to index
    %swap3A_2089 = arith.index_cast %swap3A_2087 : i32 to index
    %swap3A_2090 = arith.constant 80 : index
    %swap3A_2091 = tpu.vector_load %arg5[%swap3A_2088, %swap3A_2089, %swap3A_2090] {strides = array<i32>} : memref<2x128x128xf32, #tpu.memory_space<vmem>>, vector<1x1x16xf32>,
    %swap3A_2092 = vector.shape_cast %swap3A_2091 : vector<1x1x16xf32> to vector<16xf32>
    %swap3A_2093 = vector.shape_cast %add3A_2085 : vector<16xf32> to vector<1x1x16xf32>
    tpu.vector_store %arg5[%swap3A_2088, %swap3A_2089, %swap3A_2090], %swap3A_2093 {strides = array<i32>} : memref<2x128x128xf32, #tpu.memory_space<vmem>>, vector<1x1x16xf32>,
    %get3A_2094 = arith.constant 0 : i32
    %get3A_2095 = arith.constant 93 : i32
    %get3A_2096 = arith.index_cast %get3A_2094 : i32 to index
    %get3A_2097 = arith.index_cast %get3A_2095 : i32 to index
    %get3A_2098 = arith.constant 80 : index
    %get3A_2099 = tpu.vector_load %arg5[%get3A_2096, %get3A_2097, %get3A_2098] {strides = array<i32>} : memref<2x128x128xf32, #tpu.memory_space<vmem>>, vector<1x1x16xf32>,
    %get3A_2100 = vector.shape_cast %get3A_2099 : vector<1x1x16xf32> to vector<16xf32>
    %eq3A_2101 = arith.constant 13 : i32
    %eq3A_2102 = vector.broadcast %eq3A_2101 : i32 to vector<16xi32>
    %eq3A_2103 = arith.cmpi eq, %iota3A, %eq3A_2102 : vector<16xi32>
    %jit3A_2104 = arith.constant 0.000000e+00 : f32
    %broadcast_in_dim3A_2105 = vector.broadcast %jit3A_2104 : f32 to vector<16xf32>
    %select_n3A_2106 = arith.select %eq3A_2103, %get3A_2, %broadcast_in_dim3A_2105 : vector<16xi1>, vector<16xf32>
    %add3A_2107 = arith.addf %get3A_2100, %select_n3A_2106 : vector<16xf32>
    %swap3A_2108 = arith.constant 0 : i32
    %swap3A_2109 = arith.constant 93 : i32
    %swap3A_2110 = arith.index_cast %swap3A_2108 : i32 to index
    %swap3A_2111 = arith.index_cast %swap3A_2109 : i32 to index
    %swap3A_2112 = arith.constant 80 : index
    %swap3A_2113 = tpu.vector_load %arg5[%swap3A_2110, %swap3A_2111, %swap3A_2112] {strides = array<i32>} : memref<2x128x128xf32, #tpu.memory_space<vmem>>, vector<1x1x16xf32>,
    %swap3A_2114 = vector.shape_cast %swap3A_2113 : vector<1x1x16xf32> to vector<16xf32>
    %swap3A_2115 = vector.shape_cast %add3A_2107 : vector<16xf32> to vector<1x1x16xf32>
    tpu.vector_store %arg5[%swap3A_2110, %swap3A_2111, %swap3A_2112], %swap3A_2115 {strides = array<i32>} : memref<2x128x128xf32, #tpu.memory_space<vmem>>, vector<1x1x16xf32>,
    %get3A_2116 = arith.constant 0 : i32
    %get3A_2117 = arith.constant 94 : i32
    %get3A_2118 = arith.index_cast %get3A_2116 : i32 to index
    %get3A_2119 = arith.index_cast %get3A_2117 : i32 to index
    %get3A_2120 = arith.constant 80 : index
    %get3A_2121 = tpu.vector_load %arg5[%get3A_2118, %get3A_2119, %get3A_2120] {strides = array<i32>} : memref<2x128x128xf32, #tpu.memory_space<vmem>>, vector<1x1x16xf32>,
    %get3A_2122 = vector.shape_cast %get3A_2121 : vector<1x1x16xf32> to vector<16xf32>
    %eq3A_2123 = arith.constant 14 : i32
    %eq3A_2124 = vector.broadcast %eq3A_2123 : i32 to vector<16xi32>
    %eq3A_2125 = arith.cmpi eq, %iota3A, %eq3A_2124 : vector<16xi32>
    %jit3A_2126 = arith.constant 0.000000e+00 : f32
    %broadcast_in_dim3A_2127 = vector.broadcast %jit3A_2126 : f32 to vector<16xf32>
    %select_n3A_2128 = arith.select %eq3A_2125, %get3A_2, %broadcast_in_dim3A_2127 : vector<16xi1>, vector<16xf32>
    %add3A_2129 = arith.addf %get3A_2122, %select_n3A_2128 : vector<16xf32>
    %swap3A_2130 = arith.constant 0 : i32
    %swap3A_2131 = arith.constant 94 : i32
    %swap3A_2132 = arith.index_cast %swap3A_2130 : i32 to index
    %swap3A_2133 = arith.index_cast %swap3A_2131 : i32 to index
    %swap3A_2134 = arith.constant 80 : index
    %swap3A_2135 = tpu.vector_load %arg5[%swap3A_2132, %swap3A_2133, %swap3A_2134] {strides = array<i32>} : memref<2x128x128xf32, #tpu.memory_space<vmem>>, vector<1x1x16xf32>,
    %swap3A_2136 = vector.shape_cast %swap3A_2135 : vector<1x1x16xf32> to vector<16xf32>
    %swap3A_2137 = vector.shape_cast %add3A_2129 : vector<16xf32> to vector<1x1x16xf32>
    tpu.vector_store %arg5[%swap3A_2132, %swap3A_2133, %swap3A_2134], %swap3A_2137 {strides = array<i32>} : memref<2x128x128xf32, #tpu.memory_space<vmem>>, vector<1x1x16xf32>,
    %get3A_2138 = arith.constant 0 : i32
    %get3A_2139 = arith.constant 95 : i32
    %get3A_2140 = arith.index_cast %get3A_2138 : i32 to index
    %get3A_2141 = arith.index_cast %get3A_2139 : i32 to index
    %get3A_2142 = arith.constant 80 : index
    %get3A_2143 = tpu.vector_load %arg5[%get3A_2140, %get3A_2141, %get3A_2142] {strides = array<i32>} : memref<2x128x128xf32, #tpu.memory_space<vmem>>, vector<1x1x16xf32>,
    %get3A_2144 = vector.shape_cast %get3A_2143 : vector<1x1x16xf32> to vector<16xf32>
    %eq3A_2145 = arith.constant 15 : i32
    %eq3A_2146 = vector.broadcast %eq3A_2145 : i32 to vector<16xi32>
    %eq3A_2147 = arith.cmpi eq, %iota3A, %eq3A_2146 : vector<16xi32>
    %jit3A_2148 = arith.constant 0.000000e+00 : f32
    %broadcast_in_dim3A_2149 = vector.broadcast %jit3A_2148 : f32 to vector<16xf32>
    %select_n3A_2150 = arith.select %eq3A_2147, %get3A_2, %broadcast_in_dim3A_2149 : vector<16xi1>, vector<16xf32>
    %add3A_2151 = arith.addf %get3A_2144, %select_n3A_2150 : vector<16xf32>
    %swap3A_2152 = arith.constant 0 : i32
    %swap3A_2153 = arith.constant 95 : i32
    %swap3A_2154 = arith.index_cast %swap3A_2152 : i32 to index
    %swap3A_2155 = arith.index_cast %swap3A_2153 : i32 to index
    %swap3A_2156 = arith.constant 80 : index
    %swap3A_2157 = tpu.vector_load %arg5[%swap3A_2154, %swap3A_2155, %swap3A_2156] {strides = array<i32>} : memref<2x128x128xf32, #tpu.memory_space<vmem>>, vector<1x1x16xf32>,
    %swap3A_2158 = vector.shape_cast %swap3A_2157 : vector<1x1x16xf32> to vector<16xf32>
    %swap3A_2159 = vector.shape_cast %add3A_2151 : vector<16xf32> to vector<1x1x16xf32>
    tpu.vector_store %arg5[%swap3A_2154, %swap3A_2155, %swap3A_2156], %swap3A_2159 {strides = array<i32>} : memref<2x128x128xf32, #tpu.memory_space<vmem>>, vector<1x1x16xf32>,
    %get3A_2160 = arith.constant 0 : i32
    %get3A_2161 = arith.constant 96 : i32
    %get3A_2162 = arith.index_cast %get3A_2160 : i32 to index
    %get3A_2163 = arith.index_cast %get3A_2161 : i32 to index
    %get3A_2164 = arith.constant 96 : index
    %get3A_2165 = tpu.vector_load %arg5[%get3A_2162, %get3A_2163, %get3A_2164] {strides = array<i32>} : memref<2x128x128xf32, #tpu.memory_space<vmem>>, vector<1x1x16xf32>,
    %get3A_2166 = vector.shape_cast %get3A_2165 : vector<1x1x16xf32> to vector<16xf32>
    %eq3A_2167 = arith.constant 0 : i32
    %eq3A_2168 = vector.broadcast %eq3A_2167 : i32 to vector<16xi32>
    %eq3A_2169 = arith.cmpi eq, %iota3A, %eq3A_2168 : vector<16xi32>
    %jit3A_2170 = arith.constant 0.000000e+00 : f32
    %broadcast_in_dim3A_2171 = vector.broadcast %jit3A_2170 : f32 to vector<16xf32>
    %select_n3A_2172 = arith.select %eq3A_2169, %get3A_2, %broadcast_in_dim3A_2171 : vector<16xi1>, vector<16xf32>
    %add3A_2173 = arith.addf %get3A_2166, %select_n3A_2172 : vector<16xf32>
    %swap3A_2174 = arith.constant 0 : i32
    %swap3A_2175 = arith.constant 96 : i32
    %swap3A_2176 = arith.index_cast %swap3A_2174 : i32 to index
    %swap3A_2177 = arith.index_cast %swap3A_2175 : i32 to index
    %swap3A_2178 = arith.constant 96 : index
    %swap3A_2179 = tpu.vector_load %arg5[%swap3A_2176, %swap3A_2177, %swap3A_2178] {strides = array<i32>} : memref<2x128x128xf32, #tpu.memory_space<vmem>>, vector<1x1x16xf32>,
    %swap3A_2180 = vector.shape_cast %swap3A_2179 : vector<1x1x16xf32> to vector<16xf32>
    %swap3A_2181 = vector.shape_cast %add3A_2173 : vector<16xf32> to vector<1x1x16xf32>
    tpu.vector_store %arg5[%swap3A_2176, %swap3A_2177, %swap3A_2178], %swap3A_2181 {strides = array<i32>} : memref<2x128x128xf32, #tpu.memory_space<vmem>>, vector<1x1x16xf32>,
    %get3A_2182 = arith.constant 0 : i32
    %get3A_2183 = arith.constant 97 : i32
    %get3A_2184 = arith.index_cast %get3A_2182 : i32 to index
    %get3A_2185 = arith.index_cast %get3A_2183 : i32 to index
    %get3A_2186 = arith.constant 96 : index
    %get3A_2187 = tpu.vector_load %arg5[%get3A_2184, %get3A_2185, %get3A_2186] {strides = array<i32>} : memref<2x128x128xf32, #tpu.memory_space<vmem>>, vector<1x1x16xf32>,
    %get3A_2188 = vector.shape_cast %get3A_2187 : vector<1x1x16xf32> to vector<16xf32>
    %eq3A_2189 = arith.constant 1 : i32
    %eq3A_2190 = vector.broadcast %eq3A_2189 : i32 to vector<16xi32>
    %eq3A_2191 = arith.cmpi eq, %iota3A, %eq3A_2190 : vector<16xi32>
    %jit3A_2192 = arith.constant 0.000000e+00 : f32
    %broadcast_in_dim3A_2193 = vector.broadcast %jit3A_2192 : f32 to vector<16xf32>
    %select_n3A_2194 = arith.select %eq3A_2191, %get3A_2, %broadcast_in_dim3A_2193 : vector<16xi1>, vector<16xf32>
    %add3A_2195 = arith.addf %get3A_2188, %select_n3A_2194 : vector<16xf32>
    %swap3A_2196 = arith.constant 0 : i32
    %swap3A_2197 = arith.constant 97 : i32
    %swap3A_2198 = arith.index_cast %swap3A_2196 : i32 to index
    %swap3A_2199 = arith.index_cast %swap3A_2197 : i32 to index
    %swap3A_2200 = arith.constant 96 : index
    %swap3A_2201 = tpu.vector_load %arg5[%swap3A_2198, %swap3A_2199, %swap3A_2200] {strides = array<i32>} : memref<2x128x128xf32, #tpu.memory_space<vmem>>, vector<1x1x16xf32>,
    %swap3A_2202 = vector.shape_cast %swap3A_2201 : vector<1x1x16xf32> to vector<16xf32>
    %swap3A_2203 = vector.shape_cast %add3A_2195 : vector<16xf32> to vector<1x1x16xf32>
    tpu.vector_store %arg5[%swap3A_2198, %swap3A_2199, %swap3A_2200], %swap3A_2203 {strides = array<i32>} : memref<2x128x128xf32, #tpu.memory_space<vmem>>, vector<1x1x16xf32>,
    %get3A_2204 = arith.constant 0 : i32
    %get3A_2205 = arith.constant 98 : i32
    %get3A_2206 = arith.index_cast %get3A_2204 : i32 to index
    %get3A_2207 = arith.index_cast %get3A_2205 : i32 to index
    %get3A_2208 = arith.constant 96 : index
    %get3A_2209 = tpu.vector_load %arg5[%get3A_2206, %get3A_2207, %get3A_2208] {strides = array<i32>} : memref<2x128x128xf32, #tpu.memory_space<vmem>>, vector<1x1x16xf32>,
    %get3A_2210 = vector.shape_cast %get3A_2209 : vector<1x1x16xf32> to vector<16xf32>
    %eq3A_2211 = arith.constant 2 : i32
    %eq3A_2212 = vector.broadcast %eq3A_2211 : i32 to vector<16xi32>
    %eq3A_2213 = arith.cmpi eq, %iota3A, %eq3A_2212 : vector<16xi32>
    %jit3A_2214 = arith.constant 0.000000e+00 : f32
    %broadcast_in_dim3A_2215 = vector.broadcast %jit3A_2214 : f32 to vector<16xf32>
    %select_n3A_2216 = arith.select %eq3A_2213, %get3A_2, %broadcast_in_dim3A_2215 : vector<16xi1>, vector<16xf32>
    %add3A_2217 = arith.addf %get3A_2210, %select_n3A_2216 : vector<16xf32>
    %swap3A_2218 = arith.constant 0 : i32
    %swap3A_2219 = arith.constant 98 : i32
    %swap3A_2220 = arith.index_cast %swap3A_2218 : i32 to index
    %swap3A_2221 = arith.index_cast %swap3A_2219 : i32 to index
    %swap3A_2222 = arith.constant 96 : index
    %swap3A_2223 = tpu.vector_load %arg5[%swap3A_2220, %swap3A_2221, %swap3A_2222] {strides = array<i32>} : memref<2x128x128xf32, #tpu.memory_space<vmem>>, vector<1x1x16xf32>,
    %swap3A_2224 = vector.shape_cast %swap3A_2223 : vector<1x1x16xf32> to vector<16xf32>
    %swap3A_2225 = vector.shape_cast %add3A_2217 : vector<16xf32> to vector<1x1x16xf32>
    tpu.vector_store %arg5[%swap3A_2220, %swap3A_2221, %swap3A_2222], %swap3A_2225 {strides = array<i32>} : memref<2x128x128xf32, #tpu.memory_space<vmem>>, vector<1x1x16xf32>,
    %get3A_2226 = arith.constant 0 : i32
    %get3A_2227 = arith.constant 99 : i32
    %get3A_2228 = arith.index_cast %get3A_2226 : i32 to index
    %get3A_2229 = arith.index_cast %get3A_2227 : i32 to index
    %get3A_2230 = arith.constant 96 : index
    %get3A_2231 = tpu.vector_load %arg5[%get3A_2228, %get3A_2229, %get3A_2230] {strides = array<i32>} : memref<2x128x128xf32, #tpu.memory_space<vmem>>, vector<1x1x16xf32>,
    %get3A_2232 = vector.shape_cast %get3A_2231 : vector<1x1x16xf32> to vector<16xf32>
    %eq3A_2233 = arith.constant 3 : i32
    %eq3A_2234 = vector.broadcast %eq3A_2233 : i32 to vector<16xi32>
    %eq3A_2235 = arith.cmpi eq, %iota3A, %eq3A_2234 : vector<16xi32>
    %jit3A_2236 = arith.constant 0.000000e+00 : f32
    %broadcast_in_dim3A_2237 = vector.broadcast %jit3A_2236 : f32 to vector<16xf32>
    %select_n3A_2238 = arith.select %eq3A_2235, %get3A_2, %broadcast_in_dim3A_2237 : vector<16xi1>, vector<16xf32>
    %add3A_2239 = arith.addf %get3A_2232, %select_n3A_2238 : vector<16xf32>
    %swap3A_2240 = arith.constant 0 : i32
    %swap3A_2241 = arith.constant 99 : i32
    %swap3A_2242 = arith.index_cast %swap3A_2240 : i32 to index
    %swap3A_2243 = arith.index_cast %swap3A_2241 : i32 to index
    %swap3A_2244 = arith.constant 96 : index
    %swap3A_2245 = tpu.vector_load %arg5[%swap3A_2242, %swap3A_2243, %swap3A_2244] {strides = array<i32>} : memref<2x128x128xf32, #tpu.memory_space<vmem>>, vector<1x1x16xf32>,
    %swap3A_2246 = vector.shape_cast %swap3A_2245 : vector<1x1x16xf32> to vector<16xf32>
    %swap3A_2247 = vector.shape_cast %add3A_2239 : vector<16xf32> to vector<1x1x16xf32>
    tpu.vector_store %arg5[%swap3A_2242, %swap3A_2243, %swap3A_2244], %swap3A_2247 {strides = array<i32>} : memref<2x128x128xf32, #tpu.memory_space<vmem>>, vector<1x1x16xf32>,
    %get3A_2248 = arith.constant 0 : i32
    %get3A_2249 = arith.constant 100 : i32
    %get3A_2250 = arith.index_cast %get3A_2248 : i32 to index
    %get3A_2251 = arith.index_cast %get3A_2249 : i32 to index
    %get3A_2252 = arith.constant 96 : index
    %get3A_2253 = tpu.vector_load %arg5[%get3A_2250, %get3A_2251, %get3A_2252] {strides = array<i32>} : memref<2x128x128xf32, #tpu.memory_space<vmem>>, vector<1x1x16xf32>,
    %get3A_2254 = vector.shape_cast %get3A_2253 : vector<1x1x16xf32> to vector<16xf32>
    %eq3A_2255 = arith.constant 4 : i32
    %eq3A_2256 = vector.broadcast %eq3A_2255 : i32 to vector<16xi32>
    %eq3A_2257 = arith.cmpi eq, %iota3A, %eq3A_2256 : vector<16xi32>
    %jit3A_2258 = arith.constant 0.000000e+00 : f32
    %broadcast_in_dim3A_2259 = vector.broadcast %jit3A_2258 : f32 to vector<16xf32>
    %select_n3A_2260 = arith.select %eq3A_2257, %get3A_2, %broadcast_in_dim3A_2259 : vector<16xi1>, vector<16xf32>
    %add3A_2261 = arith.addf %get3A_2254, %select_n3A_2260 : vector<16xf32>
    %swap3A_2262 = arith.constant 0 : i32
    %swap3A_2263 = arith.constant 100 : i32
    %swap3A_2264 = arith.index_cast %swap3A_2262 : i32 to index
    %swap3A_2265 = arith.index_cast %swap3A_2263 : i32 to index
    %swap3A_2266 = arith.constant 96 : index
    %swap3A_2267 = tpu.vector_load %arg5[%swap3A_2264, %swap3A_2265, %swap3A_2266] {strides = array<i32>} : memref<2x128x128xf32, #tpu.memory_space<vmem>>, vector<1x1x16xf32>,
    %swap3A_2268 = vector.shape_cast %swap3A_2267 : vector<1x1x16xf32> to vector<16xf32>
    %swap3A_2269 = vector.shape_cast %add3A_2261 : vector<16xf32> to vector<1x1x16xf32>
    tpu.vector_store %arg5[%swap3A_2264, %swap3A_2265, %swap3A_2266], %swap3A_2269 {strides = array<i32>} : memref<2x128x128xf32, #tpu.memory_space<vmem>>, vector<1x1x16xf32>,
    %get3A_2270 = arith.constant 0 : i32
    %get3A_2271 = arith.constant 101 : i32
    %get3A_2272 = arith.index_cast %get3A_2270 : i32 to index
    %get3A_2273 = arith.index_cast %get3A_2271 : i32 to index
    %get3A_2274 = arith.constant 96 : index
    %get3A_2275 = tpu.vector_load %arg5[%get3A_2272, %get3A_2273, %get3A_2274] {strides = array<i32>} : memref<2x128x128xf32, #tpu.memory_space<vmem>>, vector<1x1x16xf32>,
    %get3A_2276 = vector.shape_cast %get3A_2275 : vector<1x1x16xf32> to vector<16xf32>
    %eq3A_2277 = arith.constant 5 : i32
    %eq3A_2278 = vector.broadcast %eq3A_2277 : i32 to vector<16xi32>
    %eq3A_2279 = arith.cmpi eq, %iota3A, %eq3A_2278 : vector<16xi32>
    %jit3A_2280 = arith.constant 0.000000e+00 : f32
    %broadcast_in_dim3A_2281 = vector.broadcast %jit3A_2280 : f32 to vector<16xf32>
    %select_n3A_2282 = arith.select %eq3A_2279, %get3A_2, %broadcast_in_dim3A_2281 : vector<16xi1>, vector<16xf32>
    %add3A_2283 = arith.addf %get3A_2276, %select_n3A_2282 : vector<16xf32>
    %swap3A_2284 = arith.constant 0 : i32
    %swap3A_2285 = arith.constant 101 : i32
    %swap3A_2286 = arith.index_cast %swap3A_2284 : i32 to index
    %swap3A_2287 = arith.index_cast %swap3A_2285 : i32 to index
    %swap3A_2288 = arith.constant 96 : index
    %swap3A_2289 = tpu.vector_load %arg5[%swap3A_2286, %swap3A_2287, %swap3A_2288] {strides = array<i32>} : memref<2x128x128xf32, #tpu.memory_space<vmem>>, vector<1x1x16xf32>,
    %swap3A_2290 = vector.shape_cast %swap3A_2289 : vector<1x1x16xf32> to vector<16xf32>
    %swap3A_2291 = vector.shape_cast %add3A_2283 : vector<16xf32> to vector<1x1x16xf32>
    tpu.vector_store %arg5[%swap3A_2286, %swap3A_2287, %swap3A_2288], %swap3A_2291 {strides = array<i32>} : memref<2x128x128xf32, #tpu.memory_space<vmem>>, vector<1x1x16xf32>,
    %get3A_2292 = arith.constant 0 : i32
    %get3A_2293 = arith.constant 102 : i32
    %get3A_2294 = arith.index_cast %get3A_2292 : i32 to index
    %get3A_2295 = arith.index_cast %get3A_2293 : i32 to index
    %get3A_2296 = arith.constant 96 : index
    %get3A_2297 = tpu.vector_load %arg5[%get3A_2294, %get3A_2295, %get3A_2296] {strides = array<i32>} : memref<2x128x128xf32, #tpu.memory_space<vmem>>, vector<1x1x16xf32>,
    %get3A_2298 = vector.shape_cast %get3A_2297 : vector<1x1x16xf32> to vector<16xf32>
    %eq3A_2299 = arith.constant 6 : i32
    %eq3A_2300 = vector.broadcast %eq3A_2299 : i32 to vector<16xi32>
    %eq3A_2301 = arith.cmpi eq, %iota3A, %eq3A_2300 : vector<16xi32>
    %jit3A_2302 = arith.constant 0.000000e+00 : f32
    %broadcast_in_dim3A_2303 = vector.broadcast %jit3A_2302 : f32 to vector<16xf32>
    %select_n3A_2304 = arith.select %eq3A_2301, %get3A_2, %broadcast_in_dim3A_2303 : vector<16xi1>, vector<16xf32>
    %add3A_2305 = arith.addf %get3A_2298, %select_n3A_2304 : vector<16xf32>
    %swap3A_2306 = arith.constant 0 : i32
    %swap3A_2307 = arith.constant 102 : i32
    %swap3A_2308 = arith.index_cast %swap3A_2306 : i32 to index
    %swap3A_2309 = arith.index_cast %swap3A_2307 : i32 to index
    %swap3A_2310 = arith.constant 96 : index
    %swap3A_2311 = tpu.vector_load %arg5[%swap3A_2308, %swap3A_2309, %swap3A_2310] {strides = array<i32>} : memref<2x128x128xf32, #tpu.memory_space<vmem>>, vector<1x1x16xf32>,
    %swap3A_2312 = vector.shape_cast %swap3A_2311 : vector<1x1x16xf32> to vector<16xf32>
    %swap3A_2313 = vector.shape_cast %add3A_2305 : vector<16xf32> to vector<1x1x16xf32>
    tpu.vector_store %arg5[%swap3A_2308, %swap3A_2309, %swap3A_2310], %swap3A_2313 {strides = array<i32>} : memref<2x128x128xf32, #tpu.memory_space<vmem>>, vector<1x1x16xf32>,
    %get3A_2314 = arith.constant 0 : i32
    %get3A_2315 = arith.constant 103 : i32
    %get3A_2316 = arith.index_cast %get3A_2314 : i32 to index
    %get3A_2317 = arith.index_cast %get3A_2315 : i32 to index
    %get3A_2318 = arith.constant 96 : index
    %get3A_2319 = tpu.vector_load %arg5[%get3A_2316, %get3A_2317, %get3A_2318] {strides = array<i32>} : memref<2x128x128xf32, #tpu.memory_space<vmem>>, vector<1x1x16xf32>,
    %get3A_2320 = vector.shape_cast %get3A_2319 : vector<1x1x16xf32> to vector<16xf32>
    %eq3A_2321 = arith.constant 7 : i32
    %eq3A_2322 = vector.broadcast %eq3A_2321 : i32 to vector<16xi32>
    %eq3A_2323 = arith.cmpi eq, %iota3A, %eq3A_2322 : vector<16xi32>
    %jit3A_2324 = arith.constant 0.000000e+00 : f32
    %broadcast_in_dim3A_2325 = vector.broadcast %jit3A_2324 : f32 to vector<16xf32>
    %select_n3A_2326 = arith.select %eq3A_2323, %get3A_2, %broadcast_in_dim3A_2325 : vector<16xi1>, vector<16xf32>
    %add3A_2327 = arith.addf %get3A_2320, %select_n3A_2326 : vector<16xf32>
    %swap3A_2328 = arith.constant 0 : i32
    %swap3A_2329 = arith.constant 103 : i32
    %swap3A_2330 = arith.index_cast %swap3A_2328 : i32 to index
    %swap3A_2331 = arith.index_cast %swap3A_2329 : i32 to index
    %swap3A_2332 = arith.constant 96 : index
    %swap3A_2333 = tpu.vector_load %arg5[%swap3A_2330, %swap3A_2331, %swap3A_2332] {strides = array<i32>} : memref<2x128x128xf32, #tpu.memory_space<vmem>>, vector<1x1x16xf32>,
    %swap3A_2334 = vector.shape_cast %swap3A_2333 : vector<1x1x16xf32> to vector<16xf32>
    %swap3A_2335 = vector.shape_cast %add3A_2327 : vector<16xf32> to vector<1x1x16xf32>
    tpu.vector_store %arg5[%swap3A_2330, %swap3A_2331, %swap3A_2332], %swap3A_2335 {strides = array<i32>} : memref<2x128x128xf32, #tpu.memory_space<vmem>>, vector<1x1x16xf32>,
    %get3A_2336 = arith.constant 0 : i32
    %get3A_2337 = arith.constant 104 : i32
    %get3A_2338 = arith.index_cast %get3A_2336 : i32 to index
    %get3A_2339 = arith.index_cast %get3A_2337 : i32 to index
    %get3A_2340 = arith.constant 96 : index
    %get3A_2341 = tpu.vector_load %arg5[%get3A_2338, %get3A_2339, %get3A_2340] {strides = array<i32>} : memref<2x128x128xf32, #tpu.memory_space<vmem>>, vector<1x1x16xf32>,
    %get3A_2342 = vector.shape_cast %get3A_2341 : vector<1x1x16xf32> to vector<16xf32>
    %eq3A_2343 = arith.constant 8 : i32
    %eq3A_2344 = vector.broadcast %eq3A_2343 : i32 to vector<16xi32>
    %eq3A_2345 = arith.cmpi eq, %iota3A, %eq3A_2344 : vector<16xi32>
    %jit3A_2346 = arith.constant 0.000000e+00 : f32
    %broadcast_in_dim3A_2347 = vector.broadcast %jit3A_2346 : f32 to vector<16xf32>
    %select_n3A_2348 = arith.select %eq3A_2345, %get3A_2, %broadcast_in_dim3A_2347 : vector<16xi1>, vector<16xf32>
    %add3A_2349 = arith.addf %get3A_2342, %select_n3A_2348 : vector<16xf32>
    %swap3A_2350 = arith.constant 0 : i32
    %swap3A_2351 = arith.constant 104 : i32
    %swap3A_2352 = arith.index_cast %swap3A_2350 : i32 to index
    %swap3A_2353 = arith.index_cast %swap3A_2351 : i32 to index
    %swap3A_2354 = arith.constant 96 : index
    %swap3A_2355 = tpu.vector_load %arg5[%swap3A_2352, %swap3A_2353, %swap3A_2354] {strides = array<i32>} : memref<2x128x128xf32, #tpu.memory_space<vmem>>, vector<1x1x16xf32>,
    %swap3A_2356 = vector.shape_cast %swap3A_2355 : vector<1x1x16xf32> to vector<16xf32>
    %swap3A_2357 = vector.shape_cast %add3A_2349 : vector<16xf32> to vector<1x1x16xf32>
    tpu.vector_store %arg5[%swap3A_2352, %swap3A_2353, %swap3A_2354], %swap3A_2357 {strides = array<i32>} : memref<2x128x128xf32, #tpu.memory_space<vmem>>, vector<1x1x16xf32>,
    %get3A_2358 = arith.constant 0 : i32
    %get3A_2359 = arith.constant 105 : i32
    %get3A_2360 = arith.index_cast %get3A_2358 : i32 to index
    %get3A_2361 = arith.index_cast %get3A_2359 : i32 to index
    %get3A_2362 = arith.constant 96 : index
    %get3A_2363 = tpu.vector_load %arg5[%get3A_2360, %get3A_2361, %get3A_2362] {strides = array<i32>} : memref<2x128x128xf32, #tpu.memory_space<vmem>>, vector<1x1x16xf32>,
    %get3A_2364 = vector.shape_cast %get3A_2363 : vector<1x1x16xf32> to vector<16xf32>
    %eq3A_2365 = arith.constant 9 : i32
    %eq3A_2366 = vector.broadcast %eq3A_2365 : i32 to vector<16xi32>
    %eq3A_2367 = arith.cmpi eq, %iota3A, %eq3A_2366 : vector<16xi32>
    %jit3A_2368 = arith.constant 0.000000e+00 : f32
    %broadcast_in_dim3A_2369 = vector.broadcast %jit3A_2368 : f32 to vector<16xf32>
    %select_n3A_2370 = arith.select %eq3A_2367, %get3A_2, %broadcast_in_dim3A_2369 : vector<16xi1>, vector<16xf32>
    %add3A_2371 = arith.addf %get3A_2364, %select_n3A_2370 : vector<16xf32>
    %swap3A_2372 = arith.constant 0 : i32
    %swap3A_2373 = arith.constant 105 : i32
    %swap3A_2374 = arith.index_cast %swap3A_2372 : i32 to index
    %swap3A_2375 = arith.index_cast %swap3A_2373 : i32 to index
    %swap3A_2376 = arith.constant 96 : index
    %swap3A_2377 = tpu.vector_load %arg5[%swap3A_2374, %swap3A_2375, %swap3A_2376] {strides = array<i32>} : memref<2x128x128xf32, #tpu.memory_space<vmem>>, vector<1x1x16xf32>,
    %swap3A_2378 = vector.shape_cast %swap3A_2377 : vector<1x1x16xf32> to vector<16xf32>
    %swap3A_2379 = vector.shape_cast %add3A_2371 : vector<16xf32> to vector<1x1x16xf32>
    tpu.vector_store %arg5[%swap3A_2374, %swap3A_2375, %swap3A_2376], %swap3A_2379 {strides = array<i32>} : memref<2x128x128xf32, #tpu.memory_space<vmem>>, vector<1x1x16xf32>,
    %get3A_2380 = arith.constant 0 : i32
    %get3A_2381 = arith.constant 106 : i32
    %get3A_2382 = arith.index_cast %get3A_2380 : i32 to index
    %get3A_2383 = arith.index_cast %get3A_2381 : i32 to index
    %get3A_2384 = arith.constant 96 : index
    %get3A_2385 = tpu.vector_load %arg5[%get3A_2382, %get3A_2383, %get3A_2384] {strides = array<i32>} : memref<2x128x128xf32, #tpu.memory_space<vmem>>, vector<1x1x16xf32>,
    %get3A_2386 = vector.shape_cast %get3A_2385 : vector<1x1x16xf32> to vector<16xf32>
    %eq3A_2387 = arith.constant 10 : i32
    %eq3A_2388 = vector.broadcast %eq3A_2387 : i32 to vector<16xi32>
    %eq3A_2389 = arith.cmpi eq, %iota3A, %eq3A_2388 : vector<16xi32>
    %jit3A_2390 = arith.constant 0.000000e+00 : f32
    %broadcast_in_dim3A_2391 = vector.broadcast %jit3A_2390 : f32 to vector<16xf32>
    %select_n3A_2392 = arith.select %eq3A_2389, %get3A_2, %broadcast_in_dim3A_2391 : vector<16xi1>, vector<16xf32>
    %add3A_2393 = arith.addf %get3A_2386, %select_n3A_2392 : vector<16xf32>
    %swap3A_2394 = arith.constant 0 : i32
    %swap3A_2395 = arith.constant 106 : i32
    %swap3A_2396 = arith.index_cast %swap3A_2394 : i32 to index
    %swap3A_2397 = arith.index_cast %swap3A_2395 : i32 to index
    %swap3A_2398 = arith.constant 96 : index
    %swap3A_2399 = tpu.vector_load %arg5[%swap3A_2396, %swap3A_2397, %swap3A_2398] {strides = array<i32>} : memref<2x128x128xf32, #tpu.memory_space<vmem>>, vector<1x1x16xf32>,
    %swap3A_2400 = vector.shape_cast %swap3A_2399 : vector<1x1x16xf32> to vector<16xf32>
    %swap3A_2401 = vector.shape_cast %add3A_2393 : vector<16xf32> to vector<1x1x16xf32>
    tpu.vector_store %arg5[%swap3A_2396, %swap3A_2397, %swap3A_2398], %swap3A_2401 {strides = array<i32>} : memref<2x128x128xf32, #tpu.memory_space<vmem>>, vector<1x1x16xf32>,
    %get3A_2402 = arith.constant 0 : i32
    %get3A_2403 = arith.constant 107 : i32
    %get3A_2404 = arith.index_cast %get3A_2402 : i32 to index
    %get3A_2405 = arith.index_cast %get3A_2403 : i32 to index
    %get3A_2406 = arith.constant 96 : index
    %get3A_2407 = tpu.vector_load %arg5[%get3A_2404, %get3A_2405, %get3A_2406] {strides = array<i32>} : memref<2x128x128xf32, #tpu.memory_space<vmem>>, vector<1x1x16xf32>,
    %get3A_2408 = vector.shape_cast %get3A_2407 : vector<1x1x16xf32> to vector<16xf32>
    %eq3A_2409 = arith.constant 11 : i32
    %eq3A_2410 = vector.broadcast %eq3A_2409 : i32 to vector<16xi32>
    %eq3A_2411 = arith.cmpi eq, %iota3A, %eq3A_2410 : vector<16xi32>
    %jit3A_2412 = arith.constant 0.000000e+00 : f32
    %broadcast_in_dim3A_2413 = vector.broadcast %jit3A_2412 : f32 to vector<16xf32>
    %select_n3A_2414 = arith.select %eq3A_2411, %get3A_2, %broadcast_in_dim3A_2413 : vector<16xi1>, vector<16xf32>
    %add3A_2415 = arith.addf %get3A_2408, %select_n3A_2414 : vector<16xf32>
    %swap3A_2416 = arith.constant 0 : i32
    %swap3A_2417 = arith.constant 107 : i32
    %swap3A_2418 = arith.index_cast %swap3A_2416 : i32 to index
    %swap3A_2419 = arith.index_cast %swap3A_2417 : i32 to index
    %swap3A_2420 = arith.constant 96 : index
    %swap3A_2421 = tpu.vector_load %arg5[%swap3A_2418, %swap3A_2419, %swap3A_2420] {strides = array<i32>} : memref<2x128x128xf32, #tpu.memory_space<vmem>>, vector<1x1x16xf32>,
    %swap3A_2422 = vector.shape_cast %swap3A_2421 : vector<1x1x16xf32> to vector<16xf32>
    %swap3A_2423 = vector.shape_cast %add3A_2415 : vector<16xf32> to vector<1x1x16xf32>
    tpu.vector_store %arg5[%swap3A_2418, %swap3A_2419, %swap3A_2420], %swap3A_2423 {strides = array<i32>} : memref<2x128x128xf32, #tpu.memory_space<vmem>>, vector<1x1x16xf32>,
    %get3A_2424 = arith.constant 0 : i32
    %get3A_2425 = arith.constant 108 : i32
    %get3A_2426 = arith.index_cast %get3A_2424 : i32 to index
    %get3A_2427 = arith.index_cast %get3A_2425 : i32 to index
    %get3A_2428 = arith.constant 96 : index
    %get3A_2429 = tpu.vector_load %arg5[%get3A_2426, %get3A_2427, %get3A_2428] {strides = array<i32>} : memref<2x128x128xf32, #tpu.memory_space<vmem>>, vector<1x1x16xf32>,
    %get3A_2430 = vector.shape_cast %get3A_2429 : vector<1x1x16xf32> to vector<16xf32>
    %eq3A_2431 = arith.constant 12 : i32
    %eq3A_2432 = vector.broadcast %eq3A_2431 : i32 to vector<16xi32>
    %eq3A_2433 = arith.cmpi eq, %iota3A, %eq3A_2432 : vector<16xi32>
    %jit3A_2434 = arith.constant 0.000000e+00 : f32
    %broadcast_in_dim3A_2435 = vector.broadcast %jit3A_2434 : f32 to vector<16xf32>
    %select_n3A_2436 = arith.select %eq3A_2433, %get3A_2, %broadcast_in_dim3A_2435 : vector<16xi1>, vector<16xf32>
    %add3A_2437 = arith.addf %get3A_2430, %select_n3A_2436 : vector<16xf32>
    %swap3A_2438 = arith.constant 0 : i32
    %swap3A_2439 = arith.constant 108 : i32
    %swap3A_2440 = arith.index_cast %swap3A_2438 : i32 to index
    %swap3A_2441 = arith.index_cast %swap3A_2439 : i32 to index
    %swap3A_2442 = arith.constant 96 : index
    %swap3A_2443 = tpu.vector_load %arg5[%swap3A_2440, %swap3A_2441, %swap3A_2442] {strides = array<i32>} : memref<2x128x128xf32, #tpu.memory_space<vmem>>, vector<1x1x16xf32>,
    %swap3A_2444 = vector.shape_cast %swap3A_2443 : vector<1x1x16xf32> to vector<16xf32>
    %swap3A_2445 = vector.shape_cast %add3A_2437 : vector<16xf32> to vector<1x1x16xf32>
    tpu.vector_store %arg5[%swap3A_2440, %swap3A_2441, %swap3A_2442], %swap3A_2445 {strides = array<i32>} : memref<2x128x128xf32, #tpu.memory_space<vmem>>, vector<1x1x16xf32>,
    %get3A_2446 = arith.constant 0 : i32
    %get3A_2447 = arith.constant 109 : i32
    %get3A_2448 = arith.index_cast %get3A_2446 : i32 to index
    %get3A_2449 = arith.index_cast %get3A_2447 : i32 to index
    %get3A_2450 = arith.constant 96 : index
    %get3A_2451 = tpu.vector_load %arg5[%get3A_2448, %get3A_2449, %get3A_2450] {strides = array<i32>} : memref<2x128x128xf32, #tpu.memory_space<vmem>>, vector<1x1x16xf32>,
    %get3A_2452 = vector.shape_cast %get3A_2451 : vector<1x1x16xf32> to vector<16xf32>
    %eq3A_2453 = arith.constant 13 : i32
    %eq3A_2454 = vector.broadcast %eq3A_2453 : i32 to vector<16xi32>
    %eq3A_2455 = arith.cmpi eq, %iota3A, %eq3A_2454 : vector<16xi32>
    %jit3A_2456 = arith.constant 0.000000e+00 : f32
    %broadcast_in_dim3A_2457 = vector.broadcast %jit3A_2456 : f32 to vector<16xf32>
    %select_n3A_2458 = arith.select %eq3A_2455, %get3A_2, %broadcast_in_dim3A_2457 : vector<16xi1>, vector<16xf32>
    %add3A_2459 = arith.addf %get3A_2452, %select_n3A_2458 : vector<16xf32>
    %swap3A_2460 = arith.constant 0 : i32
    %swap3A_2461 = arith.constant 109 : i32
    %swap3A_2462 = arith.index_cast %swap3A_2460 : i32 to index
    %swap3A_2463 = arith.index_cast %swap3A_2461 : i32 to index
    %swap3A_2464 = arith.constant 96 : index
    %swap3A_2465 = tpu.vector_load %arg5[%swap3A_2462, %swap3A_2463, %swap3A_2464] {strides = array<i32>} : memref<2x128x128xf32, #tpu.memory_space<vmem>>, vector<1x1x16xf32>,
    %swap3A_2466 = vector.shape_cast %swap3A_2465 : vector<1x1x16xf32> to vector<16xf32>
    %swap3A_2467 = vector.shape_cast %add3A_2459 : vector<16xf32> to vector<1x1x16xf32>
    tpu.vector_store %arg5[%swap3A_2462, %swap3A_2463, %swap3A_2464], %swap3A_2467 {strides = array<i32>} : memref<2x128x128xf32, #tpu.memory_space<vmem>>, vector<1x1x16xf32>,
    %get3A_2468 = arith.constant 0 : i32
    %get3A_2469 = arith.constant 110 : i32
    %get3A_2470 = arith.index_cast %get3A_2468 : i32 to index
    %get3A_2471 = arith.index_cast %get3A_2469 : i32 to index
    %get3A_2472 = arith.constant 96 : index
    %get3A_2473 = tpu.vector_load %arg5[%get3A_2470, %get3A_2471, %get3A_2472] {strides = array<i32>} : memref<2x128x128xf32, #tpu.memory_space<vmem>>, vector<1x1x16xf32>,
    %get3A_2474 = vector.shape_cast %get3A_2473 : vector<1x1x16xf32> to vector<16xf32>
    %eq3A_2475 = arith.constant 14 : i32
    %eq3A_2476 = vector.broadcast %eq3A_2475 : i32 to vector<16xi32>
    %eq3A_2477 = arith.cmpi eq, %iota3A, %eq3A_2476 : vector<16xi32>
    %jit3A_2478 = arith.constant 0.000000e+00 : f32
    %broadcast_in_dim3A_2479 = vector.broadcast %jit3A_2478 : f32 to vector<16xf32>
    %select_n3A_2480 = arith.select %eq3A_2477, %get3A_2, %broadcast_in_dim3A_2479 : vector<16xi1>, vector<16xf32>
    %add3A_2481 = arith.addf %get3A_2474, %select_n3A_2480 : vector<16xf32>
    %swap3A_2482 = arith.constant 0 : i32
    %swap3A_2483 = arith.constant 110 : i32
    %swap3A_2484 = arith.index_cast %swap3A_2482 : i32 to index
    %swap3A_2485 = arith.index_cast %swap3A_2483 : i32 to index
    %swap3A_2486 = arith.constant 96 : index
    %swap3A_2487 = tpu.vector_load %arg5[%swap3A_2484, %swap3A_2485, %swap3A_2486] {strides = array<i32>} : memref<2x128x128xf32, #tpu.memory_space<vmem>>, vector<1x1x16xf32>,
    %swap3A_2488 = vector.shape_cast %swap3A_2487 : vector<1x1x16xf32> to vector<16xf32>
    %swap3A_2489 = vector.shape_cast %add3A_2481 : vector<16xf32> to vector<1x1x16xf32>
    tpu.vector_store %arg5[%swap3A_2484, %swap3A_2485, %swap3A_2486], %swap3A_2489 {strides = array<i32>} : memref<2x128x128xf32, #tpu.memory_space<vmem>>, vector<1x1x16xf32>,
    %get3A_2490 = arith.constant 0 : i32
    %get3A_2491 = arith.constant 111 : i32
    %get3A_2492 = arith.index_cast %get3A_2490 : i32 to index
    %get3A_2493 = arith.index_cast %get3A_2491 : i32 to index
    %get3A_2494 = arith.constant 96 : index
    %get3A_2495 = tpu.vector_load %arg5[%get3A_2492, %get3A_2493, %get3A_2494] {strides = array<i32>} : memref<2x128x128xf32, #tpu.memory_space<vmem>>, vector<1x1x16xf32>,
    %get3A_2496 = vector.shape_cast %get3A_2495 : vector<1x1x16xf32> to vector<16xf32>
    %eq3A_2497 = arith.constant 15 : i32
    %eq3A_2498 = vector.broadcast %eq3A_2497 : i32 to vector<16xi32>
    %eq3A_2499 = arith.cmpi eq, %iota3A, %eq3A_2498 : vector<16xi32>
    %jit3A_2500 = arith.constant 0.000000e+00 : f32
    %broadcast_in_dim3A_2501 = vector.broadcast %jit3A_2500 : f32 to vector<16xf32>
    %select_n3A_2502 = arith.select %eq3A_2499, %get3A_2, %broadcast_in_dim3A_2501 : vector<16xi1>, vector<16xf32>
    %add3A_2503 = arith.addf %get3A_2496, %select_n3A_2502 : vector<16xf32>
    %swap3A_2504 = arith.constant 0 : i32
    %swap3A_2505 = arith.constant 111 : i32
    %swap3A_2506 = arith.index_cast %swap3A_2504 : i32 to index
    %swap3A_2507 = arith.index_cast %swap3A_2505 : i32 to index
    %swap3A_2508 = arith.constant 96 : index
    %swap3A_2509 = tpu.vector_load %arg5[%swap3A_2506, %swap3A_2507, %swap3A_2508] {strides = array<i32>} : memref<2x128x128xf32, #tpu.memory_space<vmem>>, vector<1x1x16xf32>,
    %swap3A_2510 = vector.shape_cast %swap3A_2509 : vector<1x1x16xf32> to vector<16xf32>
    %swap3A_2511 = vector.shape_cast %add3A_2503 : vector<16xf32> to vector<1x1x16xf32>
    tpu.vector_store %arg5[%swap3A_2506, %swap3A_2507, %swap3A_2508], %swap3A_2511 {strides = array<i32>} : memref<2x128x128xf32, #tpu.memory_space<vmem>>, vector<1x1x16xf32>,
    %get3A_2512 = arith.constant 0 : i32
    %get3A_2513 = arith.constant 112 : i32
    %get3A_2514 = arith.index_cast %get3A_2512 : i32 to index
    %get3A_2515 = arith.index_cast %get3A_2513 : i32 to index
    %get3A_2516 = arith.constant 112 : index
    %get3A_2517 = tpu.vector_load %arg5[%get3A_2514, %get3A_2515, %get3A_2516] {strides = array<i32>} : memref<2x128x128xf32, #tpu.memory_space<vmem>>, vector<1x1x16xf32>,
    %get3A_2518 = vector.shape_cast %get3A_2517 : vector<1x1x16xf32> to vector<16xf32>
    %eq3A_2519 = arith.constant 0 : i32
    %eq3A_2520 = vector.broadcast %eq3A_2519 : i32 to vector<16xi32>
    %eq3A_2521 = arith.cmpi eq, %iota3A, %eq3A_2520 : vector<16xi32>
    %jit3A_2522 = arith.constant 0.000000e+00 : f32
    %broadcast_in_dim3A_2523 = vector.broadcast %jit3A_2522 : f32 to vector<16xf32>
    %select_n3A_2524 = arith.select %eq3A_2521, %get3A_2, %broadcast_in_dim3A_2523 : vector<16xi1>, vector<16xf32>
    %add3A_2525 = arith.addf %get3A_2518, %select_n3A_2524 : vector<16xf32>
    %swap3A_2526 = arith.constant 0 : i32
    %swap3A_2527 = arith.constant 112 : i32
    %swap3A_2528 = arith.index_cast %swap3A_2526 : i32 to index
    %swap3A_2529 = arith.index_cast %swap3A_2527 : i32 to index
    %swap3A_2530 = arith.constant 112 : index
    %swap3A_2531 = tpu.vector_load %arg5[%swap3A_2528, %swap3A_2529, %swap3A_2530] {strides = array<i32>} : memref<2x128x128xf32, #tpu.memory_space<vmem>>, vector<1x1x16xf32>,
    %swap3A_2532 = vector.shape_cast %swap3A_2531 : vector<1x1x16xf32> to vector<16xf32>
    %swap3A_2533 = vector.shape_cast %add3A_2525 : vector<16xf32> to vector<1x1x16xf32>
    tpu.vector_store %arg5[%swap3A_2528, %swap3A_2529, %swap3A_2530], %swap3A_2533 {strides = array<i32>} : memref<2x128x128xf32, #tpu.memory_space<vmem>>, vector<1x1x16xf32>,
    %get3A_2534 = arith.constant 0 : i32
    %get3A_2535 = arith.constant 113 : i32
    %get3A_2536 = arith.index_cast %get3A_2534 : i32 to index
    %get3A_2537 = arith.index_cast %get3A_2535 : i32 to index
    %get3A_2538 = arith.constant 112 : index
    %get3A_2539 = tpu.vector_load %arg5[%get3A_2536, %get3A_2537, %get3A_2538] {strides = array<i32>} : memref<2x128x128xf32, #tpu.memory_space<vmem>>, vector<1x1x16xf32>,
    %get3A_2540 = vector.shape_cast %get3A_2539 : vector<1x1x16xf32> to vector<16xf32>
    %eq3A_2541 = arith.constant 1 : i32
    %eq3A_2542 = vector.broadcast %eq3A_2541 : i32 to vector<16xi32>
    %eq3A_2543 = arith.cmpi eq, %iota3A, %eq3A_2542 : vector<16xi32>
    %jit3A_2544 = arith.constant 0.000000e+00 : f32
    %broadcast_in_dim3A_2545 = vector.broadcast %jit3A_2544 : f32 to vector<16xf32>
    %select_n3A_2546 = arith.select %eq3A_2543, %get3A_2, %broadcast_in_dim3A_2545 : vector<16xi1>, vector<16xf32>
    %add3A_2547 = arith.addf %get3A_2540, %select_n3A_2546 : vector<16xf32>
    %swap3A_2548 = arith.constant 0 : i32
    %swap3A_2549 = arith.constant 113 : i32
    %swap3A_2550 = arith.index_cast %swap3A_2548 : i32 to index
    %swap3A_2551 = arith.index_cast %swap3A_2549 : i32 to index
    %swap3A_2552 = arith.constant 112 : index
    %swap3A_2553 = tpu.vector_load %arg5[%swap3A_2550, %swap3A_2551, %swap3A_2552] {strides = array<i32>} : memref<2x128x128xf32, #tpu.memory_space<vmem>>, vector<1x1x16xf32>,
    %swap3A_2554 = vector.shape_cast %swap3A_2553 : vector<1x1x16xf32> to vector<16xf32>
    %swap3A_2555 = vector.shape_cast %add3A_2547 : vector<16xf32> to vector<1x1x16xf32>
    tpu.vector_store %arg5[%swap3A_2550, %swap3A_2551, %swap3A_2552], %swap3A_2555 {strides = array<i32>} : memref<2x128x128xf32, #tpu.memory_space<vmem>>, vector<1x1x16xf32>,
    %get3A_2556 = arith.constant 0 : i32
    %get3A_2557 = arith.constant 114 : i32
    %get3A_2558 = arith.index_cast %get3A_2556 : i32 to index
    %get3A_2559 = arith.index_cast %get3A_2557 : i32 to index
    %get3A_2560 = arith.constant 112 : index
    %get3A_2561 = tpu.vector_load %arg5[%get3A_2558, %get3A_2559, %get3A_2560] {strides = array<i32>} : memref<2x128x128xf32, #tpu.memory_space<vmem>>, vector<1x1x16xf32>,
    %get3A_2562 = vector.shape_cast %get3A_2561 : vector<1x1x16xf32> to vector<16xf32>
    %eq3A_2563 = arith.constant 2 : i32
    %eq3A_2564 = vector.broadcast %eq3A_2563 : i32 to vector<16xi32>
    %eq3A_2565 = arith.cmpi eq, %iota3A, %eq3A_2564 : vector<16xi32>
    %jit3A_2566 = arith.constant 0.000000e+00 : f32
    %broadcast_in_dim3A_2567 = vector.broadcast %jit3A_2566 : f32 to vector<16xf32>
    %select_n3A_2568 = arith.select %eq3A_2565, %get3A_2, %broadcast_in_dim3A_2567 : vector<16xi1>, vector<16xf32>
    %add3A_2569 = arith.addf %get3A_2562, %select_n3A_2568 : vector<16xf32>
    %swap3A_2570 = arith.constant 0 : i32
    %swap3A_2571 = arith.constant 114 : i32
    %swap3A_2572 = arith.index_cast %swap3A_2570 : i32 to index
    %swap3A_2573 = arith.index_cast %swap3A_2571 : i32 to index
    %swap3A_2574 = arith.constant 112 : index
    %swap3A_2575 = tpu.vector_load %arg5[%swap3A_2572, %swap3A_2573, %swap3A_2574] {strides = array<i32>} : memref<2x128x128xf32, #tpu.memory_space<vmem>>, vector<1x1x16xf32>,
    %swap3A_2576 = vector.shape_cast %swap3A_2575 : vector<1x1x16xf32> to vector<16xf32>
    %swap3A_2577 = vector.shape_cast %add3A_2569 : vector<16xf32> to vector<1x1x16xf32>
    tpu.vector_store %arg5[%swap3A_2572, %swap3A_2573, %swap3A_2574], %swap3A_2577 {strides = array<i32>} : memref<2x128x128xf32, #tpu.memory_space<vmem>>, vector<1x1x16xf32>,
    %get3A_2578 = arith.constant 0 : i32
    %get3A_2579 = arith.constant 115 : i32
    %get3A_2580 = arith.index_cast %get3A_2578 : i32 to index
    %get3A_2581 = arith.index_cast %get3A_2579 : i32 to index
    %get3A_2582 = arith.constant 112 : index
    %get3A_2583 = tpu.vector_load %arg5[%get3A_2580, %get3A_2581, %get3A_2582] {strides = array<i32>} : memref<2x128x128xf32, #tpu.memory_space<vmem>>, vector<1x1x16xf32>,
    %get3A_2584 = vector.shape_cast %get3A_2583 : vector<1x1x16xf32> to vector<16xf32>
    %eq3A_2585 = arith.constant 3 : i32
    %eq3A_2586 = vector.broadcast %eq3A_2585 : i32 to vector<16xi32>
    %eq3A_2587 = arith.cmpi eq, %iota3A, %eq3A_2586 : vector<16xi32>
    %jit3A_2588 = arith.constant 0.000000e+00 : f32
    %broadcast_in_dim3A_2589 = vector.broadcast %jit3A_2588 : f32 to vector<16xf32>
    %select_n3A_2590 = arith.select %eq3A_2587, %get3A_2, %broadcast_in_dim3A_2589 : vector<16xi1>, vector<16xf32>
    %add3A_2591 = arith.addf %get3A_2584, %select_n3A_2590 : vector<16xf32>
    %swap3A_2592 = arith.constant 0 : i32
    %swap3A_2593 = arith.constant 115 : i32
    %swap3A_2594 = arith.index_cast %swap3A_2592 : i32 to index
    %swap3A_2595 = arith.index_cast %swap3A_2593 : i32 to index
    %swap3A_2596 = arith.constant 112 : index
    %swap3A_2597 = tpu.vector_load %arg5[%swap3A_2594, %swap3A_2595, %swap3A_2596] {strides = array<i32>} : memref<2x128x128xf32, #tpu.memory_space<vmem>>, vector<1x1x16xf32>,
    %swap3A_2598 = vector.shape_cast %swap3A_2597 : vector<1x1x16xf32> to vector<16xf32>
    %swap3A_2599 = vector.shape_cast %add3A_2591 : vector<16xf32> to vector<1x1x16xf32>
    tpu.vector_store %arg5[%swap3A_2594, %swap3A_2595, %swap3A_2596], %swap3A_2599 {strides = array<i32>} : memref<2x128x128xf32, #tpu.memory_space<vmem>>, vector<1x1x16xf32>,
    %get3A_2600 = arith.constant 0 : i32
    %get3A_2601 = arith.constant 116 : i32
    %get3A_2602 = arith.index_cast %get3A_2600 : i32 to index
    %get3A_2603 = arith.index_cast %get3A_2601 : i32 to index
    %get3A_2604 = arith.constant 112 : index
    %get3A_2605 = tpu.vector_load %arg5[%get3A_2602, %get3A_2603, %get3A_2604] {strides = array<i32>} : memref<2x128x128xf32, #tpu.memory_space<vmem>>, vector<1x1x16xf32>,
    %get3A_2606 = vector.shape_cast %get3A_2605 : vector<1x1x16xf32> to vector<16xf32>
    %eq3A_2607 = arith.constant 4 : i32
    %eq3A_2608 = vector.broadcast %eq3A_2607 : i32 to vector<16xi32>
    %eq3A_2609 = arith.cmpi eq, %iota3A, %eq3A_2608 : vector<16xi32>
    %jit3A_2610 = arith.constant 0.000000e+00 : f32
    %broadcast_in_dim3A_2611 = vector.broadcast %jit3A_2610 : f32 to vector<16xf32>
    %select_n3A_2612 = arith.select %eq3A_2609, %get3A_2, %broadcast_in_dim3A_2611 : vector<16xi1>, vector<16xf32>
    %add3A_2613 = arith.addf %get3A_2606, %select_n3A_2612 : vector<16xf32>
    %swap3A_2614 = arith.constant 0 : i32
    %swap3A_2615 = arith.constant 116 : i32
    %swap3A_2616 = arith.index_cast %swap3A_2614 : i32 to index
    %swap3A_2617 = arith.index_cast %swap3A_2615 : i32 to index
    %swap3A_2618 = arith.constant 112 : index
    %swap3A_2619 = tpu.vector_load %arg5[%swap3A_2616, %swap3A_2617, %swap3A_2618] {strides = array<i32>} : memref<2x128x128xf32, #tpu.memory_space<vmem>>, vector<1x1x16xf32>,
    %swap3A_2620 = vector.shape_cast %swap3A_2619 : vector<1x1x16xf32> to vector<16xf32>
    %swap3A_2621 = vector.shape_cast %add3A_2613 : vector<16xf32> to vector<1x1x16xf32>
    tpu.vector_store %arg5[%swap3A_2616, %swap3A_2617, %swap3A_2618], %swap3A_2621 {strides = array<i32>} : memref<2x128x128xf32, #tpu.memory_space<vmem>>, vector<1x1x16xf32>,
    %get3A_2622 = arith.constant 0 : i32
    %get3A_2623 = arith.constant 117 : i32
    %get3A_2624 = arith.index_cast %get3A_2622 : i32 to index
    %get3A_2625 = arith.index_cast %get3A_2623 : i32 to index
    %get3A_2626 = arith.constant 112 : index
    %get3A_2627 = tpu.vector_load %arg5[%get3A_2624, %get3A_2625, %get3A_2626] {strides = array<i32>} : memref<2x128x128xf32, #tpu.memory_space<vmem>>, vector<1x1x16xf32>,
    %get3A_2628 = vector.shape_cast %get3A_2627 : vector<1x1x16xf32> to vector<16xf32>
    %eq3A_2629 = arith.constant 5 : i32
    %eq3A_2630 = vector.broadcast %eq3A_2629 : i32 to vector<16xi32>
    %eq3A_2631 = arith.cmpi eq, %iota3A, %eq3A_2630 : vector<16xi32>
    %jit3A_2632 = arith.constant 0.000000e+00 : f32
    %broadcast_in_dim3A_2633 = vector.broadcast %jit3A_2632 : f32 to vector<16xf32>
    %select_n3A_2634 = arith.select %eq3A_2631, %get3A_2, %broadcast_in_dim3A_2633 : vector<16xi1>, vector<16xf32>
    %add3A_2635 = arith.addf %get3A_2628, %select_n3A_2634 : vector<16xf32>
    %swap3A_2636 = arith.constant 0 : i32
    %swap3A_2637 = arith.constant 117 : i32
    %swap3A_2638 = arith.index_cast %swap3A_2636 : i32 to index
    %swap3A_2639 = arith.index_cast %swap3A_2637 : i32 to index
    %swap3A_2640 = arith.constant 112 : index
    %swap3A_2641 = tpu.vector_load %arg5[%swap3A_2638, %swap3A_2639, %swap3A_2640] {strides = array<i32>} : memref<2x128x128xf32, #tpu.memory_space<vmem>>, vector<1x1x16xf32>,
    %swap3A_2642 = vector.shape_cast %swap3A_2641 : vector<1x1x16xf32> to vector<16xf32>
    %swap3A_2643 = vector.shape_cast %add3A_2635 : vector<16xf32> to vector<1x1x16xf32>
    tpu.vector_store %arg5[%swap3A_2638, %swap3A_2639, %swap3A_2640], %swap3A_2643 {strides = array<i32>} : memref<2x128x128xf32, #tpu.memory_space<vmem>>, vector<1x1x16xf32>,
    %get3A_2644 = arith.constant 0 : i32
    %get3A_2645 = arith.constant 118 : i32
    %get3A_2646 = arith.index_cast %get3A_2644 : i32 to index
    %get3A_2647 = arith.index_cast %get3A_2645 : i32 to index
    %get3A_2648 = arith.constant 112 : index
    %get3A_2649 = tpu.vector_load %arg5[%get3A_2646, %get3A_2647, %get3A_2648] {strides = array<i32>} : memref<2x128x128xf32, #tpu.memory_space<vmem>>, vector<1x1x16xf32>,
    %get3A_2650 = vector.shape_cast %get3A_2649 : vector<1x1x16xf32> to vector<16xf32>
    %eq3A_2651 = arith.constant 6 : i32
    %eq3A_2652 = vector.broadcast %eq3A_2651 : i32 to vector<16xi32>
    %eq3A_2653 = arith.cmpi eq, %iota3A, %eq3A_2652 : vector<16xi32>
    %jit3A_2654 = arith.constant 0.000000e+00 : f32
    %broadcast_in_dim3A_2655 = vector.broadcast %jit3A_2654 : f32 to vector<16xf32>
    %select_n3A_2656 = arith.select %eq3A_2653, %get3A_2, %broadcast_in_dim3A_2655 : vector<16xi1>, vector<16xf32>
    %add3A_2657 = arith.addf %get3A_2650, %select_n3A_2656 : vector<16xf32>
    %swap3A_2658 = arith.constant 0 : i32
    %swap3A_2659 = arith.constant 118 : i32
    %swap3A_2660 = arith.index_cast %swap3A_2658 : i32 to index
    %swap3A_2661 = arith.index_cast %swap3A_2659 : i32 to index
    %swap3A_2662 = arith.constant 112 : index
    %swap3A_2663 = tpu.vector_load %arg5[%swap3A_2660, %swap3A_2661, %swap3A_2662] {strides = array<i32>} : memref<2x128x128xf32, #tpu.memory_space<vmem>>, vector<1x1x16xf32>,
    %swap3A_2664 = vector.shape_cast %swap3A_2663 : vector<1x1x16xf32> to vector<16xf32>
    %swap3A_2665 = vector.shape_cast %add3A_2657 : vector<16xf32> to vector<1x1x16xf32>
    tpu.vector_store %arg5[%swap3A_2660, %swap3A_2661, %swap3A_2662], %swap3A_2665 {strides = array<i32>} : memref<2x128x128xf32, #tpu.memory_space<vmem>>, vector<1x1x16xf32>,
    %get3A_2666 = arith.constant 0 : i32
    %get3A_2667 = arith.constant 119 : i32
    %get3A_2668 = arith.index_cast %get3A_2666 : i32 to index
    %get3A_2669 = arith.index_cast %get3A_2667 : i32 to index
    %get3A_2670 = arith.constant 112 : index
    %get3A_2671 = tpu.vector_load %arg5[%get3A_2668, %get3A_2669, %get3A_2670] {strides = array<i32>} : memref<2x128x128xf32, #tpu.memory_space<vmem>>, vector<1x1x16xf32>,
    %get3A_2672 = vector.shape_cast %get3A_2671 : vector<1x1x16xf32> to vector<16xf32>
    %eq3A_2673 = arith.constant 7 : i32
    %eq3A_2674 = vector.broadcast %eq3A_2673 : i32 to vector<16xi32>
    %eq3A_2675 = arith.cmpi eq, %iota3A, %eq3A_2674 : vector<16xi32>
    %jit3A_2676 = arith.constant 0.000000e+00 : f32
    %broadcast_in_dim3A_2677 = vector.broadcast %jit3A_2676 : f32 to vector<16xf32>
    %select_n3A_2678 = arith.select %eq3A_2675, %get3A_2, %broadcast_in_dim3A_2677 : vector<16xi1>, vector<16xf32>
    %add3A_2679 = arith.addf %get3A_2672, %select_n3A_2678 : vector<16xf32>
    %swap3A_2680 = arith.constant 0 : i32
    %swap3A_2681 = arith.constant 119 : i32
    %swap3A_2682 = arith.index_cast %swap3A_2680 : i32 to index
    %swap3A_2683 = arith.index_cast %swap3A_2681 : i32 to index
    %swap3A_2684 = arith.constant 112 : index
    %swap3A_2685 = tpu.vector_load %arg5[%swap3A_2682, %swap3A_2683, %swap3A_2684] {strides = array<i32>} : memref<2x128x128xf32, #tpu.memory_space<vmem>>, vector<1x1x16xf32>,
    %swap3A_2686 = vector.shape_cast %swap3A_2685 : vector<1x1x16xf32> to vector<16xf32>
    %swap3A_2687 = vector.shape_cast %add3A_2679 : vector<16xf32> to vector<1x1x16xf32>
    tpu.vector_store %arg5[%swap3A_2682, %swap3A_2683, %swap3A_2684], %swap3A_2687 {strides = array<i32>} : memref<2x128x128xf32, #tpu.memory_space<vmem>>, vector<1x1x16xf32>,
    %get3A_2688 = arith.constant 0 : i32
    %get3A_2689 = arith.constant 120 : i32
    %get3A_2690 = arith.index_cast %get3A_2688 : i32 to index
    %get3A_2691 = arith.index_cast %get3A_2689 : i32 to index
    %get3A_2692 = arith.constant 112 : index
    %get3A_2693 = tpu.vector_load %arg5[%get3A_2690, %get3A_2691, %get3A_2692] {strides = array<i32>} : memref<2x128x128xf32, #tpu.memory_space<vmem>>, vector<1x1x16xf32>,
    %get3A_2694 = vector.shape_cast %get3A_2693 : vector<1x1x16xf32> to vector<16xf32>
    %eq3A_2695 = arith.constant 8 : i32
    %eq3A_2696 = vector.broadcast %eq3A_2695 : i32 to vector<16xi32>
    %eq3A_2697 = arith.cmpi eq, %iota3A, %eq3A_2696 : vector<16xi32>
    %jit3A_2698 = arith.constant 0.000000e+00 : f32
    %broadcast_in_dim3A_2699 = vector.broadcast %jit3A_2698 : f32 to vector<16xf32>
    %select_n3A_2700 = arith.select %eq3A_2697, %get3A_2, %broadcast_in_dim3A_2699 : vector<16xi1>, vector<16xf32>
    %add3A_2701 = arith.addf %get3A_2694, %select_n3A_2700 : vector<16xf32>
    %swap3A_2702 = arith.constant 0 : i32
    %swap3A_2703 = arith.constant 120 : i32
    %swap3A_2704 = arith.index_cast %swap3A_2702 : i32 to index
    %swap3A_2705 = arith.index_cast %swap3A_2703 : i32 to index
    %swap3A_2706 = arith.constant 112 : index
    %swap3A_2707 = tpu.vector_load %arg5[%swap3A_2704, %swap3A_2705, %swap3A_2706] {strides = array<i32>} : memref<2x128x128xf32, #tpu.memory_space<vmem>>, vector<1x1x16xf32>,
    %swap3A_2708 = vector.shape_cast %swap3A_2707 : vector<1x1x16xf32> to vector<16xf32>
    %swap3A_2709 = vector.shape_cast %add3A_2701 : vector<16xf32> to vector<1x1x16xf32>
    tpu.vector_store %arg5[%swap3A_2704, %swap3A_2705, %swap3A_2706], %swap3A_2709 {strides = array<i32>} : memref<2x128x128xf32, #tpu.memory_space<vmem>>, vector<1x1x16xf32>,
    %get3A_2710 = arith.constant 0 : i32
    %get3A_2711 = arith.constant 121 : i32
    %get3A_2712 = arith.index_cast %get3A_2710 : i32 to index
    %get3A_2713 = arith.index_cast %get3A_2711 : i32 to index
    %get3A_2714 = arith.constant 112 : index
    %get3A_2715 = tpu.vector_load %arg5[%get3A_2712, %get3A_2713, %get3A_2714] {strides = array<i32>} : memref<2x128x128xf32, #tpu.memory_space<vmem>>, vector<1x1x16xf32>,
    %get3A_2716 = vector.shape_cast %get3A_2715 : vector<1x1x16xf32> to vector<16xf32>
    %eq3A_2717 = arith.constant 9 : i32
    %eq3A_2718 = vector.broadcast %eq3A_2717 : i32 to vector<16xi32>
    %eq3A_2719 = arith.cmpi eq, %iota3A, %eq3A_2718 : vector<16xi32>
    %jit3A_2720 = arith.constant 0.000000e+00 : f32
    %broadcast_in_dim3A_2721 = vector.broadcast %jit3A_2720 : f32 to vector<16xf32>
    %select_n3A_2722 = arith.select %eq3A_2719, %get3A_2, %broadcast_in_dim3A_2721 : vector<16xi1>, vector<16xf32>
    %add3A_2723 = arith.addf %get3A_2716, %select_n3A_2722 : vector<16xf32>
    %swap3A_2724 = arith.constant 0 : i32
    %swap3A_2725 = arith.constant 121 : i32
    %swap3A_2726 = arith.index_cast %swap3A_2724 : i32 to index
    %swap3A_2727 = arith.index_cast %swap3A_2725 : i32 to index
    %swap3A_2728 = arith.constant 112 : index
    %swap3A_2729 = tpu.vector_load %arg5[%swap3A_2726, %swap3A_2727, %swap3A_2728] {strides = array<i32>} : memref<2x128x128xf32, #tpu.memory_space<vmem>>, vector<1x1x16xf32>,
    %swap3A_2730 = vector.shape_cast %swap3A_2729 : vector<1x1x16xf32> to vector<16xf32>
    %swap3A_2731 = vector.shape_cast %add3A_2723 : vector<16xf32> to vector<1x1x16xf32>
    tpu.vector_store %arg5[%swap3A_2726, %swap3A_2727, %swap3A_2728], %swap3A_2731 {strides = array<i32>} : memref<2x128x128xf32, #tpu.memory_space<vmem>>, vector<1x1x16xf32>,
    %get3A_2732 = arith.constant 0 : i32
    %get3A_2733 = arith.constant 122 : i32
    %get3A_2734 = arith.index_cast %get3A_2732 : i32 to index
    %get3A_2735 = arith.index_cast %get3A_2733 : i32 to index
    %get3A_2736 = arith.constant 112 : index
    %get3A_2737 = tpu.vector_load %arg5[%get3A_2734, %get3A_2735, %get3A_2736] {strides = array<i32>} : memref<2x128x128xf32, #tpu.memory_space<vmem>>, vector<1x1x16xf32>,
    %get3A_2738 = vector.shape_cast %get3A_2737 : vector<1x1x16xf32> to vector<16xf32>
    %eq3A_2739 = arith.constant 10 : i32
    %eq3A_2740 = vector.broadcast %eq3A_2739 : i32 to vector<16xi32>
    %eq3A_2741 = arith.cmpi eq, %iota3A, %eq3A_2740 : vector<16xi32>
    %jit3A_2742 = arith.constant 0.000000e+00 : f32
    %broadcast_in_dim3A_2743 = vector.broadcast %jit3A_2742 : f32 to vector<16xf32>
    %select_n3A_2744 = arith.select %eq3A_2741, %get3A_2, %broadcast_in_dim3A_2743 : vector<16xi1>, vector<16xf32>
    %add3A_2745 = arith.addf %get3A_2738, %select_n3A_2744 : vector<16xf32>
    %swap3A_2746 = arith.constant 0 : i32
    %swap3A_2747 = arith.constant 122 : i32
    %swap3A_2748 = arith.index_cast %swap3A_2746 : i32 to index
    %swap3A_2749 = arith.index_cast %swap3A_2747 : i32 to index
    %swap3A_2750 = arith.constant 112 : index
    %swap3A_2751 = tpu.vector_load %arg5[%swap3A_2748, %swap3A_2749, %swap3A_2750] {strides = array<i32>} : memref<2x128x128xf32, #tpu.memory_space<vmem>>, vector<1x1x16xf32>,
    %swap3A_2752 = vector.shape_cast %swap3A_2751 : vector<1x1x16xf32> to vector<16xf32>
    %swap3A_2753 = vector.shape_cast %add3A_2745 : vector<16xf32> to vector<1x1x16xf32>
    tpu.vector_store %arg5[%swap3A_2748, %swap3A_2749, %swap3A_2750], %swap3A_2753 {strides = array<i32>} : memref<2x128x128xf32, #tpu.memory_space<vmem>>, vector<1x1x16xf32>,
    %get3A_2754 = arith.constant 0 : i32
    %get3A_2755 = arith.constant 123 : i32
    %get3A_2756 = arith.index_cast %get3A_2754 : i32 to index
    %get3A_2757 = arith.index_cast %get3A_2755 : i32 to index
    %get3A_2758 = arith.constant 112 : index
    %get3A_2759 = tpu.vector_load %arg5[%get3A_2756, %get3A_2757, %get3A_2758] {strides = array<i32>} : memref<2x128x128xf32, #tpu.memory_space<vmem>>, vector<1x1x16xf32>,
    %get3A_2760 = vector.shape_cast %get3A_2759 : vector<1x1x16xf32> to vector<16xf32>
    %eq3A_2761 = arith.constant 11 : i32
    %eq3A_2762 = vector.broadcast %eq3A_2761 : i32 to vector<16xi32>
    %eq3A_2763 = arith.cmpi eq, %iota3A, %eq3A_2762 : vector<16xi32>
    %jit3A_2764 = arith.constant 0.000000e+00 : f32
    %broadcast_in_dim3A_2765 = vector.broadcast %jit3A_2764 : f32 to vector<16xf32>
    %select_n3A_2766 = arith.select %eq3A_2763, %get3A_2, %broadcast_in_dim3A_2765 : vector<16xi1>, vector<16xf32>
    %add3A_2767 = arith.addf %get3A_2760, %select_n3A_2766 : vector<16xf32>
    %swap3A_2768 = arith.constant 0 : i32
    %swap3A_2769 = arith.constant 123 : i32
    %swap3A_2770 = arith.index_cast %swap3A_2768 : i32 to index
    %swap3A_2771 = arith.index_cast %swap3A_2769 : i32 to index
    %swap3A_2772 = arith.constant 112 : index
    %swap3A_2773 = tpu.vector_load %arg5[%swap3A_2770, %swap3A_2771, %swap3A_2772] {strides = array<i32>} : memref<2x128x128xf32, #tpu.memory_space<vmem>>, vector<1x1x16xf32>,
    %swap3A_2774 = vector.shape_cast %swap3A_2773 : vector<1x1x16xf32> to vector<16xf32>
    %swap3A_2775 = vector.shape_cast %add3A_2767 : vector<16xf32> to vector<1x1x16xf32>
    tpu.vector_store %arg5[%swap3A_2770, %swap3A_2771, %swap3A_2772], %swap3A_2775 {strides = array<i32>} : memref<2x128x128xf32, #tpu.memory_space<vmem>>, vector<1x1x16xf32>,
    %get3A_2776 = arith.constant 0 : i32
    %get3A_2777 = arith.constant 124 : i32
    %get3A_2778 = arith.index_cast %get3A_2776 : i32 to index
    %get3A_2779 = arith.index_cast %get3A_2777 : i32 to index
    %get3A_2780 = arith.constant 112 : index
    %get3A_2781 = tpu.vector_load %arg5[%get3A_2778, %get3A_2779, %get3A_2780] {strides = array<i32>} : memref<2x128x128xf32, #tpu.memory_space<vmem>>, vector<1x1x16xf32>,
    %get3A_2782 = vector.shape_cast %get3A_2781 : vector<1x1x16xf32> to vector<16xf32>
    %eq3A_2783 = arith.constant 12 : i32
    %eq3A_2784 = vector.broadcast %eq3A_2783 : i32 to vector<16xi32>
    %eq3A_2785 = arith.cmpi eq, %iota3A, %eq3A_2784 : vector<16xi32>
    %jit3A_2786 = arith.constant 0.000000e+00 : f32
    %broadcast_in_dim3A_2787 = vector.broadcast %jit3A_2786 : f32 to vector<16xf32>
    %select_n3A_2788 = arith.select %eq3A_2785, %get3A_2, %broadcast_in_dim3A_2787 : vector<16xi1>, vector<16xf32>
    %add3A_2789 = arith.addf %get3A_2782, %select_n3A_2788 : vector<16xf32>
    %swap3A_2790 = arith.constant 0 : i32
    %swap3A_2791 = arith.constant 124 : i32
    %swap3A_2792 = arith.index_cast %swap3A_2790 : i32 to index
    %swap3A_2793 = arith.index_cast %swap3A_2791 : i32 to index
    %swap3A_2794 = arith.constant 112 : index
    %swap3A_2795 = tpu.vector_load %arg5[%swap3A_2792, %swap3A_2793, %swap3A_2794] {strides = array<i32>} : memref<2x128x128xf32, #tpu.memory_space<vmem>>, vector<1x1x16xf32>,
    %swap3A_2796 = vector.shape_cast %swap3A_2795 : vector<1x1x16xf32> to vector<16xf32>
    %swap3A_2797 = vector.shape_cast %add3A_2789 : vector<16xf32> to vector<1x1x16xf32>
    tpu.vector_store %arg5[%swap3A_2792, %swap3A_2793, %swap3A_2794], %swap3A_2797 {strides = array<i32>} : memref<2x128x128xf32, #tpu.memory_space<vmem>>, vector<1x1x16xf32>,
    %get3A_2798 = arith.constant 0 : i32
    %get3A_2799 = arith.constant 125 : i32
    %get3A_2800 = arith.index_cast %get3A_2798 : i32 to index
    %get3A_2801 = arith.index_cast %get3A_2799 : i32 to index
    %get3A_2802 = arith.constant 112 : index
    %get3A_2803 = tpu.vector_load %arg5[%get3A_2800, %get3A_2801, %get3A_2802] {strides = array<i32>} : memref<2x128x128xf32, #tpu.memory_space<vmem>>, vector<1x1x16xf32>,
    %get3A_2804 = vector.shape_cast %get3A_2803 : vector<1x1x16xf32> to vector<16xf32>
    %eq3A_2805 = arith.constant 13 : i32
    %eq3A_2806 = vector.broadcast %eq3A_2805 : i32 to vector<16xi32>
    %eq3A_2807 = arith.cmpi eq, %iota3A, %eq3A_2806 : vector<16xi32>
    %jit3A_2808 = arith.constant 0.000000e+00 : f32
    %broadcast_in_dim3A_2809 = vector.broadcast %jit3A_2808 : f32 to vector<16xf32>
    %select_n3A_2810 = arith.select %eq3A_2807, %get3A_2, %broadcast_in_dim3A_2809 : vector<16xi1>, vector<16xf32>
    %add3A_2811 = arith.addf %get3A_2804, %select_n3A_2810 : vector<16xf32>
    %swap3A_2812 = arith.constant 0 : i32
    %swap3A_2813 = arith.constant 125 : i32
    %swap3A_2814 = arith.index_cast %swap3A_2812 : i32 to index
    %swap3A_2815 = arith.index_cast %swap3A_2813 : i32 to index
    %swap3A_2816 = arith.constant 112 : index
    %swap3A_2817 = tpu.vector_load %arg5[%swap3A_2814, %swap3A_2815, %swap3A_2816] {strides = array<i32>} : memref<2x128x128xf32, #tpu.memory_space<vmem>>, vector<1x1x16xf32>,
    %swap3A_2818 = vector.shape_cast %swap3A_2817 : vector<1x1x16xf32> to vector<16xf32>
    %swap3A_2819 = vector.shape_cast %add3A_2811 : vector<16xf32> to vector<1x1x16xf32>
    tpu.vector_store %arg5[%swap3A_2814, %swap3A_2815, %swap3A_2816], %swap3A_2819 {strides = array<i32>} : memref<2x128x128xf32, #tpu.memory_space<vmem>>, vector<1x1x16xf32>,
    %get3A_2820 = arith.constant 0 : i32
    %get3A_2821 = arith.constant 126 : i32
    %get3A_2822 = arith.index_cast %get3A_2820 : i32 to index
    %get3A_2823 = arith.index_cast %get3A_2821 : i32 to index
    %get3A_2824 = arith.constant 112 : index
    %get3A_2825 = tpu.vector_load %arg5[%get3A_2822, %get3A_2823, %get3A_2824] {strides = array<i32>} : memref<2x128x128xf32, #tpu.memory_space<vmem>>, vector<1x1x16xf32>,
    %get3A_2826 = vector.shape_cast %get3A_2825 : vector<1x1x16xf32> to vector<16xf32>
    %eq3A_2827 = arith.constant 14 : i32
    %eq3A_2828 = vector.broadcast %eq3A_2827 : i32 to vector<16xi32>
    %eq3A_2829 = arith.cmpi eq, %iota3A, %eq3A_2828 : vector<16xi32>
    %jit3A_2830 = arith.constant 0.000000e+00 : f32
    %broadcast_in_dim3A_2831 = vector.broadcast %jit3A_2830 : f32 to vector<16xf32>
    %select_n3A_2832 = arith.select %eq3A_2829, %get3A_2, %broadcast_in_dim3A_2831 : vector<16xi1>, vector<16xf32>
    %add3A_2833 = arith.addf %get3A_2826, %select_n3A_2832 : vector<16xf32>
    %swap3A_2834 = arith.constant 0 : i32
    %swap3A_2835 = arith.constant 126 : i32
    %swap3A_2836 = arith.index_cast %swap3A_2834 : i32 to index
    %swap3A_2837 = arith.index_cast %swap3A_2835 : i32 to index
    %swap3A_2838 = arith.constant 112 : index
    %swap3A_2839 = tpu.vector_load %arg5[%swap3A_2836, %swap3A_2837, %swap3A_2838] {strides = array<i32>} : memref<2x128x128xf32, #tpu.memory_space<vmem>>, vector<1x1x16xf32>,
    %swap3A_2840 = vector.shape_cast %swap3A_2839 : vector<1x1x16xf32> to vector<16xf32>
    %swap3A_2841 = vector.shape_cast %add3A_2833 : vector<16xf32> to vector<1x1x16xf32>
    tpu.vector_store %arg5[%swap3A_2836, %swap3A_2837, %swap3A_2838], %swap3A_2841 {strides = array<i32>} : memref<2x128x128xf32, #tpu.memory_space<vmem>>, vector<1x1x16xf32>,
    %get3A_2842 = arith.constant 0 : i32
    %get3A_2843 = arith.constant 127 : i32
    %get3A_2844 = arith.index_cast %get3A_2842 : i32 to index
    %get3A_2845 = arith.index_cast %get3A_2843 : i32 to index
    %get3A_2846 = arith.constant 112 : index
    %get3A_2847 = tpu.vector_load %arg5[%get3A_2844, %get3A_2845, %get3A_2846] {strides = array<i32>} : memref<2x128x128xf32, #tpu.memory_space<vmem>>, vector<1x1x16xf32>,
    %get3A_2848 = vector.shape_cast %get3A_2847 : vector<1x1x16xf32> to vector<16xf32>
    %eq3A_2849 = arith.constant 15 : i32
    %eq3A_2850 = vector.broadcast %eq3A_2849 : i32 to vector<16xi32>
    %eq3A_2851 = arith.cmpi eq, %iota3A, %eq3A_2850 : vector<16xi32>
    %jit3A_2852 = arith.constant 0.000000e+00 : f32
    %broadcast_in_dim3A_2853 = vector.broadcast %jit3A_2852 : f32 to vector<16xf32>
    %select_n3A_2854 = arith.select %eq3A_2851, %get3A_2, %broadcast_in_dim3A_2853 : vector<16xi1>, vector<16xf32>
    %add3A_2855 = arith.addf %get3A_2848, %select_n3A_2854 : vector<16xf32>
    %swap3A_2856 = arith.constant 0 : i32
    %swap3A_2857 = arith.constant 127 : i32
    %swap3A_2858 = arith.index_cast %swap3A_2856 : i32 to index
    %swap3A_2859 = arith.index_cast %swap3A_2857 : i32 to index
    %swap3A_2860 = arith.constant 112 : index
    %swap3A_2861 = tpu.vector_load %arg5[%swap3A_2858, %swap3A_2859, %swap3A_2860] {strides = array<i32>} : memref<2x128x128xf32, #tpu.memory_space<vmem>>, vector<1x1x16xf32>,
    %swap3A_2862 = vector.shape_cast %swap3A_2861 : vector<1x1x16xf32> to vector<16xf32>
    %swap3A_2863 = vector.shape_cast %add3A_2855 : vector<16xf32> to vector<1x1x16xf32>
    tpu.vector_store %arg5[%swap3A_2858, %swap3A_2859, %swap3A_2860], %swap3A_2863 {strides = array<i32>} : memref<2x128x128xf32, #tpu.memory_space<vmem>>, vector<1x1x16xf32>,
    %mul3A_2864 = arith.constant 256 : i32
    %mul3A_2865 = arith.muli %add3A, %mul3A_2864 : i32
    %add3A_2866 = arith.constant 0 : i32
    %add3A_2867 = arith.addi %mul3A_2865, %add3A_2866 : i32
    %dma_start3A_2868 = arith.constant 0 : i32
    %dma_start3A_2869 = arith.constant 0 : i32
    %dma_start3A_2870 = arith.constant 0 : i32
    %dma_start3A_2871 = tpu.memref_slice %arg5[%dma_start3A_2868, %dma_start3A_2869, %dma_start3A_2870] : memref<2x128x128xf32, #tpu.memory_space<vmem>> -> memref<1x128x128xf32, #tpu.memory_space<vmem>>
    %dma_start3A_2872 = tpu.memref_squeeze %dma_start3A_2871 : memref<1x128x128xf32, #tpu.memory_space<vmem>> -> memref<128x128xf32, #tpu.memory_space<vmem>>
    %dma_start3A_2873 = tpu.memref_slice %arg2[%add3A_2867, %add3A_2867] : memref<8192x8192xf32, #tpu.memory_space<hbm>> -> memref<128x128xf32, #tpu.memory_space<hbm>>
    %dma_start3A_2874 = tpu.memref_slice %arg2[%add3A_2867, %add3A_2867] : memref<8192x8192xf32, #tpu.memory_space<hbm>> -> memref<128x128xf32, #tpu.memory_space<hbm>>
    %dma_start3A_2875 = arith.constant 0 : i32
    %dma_start3A_2876 = arith.constant 0 : i32
    %dma_start3A_2877 = tpu.memref_slice %arg5[%dma_start3A_2868, %dma_start3A_2875, %dma_start3A_2876] : memref<2x128x128xf32, #tpu.memory_space<vmem>> -> memref<1x128x128xf32, #tpu.memory_space<vmem>>
    %dma_start3A_2878 = tpu.memref_squeeze %dma_start3A_2877 : memref<1x128x128xf32, #tpu.memory_space<vmem>> -> memref<128x128xf32, #tpu.memory_space<vmem>>
    tpu.enqueue_dma source(%dma_start3A_2878 : memref<128x128xf32, #tpu.memory_space<vmem>>) target(%dma_start3A_2874 : memref<128x128xf32, #tpu.memory_space<hbm>>) target_semaphore(%arg7 : memref<!tpu.dma_semaphore, #tpu.memory_space<semaphore_mem>>)
    %get3A_2879 = arith.constant 1 : i32
    %get3A_2880 = arith.constant 0 : i32
    %get3A_2881 = arith.index_cast %get3A_2879 : i32 to index
    %get3A_2882 = arith.index_cast %get3A_2880 : i32 to index
    %get3A_2883 = arith.constant 0 : index
    %get3A_2884 = tpu.vector_load %arg5[%get3A_2881, %get3A_2882, %get3A_2883] {strides = array<i32>} : memref<2x128x128xf32, #tpu.memory_space<vmem>>, vector<1x1x16xf32>,
    %get3A_2885 = vector.shape_cast %get3A_2884 : vector<1x1x16xf32> to vector<16xf32>
    %eq3A_2886 = arith.constant 0 : i32
    %eq3A_2887 = vector.broadcast %eq3A_2886 : i32 to vector<16xi32>
    %eq3A_2888 = arith.cmpi eq, %iota3A, %eq3A_2887 : vector<16xi32>
    %jit3A_2889 = arith.constant 0.000000e+00 : f32
    %broadcast_in_dim3A_2890 = vector.broadcast %jit3A_2889 : f32 to vector<16xf32>
    %select_n3A_2891 = arith.select %eq3A_2888, %get3A_2, %broadcast_in_dim3A_2890 : vector<16xi1>, vector<16xf32>
    %add3A_2892 = arith.addf %get3A_2885, %select_n3A_2891 : vector<16xf32>
    %swap3A_2893 = arith.constant 1 : i32
    %swap3A_2894 = arith.constant 0 : i32
    %swap3A_2895 = arith.index_cast %swap3A_2893 : i32 to index
    %swap3A_2896 = arith.index_cast %swap3A_2894 : i32 to index
    %swap3A_2897 = arith.constant 0 : index
    %swap3A_2898 = tpu.vector_load %arg5[%swap3A_2895, %swap3A_2896, %swap3A_2897] {strides = array<i32>} : memref<2x128x128xf32, #tpu.memory_space<vmem>>, vector<1x1x16xf32>,
    %swap3A_2899 = vector.shape_cast %swap3A_2898 : vector<1x1x16xf32> to vector<16xf32>
    %swap3A_2900 = vector.shape_cast %add3A_2892 : vector<16xf32> to vector<1x1x16xf32>
    tpu.vector_store %arg5[%swap3A_2895, %swap3A_2896, %swap3A_2897], %swap3A_2900 {strides = array<i32>} : memref<2x128x128xf32, #tpu.memory_space<vmem>>, vector<1x1x16xf32>,
    %get3A_2901 = arith.constant 1 : i32
    %get3A_2902 = arith.constant 1 : i32
    %get3A_2903 = arith.index_cast %get3A_2901 : i32 to index
    %get3A_2904 = arith.index_cast %get3A_2902 : i32 to index
    %get3A_2905 = arith.constant 0 : index
    %get3A_2906 = tpu.vector_load %arg5[%get3A_2903, %get3A_2904, %get3A_2905] {strides = array<i32>} : memref<2x128x128xf32, #tpu.memory_space<vmem>>, vector<1x1x16xf32>,
    %get3A_2907 = vector.shape_cast %get3A_2906 : vector<1x1x16xf32> to vector<16xf32>
    %eq3A_2908 = arith.constant 1 : i32
    %eq3A_2909 = vector.broadcast %eq3A_2908 : i32 to vector<16xi32>
    %eq3A_2910 = arith.cmpi eq, %iota3A, %eq3A_2909 : vector<16xi32>
    %jit3A_2911 = arith.constant 0.000000e+00 : f32
    %broadcast_in_dim3A_2912 = vector.broadcast %jit3A_2911 : f32 to vector<16xf32>
    %select_n3A_2913 = arith.select %eq3A_2910, %get3A_2, %broadcast_in_dim3A_2912 : vector<16xi1>, vector<16xf32>
    %add3A_2914 = arith.addf %get3A_2907, %select_n3A_2913 : vector<16xf32>
    %swap3A_2915 = arith.constant 1 : i32
    %swap3A_2916 = arith.constant 1 : i32
    %swap3A_2917 = arith.index_cast %swap3A_2915 : i32 to index
    %swap3A_2918 = arith.index_cast %swap3A_2916 : i32 to index
    %swap3A_2919 = arith.constant 0 : index
    %swap3A_2920 = tpu.vector_load %arg5[%swap3A_2917, %swap3A_2918, %swap3A_2919] {strides = array<i32>} : memref<2x128x128xf32, #tpu.memory_space<vmem>>, vector<1x1x16xf32>,
    %swap3A_2921 = vector.shape_cast %swap3A_2920 : vector<1x1x16xf32> to vector<16xf32>
    %swap3A_2922 = vector.shape_cast %add3A_2914 : vector<16xf32> to vector<1x1x16xf32>
    tpu.vector_store %arg5[%swap3A_2917, %swap3A_2918, %swap3A_2919], %swap3A_2922 {strides = array<i32>} : memref<2x128x128xf32, #tpu.memory_space<vmem>>, vector<1x1x16xf32>,
    %get3A_2923 = arith.constant 1 : i32
    %get3A_2924 = arith.constant 2 : i32
    %get3A_2925 = arith.index_cast %get3A_2923 : i32 to index
    %get3A_2926 = arith.index_cast %get3A_2924 : i32 to index
    %get3A_2927 = arith.constant 0 : index
    %get3A_2928 = tpu.vector_load %arg5[%get3A_2925, %get3A_2926, %get3A_2927] {strides = array<i32>} : memref<2x128x128xf32, #tpu.memory_space<vmem>>, vector<1x1x16xf32>,
    %get3A_2929 = vector.shape_cast %get3A_2928 : vector<1x1x16xf32> to vector<16xf32>
    %eq3A_2930 = arith.constant 2 : i32
    %eq3A_2931 = vector.broadcast %eq3A_2930 : i32 to vector<16xi32>
    %eq3A_2932 = arith.cmpi eq, %iota3A, %eq3A_2931 : vector<16xi32>
    %jit3A_2933 = arith.constant 0.000000e+00 : f32
    %broadcast_in_dim3A_2934 = vector.broadcast %jit3A_2933 : f32 to vector<16xf32>
    %select_n3A_2935 = arith.select %eq3A_2932, %get3A_2, %broadcast_in_dim3A_2934 : vector<16xi1>, vector<16xf32>
    %add3A_2936 = arith.addf %get3A_2929, %select_n3A_2935 : vector<16xf32>
    %swap3A_2937 = arith.constant 1 : i32
    %swap3A_2938 = arith.constant 2 : i32
    %swap3A_2939 = arith.index_cast %swap3A_2937 : i32 to index
    %swap3A_2940 = arith.index_cast %swap3A_2938 : i32 to index
    %swap3A_2941 = arith.constant 0 : index
    %swap3A_2942 = tpu.vector_load %arg5[%swap3A_2939, %swap3A_2940, %swap3A_2941] {strides = array<i32>} : memref<2x128x128xf32, #tpu.memory_space<vmem>>, vector<1x1x16xf32>,
    %swap3A_2943 = vector.shape_cast %swap3A_2942 : vector<1x1x16xf32> to vector<16xf32>
    %swap3A_2944 = vector.shape_cast %add3A_2936 : vector<16xf32> to vector<1x1x16xf32>
    tpu.vector_store %arg5[%swap3A_2939, %swap3A_2940, %swap3A_2941], %swap3A_2944 {strides = array<i32>} : memref<2x128x128xf32, #tpu.memory_space<vmem>>, vector<1x1x16xf32>,
    %get3A_2945 = arith.constant 1 : i32
    %get3A_2946 = arith.constant 3 : i32
    %get3A_2947 = arith.index_cast %get3A_2945 : i32 to index
    %get3A_2948 = arith.index_cast %get3A_2946 : i32 to index
    %get3A_2949 = arith.constant 0 : index
    %get3A_2950 = tpu.vector_load %arg5[%get3A_2947, %get3A_2948, %get3A_2949] {strides = array<i32>} : memref<2x128x128xf32, #tpu.memory_space<vmem>>, vector<1x1x16xf32>,
    %get3A_2951 = vector.shape_cast %get3A_2950 : vector<1x1x16xf32> to vector<16xf32>
    %eq3A_2952 = arith.constant 3 : i32
    %eq3A_2953 = vector.broadcast %eq3A_2952 : i32 to vector<16xi32>
    %eq3A_2954 = arith.cmpi eq, %iota3A, %eq3A_2953 : vector<16xi32>
    %jit3A_2955 = arith.constant 0.000000e+00 : f32
    %broadcast_in_dim3A_2956 = vector.broadcast %jit3A_2955 : f32 to vector<16xf32>
    %select_n3A_2957 = arith.select %eq3A_2954, %get3A_2, %broadcast_in_dim3A_2956 : vector<16xi1>, vector<16xf32>
    %add3A_2958 = arith.addf %get3A_2951, %select_n3A_2957 : vector<16xf32>
    %swap3A_2959 = arith.constant 1 : i32
    %swap3A_2960 = arith.constant 3 : i32
    %swap3A_2961 = arith.index_cast %swap3A_2959 : i32 to index
    %swap3A_2962 = arith.index_cast %swap3A_2960 : i32 to index
    %swap3A_2963 = arith.constant 0 : index
    %swap3A_2964 = tpu.vector_load %arg5[%swap3A_2961, %swap3A_2962, %swap3A_2963] {strides = array<i32>} : memref<2x128x128xf32, #tpu.memory_space<vmem>>, vector<1x1x16xf32>,
    %swap3A_2965 = vector.shape_cast %swap3A_2964 : vector<1x1x16xf32> to vector<16xf32>
    %swap3A_2966 = vector.shape_cast %add3A_2958 : vector<16xf32> to vector<1x1x16xf32>
    tpu.vector_store %arg5[%swap3A_2961, %swap3A_2962, %swap3A_2963], %swap3A_2966 {strides = array<i32>} : memref<2x128x128xf32, #tpu.memory_space<vmem>>, vector<1x1x16xf32>,
    %get3A_2967 = arith.constant 1 : i32
    %get3A_2968 = arith.constant 4 : i32
    %get3A_2969 = arith.index_cast %get3A_2967 : i32 to index
    %get3A_2970 = arith.index_cast %get3A_2968 : i32 to index
    %get3A_2971 = arith.constant 0 : index
    %get3A_2972 = tpu.vector_load %arg5[%get3A_2969, %get3A_2970, %get3A_2971] {strides = array<i32>} : memref<2x128x128xf32, #tpu.memory_space<vmem>>, vector<1x1x16xf32>,
    %get3A_2973 = vector.shape_cast %get3A_2972 : vector<1x1x16xf32> to vector<16xf32>
    %eq3A_2974 = arith.constant 4 : i32
    %eq3A_2975 = vector.broadcast %eq3A_2974 : i32 to vector<16xi32>
    %eq3A_2976 = arith.cmpi eq, %iota3A, %eq3A_2975 : vector<16xi32>
    %jit3A_2977 = arith.constant 0.000000e+00 : f32
    %broadcast_in_dim3A_2978 = vector.broadcast %jit3A_2977 : f32 to vector<16xf32>
    %select_n3A_2979 = arith.select %eq3A_2976, %get3A_2, %broadcast_in_dim3A_2978 : vector<16xi1>, vector<16xf32>
    %add3A_2980 = arith.addf %get3A_2973, %select_n3A_2979 : vector<16xf32>
    %swap3A_2981 = arith.constant 1 : i32
    %swap3A_2982 = arith.constant 4 : i32
    %swap3A_2983 = arith.index_cast %swap3A_2981 : i32 to index
    %swap3A_2984 = arith.index_cast %swap3A_2982 : i32 to index
    %swap3A_2985 = arith.constant 0 : index
    %swap3A_2986 = tpu.vector_load %arg5[%swap3A_2983, %swap3A_2984, %swap3A_2985] {strides = array<i32>} : memref<2x128x128xf32, #tpu.memory_space<vmem>>, vector<1x1x16xf32>,
    %swap3A_2987 = vector.shape_cast %swap3A_2986 : vector<1x1x16xf32> to vector<16xf32>
    %swap3A_2988 = vector.shape_cast %add3A_2980 : vector<16xf32> to vector<1x1x16xf32>
    tpu.vector_store %arg5[%swap3A_2983, %swap3A_2984, %swap3A_2985], %swap3A_2988 {strides = array<i32>} : memref<2x128x128xf32, #tpu.memory_space<vmem>>, vector<1x1x16xf32>,
    %get3A_2989 = arith.constant 1 : i32
    %get3A_2990 = arith.constant 5 : i32
    %get3A_2991 = arith.index_cast %get3A_2989 : i32 to index
    %get3A_2992 = arith.index_cast %get3A_2990 : i32 to index
    %get3A_2993 = arith.constant 0 : index
    %get3A_2994 = tpu.vector_load %arg5[%get3A_2991, %get3A_2992, %get3A_2993] {strides = array<i32>} : memref<2x128x128xf32, #tpu.memory_space<vmem>>, vector<1x1x16xf32>,
    %get3A_2995 = vector.shape_cast %get3A_2994 : vector<1x1x16xf32> to vector<16xf32>
    %eq3A_2996 = arith.constant 5 : i32
    %eq3A_2997 = vector.broadcast %eq3A_2996 : i32 to vector<16xi32>
    %eq3A_2998 = arith.cmpi eq, %iota3A, %eq3A_2997 : vector<16xi32>
    %jit3A_2999 = arith.constant 0.000000e+00 : f32
    %broadcast_in_dim3A_3000 = vector.broadcast %jit3A_2999 : f32 to vector<16xf32>
    %select_n3A_3001 = arith.select %eq3A_2998, %get3A_2, %broadcast_in_dim3A_3000 : vector<16xi1>, vector<16xf32>
    %add3A_3002 = arith.addf %get3A_2995, %select_n3A_3001 : vector<16xf32>
    %swap3A_3003 = arith.constant 1 : i32
    %swap3A_3004 = arith.constant 5 : i32
    %swap3A_3005 = arith.index_cast %swap3A_3003 : i32 to index
    %swap3A_3006 = arith.index_cast %swap3A_3004 : i32 to index
    %swap3A_3007 = arith.constant 0 : index
    %swap3A_3008 = tpu.vector_load %arg5[%swap3A_3005, %swap3A_3006, %swap3A_3007] {strides = array<i32>} : memref<2x128x128xf32, #tpu.memory_space<vmem>>, vector<1x1x16xf32>,
    %swap3A_3009 = vector.shape_cast %swap3A_3008 : vector<1x1x16xf32> to vector<16xf32>
    %swap3A_3010 = vector.shape_cast %add3A_3002 : vector<16xf32> to vector<1x1x16xf32>
    tpu.vector_store %arg5[%swap3A_3005, %swap3A_3006, %swap3A_3007], %swap3A_3010 {strides = array<i32>} : memref<2x128x128xf32, #tpu.memory_space<vmem>>, vector<1x1x16xf32>,
    %get3A_3011 = arith.constant 1 : i32
    %get3A_3012 = arith.constant 6 : i32
    %get3A_3013 = arith.index_cast %get3A_3011 : i32 to index
    %get3A_3014 = arith.index_cast %get3A_3012 : i32 to index
    %get3A_3015 = arith.constant 0 : index
    %get3A_3016 = tpu.vector_load %arg5[%get3A_3013, %get3A_3014, %get3A_3015] {strides = array<i32>} : memref<2x128x128xf32, #tpu.memory_space<vmem>>, vector<1x1x16xf32>,
    %get3A_3017 = vector.shape_cast %get3A_3016 : vector<1x1x16xf32> to vector<16xf32>
    %eq3A_3018 = arith.constant 6 : i32
    %eq3A_3019 = vector.broadcast %eq3A_3018 : i32 to vector<16xi32>
    %eq3A_3020 = arith.cmpi eq, %iota3A, %eq3A_3019 : vector<16xi32>
    %jit3A_3021 = arith.constant 0.000000e+00 : f32
    %broadcast_in_dim3A_3022 = vector.broadcast %jit3A_3021 : f32 to vector<16xf32>
    %select_n3A_3023 = arith.select %eq3A_3020, %get3A_2, %broadcast_in_dim3A_3022 : vector<16xi1>, vector<16xf32>
    %add3A_3024 = arith.addf %get3A_3017, %select_n3A_3023 : vector<16xf32>
    %swap3A_3025 = arith.constant 1 : i32
    %swap3A_3026 = arith.constant 6 : i32
    %swap3A_3027 = arith.index_cast %swap3A_3025 : i32 to index
    %swap3A_3028 = arith.index_cast %swap3A_3026 : i32 to index
    %swap3A_3029 = arith.constant 0 : index
    %swap3A_3030 = tpu.vector_load %arg5[%swap3A_3027, %swap3A_3028, %swap3A_3029] {strides = array<i32>} : memref<2x128x128xf32, #tpu.memory_space<vmem>>, vector<1x1x16xf32>,
    %swap3A_3031 = vector.shape_cast %swap3A_3030 : vector<1x1x16xf32> to vector<16xf32>
    %swap3A_3032 = vector.shape_cast %add3A_3024 : vector<16xf32> to vector<1x1x16xf32>
    tpu.vector_store %arg5[%swap3A_3027, %swap3A_3028, %swap3A_3029], %swap3A_3032 {strides = array<i32>} : memref<2x128x128xf32, #tpu.memory_space<vmem>>, vector<1x1x16xf32>,
    %get3A_3033 = arith.constant 1 : i32
    %get3A_3034 = arith.constant 7 : i32
    %get3A_3035 = arith.index_cast %get3A_3033 : i32 to index
    %get3A_3036 = arith.index_cast %get3A_3034 : i32 to index
    %get3A_3037 = arith.constant 0 : index
    %get3A_3038 = tpu.vector_load %arg5[%get3A_3035, %get3A_3036, %get3A_3037] {strides = array<i32>} : memref<2x128x128xf32, #tpu.memory_space<vmem>>, vector<1x1x16xf32>,
    %get3A_3039 = vector.shape_cast %get3A_3038 : vector<1x1x16xf32> to vector<16xf32>
    %eq3A_3040 = arith.constant 7 : i32
    %eq3A_3041 = vector.broadcast %eq3A_3040 : i32 to vector<16xi32>
    %eq3A_3042 = arith.cmpi eq, %iota3A, %eq3A_3041 : vector<16xi32>
    %jit3A_3043 = arith.constant 0.000000e+00 : f32
    %broadcast_in_dim3A_3044 = vector.broadcast %jit3A_3043 : f32 to vector<16xf32>
    %select_n3A_3045 = arith.select %eq3A_3042, %get3A_2, %broadcast_in_dim3A_3044 : vector<16xi1>, vector<16xf32>
    %add3A_3046 = arith.addf %get3A_3039, %select_n3A_3045 : vector<16xf32>
    %swap3A_3047 = arith.constant 1 : i32
    %swap3A_3048 = arith.constant 7 : i32
    %swap3A_3049 = arith.index_cast %swap3A_3047 : i32 to index
    %swap3A_3050 = arith.index_cast %swap3A_3048 : i32 to index
    %swap3A_3051 = arith.constant 0 : index
    %swap3A_3052 = tpu.vector_load %arg5[%swap3A_3049, %swap3A_3050, %swap3A_3051] {strides = array<i32>} : memref<2x128x128xf32, #tpu.memory_space<vmem>>, vector<1x1x16xf32>,
    %swap3A_3053 = vector.shape_cast %swap3A_3052 : vector<1x1x16xf32> to vector<16xf32>
    %swap3A_3054 = vector.shape_cast %add3A_3046 : vector<16xf32> to vector<1x1x16xf32>
    tpu.vector_store %arg5[%swap3A_3049, %swap3A_3050, %swap3A_3051], %swap3A_3054 {strides = array<i32>} : memref<2x128x128xf32, #tpu.memory_space<vmem>>, vector<1x1x16xf32>,
    %get3A_3055 = arith.constant 1 : i32
    %get3A_3056 = arith.constant 8 : i32
    %get3A_3057 = arith.index_cast %get3A_3055 : i32 to index
    %get3A_3058 = arith.index_cast %get3A_3056 : i32 to index
    %get3A_3059 = arith.constant 0 : index
    %get3A_3060 = tpu.vector_load %arg5[%get3A_3057, %get3A_3058, %get3A_3059] {strides = array<i32>} : memref<2x128x128xf32, #tpu.memory_space<vmem>>, vector<1x1x16xf32>,
    %get3A_3061 = vector.shape_cast %get3A_3060 : vector<1x1x16xf32> to vector<16xf32>
    %eq3A_3062 = arith.constant 8 : i32
    %eq3A_3063 = vector.broadcast %eq3A_3062 : i32 to vector<16xi32>
    %eq3A_3064 = arith.cmpi eq, %iota3A, %eq3A_3063 : vector<16xi32>
    %jit3A_3065 = arith.constant 0.000000e+00 : f32
    %broadcast_in_dim3A_3066 = vector.broadcast %jit3A_3065 : f32 to vector<16xf32>
    %select_n3A_3067 = arith.select %eq3A_3064, %get3A_2, %broadcast_in_dim3A_3066 : vector<16xi1>, vector<16xf32>
    %add3A_3068 = arith.addf %get3A_3061, %select_n3A_3067 : vector<16xf32>
    %swap3A_3069 = arith.constant 1 : i32
    %swap3A_3070 = arith.constant 8 : i32
    %swap3A_3071 = arith.index_cast %swap3A_3069 : i32 to index
    %swap3A_3072 = arith.index_cast %swap3A_3070 : i32 to index
    %swap3A_3073 = arith.constant 0 : index
    %swap3A_3074 = tpu.vector_load %arg5[%swap3A_3071, %swap3A_3072, %swap3A_3073] {strides = array<i32>} : memref<2x128x128xf32, #tpu.memory_space<vmem>>, vector<1x1x16xf32>,
    %swap3A_3075 = vector.shape_cast %swap3A_3074 : vector<1x1x16xf32> to vector<16xf32>
    %swap3A_3076 = vector.shape_cast %add3A_3068 : vector<16xf32> to vector<1x1x16xf32>
    tpu.vector_store %arg5[%swap3A_3071, %swap3A_3072, %swap3A_3073], %swap3A_3076 {strides = array<i32>} : memref<2x128x128xf32, #tpu.memory_space<vmem>>, vector<1x1x16xf32>,
    %get3A_3077 = arith.constant 1 : i32
    %get3A_3078 = arith.constant 9 : i32
    %get3A_3079 = arith.index_cast %get3A_3077 : i32 to index
    %get3A_3080 = arith.index_cast %get3A_3078 : i32 to index
    %get3A_3081 = arith.constant 0 : index
    %get3A_3082 = tpu.vector_load %arg5[%get3A_3079, %get3A_3080, %get3A_3081] {strides = array<i32>} : memref<2x128x128xf32, #tpu.memory_space<vmem>>, vector<1x1x16xf32>,
    %get3A_3083 = vector.shape_cast %get3A_3082 : vector<1x1x16xf32> to vector<16xf32>
    %eq3A_3084 = arith.constant 9 : i32
    %eq3A_3085 = vector.broadcast %eq3A_3084 : i32 to vector<16xi32>
    %eq3A_3086 = arith.cmpi eq, %iota3A, %eq3A_3085 : vector<16xi32>
    %jit3A_3087 = arith.constant 0.000000e+00 : f32
    %broadcast_in_dim3A_3088 = vector.broadcast %jit3A_3087 : f32 to vector<16xf32>
    %select_n3A_3089 = arith.select %eq3A_3086, %get3A_2, %broadcast_in_dim3A_3088 : vector<16xi1>, vector<16xf32>
    %add3A_3090 = arith.addf %get3A_3083, %select_n3A_3089 : vector<16xf32>
    %swap3A_3091 = arith.constant 1 : i32
    %swap3A_3092 = arith.constant 9 : i32
    %swap3A_3093 = arith.index_cast %swap3A_3091 : i32 to index
    %swap3A_3094 = arith.index_cast %swap3A_3092 : i32 to index
    %swap3A_3095 = arith.constant 0 : index
    %swap3A_3096 = tpu.vector_load %arg5[%swap3A_3093, %swap3A_3094, %swap3A_3095] {strides = array<i32>} : memref<2x128x128xf32, #tpu.memory_space<vmem>>, vector<1x1x16xf32>,
    %swap3A_3097 = vector.shape_cast %swap3A_3096 : vector<1x1x16xf32> to vector<16xf32>
    %swap3A_3098 = vector.shape_cast %add3A_3090 : vector<16xf32> to vector<1x1x16xf32>
    tpu.vector_store %arg5[%swap3A_3093, %swap3A_3094, %swap3A_3095], %swap3A_3098 {strides = array<i32>} : memref<2x128x128xf32, #tpu.memory_space<vmem>>, vector<1x1x16xf32>,
    %get3A_3099 = arith.constant 1 : i32
    %get3A_3100 = arith.constant 10 : i32
    %get3A_3101 = arith.index_cast %get3A_3099 : i32 to index
    %get3A_3102 = arith.index_cast %get3A_3100 : i32 to index
    %get3A_3103 = arith.constant 0 : index
    %get3A_3104 = tpu.vector_load %arg5[%get3A_3101, %get3A_3102, %get3A_3103] {strides = array<i32>} : memref<2x128x128xf32, #tpu.memory_space<vmem>>, vector<1x1x16xf32>,
    %get3A_3105 = vector.shape_cast %get3A_3104 : vector<1x1x16xf32> to vector<16xf32>
    %eq3A_3106 = arith.constant 10 : i32
    %eq3A_3107 = vector.broadcast %eq3A_3106 : i32 to vector<16xi32>
    %eq3A_3108 = arith.cmpi eq, %iota3A, %eq3A_3107 : vector<16xi32>
    %jit3A_3109 = arith.constant 0.000000e+00 : f32
    %broadcast_in_dim3A_3110 = vector.broadcast %jit3A_3109 : f32 to vector<16xf32>
    %select_n3A_3111 = arith.select %eq3A_3108, %get3A_2, %broadcast_in_dim3A_3110 : vector<16xi1>, vector<16xf32>
    %add3A_3112 = arith.addf %get3A_3105, %select_n3A_3111 : vector<16xf32>
    %swap3A_3113 = arith.constant 1 : i32
    %swap3A_3114 = arith.constant 10 : i32
    %swap3A_3115 = arith.index_cast %swap3A_3113 : i32 to index
    %swap3A_3116 = arith.index_cast %swap3A_3114 : i32 to index
    %swap3A_3117 = arith.constant 0 : index
    %swap3A_3118 = tpu.vector_load %arg5[%swap3A_3115, %swap3A_3116, %swap3A_3117] {strides = array<i32>} : memref<2x128x128xf32, #tpu.memory_space<vmem>>, vector<1x1x16xf32>,
    %swap3A_3119 = vector.shape_cast %swap3A_3118 : vector<1x1x16xf32> to vector<16xf32>
    %swap3A_3120 = vector.shape_cast %add3A_3112 : vector<16xf32> to vector<1x1x16xf32>
    tpu.vector_store %arg5[%swap3A_3115, %swap3A_3116, %swap3A_3117], %swap3A_3120 {strides = array<i32>} : memref<2x128x128xf32, #tpu.memory_space<vmem>>, vector<1x1x16xf32>,
    %get3A_3121 = arith.constant 1 : i32
    %get3A_3122 = arith.constant 11 : i32
    %get3A_3123 = arith.index_cast %get3A_3121 : i32 to index
    %get3A_3124 = arith.index_cast %get3A_3122 : i32 to index
    %get3A_3125 = arith.constant 0 : index
    %get3A_3126 = tpu.vector_load %arg5[%get3A_3123, %get3A_3124, %get3A_3125] {strides = array<i32>} : memref<2x128x128xf32, #tpu.memory_space<vmem>>, vector<1x1x16xf32>,
    %get3A_3127 = vector.shape_cast %get3A_3126 : vector<1x1x16xf32> to vector<16xf32>
    %eq3A_3128 = arith.constant 11 : i32
    %eq3A_3129 = vector.broadcast %eq3A_3128 : i32 to vector<16xi32>
    %eq3A_3130 = arith.cmpi eq, %iota3A, %eq3A_3129 : vector<16xi32>
    %jit3A_3131 = arith.constant 0.000000e+00 : f32
    %broadcast_in_dim3A_3132 = vector.broadcast %jit3A_3131 : f32 to vector<16xf32>
    %select_n3A_3133 = arith.select %eq3A_3130, %get3A_2, %broadcast_in_dim3A_3132 : vector<16xi1>, vector<16xf32>
    %add3A_3134 = arith.addf %get3A_3127, %select_n3A_3133 : vector<16xf32>
    %swap3A_3135 = arith.constant 1 : i32
    %swap3A_3136 = arith.constant 11 : i32
    %swap3A_3137 = arith.index_cast %swap3A_3135 : i32 to index
    %swap3A_3138 = arith.index_cast %swap3A_3136 : i32 to index
    %swap3A_3139 = arith.constant 0 : index
    %swap3A_3140 = tpu.vector_load %arg5[%swap3A_3137, %swap3A_3138, %swap3A_3139] {strides = array<i32>} : memref<2x128x128xf32, #tpu.memory_space<vmem>>, vector<1x1x16xf32>,
    %swap3A_3141 = vector.shape_cast %swap3A_3140 : vector<1x1x16xf32> to vector<16xf32>
    %swap3A_3142 = vector.shape_cast %add3A_3134 : vector<16xf32> to vector<1x1x16xf32>
    tpu.vector_store %arg5[%swap3A_3137, %swap3A_3138, %swap3A_3139], %swap3A_3142 {strides = array<i32>} : memref<2x128x128xf32, #tpu.memory_space<vmem>>, vector<1x1x16xf32>,
    %get3A_3143 = arith.constant 1 : i32
    %get3A_3144 = arith.constant 12 : i32
    %get3A_3145 = arith.index_cast %get3A_3143 : i32 to index
    %get3A_3146 = arith.index_cast %get3A_3144 : i32 to index
    %get3A_3147 = arith.constant 0 : index
    %get3A_3148 = tpu.vector_load %arg5[%get3A_3145, %get3A_3146, %get3A_3147] {strides = array<i32>} : memref<2x128x128xf32, #tpu.memory_space<vmem>>, vector<1x1x16xf32>,
    %get3A_3149 = vector.shape_cast %get3A_3148 : vector<1x1x16xf32> to vector<16xf32>
    %eq3A_3150 = arith.constant 12 : i32
    %eq3A_3151 = vector.broadcast %eq3A_3150 : i32 to vector<16xi32>
    %eq3A_3152 = arith.cmpi eq, %iota3A, %eq3A_3151 : vector<16xi32>
    %jit3A_3153 = arith.constant 0.000000e+00 : f32
    %broadcast_in_dim3A_3154 = vector.broadcast %jit3A_3153 : f32 to vector<16xf32>
    %select_n3A_3155 = arith.select %eq3A_3152, %get3A_2, %broadcast_in_dim3A_3154 : vector<16xi1>, vector<16xf32>
    %add3A_3156 = arith.addf %get3A_3149, %select_n3A_3155 : vector<16xf32>
    %swap3A_3157 = arith.constant 1 : i32
    %swap3A_3158 = arith.constant 12 : i32
    %swap3A_3159 = arith.index_cast %swap3A_3157 : i32 to index
    %swap3A_3160 = arith.index_cast %swap3A_3158 : i32 to index
    %swap3A_3161 = arith.constant 0 : index
    %swap3A_3162 = tpu.vector_load %arg5[%swap3A_3159, %swap3A_3160, %swap3A_3161] {strides = array<i32>} : memref<2x128x128xf32, #tpu.memory_space<vmem>>, vector<1x1x16xf32>,
    %swap3A_3163 = vector.shape_cast %swap3A_3162 : vector<1x1x16xf32> to vector<16xf32>
    %swap3A_3164 = vector.shape_cast %add3A_3156 : vector<16xf32> to vector<1x1x16xf32>
    tpu.vector_store %arg5[%swap3A_3159, %swap3A_3160, %swap3A_3161], %swap3A_3164 {strides = array<i32>} : memref<2x128x128xf32, #tpu.memory_space<vmem>>, vector<1x1x16xf32>,
    %get3A_3165 = arith.constant 1 : i32
    %get3A_3166 = arith.constant 13 : i32
    %get3A_3167 = arith.index_cast %get3A_3165 : i32 to index
    %get3A_3168 = arith.index_cast %get3A_3166 : i32 to index
    %get3A_3169 = arith.constant 0 : index
    %get3A_3170 = tpu.vector_load %arg5[%get3A_3167, %get3A_3168, %get3A_3169] {strides = array<i32>} : memref<2x128x128xf32, #tpu.memory_space<vmem>>, vector<1x1x16xf32>,
    %get3A_3171 = vector.shape_cast %get3A_3170 : vector<1x1x16xf32> to vector<16xf32>
    %eq3A_3172 = arith.constant 13 : i32
    %eq3A_3173 = vector.broadcast %eq3A_3172 : i32 to vector<16xi32>
    %eq3A_3174 = arith.cmpi eq, %iota3A, %eq3A_3173 : vector<16xi32>
    %jit3A_3175 = arith.constant 0.000000e+00 : f32
    %broadcast_in_dim3A_3176 = vector.broadcast %jit3A_3175 : f32 to vector<16xf32>
    %select_n3A_3177 = arith.select %eq3A_3174, %get3A_2, %broadcast_in_dim3A_3176 : vector<16xi1>, vector<16xf32>
    %add3A_3178 = arith.addf %get3A_3171, %select_n3A_3177 : vector<16xf32>
    %swap3A_3179 = arith.constant 1 : i32
    %swap3A_3180 = arith.constant 13 : i32
    %swap3A_3181 = arith.index_cast %swap3A_3179 : i32 to index
    %swap3A_3182 = arith.index_cast %swap3A_3180 : i32 to index
    %swap3A_3183 = arith.constant 0 : index
    %swap3A_3184 = tpu.vector_load %arg5[%swap3A_3181, %swap3A_3182, %swap3A_3183] {strides = array<i32>} : memref<2x128x128xf32, #tpu.memory_space<vmem>>, vector<1x1x16xf32>,
    %swap3A_3185 = vector.shape_cast %swap3A_3184 : vector<1x1x16xf32> to vector<16xf32>
    %swap3A_3186 = vector.shape_cast %add3A_3178 : vector<16xf32> to vector<1x1x16xf32>
    tpu.vector_store %arg5[%swap3A_3181, %swap3A_3182, %swap3A_3183], %swap3A_3186 {strides = array<i32>} : memref<2x128x128xf32, #tpu.memory_space<vmem>>, vector<1x1x16xf32>,
    %get3A_3187 = arith.constant 1 : i32
    %get3A_3188 = arith.constant 14 : i32
    %get3A_3189 = arith.index_cast %get3A_3187 : i32 to index
    %get3A_3190 = arith.index_cast %get3A_3188 : i32 to index
    %get3A_3191 = arith.constant 0 : index
    %get3A_3192 = tpu.vector_load %arg5[%get3A_3189, %get3A_3190, %get3A_3191] {strides = array<i32>} : memref<2x128x128xf32, #tpu.memory_space<vmem>>, vector<1x1x16xf32>,
    %get3A_3193 = vector.shape_cast %get3A_3192 : vector<1x1x16xf32> to vector<16xf32>
    %eq3A_3194 = arith.constant 14 : i32
    %eq3A_3195 = vector.broadcast %eq3A_3194 : i32 to vector<16xi32>
    %eq3A_3196 = arith.cmpi eq, %iota3A, %eq3A_3195 : vector<16xi32>
    %jit3A_3197 = arith.constant 0.000000e+00 : f32
    %broadcast_in_dim3A_3198 = vector.broadcast %jit3A_3197 : f32 to vector<16xf32>
    %select_n3A_3199 = arith.select %eq3A_3196, %get3A_2, %broadcast_in_dim3A_3198 : vector<16xi1>, vector<16xf32>
    %add3A_3200 = arith.addf %get3A_3193, %select_n3A_3199 : vector<16xf32>
    %swap3A_3201 = arith.constant 1 : i32
    %swap3A_3202 = arith.constant 14 : i32
    %swap3A_3203 = arith.index_cast %swap3A_3201 : i32 to index
    %swap3A_3204 = arith.index_cast %swap3A_3202 : i32 to index
    %swap3A_3205 = arith.constant 0 : index
    %swap3A_3206 = tpu.vector_load %arg5[%swap3A_3203, %swap3A_3204, %swap3A_3205] {strides = array<i32>} : memref<2x128x128xf32, #tpu.memory_space<vmem>>, vector<1x1x16xf32>,
    %swap3A_3207 = vector.shape_cast %swap3A_3206 : vector<1x1x16xf32> to vector<16xf32>
    %swap3A_3208 = vector.shape_cast %add3A_3200 : vector<16xf32> to vector<1x1x16xf32>
    tpu.vector_store %arg5[%swap3A_3203, %swap3A_3204, %swap3A_3205], %swap3A_3208 {strides = array<i32>} : memref<2x128x128xf32, #tpu.memory_space<vmem>>, vector<1x1x16xf32>,
    %get3A_3209 = arith.constant 1 : i32
    %get3A_3210 = arith.constant 15 : i32
    %get3A_3211 = arith.index_cast %get3A_3209 : i32 to index
    %get3A_3212 = arith.index_cast %get3A_3210 : i32 to index
    %get3A_3213 = arith.constant 0 : index
    %get3A_3214 = tpu.vector_load %arg5[%get3A_3211, %get3A_3212, %get3A_3213] {strides = array<i32>} : memref<2x128x128xf32, #tpu.memory_space<vmem>>, vector<1x1x16xf32>,
    %get3A_3215 = vector.shape_cast %get3A_3214 : vector<1x1x16xf32> to vector<16xf32>
    %eq3A_3216 = arith.constant 15 : i32
    %eq3A_3217 = vector.broadcast %eq3A_3216 : i32 to vector<16xi32>
    %eq3A_3218 = arith.cmpi eq, %iota3A, %eq3A_3217 : vector<16xi32>
    %jit3A_3219 = arith.constant 0.000000e+00 : f32
    %broadcast_in_dim3A_3220 = vector.broadcast %jit3A_3219 : f32 to vector<16xf32>
    %select_n3A_3221 = arith.select %eq3A_3218, %get3A_2, %broadcast_in_dim3A_3220 : vector<16xi1>, vector<16xf32>
    %add3A_3222 = arith.addf %get3A_3215, %select_n3A_3221 : vector<16xf32>
    %swap3A_3223 = arith.constant 1 : i32
    %swap3A_3224 = arith.constant 15 : i32
    %swap3A_3225 = arith.index_cast %swap3A_3223 : i32 to index
    %swap3A_3226 = arith.index_cast %swap3A_3224 : i32 to index
    %swap3A_3227 = arith.constant 0 : index
    %swap3A_3228 = tpu.vector_load %arg5[%swap3A_3225, %swap3A_3226, %swap3A_3227] {strides = array<i32>} : memref<2x128x128xf32, #tpu.memory_space<vmem>>, vector<1x1x16xf32>,
    %swap3A_3229 = vector.shape_cast %swap3A_3228 : vector<1x1x16xf32> to vector<16xf32>
    %swap3A_3230 = vector.shape_cast %add3A_3222 : vector<16xf32> to vector<1x1x16xf32>
    tpu.vector_store %arg5[%swap3A_3225, %swap3A_3226, %swap3A_3227], %swap3A_3230 {strides = array<i32>} : memref<2x128x128xf32, #tpu.memory_space<vmem>>, vector<1x1x16xf32>,
    %get3A_3231 = arith.constant 1 : i32
    %get3A_3232 = arith.constant 16 : i32
    %get3A_3233 = arith.index_cast %get3A_3231 : i32 to index
    %get3A_3234 = arith.index_cast %get3A_3232 : i32 to index
    %get3A_3235 = arith.constant 16 : index
    %get3A_3236 = tpu.vector_load %arg5[%get3A_3233, %get3A_3234, %get3A_3235] {strides = array<i32>} : memref<2x128x128xf32, #tpu.memory_space<vmem>>, vector<1x1x16xf32>,
    %get3A_3237 = vector.shape_cast %get3A_3236 : vector<1x1x16xf32> to vector<16xf32>
    %eq3A_3238 = arith.constant 0 : i32
    %eq3A_3239 = vector.broadcast %eq3A_3238 : i32 to vector<16xi32>
    %eq3A_3240 = arith.cmpi eq, %iota3A, %eq3A_3239 : vector<16xi32>
    %jit3A_3241 = arith.constant 0.000000e+00 : f32
    %broadcast_in_dim3A_3242 = vector.broadcast %jit3A_3241 : f32 to vector<16xf32>
    %select_n3A_3243 = arith.select %eq3A_3240, %get3A_2, %broadcast_in_dim3A_3242 : vector<16xi1>, vector<16xf32>
    %add3A_3244 = arith.addf %get3A_3237, %select_n3A_3243 : vector<16xf32>
    %swap3A_3245 = arith.constant 1 : i32
    %swap3A_3246 = arith.constant 16 : i32
    %swap3A_3247 = arith.index_cast %swap3A_3245 : i32 to index
    %swap3A_3248 = arith.index_cast %swap3A_3246 : i32 to index
    %swap3A_3249 = arith.constant 16 : index
    %swap3A_3250 = tpu.vector_load %arg5[%swap3A_3247, %swap3A_3248, %swap3A_3249] {strides = array<i32>} : memref<2x128x128xf32, #tpu.memory_space<vmem>>, vector<1x1x16xf32>,
    %swap3A_3251 = vector.shape_cast %swap3A_3250 : vector<1x1x16xf32> to vector<16xf32>
    %swap3A_3252 = vector.shape_cast %add3A_3244 : vector<16xf32> to vector<1x1x16xf32>
    tpu.vector_store %arg5[%swap3A_3247, %swap3A_3248, %swap3A_3249], %swap3A_3252 {strides = array<i32>} : memref<2x128x128xf32, #tpu.memory_space<vmem>>, vector<1x1x16xf32>,
    %get3A_3253 = arith.constant 1 : i32
    %get3A_3254 = arith.constant 17 : i32
    %get3A_3255 = arith.index_cast %get3A_3253 : i32 to index
    %get3A_3256 = arith.index_cast %get3A_3254 : i32 to index
    %get3A_3257 = arith.constant 16 : index
    %get3A_3258 = tpu.vector_load %arg5[%get3A_3255, %get3A_3256, %get3A_3257] {strides = array<i32>} : memref<2x128x128xf32, #tpu.memory_space<vmem>>, vector<1x1x16xf32>,
    %get3A_3259 = vector.shape_cast %get3A_3258 : vector<1x1x16xf32> to vector<16xf32>
    %eq3A_3260 = arith.constant 1 : i32
    %eq3A_3261 = vector.broadcast %eq3A_3260 : i32 to vector<16xi32>
    %eq3A_3262 = arith.cmpi eq, %iota3A, %eq3A_3261 : vector<16xi32>
    %jit3A_3263 = arith.constant 0.000000e+00 : f32
    %broadcast_in_dim3A_3264 = vector.broadcast %jit3A_3263 : f32 to vector<16xf32>
    %select_n3A_3265 = arith.select %eq3A_3262, %get3A_2, %broadcast_in_dim3A_3264 : vector<16xi1>, vector<16xf32>
    %add3A_3266 = arith.addf %get3A_3259, %select_n3A_3265 : vector<16xf32>
    %swap3A_3267 = arith.constant 1 : i32
    %swap3A_3268 = arith.constant 17 : i32
    %swap3A_3269 = arith.index_cast %swap3A_3267 : i32 to index
    %swap3A_3270 = arith.index_cast %swap3A_3268 : i32 to index
    %swap3A_3271 = arith.constant 16 : index
    %swap3A_3272 = tpu.vector_load %arg5[%swap3A_3269, %swap3A_3270, %swap3A_3271] {strides = array<i32>} : memref<2x128x128xf32, #tpu.memory_space<vmem>>, vector<1x1x16xf32>,
    %swap3A_3273 = vector.shape_cast %swap3A_3272 : vector<1x1x16xf32> to vector<16xf32>
    %swap3A_3274 = vector.shape_cast %add3A_3266 : vector<16xf32> to vector<1x1x16xf32>
    tpu.vector_store %arg5[%swap3A_3269, %swap3A_3270, %swap3A_3271], %swap3A_3274 {strides = array<i32>} : memref<2x128x128xf32, #tpu.memory_space<vmem>>, vector<1x1x16xf32>,
    %get3A_3275 = arith.constant 1 : i32
    %get3A_3276 = arith.constant 18 : i32
    %get3A_3277 = arith.index_cast %get3A_3275 : i32 to index
    %get3A_3278 = arith.index_cast %get3A_3276 : i32 to index
    %get3A_3279 = arith.constant 16 : index
    %get3A_3280 = tpu.vector_load %arg5[%get3A_3277, %get3A_3278, %get3A_3279] {strides = array<i32>} : memref<2x128x128xf32, #tpu.memory_space<vmem>>, vector<1x1x16xf32>,
    %get3A_3281 = vector.shape_cast %get3A_3280 : vector<1x1x16xf32> to vector<16xf32>
    %eq3A_3282 = arith.constant 2 : i32
    %eq3A_3283 = vector.broadcast %eq3A_3282 : i32 to vector<16xi32>
    %eq3A_3284 = arith.cmpi eq, %iota3A, %eq3A_3283 : vector<16xi32>
    %jit3A_3285 = arith.constant 0.000000e+00 : f32
    %broadcast_in_dim3A_3286 = vector.broadcast %jit3A_3285 : f32 to vector<16xf32>
    %select_n3A_3287 = arith.select %eq3A_3284, %get3A_2, %broadcast_in_dim3A_3286 : vector<16xi1>, vector<16xf32>
    %add3A_3288 = arith.addf %get3A_3281, %select_n3A_3287 : vector<16xf32>
    %swap3A_3289 = arith.constant 1 : i32
    %swap3A_3290 = arith.constant 18 : i32
    %swap3A_3291 = arith.index_cast %swap3A_3289 : i32 to index
    %swap3A_3292 = arith.index_cast %swap3A_3290 : i32 to index
    %swap3A_3293 = arith.constant 16 : index
    %swap3A_3294 = tpu.vector_load %arg5[%swap3A_3291, %swap3A_3292, %swap3A_3293] {strides = array<i32>} : memref<2x128x128xf32, #tpu.memory_space<vmem>>, vector<1x1x16xf32>,
    %swap3A_3295 = vector.shape_cast %swap3A_3294 : vector<1x1x16xf32> to vector<16xf32>
    %swap3A_3296 = vector.shape_cast %add3A_3288 : vector<16xf32> to vector<1x1x16xf32>
    tpu.vector_store %arg5[%swap3A_3291, %swap3A_3292, %swap3A_3293], %swap3A_3296 {strides = array<i32>} : memref<2x128x128xf32, #tpu.memory_space<vmem>>, vector<1x1x16xf32>,
    %get3A_3297 = arith.constant 1 : i32
    %get3A_3298 = arith.constant 19 : i32
    %get3A_3299 = arith.index_cast %get3A_3297 : i32 to index
    %get3A_3300 = arith.index_cast %get3A_3298 : i32 to index
    %get3A_3301 = arith.constant 16 : index
    %get3A_3302 = tpu.vector_load %arg5[%get3A_3299, %get3A_3300, %get3A_3301] {strides = array<i32>} : memref<2x128x128xf32, #tpu.memory_space<vmem>>, vector<1x1x16xf32>,
    %get3A_3303 = vector.shape_cast %get3A_3302 : vector<1x1x16xf32> to vector<16xf32>
    %eq3A_3304 = arith.constant 3 : i32
    %eq3A_3305 = vector.broadcast %eq3A_3304 : i32 to vector<16xi32>
    %eq3A_3306 = arith.cmpi eq, %iota3A, %eq3A_3305 : vector<16xi32>
    %jit3A_3307 = arith.constant 0.000000e+00 : f32
    %broadcast_in_dim3A_3308 = vector.broadcast %jit3A_3307 : f32 to vector<16xf32>
    %select_n3A_3309 = arith.select %eq3A_3306, %get3A_2, %broadcast_in_dim3A_3308 : vector<16xi1>, vector<16xf32>
    %add3A_3310 = arith.addf %get3A_3303, %select_n3A_3309 : vector<16xf32>
    %swap3A_3311 = arith.constant 1 : i32
    %swap3A_3312 = arith.constant 19 : i32
    %swap3A_3313 = arith.index_cast %swap3A_3311 : i32 to index
    %swap3A_3314 = arith.index_cast %swap3A_3312 : i32 to index
    %swap3A_3315 = arith.constant 16 : index
    %swap3A_3316 = tpu.vector_load %arg5[%swap3A_3313, %swap3A_3314, %swap3A_3315] {strides = array<i32>} : memref<2x128x128xf32, #tpu.memory_space<vmem>>, vector<1x1x16xf32>,
    %swap3A_3317 = vector.shape_cast %swap3A_3316 : vector<1x1x16xf32> to vector<16xf32>
    %swap3A_3318 = vector.shape_cast %add3A_3310 : vector<16xf32> to vector<1x1x16xf32>
    tpu.vector_store %arg5[%swap3A_3313, %swap3A_3314, %swap3A_3315], %swap3A_3318 {strides = array<i32>} : memref<2x128x128xf32, #tpu.memory_space<vmem>>, vector<1x1x16xf32>,
    %get3A_3319 = arith.constant 1 : i32
    %get3A_3320 = arith.constant 20 : i32
    %get3A_3321 = arith.index_cast %get3A_3319 : i32 to index
    %get3A_3322 = arith.index_cast %get3A_3320 : i32 to index
    %get3A_3323 = arith.constant 16 : index
    %get3A_3324 = tpu.vector_load %arg5[%get3A_3321, %get3A_3322, %get3A_3323] {strides = array<i32>} : memref<2x128x128xf32, #tpu.memory_space<vmem>>, vector<1x1x16xf32>,
    %get3A_3325 = vector.shape_cast %get3A_3324 : vector<1x1x16xf32> to vector<16xf32>
    %eq3A_3326 = arith.constant 4 : i32
    %eq3A_3327 = vector.broadcast %eq3A_3326 : i32 to vector<16xi32>
    %eq3A_3328 = arith.cmpi eq, %iota3A, %eq3A_3327 : vector<16xi32>
    %jit3A_3329 = arith.constant 0.000000e+00 : f32
    %broadcast_in_dim3A_3330 = vector.broadcast %jit3A_3329 : f32 to vector<16xf32>
    %select_n3A_3331 = arith.select %eq3A_3328, %get3A_2, %broadcast_in_dim3A_3330 : vector<16xi1>, vector<16xf32>
    %add3A_3332 = arith.addf %get3A_3325, %select_n3A_3331 : vector<16xf32>
    %swap3A_3333 = arith.constant 1 : i32
    %swap3A_3334 = arith.constant 20 : i32
    %swap3A_3335 = arith.index_cast %swap3A_3333 : i32 to index
    %swap3A_3336 = arith.index_cast %swap3A_3334 : i32 to index
    %swap3A_3337 = arith.constant 16 : index
    %swap3A_3338 = tpu.vector_load %arg5[%swap3A_3335, %swap3A_3336, %swap3A_3337] {strides = array<i32>} : memref<2x128x128xf32, #tpu.memory_space<vmem>>, vector<1x1x16xf32>,
    %swap3A_3339 = vector.shape_cast %swap3A_3338 : vector<1x1x16xf32> to vector<16xf32>
    %swap3A_3340 = vector.shape_cast %add3A_3332 : vector<16xf32> to vector<1x1x16xf32>
    tpu.vector_store %arg5[%swap3A_3335, %swap3A_3336, %swap3A_3337], %swap3A_3340 {strides = array<i32>} : memref<2x128x128xf32, #tpu.memory_space<vmem>>, vector<1x1x16xf32>,
    %get3A_3341 = arith.constant 1 : i32
    %get3A_3342 = arith.constant 21 : i32
    %get3A_3343 = arith.index_cast %get3A_3341 : i32 to index
    %get3A_3344 = arith.index_cast %get3A_3342 : i32 to index
    %get3A_3345 = arith.constant 16 : index
    %get3A_3346 = tpu.vector_load %arg5[%get3A_3343, %get3A_3344, %get3A_3345] {strides = array<i32>} : memref<2x128x128xf32, #tpu.memory_space<vmem>>, vector<1x1x16xf32>,
    %get3A_3347 = vector.shape_cast %get3A_3346 : vector<1x1x16xf32> to vector<16xf32>
    %eq3A_3348 = arith.constant 5 : i32
    %eq3A_3349 = vector.broadcast %eq3A_3348 : i32 to vector<16xi32>
    %eq3A_3350 = arith.cmpi eq, %iota3A, %eq3A_3349 : vector<16xi32>
    %jit3A_3351 = arith.constant 0.000000e+00 : f32
    %broadcast_in_dim3A_3352 = vector.broadcast %jit3A_3351 : f32 to vector<16xf32>
    %select_n3A_3353 = arith.select %eq3A_3350, %get3A_2, %broadcast_in_dim3A_3352 : vector<16xi1>, vector<16xf32>
    %add3A_3354 = arith.addf %get3A_3347, %select_n3A_3353 : vector<16xf32>
    %swap3A_3355 = arith.constant 1 : i32
    %swap3A_3356 = arith.constant 21 : i32
    %swap3A_3357 = arith.index_cast %swap3A_3355 : i32 to index
    %swap3A_3358 = arith.index_cast %swap3A_3356 : i32 to index
    %swap3A_3359 = arith.constant 16 : index
    %swap3A_3360 = tpu.vector_load %arg5[%swap3A_3357, %swap3A_3358, %swap3A_3359] {strides = array<i32>} : memref<2x128x128xf32, #tpu.memory_space<vmem>>, vector<1x1x16xf32>,
    %swap3A_3361 = vector.shape_cast %swap3A_3360 : vector<1x1x16xf32> to vector<16xf32>
    %swap3A_3362 = vector.shape_cast %add3A_3354 : vector<16xf32> to vector<1x1x16xf32>
    tpu.vector_store %arg5[%swap3A_3357, %swap3A_3358, %swap3A_3359], %swap3A_3362 {strides = array<i32>} : memref<2x128x128xf32, #tpu.memory_space<vmem>>, vector<1x1x16xf32>,
    %get3A_3363 = arith.constant 1 : i32
    %get3A_3364 = arith.constant 22 : i32
    %get3A_3365 = arith.index_cast %get3A_3363 : i32 to index
    %get3A_3366 = arith.index_cast %get3A_3364 : i32 to index
    %get3A_3367 = arith.constant 16 : index
    %get3A_3368 = tpu.vector_load %arg5[%get3A_3365, %get3A_3366, %get3A_3367] {strides = array<i32>} : memref<2x128x128xf32, #tpu.memory_space<vmem>>, vector<1x1x16xf32>,
    %get3A_3369 = vector.shape_cast %get3A_3368 : vector<1x1x16xf32> to vector<16xf32>
    %eq3A_3370 = arith.constant 6 : i32
    %eq3A_3371 = vector.broadcast %eq3A_3370 : i32 to vector<16xi32>
    %eq3A_3372 = arith.cmpi eq, %iota3A, %eq3A_3371 : vector<16xi32>
    %jit3A_3373 = arith.constant 0.000000e+00 : f32
    %broadcast_in_dim3A_3374 = vector.broadcast %jit3A_3373 : f32 to vector<16xf32>
    %select_n3A_3375 = arith.select %eq3A_3372, %get3A_2, %broadcast_in_dim3A_3374 : vector<16xi1>, vector<16xf32>
    %add3A_3376 = arith.addf %get3A_3369, %select_n3A_3375 : vector<16xf32>
    %swap3A_3377 = arith.constant 1 : i32
    %swap3A_3378 = arith.constant 22 : i32
    %swap3A_3379 = arith.index_cast %swap3A_3377 : i32 to index
    %swap3A_3380 = arith.index_cast %swap3A_3378 : i32 to index
    %swap3A_3381 = arith.constant 16 : index
    %swap3A_3382 = tpu.vector_load %arg5[%swap3A_3379, %swap3A_3380, %swap3A_3381] {strides = array<i32>} : memref<2x128x128xf32, #tpu.memory_space<vmem>>, vector<1x1x16xf32>,
    %swap3A_3383 = vector.shape_cast %swap3A_3382 : vector<1x1x16xf32> to vector<16xf32>
    %swap3A_3384 = vector.shape_cast %add3A_3376 : vector<16xf32> to vector<1x1x16xf32>
    tpu.vector_store %arg5[%swap3A_3379, %swap3A_3380, %swap3A_3381], %swap3A_3384 {strides = array<i32>} : memref<2x128x128xf32, #tpu.memory_space<vmem>>, vector<1x1x16xf32>,
    %get3A_3385 = arith.constant 1 : i32
    %get3A_3386 = arith.constant 23 : i32
    %get3A_3387 = arith.index_cast %get3A_3385 : i32 to index
    %get3A_3388 = arith.index_cast %get3A_3386 : i32 to index
    %get3A_3389 = arith.constant 16 : index
    %get3A_3390 = tpu.vector_load %arg5[%get3A_3387, %get3A_3388, %get3A_3389] {strides = array<i32>} : memref<2x128x128xf32, #tpu.memory_space<vmem>>, vector<1x1x16xf32>,
    %get3A_3391 = vector.shape_cast %get3A_3390 : vector<1x1x16xf32> to vector<16xf32>
    %eq3A_3392 = arith.constant 7 : i32
    %eq3A_3393 = vector.broadcast %eq3A_3392 : i32 to vector<16xi32>
    %eq3A_3394 = arith.cmpi eq, %iota3A, %eq3A_3393 : vector<16xi32>
    %jit3A_3395 = arith.constant 0.000000e+00 : f32
    %broadcast_in_dim3A_3396 = vector.broadcast %jit3A_3395 : f32 to vector<16xf32>
    %select_n3A_3397 = arith.select %eq3A_3394, %get3A_2, %broadcast_in_dim3A_3396 : vector<16xi1>, vector<16xf32>
    %add3A_3398 = arith.addf %get3A_3391, %select_n3A_3397 : vector<16xf32>
    %swap3A_3399 = arith.constant 1 : i32
    %swap3A_3400 = arith.constant 23 : i32
    %swap3A_3401 = arith.index_cast %swap3A_3399 : i32 to index
    %swap3A_3402 = arith.index_cast %swap3A_3400 : i32 to index
    %swap3A_3403 = arith.constant 16 : index
    %swap3A_3404 = tpu.vector_load %arg5[%swap3A_3401, %swap3A_3402, %swap3A_3403] {strides = array<i32>} : memref<2x128x128xf32, #tpu.memory_space<vmem>>, vector<1x1x16xf32>,
    %swap3A_3405 = vector.shape_cast %swap3A_3404 : vector<1x1x16xf32> to vector<16xf32>
    %swap3A_3406 = vector.shape_cast %add3A_3398 : vector<16xf32> to vector<1x1x16xf32>
    tpu.vector_store %arg5[%swap3A_3401, %swap3A_3402, %swap3A_3403], %swap3A_3406 {strides = array<i32>} : memref<2x128x128xf32, #tpu.memory_space<vmem>>, vector<1x1x16xf32>,
    %get3A_3407 = arith.constant 1 : i32
    %get3A_3408 = arith.constant 24 : i32
    %get3A_3409 = arith.index_cast %get3A_3407 : i32 to index
    %get3A_3410 = arith.index_cast %get3A_3408 : i32 to index
    %get3A_3411 = arith.constant 16 : index
    %get3A_3412 = tpu.vector_load %arg5[%get3A_3409, %get3A_3410, %get3A_3411] {strides = array<i32>} : memref<2x128x128xf32, #tpu.memory_space<vmem>>, vector<1x1x16xf32>,
    %get3A_3413 = vector.shape_cast %get3A_3412 : vector<1x1x16xf32> to vector<16xf32>
    %eq3A_3414 = arith.constant 8 : i32
    %eq3A_3415 = vector.broadcast %eq3A_3414 : i32 to vector<16xi32>
    %eq3A_3416 = arith.cmpi eq, %iota3A, %eq3A_3415 : vector<16xi32>
    %jit3A_3417 = arith.constant 0.000000e+00 : f32
    %broadcast_in_dim3A_3418 = vector.broadcast %jit3A_3417 : f32 to vector<16xf32>
    %select_n3A_3419 = arith.select %eq3A_3416, %get3A_2, %broadcast_in_dim3A_3418 : vector<16xi1>, vector<16xf32>
    %add3A_3420 = arith.addf %get3A_3413, %select_n3A_3419 : vector<16xf32>
    %swap3A_3421 = arith.constant 1 : i32
    %swap3A_3422 = arith.constant 24 : i32
    %swap3A_3423 = arith.index_cast %swap3A_3421 : i32 to index
    %swap3A_3424 = arith.index_cast %swap3A_3422 : i32 to index
    %swap3A_3425 = arith.constant 16 : index
    %swap3A_3426 = tpu.vector_load %arg5[%swap3A_3423, %swap3A_3424, %swap3A_3425] {strides = array<i32>} : memref<2x128x128xf32, #tpu.memory_space<vmem>>, vector<1x1x16xf32>,
    %swap3A_3427 = vector.shape_cast %swap3A_3426 : vector<1x1x16xf32> to vector<16xf32>
    %swap3A_3428 = vector.shape_cast %add3A_3420 : vector<16xf32> to vector<1x1x16xf32>
    tpu.vector_store %arg5[%swap3A_3423, %swap3A_3424, %swap3A_3425], %swap3A_3428 {strides = array<i32>} : memref<2x128x128xf32, #tpu.memory_space<vmem>>, vector<1x1x16xf32>,
    %get3A_3429 = arith.constant 1 : i32
    %get3A_3430 = arith.constant 25 : i32
    %get3A_3431 = arith.index_cast %get3A_3429 : i32 to index
    %get3A_3432 = arith.index_cast %get3A_3430 : i32 to index
    %get3A_3433 = arith.constant 16 : index
    %get3A_3434 = tpu.vector_load %arg5[%get3A_3431, %get3A_3432, %get3A_3433] {strides = array<i32>} : memref<2x128x128xf32, #tpu.memory_space<vmem>>, vector<1x1x16xf32>,
    %get3A_3435 = vector.shape_cast %get3A_3434 : vector<1x1x16xf32> to vector<16xf32>
    %eq3A_3436 = arith.constant 9 : i32
    %eq3A_3437 = vector.broadcast %eq3A_3436 : i32 to vector<16xi32>
    %eq3A_3438 = arith.cmpi eq, %iota3A, %eq3A_3437 : vector<16xi32>
    %jit3A_3439 = arith.constant 0.000000e+00 : f32
    %broadcast_in_dim3A_3440 = vector.broadcast %jit3A_3439 : f32 to vector<16xf32>
    %select_n3A_3441 = arith.select %eq3A_3438, %get3A_2, %broadcast_in_dim3A_3440 : vector<16xi1>, vector<16xf32>
    %add3A_3442 = arith.addf %get3A_3435, %select_n3A_3441 : vector<16xf32>
    %swap3A_3443 = arith.constant 1 : i32
    %swap3A_3444 = arith.constant 25 : i32
    %swap3A_3445 = arith.index_cast %swap3A_3443 : i32 to index
    %swap3A_3446 = arith.index_cast %swap3A_3444 : i32 to index
    %swap3A_3447 = arith.constant 16 : index
    %swap3A_3448 = tpu.vector_load %arg5[%swap3A_3445, %swap3A_3446, %swap3A_3447] {strides = array<i32>} : memref<2x128x128xf32, #tpu.memory_space<vmem>>, vector<1x1x16xf32>,
    %swap3A_3449 = vector.shape_cast %swap3A_3448 : vector<1x1x16xf32> to vector<16xf32>
    %swap3A_3450 = vector.shape_cast %add3A_3442 : vector<16xf32> to vector<1x1x16xf32>
    tpu.vector_store %arg5[%swap3A_3445, %swap3A_3446, %swap3A_3447], %swap3A_3450 {strides = array<i32>} : memref<2x128x128xf32, #tpu.memory_space<vmem>>, vector<1x1x16xf32>,
    %get3A_3451 = arith.constant 1 : i32
    %get3A_3452 = arith.constant 26 : i32
    %get3A_3453 = arith.index_cast %get3A_3451 : i32 to index
    %get3A_3454 = arith.index_cast %get3A_3452 : i32 to index
    %get3A_3455 = arith.constant 16 : index
    %get3A_3456 = tpu.vector_load %arg5[%get3A_3453, %get3A_3454, %get3A_3455] {strides = array<i32>} : memref<2x128x128xf32, #tpu.memory_space<vmem>>, vector<1x1x16xf32>,
    %get3A_3457 = vector.shape_cast %get3A_3456 : vector<1x1x16xf32> to vector<16xf32>
    %eq3A_3458 = arith.constant 10 : i32
    %eq3A_3459 = vector.broadcast %eq3A_3458 : i32 to vector<16xi32>
    %eq3A_3460 = arith.cmpi eq, %iota3A, %eq3A_3459 : vector<16xi32>
    %jit3A_3461 = arith.constant 0.000000e+00 : f32
    %broadcast_in_dim3A_3462 = vector.broadcast %jit3A_3461 : f32 to vector<16xf32>
    %select_n3A_3463 = arith.select %eq3A_3460, %get3A_2, %broadcast_in_dim3A_3462 : vector<16xi1>, vector<16xf32>
    %add3A_3464 = arith.addf %get3A_3457, %select_n3A_3463 : vector<16xf32>
    %swap3A_3465 = arith.constant 1 : i32
    %swap3A_3466 = arith.constant 26 : i32
    %swap3A_3467 = arith.index_cast %swap3A_3465 : i32 to index
    %swap3A_3468 = arith.index_cast %swap3A_3466 : i32 to index
    %swap3A_3469 = arith.constant 16 : index
    %swap3A_3470 = tpu.vector_load %arg5[%swap3A_3467, %swap3A_3468, %swap3A_3469] {strides = array<i32>} : memref<2x128x128xf32, #tpu.memory_space<vmem>>, vector<1x1x16xf32>,
    %swap3A_3471 = vector.shape_cast %swap3A_3470 : vector<1x1x16xf32> to vector<16xf32>
    %swap3A_3472 = vector.shape_cast %add3A_3464 : vector<16xf32> to vector<1x1x16xf32>
    tpu.vector_store %arg5[%swap3A_3467, %swap3A_3468, %swap3A_3469], %swap3A_3472 {strides = array<i32>} : memref<2x128x128xf32, #tpu.memory_space<vmem>>, vector<1x1x16xf32>,
    %get3A_3473 = arith.constant 1 : i32
    %get3A_3474 = arith.constant 27 : i32
    %get3A_3475 = arith.index_cast %get3A_3473 : i32 to index
    %get3A_3476 = arith.index_cast %get3A_3474 : i32 to index
    %get3A_3477 = arith.constant 16 : index
    %get3A_3478 = tpu.vector_load %arg5[%get3A_3475, %get3A_3476, %get3A_3477] {strides = array<i32>} : memref<2x128x128xf32, #tpu.memory_space<vmem>>, vector<1x1x16xf32>,
    %get3A_3479 = vector.shape_cast %get3A_3478 : vector<1x1x16xf32> to vector<16xf32>
    %eq3A_3480 = arith.constant 11 : i32
    %eq3A_3481 = vector.broadcast %eq3A_3480 : i32 to vector<16xi32>
    %eq3A_3482 = arith.cmpi eq, %iota3A, %eq3A_3481 : vector<16xi32>
    %jit3A_3483 = arith.constant 0.000000e+00 : f32
    %broadcast_in_dim3A_3484 = vector.broadcast %jit3A_3483 : f32 to vector<16xf32>
    %select_n3A_3485 = arith.select %eq3A_3482, %get3A_2, %broadcast_in_dim3A_3484 : vector<16xi1>, vector<16xf32>
    %add3A_3486 = arith.addf %get3A_3479, %select_n3A_3485 : vector<16xf32>
    %swap3A_3487 = arith.constant 1 : i32
    %swap3A_3488 = arith.constant 27 : i32
    %swap3A_3489 = arith.index_cast %swap3A_3487 : i32 to index
    %swap3A_3490 = arith.index_cast %swap3A_3488 : i32 to index
    %swap3A_3491 = arith.constant 16 : index
    %swap3A_3492 = tpu.vector_load %arg5[%swap3A_3489, %swap3A_3490, %swap3A_3491] {strides = array<i32>} : memref<2x128x128xf32, #tpu.memory_space<vmem>>, vector<1x1x16xf32>,
    %swap3A_3493 = vector.shape_cast %swap3A_3492 : vector<1x1x16xf32> to vector<16xf32>
    %swap3A_3494 = vector.shape_cast %add3A_3486 : vector<16xf32> to vector<1x1x16xf32>
    tpu.vector_store %arg5[%swap3A_3489, %swap3A_3490, %swap3A_3491], %swap3A_3494 {strides = array<i32>} : memref<2x128x128xf32, #tpu.memory_space<vmem>>, vector<1x1x16xf32>,
    %get3A_3495 = arith.constant 1 : i32
    %get3A_3496 = arith.constant 28 : i32
    %get3A_3497 = arith.index_cast %get3A_3495 : i32 to index
    %get3A_3498 = arith.index_cast %get3A_3496 : i32 to index
    %get3A_3499 = arith.constant 16 : index
    %get3A_3500 = tpu.vector_load %arg5[%get3A_3497, %get3A_3498, %get3A_3499] {strides = array<i32>} : memref<2x128x128xf32, #tpu.memory_space<vmem>>, vector<1x1x16xf32>,
    %get3A_3501 = vector.shape_cast %get3A_3500 : vector<1x1x16xf32> to vector<16xf32>
    %eq3A_3502 = arith.constant 12 : i32
    %eq3A_3503 = vector.broadcast %eq3A_3502 : i32 to vector<16xi32>
    %eq3A_3504 = arith.cmpi eq, %iota3A, %eq3A_3503 : vector<16xi32>
    %jit3A_3505 = arith.constant 0.000000e+00 : f32
    %broadcast_in_dim3A_3506 = vector.broadcast %jit3A_3505 : f32 to vector<16xf32>
    %select_n3A_3507 = arith.select %eq3A_3504, %get3A_2, %broadcast_in_dim3A_3506 : vector<16xi1>, vector<16xf32>
    %add3A_3508 = arith.addf %get3A_3501, %select_n3A_3507 : vector<16xf32>
    %swap3A_3509 = arith.constant 1 : i32
    %swap3A_3510 = arith.constant 28 : i32
    %swap3A_3511 = arith.index_cast %swap3A_3509 : i32 to index
    %swap3A_3512 = arith.index_cast %swap3A_3510 : i32 to index
    %swap3A_3513 = arith.constant 16 : index
    %swap3A_3514 = tpu.vector_load %arg5[%swap3A_3511, %swap3A_3512, %swap3A_3513] {strides = array<i32>} : memref<2x128x128xf32, #tpu.memory_space<vmem>>, vector<1x1x16xf32>,
    %swap3A_3515 = vector.shape_cast %swap3A_3514 : vector<1x1x16xf32> to vector<16xf32>
    %swap3A_3516 = vector.shape_cast %add3A_3508 : vector<16xf32> to vector<1x1x16xf32>
    tpu.vector_store %arg5[%swap3A_3511, %swap3A_3512, %swap3A_3513], %swap3A_3516 {strides = array<i32>} : memref<2x128x128xf32, #tpu.memory_space<vmem>>, vector<1x1x16xf32>,
    %get3A_3517 = arith.constant 1 : i32
    %get3A_3518 = arith.constant 29 : i32
    %get3A_3519 = arith.index_cast %get3A_3517 : i32 to index
    %get3A_3520 = arith.index_cast %get3A_3518 : i32 to index
    %get3A_3521 = arith.constant 16 : index
    %get3A_3522 = tpu.vector_load %arg5[%get3A_3519, %get3A_3520, %get3A_3521] {strides = array<i32>} : memref<2x128x128xf32, #tpu.memory_space<vmem>>, vector<1x1x16xf32>,
    %get3A_3523 = vector.shape_cast %get3A_3522 : vector<1x1x16xf32> to vector<16xf32>
    %eq3A_3524 = arith.constant 13 : i32
    %eq3A_3525 = vector.broadcast %eq3A_3524 : i32 to vector<16xi32>
    %eq3A_3526 = arith.cmpi eq, %iota3A, %eq3A_3525 : vector<16xi32>
    %jit3A_3527 = arith.constant 0.000000e+00 : f32
    %broadcast_in_dim3A_3528 = vector.broadcast %jit3A_3527 : f32 to vector<16xf32>
    %select_n3A_3529 = arith.select %eq3A_3526, %get3A_2, %broadcast_in_dim3A_3528 : vector<16xi1>, vector<16xf32>
    %add3A_3530 = arith.addf %get3A_3523, %select_n3A_3529 : vector<16xf32>
    %swap3A_3531 = arith.constant 1 : i32
    %swap3A_3532 = arith.constant 29 : i32
    %swap3A_3533 = arith.index_cast %swap3A_3531 : i32 to index
    %swap3A_3534 = arith.index_cast %swap3A_3532 : i32 to index
    %swap3A_3535 = arith.constant 16 : index
    %swap3A_3536 = tpu.vector_load %arg5[%swap3A_3533, %swap3A_3534, %swap3A_3535] {strides = array<i32>} : memref<2x128x128xf32, #tpu.memory_space<vmem>>, vector<1x1x16xf32>,
    %swap3A_3537 = vector.shape_cast %swap3A_3536 : vector<1x1x16xf32> to vector<16xf32>
    %swap3A_3538 = vector.shape_cast %add3A_3530 : vector<16xf32> to vector<1x1x16xf32>
    tpu.vector_store %arg5[%swap3A_3533, %swap3A_3534, %swap3A_3535], %swap3A_3538 {strides = array<i32>} : memref<2x128x128xf32, #tpu.memory_space<vmem>>, vector<1x1x16xf32>,
    %get3A_3539 = arith.constant 1 : i32
    %get3A_3540 = arith.constant 30 : i32
    %get3A_3541 = arith.index_cast %get3A_3539 : i32 to index
    %get3A_3542 = arith.index_cast %get3A_3540 : i32 to index
    %get3A_3543 = arith.constant 16 : index
    %get3A_3544 = tpu.vector_load %arg5[%get3A_3541, %get3A_3542, %get3A_3543] {strides = array<i32>} : memref<2x128x128xf32, #tpu.memory_space<vmem>>, vector<1x1x16xf32>,
    %get3A_3545 = vector.shape_cast %get3A_3544 : vector<1x1x16xf32> to vector<16xf32>
    %eq3A_3546 = arith.constant 14 : i32
    %eq3A_3547 = vector.broadcast %eq3A_3546 : i32 to vector<16xi32>
    %eq3A_3548 = arith.cmpi eq, %iota3A, %eq3A_3547 : vector<16xi32>
    %jit3A_3549 = arith.constant 0.000000e+00 : f32
    %broadcast_in_dim3A_3550 = vector.broadcast %jit3A_3549 : f32 to vector<16xf32>
    %select_n3A_3551 = arith.select %eq3A_3548, %get3A_2, %broadcast_in_dim3A_3550 : vector<16xi1>, vector<16xf32>
    %add3A_3552 = arith.addf %get3A_3545, %select_n3A_3551 : vector<16xf32>
    %swap3A_3553 = arith.constant 1 : i32
    %swap3A_3554 = arith.constant 30 : i32
    %swap3A_3555 = arith.index_cast %swap3A_3553 : i32 to index
    %swap3A_3556 = arith.index_cast %swap3A_3554 : i32 to index
    %swap3A_3557 = arith.constant 16 : index
    %swap3A_3558 = tpu.vector_load %arg5[%swap3A_3555, %swap3A_3556, %swap3A_3557] {strides = array<i32>} : memref<2x128x128xf32, #tpu.memory_space<vmem>>, vector<1x1x16xf32>,
    %swap3A_3559 = vector.shape_cast %swap3A_3558 : vector<1x1x16xf32> to vector<16xf32>
    %swap3A_3560 = vector.shape_cast %add3A_3552 : vector<16xf32> to vector<1x1x16xf32>
    tpu.vector_store %arg5[%swap3A_3555, %swap3A_3556, %swap3A_3557], %swap3A_3560 {strides = array<i32>} : memref<2x128x128xf32, #tpu.memory_space<vmem>>, vector<1x1x16xf32>,
    %get3A_3561 = arith.constant 1 : i32
    %get3A_3562 = arith.constant 31 : i32
    %get3A_3563 = arith.index_cast %get3A_3561 : i32 to index
    %get3A_3564 = arith.index_cast %get3A_3562 : i32 to index
    %get3A_3565 = arith.constant 16 : index
    %get3A_3566 = tpu.vector_load %arg5[%get3A_3563, %get3A_3564, %get3A_3565] {strides = array<i32>} : memref<2x128x128xf32, #tpu.memory_space<vmem>>, vector<1x1x16xf32>,
    %get3A_3567 = vector.shape_cast %get3A_3566 : vector<1x1x16xf32> to vector<16xf32>
    %eq3A_3568 = arith.constant 15 : i32
    %eq3A_3569 = vector.broadcast %eq3A_3568 : i32 to vector<16xi32>
    %eq3A_3570 = arith.cmpi eq, %iota3A, %eq3A_3569 : vector<16xi32>
    %jit3A_3571 = arith.constant 0.000000e+00 : f32
    %broadcast_in_dim3A_3572 = vector.broadcast %jit3A_3571 : f32 to vector<16xf32>
    %select_n3A_3573 = arith.select %eq3A_3570, %get3A_2, %broadcast_in_dim3A_3572 : vector<16xi1>, vector<16xf32>
    %add3A_3574 = arith.addf %get3A_3567, %select_n3A_3573 : vector<16xf32>
    %swap3A_3575 = arith.constant 1 : i32
    %swap3A_3576 = arith.constant 31 : i32
    %swap3A_3577 = arith.index_cast %swap3A_3575 : i32 to index
    %swap3A_3578 = arith.index_cast %swap3A_3576 : i32 to index
    %swap3A_3579 = arith.constant 16 : index
    %swap3A_3580 = tpu.vector_load %arg5[%swap3A_3577, %swap3A_3578, %swap3A_3579] {strides = array<i32>} : memref<2x128x128xf32, #tpu.memory_space<vmem>>, vector<1x1x16xf32>,
    %swap3A_3581 = vector.shape_cast %swap3A_3580 : vector<1x1x16xf32> to vector<16xf32>
    %swap3A_3582 = vector.shape_cast %add3A_3574 : vector<16xf32> to vector<1x1x16xf32>
    tpu.vector_store %arg5[%swap3A_3577, %swap3A_3578, %swap3A_3579], %swap3A_3582 {strides = array<i32>} : memref<2x128x128xf32, #tpu.memory_space<vmem>>, vector<1x1x16xf32>,
    %get3A_3583 = arith.constant 1 : i32
    %get3A_3584 = arith.constant 32 : i32
    %get3A_3585 = arith.index_cast %get3A_3583 : i32 to index
    %get3A_3586 = arith.index_cast %get3A_3584 : i32 to index
    %get3A_3587 = arith.constant 32 : index
    %get3A_3588 = tpu.vector_load %arg5[%get3A_3585, %get3A_3586, %get3A_3587] {strides = array<i32>} : memref<2x128x128xf32, #tpu.memory_space<vmem>>, vector<1x1x16xf32>,
    %get3A_3589 = vector.shape_cast %get3A_3588 : vector<1x1x16xf32> to vector<16xf32>
    %eq3A_3590 = arith.constant 0 : i32
    %eq3A_3591 = vector.broadcast %eq3A_3590 : i32 to vector<16xi32>
    %eq3A_3592 = arith.cmpi eq, %iota3A, %eq3A_3591 : vector<16xi32>
    %jit3A_3593 = arith.constant 0.000000e+00 : f32
    %broadcast_in_dim3A_3594 = vector.broadcast %jit3A_3593 : f32 to vector<16xf32>
    %select_n3A_3595 = arith.select %eq3A_3592, %get3A_2, %broadcast_in_dim3A_3594 : vector<16xi1>, vector<16xf32>
    %add3A_3596 = arith.addf %get3A_3589, %select_n3A_3595 : vector<16xf32>
    %swap3A_3597 = arith.constant 1 : i32
    %swap3A_3598 = arith.constant 32 : i32
    %swap3A_3599 = arith.index_cast %swap3A_3597 : i32 to index
    %swap3A_3600 = arith.index_cast %swap3A_3598 : i32 to index
    %swap3A_3601 = arith.constant 32 : index
    %swap3A_3602 = tpu.vector_load %arg5[%swap3A_3599, %swap3A_3600, %swap3A_3601] {strides = array<i32>} : memref<2x128x128xf32, #tpu.memory_space<vmem>>, vector<1x1x16xf32>,
    %swap3A_3603 = vector.shape_cast %swap3A_3602 : vector<1x1x16xf32> to vector<16xf32>
    %swap3A_3604 = vector.shape_cast %add3A_3596 : vector<16xf32> to vector<1x1x16xf32>
    tpu.vector_store %arg5[%swap3A_3599, %swap3A_3600, %swap3A_3601], %swap3A_3604 {strides = array<i32>} : memref<2x128x128xf32, #tpu.memory_space<vmem>>, vector<1x1x16xf32>,
    %get3A_3605 = arith.constant 1 : i32
    %get3A_3606 = arith.constant 33 : i32
    %get3A_3607 = arith.index_cast %get3A_3605 : i32 to index
    %get3A_3608 = arith.index_cast %get3A_3606 : i32 to index
    %get3A_3609 = arith.constant 32 : index
    %get3A_3610 = tpu.vector_load %arg5[%get3A_3607, %get3A_3608, %get3A_3609] {strides = array<i32>} : memref<2x128x128xf32, #tpu.memory_space<vmem>>, vector<1x1x16xf32>,
    %get3A_3611 = vector.shape_cast %get3A_3610 : vector<1x1x16xf32> to vector<16xf32>
    %eq3A_3612 = arith.constant 1 : i32
    %eq3A_3613 = vector.broadcast %eq3A_3612 : i32 to vector<16xi32>
    %eq3A_3614 = arith.cmpi eq, %iota3A, %eq3A_3613 : vector<16xi32>
    %jit3A_3615 = arith.constant 0.000000e+00 : f32
    %broadcast_in_dim3A_3616 = vector.broadcast %jit3A_3615 : f32 to vector<16xf32>
    %select_n3A_3617 = arith.select %eq3A_3614, %get3A_2, %broadcast_in_dim3A_3616 : vector<16xi1>, vector<16xf32>
    %add3A_3618 = arith.addf %get3A_3611, %select_n3A_3617 : vector<16xf32>
    %swap3A_3619 = arith.constant 1 : i32
    %swap3A_3620 = arith.constant 33 : i32
    %swap3A_3621 = arith.index_cast %swap3A_3619 : i32 to index
    %swap3A_3622 = arith.index_cast %swap3A_3620 : i32 to index
    %swap3A_3623 = arith.constant 32 : index
    %swap3A_3624 = tpu.vector_load %arg5[%swap3A_3621, %swap3A_3622, %swap3A_3623] {strides = array<i32>} : memref<2x128x128xf32, #tpu.memory_space<vmem>>, vector<1x1x16xf32>,
    %swap3A_3625 = vector.shape_cast %swap3A_3624 : vector<1x1x16xf32> to vector<16xf32>
    %swap3A_3626 = vector.shape_cast %add3A_3618 : vector<16xf32> to vector<1x1x16xf32>
    tpu.vector_store %arg5[%swap3A_3621, %swap3A_3622, %swap3A_3623], %swap3A_3626 {strides = array<i32>} : memref<2x128x128xf32, #tpu.memory_space<vmem>>, vector<1x1x16xf32>,
    %get3A_3627 = arith.constant 1 : i32
    %get3A_3628 = arith.constant 34 : i32
    %get3A_3629 = arith.index_cast %get3A_3627 : i32 to index
    %get3A_3630 = arith.index_cast %get3A_3628 : i32 to index
    %get3A_3631 = arith.constant 32 : index
    %get3A_3632 = tpu.vector_load %arg5[%get3A_3629, %get3A_3630, %get3A_3631] {strides = array<i32>} : memref<2x128x128xf32, #tpu.memory_space<vmem>>, vector<1x1x16xf32>,
    %get3A_3633 = vector.shape_cast %get3A_3632 : vector<1x1x16xf32> to vector<16xf32>
    %eq3A_3634 = arith.constant 2 : i32
    %eq3A_3635 = vector.broadcast %eq3A_3634 : i32 to vector<16xi32>
    %eq3A_3636 = arith.cmpi eq, %iota3A, %eq3A_3635 : vector<16xi32>
    %jit3A_3637 = arith.constant 0.000000e+00 : f32
    %broadcast_in_dim3A_3638 = vector.broadcast %jit3A_3637 : f32 to vector<16xf32>
    %select_n3A_3639 = arith.select %eq3A_3636, %get3A_2, %broadcast_in_dim3A_3638 : vector<16xi1>, vector<16xf32>
    %add3A_3640 = arith.addf %get3A_3633, %select_n3A_3639 : vector<16xf32>
    %swap3A_3641 = arith.constant 1 : i32
    %swap3A_3642 = arith.constant 34 : i32
    %swap3A_3643 = arith.index_cast %swap3A_3641 : i32 to index
    %swap3A_3644 = arith.index_cast %swap3A_3642 : i32 to index
    %swap3A_3645 = arith.constant 32 : index
    %swap3A_3646 = tpu.vector_load %arg5[%swap3A_3643, %swap3A_3644, %swap3A_3645] {strides = array<i32>} : memref<2x128x128xf32, #tpu.memory_space<vmem>>, vector<1x1x16xf32>,
    %swap3A_3647 = vector.shape_cast %swap3A_3646 : vector<1x1x16xf32> to vector<16xf32>
    %swap3A_3648 = vector.shape_cast %add3A_3640 : vector<16xf32> to vector<1x1x16xf32>
    tpu.vector_store %arg5[%swap3A_3643, %swap3A_3644, %swap3A_3645], %swap3A_3648 {strides = array<i32>} : memref<2x128x128xf32, #tpu.memory_space<vmem>>, vector<1x1x16xf32>,
    %get3A_3649 = arith.constant 1 : i32
    %get3A_3650 = arith.constant 35 : i32
    %get3A_3651 = arith.index_cast %get3A_3649 : i32 to index
    %get3A_3652 = arith.index_cast %get3A_3650 : i32 to index
    %get3A_3653 = arith.constant 32 : index
    %get3A_3654 = tpu.vector_load %arg5[%get3A_3651, %get3A_3652, %get3A_3653] {strides = array<i32>} : memref<2x128x128xf32, #tpu.memory_space<vmem>>, vector<1x1x16xf32>,
    %get3A_3655 = vector.shape_cast %get3A_3654 : vector<1x1x16xf32> to vector<16xf32>
    %eq3A_3656 = arith.constant 3 : i32
    %eq3A_3657 = vector.broadcast %eq3A_3656 : i32 to vector<16xi32>
    %eq3A_3658 = arith.cmpi eq, %iota3A, %eq3A_3657 : vector<16xi32>
    %jit3A_3659 = arith.constant 0.000000e+00 : f32
    %broadcast_in_dim3A_3660 = vector.broadcast %jit3A_3659 : f32 to vector<16xf32>
    %select_n3A_3661 = arith.select %eq3A_3658, %get3A_2, %broadcast_in_dim3A_3660 : vector<16xi1>, vector<16xf32>
    %add3A_3662 = arith.addf %get3A_3655, %select_n3A_3661 : vector<16xf32>
    %swap3A_3663 = arith.constant 1 : i32
    %swap3A_3664 = arith.constant 35 : i32
    %swap3A_3665 = arith.index_cast %swap3A_3663 : i32 to index
    %swap3A_3666 = arith.index_cast %swap3A_3664 : i32 to index
    %swap3A_3667 = arith.constant 32 : index
    %swap3A_3668 = tpu.vector_load %arg5[%swap3A_3665, %swap3A_3666, %swap3A_3667] {strides = array<i32>} : memref<2x128x128xf32, #tpu.memory_space<vmem>>, vector<1x1x16xf32>,
    %swap3A_3669 = vector.shape_cast %swap3A_3668 : vector<1x1x16xf32> to vector<16xf32>
    %swap3A_3670 = vector.shape_cast %add3A_3662 : vector<16xf32> to vector<1x1x16xf32>
    tpu.vector_store %arg5[%swap3A_3665, %swap3A_3666, %swap3A_3667], %swap3A_3670 {strides = array<i32>} : memref<2x128x128xf32, #tpu.memory_space<vmem>>, vector<1x1x16xf32>,
    %get3A_3671 = arith.constant 1 : i32
    %get3A_3672 = arith.constant 36 : i32
    %get3A_3673 = arith.index_cast %get3A_3671 : i32 to index
    %get3A_3674 = arith.index_cast %get3A_3672 : i32 to index
    %get3A_3675 = arith.constant 32 : index
    %get3A_3676 = tpu.vector_load %arg5[%get3A_3673, %get3A_3674, %get3A_3675] {strides = array<i32>} : memref<2x128x128xf32, #tpu.memory_space<vmem>>, vector<1x1x16xf32>,
    %get3A_3677 = vector.shape_cast %get3A_3676 : vector<1x1x16xf32> to vector<16xf32>
    %eq3A_3678 = arith.constant 4 : i32
    %eq3A_3679 = vector.broadcast %eq3A_3678 : i32 to vector<16xi32>
    %eq3A_3680 = arith.cmpi eq, %iota3A, %eq3A_3679 : vector<16xi32>
    %jit3A_3681 = arith.constant 0.000000e+00 : f32
    %broadcast_in_dim3A_3682 = vector.broadcast %jit3A_3681 : f32 to vector<16xf32>
    %select_n3A_3683 = arith.select %eq3A_3680, %get3A_2, %broadcast_in_dim3A_3682 : vector<16xi1>, vector<16xf32>
    %add3A_3684 = arith.addf %get3A_3677, %select_n3A_3683 : vector<16xf32>
    %swap3A_3685 = arith.constant 1 : i32
    %swap3A_3686 = arith.constant 36 : i32
    %swap3A_3687 = arith.index_cast %swap3A_3685 : i32 to index
    %swap3A_3688 = arith.index_cast %swap3A_3686 : i32 to index
    %swap3A_3689 = arith.constant 32 : index
    %swap3A_3690 = tpu.vector_load %arg5[%swap3A_3687, %swap3A_3688, %swap3A_3689] {strides = array<i32>} : memref<2x128x128xf32, #tpu.memory_space<vmem>>, vector<1x1x16xf32>,
    %swap3A_3691 = vector.shape_cast %swap3A_3690 : vector<1x1x16xf32> to vector<16xf32>
    %swap3A_3692 = vector.shape_cast %add3A_3684 : vector<16xf32> to vector<1x1x16xf32>
    tpu.vector_store %arg5[%swap3A_3687, %swap3A_3688, %swap3A_3689], %swap3A_3692 {strides = array<i32>} : memref<2x128x128xf32, #tpu.memory_space<vmem>>, vector<1x1x16xf32>,
    %get3A_3693 = arith.constant 1 : i32
    %get3A_3694 = arith.constant 37 : i32
    %get3A_3695 = arith.index_cast %get3A_3693 : i32 to index
    %get3A_3696 = arith.index_cast %get3A_3694 : i32 to index
    %get3A_3697 = arith.constant 32 : index
    %get3A_3698 = tpu.vector_load %arg5[%get3A_3695, %get3A_3696, %get3A_3697] {strides = array<i32>} : memref<2x128x128xf32, #tpu.memory_space<vmem>>, vector<1x1x16xf32>,
    %get3A_3699 = vector.shape_cast %get3A_3698 : vector<1x1x16xf32> to vector<16xf32>
    %eq3A_3700 = arith.constant 5 : i32
    %eq3A_3701 = vector.broadcast %eq3A_3700 : i32 to vector<16xi32>
    %eq3A_3702 = arith.cmpi eq, %iota3A, %eq3A_3701 : vector<16xi32>
    %jit3A_3703 = arith.constant 0.000000e+00 : f32
    %broadcast_in_dim3A_3704 = vector.broadcast %jit3A_3703 : f32 to vector<16xf32>
    %select_n3A_3705 = arith.select %eq3A_3702, %get3A_2, %broadcast_in_dim3A_3704 : vector<16xi1>, vector<16xf32>
    %add3A_3706 = arith.addf %get3A_3699, %select_n3A_3705 : vector<16xf32>
    %swap3A_3707 = arith.constant 1 : i32
    %swap3A_3708 = arith.constant 37 : i32
    %swap3A_3709 = arith.index_cast %swap3A_3707 : i32 to index
    %swap3A_3710 = arith.index_cast %swap3A_3708 : i32 to index
    %swap3A_3711 = arith.constant 32 : index
    %swap3A_3712 = tpu.vector_load %arg5[%swap3A_3709, %swap3A_3710, %swap3A_3711] {strides = array<i32>} : memref<2x128x128xf32, #tpu.memory_space<vmem>>, vector<1x1x16xf32>,
    %swap3A_3713 = vector.shape_cast %swap3A_3712 : vector<1x1x16xf32> to vector<16xf32>
    %swap3A_3714 = vector.shape_cast %add3A_3706 : vector<16xf32> to vector<1x1x16xf32>
    tpu.vector_store %arg5[%swap3A_3709, %swap3A_3710, %swap3A_3711], %swap3A_3714 {strides = array<i32>} : memref<2x128x128xf32, #tpu.memory_space<vmem>>, vector<1x1x16xf32>,
    %get3A_3715 = arith.constant 1 : i32
    %get3A_3716 = arith.constant 38 : i32
    %get3A_3717 = arith.index_cast %get3A_3715 : i32 to index
    %get3A_3718 = arith.index_cast %get3A_3716 : i32 to index
    %get3A_3719 = arith.constant 32 : index
    %get3A_3720 = tpu.vector_load %arg5[%get3A_3717, %get3A_3718, %get3A_3719] {strides = array<i32>} : memref<2x128x128xf32, #tpu.memory_space<vmem>>, vector<1x1x16xf32>,
    %get3A_3721 = vector.shape_cast %get3A_3720 : vector<1x1x16xf32> to vector<16xf32>
    %eq3A_3722 = arith.constant 6 : i32
    %eq3A_3723 = vector.broadcast %eq3A_3722 : i32 to vector<16xi32>
    %eq3A_3724 = arith.cmpi eq, %iota3A, %eq3A_3723 : vector<16xi32>
    %jit3A_3725 = arith.constant 0.000000e+00 : f32
    %broadcast_in_dim3A_3726 = vector.broadcast %jit3A_3725 : f32 to vector<16xf32>
    %select_n3A_3727 = arith.select %eq3A_3724, %get3A_2, %broadcast_in_dim3A_3726 : vector<16xi1>, vector<16xf32>
    %add3A_3728 = arith.addf %get3A_3721, %select_n3A_3727 : vector<16xf32>
    %swap3A_3729 = arith.constant 1 : i32
    %swap3A_3730 = arith.constant 38 : i32
    %swap3A_3731 = arith.index_cast %swap3A_3729 : i32 to index
    %swap3A_3732 = arith.index_cast %swap3A_3730 : i32 to index
    %swap3A_3733 = arith.constant 32 : index
    %swap3A_3734 = tpu.vector_load %arg5[%swap3A_3731, %swap3A_3732, %swap3A_3733] {strides = array<i32>} : memref<2x128x128xf32, #tpu.memory_space<vmem>>, vector<1x1x16xf32>,
    %swap3A_3735 = vector.shape_cast %swap3A_3734 : vector<1x1x16xf32> to vector<16xf32>
    %swap3A_3736 = vector.shape_cast %add3A_3728 : vector<16xf32> to vector<1x1x16xf32>
    tpu.vector_store %arg5[%swap3A_3731, %swap3A_3732, %swap3A_3733], %swap3A_3736 {strides = array<i32>} : memref<2x128x128xf32, #tpu.memory_space<vmem>>, vector<1x1x16xf32>,
    %get3A_3737 = arith.constant 1 : i32
    %get3A_3738 = arith.constant 39 : i32
    %get3A_3739 = arith.index_cast %get3A_3737 : i32 to index
    %get3A_3740 = arith.index_cast %get3A_3738 : i32 to index
    %get3A_3741 = arith.constant 32 : index
    %get3A_3742 = tpu.vector_load %arg5[%get3A_3739, %get3A_3740, %get3A_3741] {strides = array<i32>} : memref<2x128x128xf32, #tpu.memory_space<vmem>>, vector<1x1x16xf32>,
    %get3A_3743 = vector.shape_cast %get3A_3742 : vector<1x1x16xf32> to vector<16xf32>
    %eq3A_3744 = arith.constant 7 : i32
    %eq3A_3745 = vector.broadcast %eq3A_3744 : i32 to vector<16xi32>
    %eq3A_3746 = arith.cmpi eq, %iota3A, %eq3A_3745 : vector<16xi32>
    %jit3A_3747 = arith.constant 0.000000e+00 : f32
    %broadcast_in_dim3A_3748 = vector.broadcast %jit3A_3747 : f32 to vector<16xf32>
    %select_n3A_3749 = arith.select %eq3A_3746, %get3A_2, %broadcast_in_dim3A_3748 : vector<16xi1>, vector<16xf32>
    %add3A_3750 = arith.addf %get3A_3743, %select_n3A_3749 : vector<16xf32>
    %swap3A_3751 = arith.constant 1 : i32
    %swap3A_3752 = arith.constant 39 : i32
    %swap3A_3753 = arith.index_cast %swap3A_3751 : i32 to index
    %swap3A_3754 = arith.index_cast %swap3A_3752 : i32 to index
    %swap3A_3755 = arith.constant 32 : index
    %swap3A_3756 = tpu.vector_load %arg5[%swap3A_3753, %swap3A_3754, %swap3A_3755] {strides = array<i32>} : memref<2x128x128xf32, #tpu.memory_space<vmem>>, vector<1x1x16xf32>,
    %swap3A_3757 = vector.shape_cast %swap3A_3756 : vector<1x1x16xf32> to vector<16xf32>
    %swap3A_3758 = vector.shape_cast %add3A_3750 : vector<16xf32> to vector<1x1x16xf32>
    tpu.vector_store %arg5[%swap3A_3753, %swap3A_3754, %swap3A_3755], %swap3A_3758 {strides = array<i32>} : memref<2x128x128xf32, #tpu.memory_space<vmem>>, vector<1x1x16xf32>,
    %get3A_3759 = arith.constant 1 : i32
    %get3A_3760 = arith.constant 40 : i32
    %get3A_3761 = arith.index_cast %get3A_3759 : i32 to index
    %get3A_3762 = arith.index_cast %get3A_3760 : i32 to index
    %get3A_3763 = arith.constant 32 : index
    %get3A_3764 = tpu.vector_load %arg5[%get3A_3761, %get3A_3762, %get3A_3763] {strides = array<i32>} : memref<2x128x128xf32, #tpu.memory_space<vmem>>, vector<1x1x16xf32>,
    %get3A_3765 = vector.shape_cast %get3A_3764 : vector<1x1x16xf32> to vector<16xf32>
    %eq3A_3766 = arith.constant 8 : i32
    %eq3A_3767 = vector.broadcast %eq3A_3766 : i32 to vector<16xi32>
    %eq3A_3768 = arith.cmpi eq, %iota3A, %eq3A_3767 : vector<16xi32>
    %jit3A_3769 = arith.constant 0.000000e+00 : f32
    %broadcast_in_dim3A_3770 = vector.broadcast %jit3A_3769 : f32 to vector<16xf32>
    %select_n3A_3771 = arith.select %eq3A_3768, %get3A_2, %broadcast_in_dim3A_3770 : vector<16xi1>, vector<16xf32>
    %add3A_3772 = arith.addf %get3A_3765, %select_n3A_3771 : vector<16xf32>
    %swap3A_3773 = arith.constant 1 : i32
    %swap3A_3774 = arith.constant 40 : i32
    %swap3A_3775 = arith.index_cast %swap3A_3773 : i32 to index
    %swap3A_3776 = arith.index_cast %swap3A_3774 : i32 to index
    %swap3A_3777 = arith.constant 32 : index
    %swap3A_3778 = tpu.vector_load %arg5[%swap3A_3775, %swap3A_3776, %swap3A_3777] {strides = array<i32>} : memref<2x128x128xf32, #tpu.memory_space<vmem>>, vector<1x1x16xf32>,
    %swap3A_3779 = vector.shape_cast %swap3A_3778 : vector<1x1x16xf32> to vector<16xf32>
    %swap3A_3780 = vector.shape_cast %add3A_3772 : vector<16xf32> to vector<1x1x16xf32>
    tpu.vector_store %arg5[%swap3A_3775, %swap3A_3776, %swap3A_3777], %swap3A_3780 {strides = array<i32>} : memref<2x128x128xf32, #tpu.memory_space<vmem>>, vector<1x1x16xf32>,
    %get3A_3781 = arith.constant 1 : i32
    %get3A_3782 = arith.constant 41 : i32
    %get3A_3783 = arith.index_cast %get3A_3781 : i32 to index
    %get3A_3784 = arith.index_cast %get3A_3782 : i32 to index
    %get3A_3785 = arith.constant 32 : index
    %get3A_3786 = tpu.vector_load %arg5[%get3A_3783, %get3A_3784, %get3A_3785] {strides = array<i32>} : memref<2x128x128xf32, #tpu.memory_space<vmem>>, vector<1x1x16xf32>,
    %get3A_3787 = vector.shape_cast %get3A_3786 : vector<1x1x16xf32> to vector<16xf32>
    %eq3A_3788 = arith.constant 9 : i32
    %eq3A_3789 = vector.broadcast %eq3A_3788 : i32 to vector<16xi32>
    %eq3A_3790 = arith.cmpi eq, %iota3A, %eq3A_3789 : vector<16xi32>
    %jit3A_3791 = arith.constant 0.000000e+00 : f32
    %broadcast_in_dim3A_3792 = vector.broadcast %jit3A_3791 : f32 to vector<16xf32>
    %select_n3A_3793 = arith.select %eq3A_3790, %get3A_2, %broadcast_in_dim3A_3792 : vector<16xi1>, vector<16xf32>
    %add3A_3794 = arith.addf %get3A_3787, %select_n3A_3793 : vector<16xf32>
    %swap3A_3795 = arith.constant 1 : i32
    %swap3A_3796 = arith.constant 41 : i32
    %swap3A_3797 = arith.index_cast %swap3A_3795 : i32 to index
    %swap3A_3798 = arith.index_cast %swap3A_3796 : i32 to index
    %swap3A_3799 = arith.constant 32 : index
    %swap3A_3800 = tpu.vector_load %arg5[%swap3A_3797, %swap3A_3798, %swap3A_3799] {strides = array<i32>} : memref<2x128x128xf32, #tpu.memory_space<vmem>>, vector<1x1x16xf32>,
    %swap3A_3801 = vector.shape_cast %swap3A_3800 : vector<1x1x16xf32> to vector<16xf32>
    %swap3A_3802 = vector.shape_cast %add3A_3794 : vector<16xf32> to vector<1x1x16xf32>
    tpu.vector_store %arg5[%swap3A_3797, %swap3A_3798, %swap3A_3799], %swap3A_3802 {strides = array<i32>} : memref<2x128x128xf32, #tpu.memory_space<vmem>>, vector<1x1x16xf32>,
    %get3A_3803 = arith.constant 1 : i32
    %get3A_3804 = arith.constant 42 : i32
    %get3A_3805 = arith.index_cast %get3A_3803 : i32 to index
    %get3A_3806 = arith.index_cast %get3A_3804 : i32 to index
    %get3A_3807 = arith.constant 32 : index
    %get3A_3808 = tpu.vector_load %arg5[%get3A_3805, %get3A_3806, %get3A_3807] {strides = array<i32>} : memref<2x128x128xf32, #tpu.memory_space<vmem>>, vector<1x1x16xf32>,
    %get3A_3809 = vector.shape_cast %get3A_3808 : vector<1x1x16xf32> to vector<16xf32>
    %eq3A_3810 = arith.constant 10 : i32
    %eq3A_3811 = vector.broadcast %eq3A_3810 : i32 to vector<16xi32>
    %eq3A_3812 = arith.cmpi eq, %iota3A, %eq3A_3811 : vector<16xi32>
    %jit3A_3813 = arith.constant 0.000000e+00 : f32
    %broadcast_in_dim3A_3814 = vector.broadcast %jit3A_3813 : f32 to vector<16xf32>
    %select_n3A_3815 = arith.select %eq3A_3812, %get3A_2, %broadcast_in_dim3A_3814 : vector<16xi1>, vector<16xf32>
    %add3A_3816 = arith.addf %get3A_3809, %select_n3A_3815 : vector<16xf32>
    %swap3A_3817 = arith.constant 1 : i32
    %swap3A_3818 = arith.constant 42 : i32
    %swap3A_3819 = arith.index_cast %swap3A_3817 : i32 to index
    %swap3A_3820 = arith.index_cast %swap3A_3818 : i32 to index
    %swap3A_3821 = arith.constant 32 : index
    %swap3A_3822 = tpu.vector_load %arg5[%swap3A_3819, %swap3A_3820, %swap3A_3821] {strides = array<i32>} : memref<2x128x128xf32, #tpu.memory_space<vmem>>, vector<1x1x16xf32>,
    %swap3A_3823 = vector.shape_cast %swap3A_3822 : vector<1x1x16xf32> to vector<16xf32>
    %swap3A_3824 = vector.shape_cast %add3A_3816 : vector<16xf32> to vector<1x1x16xf32>
    tpu.vector_store %arg5[%swap3A_3819, %swap3A_3820, %swap3A_3821], %swap3A_3824 {strides = array<i32>} : memref<2x128x128xf32, #tpu.memory_space<vmem>>, vector<1x1x16xf32>,
    %get3A_3825 = arith.constant 1 : i32
    %get3A_3826 = arith.constant 43 : i32
    %get3A_3827 = arith.index_cast %get3A_3825 : i32 to index
    %get3A_3828 = arith.index_cast %get3A_3826 : i32 to index
    %get3A_3829 = arith.constant 32 : index
    %get3A_3830 = tpu.vector_load %arg5[%get3A_3827, %get3A_3828, %get3A_3829] {strides = array<i32>} : memref<2x128x128xf32, #tpu.memory_space<vmem>>, vector<1x1x16xf32>,
    %get3A_3831 = vector.shape_cast %get3A_3830 : vector<1x1x16xf32> to vector<16xf32>
    %eq3A_3832 = arith.constant 11 : i32
    %eq3A_3833 = vector.broadcast %eq3A_3832 : i32 to vector<16xi32>
    %eq3A_3834 = arith.cmpi eq, %iota3A, %eq3A_3833 : vector<16xi32>
    %jit3A_3835 = arith.constant 0.000000e+00 : f32
    %broadcast_in_dim3A_3836 = vector.broadcast %jit3A_3835 : f32 to vector<16xf32>
    %select_n3A_3837 = arith.select %eq3A_3834, %get3A_2, %broadcast_in_dim3A_3836 : vector<16xi1>, vector<16xf32>
    %add3A_3838 = arith.addf %get3A_3831, %select_n3A_3837 : vector<16xf32>
    %swap3A_3839 = arith.constant 1 : i32
    %swap3A_3840 = arith.constant 43 : i32
    %swap3A_3841 = arith.index_cast %swap3A_3839 : i32 to index
    %swap3A_3842 = arith.index_cast %swap3A_3840 : i32 to index
    %swap3A_3843 = arith.constant 32 : index
    %swap3A_3844 = tpu.vector_load %arg5[%swap3A_3841, %swap3A_3842, %swap3A_3843] {strides = array<i32>} : memref<2x128x128xf32, #tpu.memory_space<vmem>>, vector<1x1x16xf32>,
    %swap3A_3845 = vector.shape_cast %swap3A_3844 : vector<1x1x16xf32> to vector<16xf32>
    %swap3A_3846 = vector.shape_cast %add3A_3838 : vector<16xf32> to vector<1x1x16xf32>
    tpu.vector_store %arg5[%swap3A_3841, %swap3A_3842, %swap3A_3843], %swap3A_3846 {strides = array<i32>} : memref<2x128x128xf32, #tpu.memory_space<vmem>>, vector<1x1x16xf32>,
    %get3A_3847 = arith.constant 1 : i32
    %get3A_3848 = arith.constant 44 : i32
    %get3A_3849 = arith.index_cast %get3A_3847 : i32 to index
    %get3A_3850 = arith.index_cast %get3A_3848 : i32 to index
    %get3A_3851 = arith.constant 32 : index
    %get3A_3852 = tpu.vector_load %arg5[%get3A_3849, %get3A_3850, %get3A_3851] {strides = array<i32>} : memref<2x128x128xf32, #tpu.memory_space<vmem>>, vector<1x1x16xf32>,
    %get3A_3853 = vector.shape_cast %get3A_3852 : vector<1x1x16xf32> to vector<16xf32>
    %eq3A_3854 = arith.constant 12 : i32
    %eq3A_3855 = vector.broadcast %eq3A_3854 : i32 to vector<16xi32>
    %eq3A_3856 = arith.cmpi eq, %iota3A, %eq3A_3855 : vector<16xi32>
    %jit3A_3857 = arith.constant 0.000000e+00 : f32
    %broadcast_in_dim3A_3858 = vector.broadcast %jit3A_3857 : f32 to vector<16xf32>
    %select_n3A_3859 = arith.select %eq3A_3856, %get3A_2, %broadcast_in_dim3A_3858 : vector<16xi1>, vector<16xf32>
    %add3A_3860 = arith.addf %get3A_3853, %select_n3A_3859 : vector<16xf32>
    %swap3A_3861 = arith.constant 1 : i32
    %swap3A_3862 = arith.constant 44 : i32
    %swap3A_3863 = arith.index_cast %swap3A_3861 : i32 to index
    %swap3A_3864 = arith.index_cast %swap3A_3862 : i32 to index
    %swap3A_3865 = arith.constant 32 : index
    %swap3A_3866 = tpu.vector_load %arg5[%swap3A_3863, %swap3A_3864, %swap3A_3865] {strides = array<i32>} : memref<2x128x128xf32, #tpu.memory_space<vmem>>, vector<1x1x16xf32>,
    %swap3A_3867 = vector.shape_cast %swap3A_3866 : vector<1x1x16xf32> to vector<16xf32>
    %swap3A_3868 = vector.shape_cast %add3A_3860 : vector<16xf32> to vector<1x1x16xf32>
    tpu.vector_store %arg5[%swap3A_3863, %swap3A_3864, %swap3A_3865], %swap3A_3868 {strides = array<i32>} : memref<2x128x128xf32, #tpu.memory_space<vmem>>, vector<1x1x16xf32>,
    %get3A_3869 = arith.constant 1 : i32
    %get3A_3870 = arith.constant 45 : i32
    %get3A_3871 = arith.index_cast %get3A_3869 : i32 to index
    %get3A_3872 = arith.index_cast %get3A_3870 : i32 to index
    %get3A_3873 = arith.constant 32 : index
    %get3A_3874 = tpu.vector_load %arg5[%get3A_3871, %get3A_3872, %get3A_3873] {strides = array<i32>} : memref<2x128x128xf32, #tpu.memory_space<vmem>>, vector<1x1x16xf32>,
    %get3A_3875 = vector.shape_cast %get3A_3874 : vector<1x1x16xf32> to vector<16xf32>
    %eq3A_3876 = arith.constant 13 : i32
    %eq3A_3877 = vector.broadcast %eq3A_3876 : i32 to vector<16xi32>
    %eq3A_3878 = arith.cmpi eq, %iota3A, %eq3A_3877 : vector<16xi32>
    %jit3A_3879 = arith.constant 0.000000e+00 : f32
    %broadcast_in_dim3A_3880 = vector.broadcast %jit3A_3879 : f32 to vector<16xf32>
    %select_n3A_3881 = arith.select %eq3A_3878, %get3A_2, %broadcast_in_dim3A_3880 : vector<16xi1>, vector<16xf32>
    %add3A_3882 = arith.addf %get3A_3875, %select_n3A_3881 : vector<16xf32>
    %swap3A_3883 = arith.constant 1 : i32
    %swap3A_3884 = arith.constant 45 : i32
    %swap3A_3885 = arith.index_cast %swap3A_3883 : i32 to index
    %swap3A_3886 = arith.index_cast %swap3A_3884 : i32 to index
    %swap3A_3887 = arith.constant 32 : index
    %swap3A_3888 = tpu.vector_load %arg5[%swap3A_3885, %swap3A_3886, %swap3A_3887] {strides = array<i32>} : memref<2x128x128xf32, #tpu.memory_space<vmem>>, vector<1x1x16xf32>,
    %swap3A_3889 = vector.shape_cast %swap3A_3888 : vector<1x1x16xf32> to vector<16xf32>
    %swap3A_3890 = vector.shape_cast %add3A_3882 : vector<16xf32> to vector<1x1x16xf32>
    tpu.vector_store %arg5[%swap3A_3885, %swap3A_3886, %swap3A_3887], %swap3A_3890 {strides = array<i32>} : memref<2x128x128xf32, #tpu.memory_space<vmem>>, vector<1x1x16xf32>,
    %get3A_3891 = arith.constant 1 : i32
    %get3A_3892 = arith.constant 46 : i32
    %get3A_3893 = arith.index_cast %get3A_3891 : i32 to index
    %get3A_3894 = arith.index_cast %get3A_3892 : i32 to index
    %get3A_3895 = arith.constant 32 : index
    %get3A_3896 = tpu.vector_load %arg5[%get3A_3893, %get3A_3894, %get3A_3895] {strides = array<i32>} : memref<2x128x128xf32, #tpu.memory_space<vmem>>, vector<1x1x16xf32>,
    %get3A_3897 = vector.shape_cast %get3A_3896 : vector<1x1x16xf32> to vector<16xf32>
    %eq3A_3898 = arith.constant 14 : i32
    %eq3A_3899 = vector.broadcast %eq3A_3898 : i32 to vector<16xi32>
    %eq3A_3900 = arith.cmpi eq, %iota3A, %eq3A_3899 : vector<16xi32>
    %jit3A_3901 = arith.constant 0.000000e+00 : f32
    %broadcast_in_dim3A_3902 = vector.broadcast %jit3A_3901 : f32 to vector<16xf32>
    %select_n3A_3903 = arith.select %eq3A_3900, %get3A_2, %broadcast_in_dim3A_3902 : vector<16xi1>, vector<16xf32>
    %add3A_3904 = arith.addf %get3A_3897, %select_n3A_3903 : vector<16xf32>
    %swap3A_3905 = arith.constant 1 : i32
    %swap3A_3906 = arith.constant 46 : i32
    %swap3A_3907 = arith.index_cast %swap3A_3905 : i32 to index
    %swap3A_3908 = arith.index_cast %swap3A_3906 : i32 to index
    %swap3A_3909 = arith.constant 32 : index
    %swap3A_3910 = tpu.vector_load %arg5[%swap3A_3907, %swap3A_3908, %swap3A_3909] {strides = array<i32>} : memref<2x128x128xf32, #tpu.memory_space<vmem>>, vector<1x1x16xf32>,
    %swap3A_3911 = vector.shape_cast %swap3A_3910 : vector<1x1x16xf32> to vector<16xf32>
    %swap3A_3912 = vector.shape_cast %add3A_3904 : vector<16xf32> to vector<1x1x16xf32>
    tpu.vector_store %arg5[%swap3A_3907, %swap3A_3908, %swap3A_3909], %swap3A_3912 {strides = array<i32>} : memref<2x128x128xf32, #tpu.memory_space<vmem>>, vector<1x1x16xf32>,
    %get3A_3913 = arith.constant 1 : i32
    %get3A_3914 = arith.constant 47 : i32
    %get3A_3915 = arith.index_cast %get3A_3913 : i32 to index
    %get3A_3916 = arith.index_cast %get3A_3914 : i32 to index
    %get3A_3917 = arith.constant 32 : index
    %get3A_3918 = tpu.vector_load %arg5[%get3A_3915, %get3A_3916, %get3A_3917] {strides = array<i32>} : memref<2x128x128xf32, #tpu.memory_space<vmem>>, vector<1x1x16xf32>,
    %get3A_3919 = vector.shape_cast %get3A_3918 : vector<1x1x16xf32> to vector<16xf32>
    %eq3A_3920 = arith.constant 15 : i32
    %eq3A_3921 = vector.broadcast %eq3A_3920 : i32 to vector<16xi32>
    %eq3A_3922 = arith.cmpi eq, %iota3A, %eq3A_3921 : vector<16xi32>
    %jit3A_3923 = arith.constant 0.000000e+00 : f32
    %broadcast_in_dim3A_3924 = vector.broadcast %jit3A_3923 : f32 to vector<16xf32>
    %select_n3A_3925 = arith.select %eq3A_3922, %get3A_2, %broadcast_in_dim3A_3924 : vector<16xi1>, vector<16xf32>
    %add3A_3926 = arith.addf %get3A_3919, %select_n3A_3925 : vector<16xf32>
    %swap3A_3927 = arith.constant 1 : i32
    %swap3A_3928 = arith.constant 47 : i32
    %swap3A_3929 = arith.index_cast %swap3A_3927 : i32 to index
    %swap3A_3930 = arith.index_cast %swap3A_3928 : i32 to index
    %swap3A_3931 = arith.constant 32 : index
    %swap3A_3932 = tpu.vector_load %arg5[%swap3A_3929, %swap3A_3930, %swap3A_3931] {strides = array<i32>} : memref<2x128x128xf32, #tpu.memory_space<vmem>>, vector<1x1x16xf32>,
    %swap3A_3933 = vector.shape_cast %swap3A_3932 : vector<1x1x16xf32> to vector<16xf32>
    %swap3A_3934 = vector.shape_cast %add3A_3926 : vector<16xf32> to vector<1x1x16xf32>
    tpu.vector_store %arg5[%swap3A_3929, %swap3A_3930, %swap3A_3931], %swap3A_3934 {strides = array<i32>} : memref<2x128x128xf32, #tpu.memory_space<vmem>>, vector<1x1x16xf32>,
    %get3A_3935 = arith.constant 1 : i32
    %get3A_3936 = arith.constant 48 : i32
    %get3A_3937 = arith.index_cast %get3A_3935 : i32 to index
    %get3A_3938 = arith.index_cast %get3A_3936 : i32 to index
    %get3A_3939 = arith.constant 48 : index
    %get3A_3940 = tpu.vector_load %arg5[%get3A_3937, %get3A_3938, %get3A_3939] {strides = array<i32>} : memref<2x128x128xf32, #tpu.memory_space<vmem>>, vector<1x1x16xf32>,
    %get3A_3941 = vector.shape_cast %get3A_3940 : vector<1x1x16xf32> to vector<16xf32>
    %eq3A_3942 = arith.constant 0 : i32
    %eq3A_3943 = vector.broadcast %eq3A_3942 : i32 to vector<16xi32>
    %eq3A_3944 = arith.cmpi eq, %iota3A, %eq3A_3943 : vector<16xi32>
    %jit3A_3945 = arith.constant 0.000000e+00 : f32
    %broadcast_in_dim3A_3946 = vector.broadcast %jit3A_3945 : f32 to vector<16xf32>
    %select_n3A_3947 = arith.select %eq3A_3944, %get3A_2, %broadcast_in_dim3A_3946 : vector<16xi1>, vector<16xf32>
    %add3A_3948 = arith.addf %get3A_3941, %select_n3A_3947 : vector<16xf32>
    %swap3A_3949 = arith.constant 1 : i32
    %swap3A_3950 = arith.constant 48 : i32
    %swap3A_3951 = arith.index_cast %swap3A_3949 : i32 to index
    %swap3A_3952 = arith.index_cast %swap3A_3950 : i32 to index
    %swap3A_3953 = arith.constant 48 : index
    %swap3A_3954 = tpu.vector_load %arg5[%swap3A_3951, %swap3A_3952, %swap3A_3953] {strides = array<i32>} : memref<2x128x128xf32, #tpu.memory_space<vmem>>, vector<1x1x16xf32>,
    %swap3A_3955 = vector.shape_cast %swap3A_3954 : vector<1x1x16xf32> to vector<16xf32>
    %swap3A_3956 = vector.shape_cast %add3A_3948 : vector<16xf32> to vector<1x1x16xf32>
    tpu.vector_store %arg5[%swap3A_3951, %swap3A_3952, %swap3A_3953], %swap3A_3956 {strides = array<i32>} : memref<2x128x128xf32, #tpu.memory_space<vmem>>, vector<1x1x16xf32>,
    %get3A_3957 = arith.constant 1 : i32
    %get3A_3958 = arith.constant 49 : i32
    %get3A_3959 = arith.index_cast %get3A_3957 : i32 to index
    %get3A_3960 = arith.index_cast %get3A_3958 : i32 to index
    %get3A_3961 = arith.constant 48 : index
    %get3A_3962 = tpu.vector_load %arg5[%get3A_3959, %get3A_3960, %get3A_3961] {strides = array<i32>} : memref<2x128x128xf32, #tpu.memory_space<vmem>>, vector<1x1x16xf32>,
    %get3A_3963 = vector.shape_cast %get3A_3962 : vector<1x1x16xf32> to vector<16xf32>
    %eq3A_3964 = arith.constant 1 : i32
    %eq3A_3965 = vector.broadcast %eq3A_3964 : i32 to vector<16xi32>
    %eq3A_3966 = arith.cmpi eq, %iota3A, %eq3A_3965 : vector<16xi32>
    %jit3A_3967 = arith.constant 0.000000e+00 : f32
    %broadcast_in_dim3A_3968 = vector.broadcast %jit3A_3967 : f32 to vector<16xf32>
    %select_n3A_3969 = arith.select %eq3A_3966, %get3A_2, %broadcast_in_dim3A_3968 : vector<16xi1>, vector<16xf32>
    %add3A_3970 = arith.addf %get3A_3963, %select_n3A_3969 : vector<16xf32>
    %swap3A_3971 = arith.constant 1 : i32
    %swap3A_3972 = arith.constant 49 : i32
    %swap3A_3973 = arith.index_cast %swap3A_3971 : i32 to index
    %swap3A_3974 = arith.index_cast %swap3A_3972 : i32 to index
    %swap3A_3975 = arith.constant 48 : index
    %swap3A_3976 = tpu.vector_load %arg5[%swap3A_3973, %swap3A_3974, %swap3A_3975] {strides = array<i32>} : memref<2x128x128xf32, #tpu.memory_space<vmem>>, vector<1x1x16xf32>,
    %swap3A_3977 = vector.shape_cast %swap3A_3976 : vector<1x1x16xf32> to vector<16xf32>
    %swap3A_3978 = vector.shape_cast %add3A_3970 : vector<16xf32> to vector<1x1x16xf32>
    tpu.vector_store %arg5[%swap3A_3973, %swap3A_3974, %swap3A_3975], %swap3A_3978 {strides = array<i32>} : memref<2x128x128xf32, #tpu.memory_space<vmem>>, vector<1x1x16xf32>,
    %get3A_3979 = arith.constant 1 : i32
    %get3A_3980 = arith.constant 50 : i32
    %get3A_3981 = arith.index_cast %get3A_3979 : i32 to index
    %get3A_3982 = arith.index_cast %get3A_3980 : i32 to index
    %get3A_3983 = arith.constant 48 : index
    %get3A_3984 = tpu.vector_load %arg5[%get3A_3981, %get3A_3982, %get3A_3983] {strides = array<i32>} : memref<2x128x128xf32, #tpu.memory_space<vmem>>, vector<1x1x16xf32>,
    %get3A_3985 = vector.shape_cast %get3A_3984 : vector<1x1x16xf32> to vector<16xf32>
    %eq3A_3986 = arith.constant 2 : i32
    %eq3A_3987 = vector.broadcast %eq3A_3986 : i32 to vector<16xi32>
    %eq3A_3988 = arith.cmpi eq, %iota3A, %eq3A_3987 : vector<16xi32>
    %jit3A_3989 = arith.constant 0.000000e+00 : f32
    %broadcast_in_dim3A_3990 = vector.broadcast %jit3A_3989 : f32 to vector<16xf32>
    %select_n3A_3991 = arith.select %eq3A_3988, %get3A_2, %broadcast_in_dim3A_3990 : vector<16xi1>, vector<16xf32>
    %add3A_3992 = arith.addf %get3A_3985, %select_n3A_3991 : vector<16xf32>
    %swap3A_3993 = arith.constant 1 : i32
    %swap3A_3994 = arith.constant 50 : i32
    %swap3A_3995 = arith.index_cast %swap3A_3993 : i32 to index
    %swap3A_3996 = arith.index_cast %swap3A_3994 : i32 to index
    %swap3A_3997 = arith.constant 48 : index
    %swap3A_3998 = tpu.vector_load %arg5[%swap3A_3995, %swap3A_3996, %swap3A_3997] {strides = array<i32>} : memref<2x128x128xf32, #tpu.memory_space<vmem>>, vector<1x1x16xf32>,
    %swap3A_3999 = vector.shape_cast %swap3A_3998 : vector<1x1x16xf32> to vector<16xf32>
    %swap3A_4000 = vector.shape_cast %add3A_3992 : vector<16xf32> to vector<1x1x16xf32>
    tpu.vector_store %arg5[%swap3A_3995, %swap3A_3996, %swap3A_3997], %swap3A_4000 {strides = array<i32>} : memref<2x128x128xf32, #tpu.memory_space<vmem>>, vector<1x1x16xf32>,
    %get3A_4001 = arith.constant 1 : i32
    %get3A_4002 = arith.constant 51 : i32
    %get3A_4003 = arith.index_cast %get3A_4001 : i32 to index
    %get3A_4004 = arith.index_cast %get3A_4002 : i32 to index
    %get3A_4005 = arith.constant 48 : index
    %get3A_4006 = tpu.vector_load %arg5[%get3A_4003, %get3A_4004, %get3A_4005] {strides = array<i32>} : memref<2x128x128xf32, #tpu.memory_space<vmem>>, vector<1x1x16xf32>,
    %get3A_4007 = vector.shape_cast %get3A_4006 : vector<1x1x16xf32> to vector<16xf32>
    %eq3A_4008 = arith.constant 3 : i32
    %eq3A_4009 = vector.broadcast %eq3A_4008 : i32 to vector<16xi32>
    %eq3A_4010 = arith.cmpi eq, %iota3A, %eq3A_4009 : vector<16xi32>
    %jit3A_4011 = arith.constant 0.000000e+00 : f32
    %broadcast_in_dim3A_4012 = vector.broadcast %jit3A_4011 : f32 to vector<16xf32>
    %select_n3A_4013 = arith.select %eq3A_4010, %get3A_2, %broadcast_in_dim3A_4012 : vector<16xi1>, vector<16xf32>
    %add3A_4014 = arith.addf %get3A_4007, %select_n3A_4013 : vector<16xf32>
    %swap3A_4015 = arith.constant 1 : i32
    %swap3A_4016 = arith.constant 51 : i32
    %swap3A_4017 = arith.index_cast %swap3A_4015 : i32 to index
    %swap3A_4018 = arith.index_cast %swap3A_4016 : i32 to index
    %swap3A_4019 = arith.constant 48 : index
    %swap3A_4020 = tpu.vector_load %arg5[%swap3A_4017, %swap3A_4018, %swap3A_4019] {strides = array<i32>} : memref<2x128x128xf32, #tpu.memory_space<vmem>>, vector<1x1x16xf32>,
    %swap3A_4021 = vector.shape_cast %swap3A_4020 : vector<1x1x16xf32> to vector<16xf32>
    %swap3A_4022 = vector.shape_cast %add3A_4014 : vector<16xf32> to vector<1x1x16xf32>
    tpu.vector_store %arg5[%swap3A_4017, %swap3A_4018, %swap3A_4019], %swap3A_4022 {strides = array<i32>} : memref<2x128x128xf32, #tpu.memory_space<vmem>>, vector<1x1x16xf32>,
    %get3A_4023 = arith.constant 1 : i32
    %get3A_4024 = arith.constant 52 : i32
    %get3A_4025 = arith.index_cast %get3A_4023 : i32 to index
    %get3A_4026 = arith.index_cast %get3A_4024 : i32 to index
    %get3A_4027 = arith.constant 48 : index
    %get3A_4028 = tpu.vector_load %arg5[%get3A_4025, %get3A_4026, %get3A_4027] {strides = array<i32>} : memref<2x128x128xf32, #tpu.memory_space<vmem>>, vector<1x1x16xf32>,
    %get3A_4029 = vector.shape_cast %get3A_4028 : vector<1x1x16xf32> to vector<16xf32>
    %eq3A_4030 = arith.constant 4 : i32
    %eq3A_4031 = vector.broadcast %eq3A_4030 : i32 to vector<16xi32>
    %eq3A_4032 = arith.cmpi eq, %iota3A, %eq3A_4031 : vector<16xi32>
    %jit3A_4033 = arith.constant 0.000000e+00 : f32
    %broadcast_in_dim3A_4034 = vector.broadcast %jit3A_4033 : f32 to vector<16xf32>
    %select_n3A_4035 = arith.select %eq3A_4032, %get3A_2, %broadcast_in_dim3A_4034 : vector<16xi1>, vector<16xf32>
    %add3A_4036 = arith.addf %get3A_4029, %select_n3A_4035 : vector<16xf32>
    %swap3A_4037 = arith.constant 1 : i32
    %swap3A_4038 = arith.constant 52 : i32
    %swap3A_4039 = arith.index_cast %swap3A_4037 : i32 to index
    %swap3A_4040 = arith.index_cast %swap3A_4038 : i32 to index
    %swap3A_4041 = arith.constant 48 : index
    %swap3A_4042 = tpu.vector_load %arg5[%swap3A_4039, %swap3A_4040, %swap3A_4041] {strides = array<i32>} : memref<2x128x128xf32, #tpu.memory_space<vmem>>, vector<1x1x16xf32>,
    %swap3A_4043 = vector.shape_cast %swap3A_4042 : vector<1x1x16xf32> to vector<16xf32>
    %swap3A_4044 = vector.shape_cast %add3A_4036 : vector<16xf32> to vector<1x1x16xf32>
    tpu.vector_store %arg5[%swap3A_4039, %swap3A_4040, %swap3A_4041], %swap3A_4044 {strides = array<i32>} : memref<2x128x128xf32, #tpu.memory_space<vmem>>, vector<1x1x16xf32>,
    %get3A_4045 = arith.constant 1 : i32
    %get3A_4046 = arith.constant 53 : i32
    %get3A_4047 = arith.index_cast %get3A_4045 : i32 to index
    %get3A_4048 = arith.index_cast %get3A_4046 : i32 to index
    %get3A_4049 = arith.constant 48 : index
    %get3A_4050 = tpu.vector_load %arg5[%get3A_4047, %get3A_4048, %get3A_4049] {strides = array<i32>} : memref<2x128x128xf32, #tpu.memory_space<vmem>>, vector<1x1x16xf32>,
    %get3A_4051 = vector.shape_cast %get3A_4050 : vector<1x1x16xf32> to vector<16xf32>
    %eq3A_4052 = arith.constant 5 : i32
    %eq3A_4053 = vector.broadcast %eq3A_4052 : i32 to vector<16xi32>
    %eq3A_4054 = arith.cmpi eq, %iota3A, %eq3A_4053 : vector<16xi32>
    %jit3A_4055 = arith.constant 0.000000e+00 : f32
    %broadcast_in_dim3A_4056 = vector.broadcast %jit3A_4055 : f32 to vector<16xf32>
    %select_n3A_4057 = arith.select %eq3A_4054, %get3A_2, %broadcast_in_dim3A_4056 : vector<16xi1>, vector<16xf32>
    %add3A_4058 = arith.addf %get3A_4051, %select_n3A_4057 : vector<16xf32>
    %swap3A_4059 = arith.constant 1 : i32
    %swap3A_4060 = arith.constant 53 : i32
    %swap3A_4061 = arith.index_cast %swap3A_4059 : i32 to index
    %swap3A_4062 = arith.index_cast %swap3A_4060 : i32 to index
    %swap3A_4063 = arith.constant 48 : index
    %swap3A_4064 = tpu.vector_load %arg5[%swap3A_4061, %swap3A_4062, %swap3A_4063] {strides = array<i32>} : memref<2x128x128xf32, #tpu.memory_space<vmem>>, vector<1x1x16xf32>,
    %swap3A_4065 = vector.shape_cast %swap3A_4064 : vector<1x1x16xf32> to vector<16xf32>
    %swap3A_4066 = vector.shape_cast %add3A_4058 : vector<16xf32> to vector<1x1x16xf32>
    tpu.vector_store %arg5[%swap3A_4061, %swap3A_4062, %swap3A_4063], %swap3A_4066 {strides = array<i32>} : memref<2x128x128xf32, #tpu.memory_space<vmem>>, vector<1x1x16xf32>,
    %get3A_4067 = arith.constant 1 : i32
    %get3A_4068 = arith.constant 54 : i32
    %get3A_4069 = arith.index_cast %get3A_4067 : i32 to index
    %get3A_4070 = arith.index_cast %get3A_4068 : i32 to index
    %get3A_4071 = arith.constant 48 : index
    %get3A_4072 = tpu.vector_load %arg5[%get3A_4069, %get3A_4070, %get3A_4071] {strides = array<i32>} : memref<2x128x128xf32, #tpu.memory_space<vmem>>, vector<1x1x16xf32>,
    %get3A_4073 = vector.shape_cast %get3A_4072 : vector<1x1x16xf32> to vector<16xf32>
    %eq3A_4074 = arith.constant 6 : i32
    %eq3A_4075 = vector.broadcast %eq3A_4074 : i32 to vector<16xi32>
    %eq3A_4076 = arith.cmpi eq, %iota3A, %eq3A_4075 : vector<16xi32>
    %jit3A_4077 = arith.constant 0.000000e+00 : f32
    %broadcast_in_dim3A_4078 = vector.broadcast %jit3A_4077 : f32 to vector<16xf32>
    %select_n3A_4079 = arith.select %eq3A_4076, %get3A_2, %broadcast_in_dim3A_4078 : vector<16xi1>, vector<16xf32>
    %add3A_4080 = arith.addf %get3A_4073, %select_n3A_4079 : vector<16xf32>
    %swap3A_4081 = arith.constant 1 : i32
    %swap3A_4082 = arith.constant 54 : i32
    %swap3A_4083 = arith.index_cast %swap3A_4081 : i32 to index
    %swap3A_4084 = arith.index_cast %swap3A_4082 : i32 to index
    %swap3A_4085 = arith.constant 48 : index
    %swap3A_4086 = tpu.vector_load %arg5[%swap3A_4083, %swap3A_4084, %swap3A_4085] {strides = array<i32>} : memref<2x128x128xf32, #tpu.memory_space<vmem>>, vector<1x1x16xf32>,
    %swap3A_4087 = vector.shape_cast %swap3A_4086 : vector<1x1x16xf32> to vector<16xf32>
    %swap3A_4088 = vector.shape_cast %add3A_4080 : vector<16xf32> to vector<1x1x16xf32>
    tpu.vector_store %arg5[%swap3A_4083, %swap3A_4084, %swap3A_4085], %swap3A_4088 {strides = array<i32>} : memref<2x128x128xf32, #tpu.memory_space<vmem>>, vector<1x1x16xf32>,
    %get3A_4089 = arith.constant 1 : i32
    %get3A_4090 = arith.constant 55 : i32
    %get3A_4091 = arith.index_cast %get3A_4089 : i32 to index
    %get3A_4092 = arith.index_cast %get3A_4090 : i32 to index
    %get3A_4093 = arith.constant 48 : index
    %get3A_4094 = tpu.vector_load %arg5[%get3A_4091, %get3A_4092, %get3A_4093] {strides = array<i32>} : memref<2x128x128xf32, #tpu.memory_space<vmem>>, vector<1x1x16xf32>,
    %get3A_4095 = vector.shape_cast %get3A_4094 : vector<1x1x16xf32> to vector<16xf32>
    %eq3A_4096 = arith.constant 7 : i32
    %eq3A_4097 = vector.broadcast %eq3A_4096 : i32 to vector<16xi32>
    %eq3A_4098 = arith.cmpi eq, %iota3A, %eq3A_4097 : vector<16xi32>
    %jit3A_4099 = arith.constant 0.000000e+00 : f32
    %broadcast_in_dim3A_4100 = vector.broadcast %jit3A_4099 : f32 to vector<16xf32>
    %select_n3A_4101 = arith.select %eq3A_4098, %get3A_2, %broadcast_in_dim3A_4100 : vector<16xi1>, vector<16xf32>
    %add3A_4102 = arith.addf %get3A_4095, %select_n3A_4101 : vector<16xf32>
    %swap3A_4103 = arith.constant 1 : i32
    %swap3A_4104 = arith.constant 55 : i32
    %swap3A_4105 = arith.index_cast %swap3A_4103 : i32 to index
    %swap3A_4106 = arith.index_cast %swap3A_4104 : i32 to index
    %swap3A_4107 = arith.constant 48 : index
    %swap3A_4108 = tpu.vector_load %arg5[%swap3A_4105, %swap3A_4106, %swap3A_4107] {strides = array<i32>} : memref<2x128x128xf32, #tpu.memory_space<vmem>>, vector<1x1x16xf32>,
    %swap3A_4109 = vector.shape_cast %swap3A_4108 : vector<1x1x16xf32> to vector<16xf32>
    %swap3A_4110 = vector.shape_cast %add3A_4102 : vector<16xf32> to vector<1x1x16xf32>
    tpu.vector_store %arg5[%swap3A_4105, %swap3A_4106, %swap3A_4107], %swap3A_4110 {strides = array<i32>} : memref<2x128x128xf32, #tpu.memory_space<vmem>>, vector<1x1x16xf32>,
    %get3A_4111 = arith.constant 1 : i32
    %get3A_4112 = arith.constant 56 : i32
    %get3A_4113 = arith.index_cast %get3A_4111 : i32 to index
    %get3A_4114 = arith.index_cast %get3A_4112 : i32 to index
    %get3A_4115 = arith.constant 48 : index
    %get3A_4116 = tpu.vector_load %arg5[%get3A_4113, %get3A_4114, %get3A_4115] {strides = array<i32>} : memref<2x128x128xf32, #tpu.memory_space<vmem>>, vector<1x1x16xf32>,
    %get3A_4117 = vector.shape_cast %get3A_4116 : vector<1x1x16xf32> to vector<16xf32>
    %eq3A_4118 = arith.constant 8 : i32
    %eq3A_4119 = vector.broadcast %eq3A_4118 : i32 to vector<16xi32>
    %eq3A_4120 = arith.cmpi eq, %iota3A, %eq3A_4119 : vector<16xi32>
    %jit3A_4121 = arith.constant 0.000000e+00 : f32
    %broadcast_in_dim3A_4122 = vector.broadcast %jit3A_4121 : f32 to vector<16xf32>
    %select_n3A_4123 = arith.select %eq3A_4120, %get3A_2, %broadcast_in_dim3A_4122 : vector<16xi1>, vector<16xf32>
    %add3A_4124 = arith.addf %get3A_4117, %select_n3A_4123 : vector<16xf32>
    %swap3A_4125 = arith.constant 1 : i32
    %swap3A_4126 = arith.constant 56 : i32
    %swap3A_4127 = arith.index_cast %swap3A_4125 : i32 to index
    %swap3A_4128 = arith.index_cast %swap3A_4126 : i32 to index
    %swap3A_4129 = arith.constant 48 : index
    %swap3A_4130 = tpu.vector_load %arg5[%swap3A_4127, %swap3A_4128, %swap3A_4129] {strides = array<i32>} : memref<2x128x128xf32, #tpu.memory_space<vmem>>, vector<1x1x16xf32>,
    %swap3A_4131 = vector.shape_cast %swap3A_4130 : vector<1x1x16xf32> to vector<16xf32>
    %swap3A_4132 = vector.shape_cast %add3A_4124 : vector<16xf32> to vector<1x1x16xf32>
    tpu.vector_store %arg5[%swap3A_4127, %swap3A_4128, %swap3A_4129], %swap3A_4132 {strides = array<i32>} : memref<2x128x128xf32, #tpu.memory_space<vmem>>, vector<1x1x16xf32>,
    %get3A_4133 = arith.constant 1 : i32
    %get3A_4134 = arith.constant 57 : i32
    %get3A_4135 = arith.index_cast %get3A_4133 : i32 to index
    %get3A_4136 = arith.index_cast %get3A_4134 : i32 to index
    %get3A_4137 = arith.constant 48 : index
    %get3A_4138 = tpu.vector_load %arg5[%get3A_4135, %get3A_4136, %get3A_4137] {strides = array<i32>} : memref<2x128x128xf32, #tpu.memory_space<vmem>>, vector<1x1x16xf32>,
    %get3A_4139 = vector.shape_cast %get3A_4138 : vector<1x1x16xf32> to vector<16xf32>
    %eq3A_4140 = arith.constant 9 : i32
    %eq3A_4141 = vector.broadcast %eq3A_4140 : i32 to vector<16xi32>
    %eq3A_4142 = arith.cmpi eq, %iota3A, %eq3A_4141 : vector<16xi32>
    %jit3A_4143 = arith.constant 0.000000e+00 : f32
    %broadcast_in_dim3A_4144 = vector.broadcast %jit3A_4143 : f32 to vector<16xf32>
    %select_n3A_4145 = arith.select %eq3A_4142, %get3A_2, %broadcast_in_dim3A_4144 : vector<16xi1>, vector<16xf32>
    %add3A_4146 = arith.addf %get3A_4139, %select_n3A_4145 : vector<16xf32>
    %swap3A_4147 = arith.constant 1 : i32
    %swap3A_4148 = arith.constant 57 : i32
    %swap3A_4149 = arith.index_cast %swap3A_4147 : i32 to index
    %swap3A_4150 = arith.index_cast %swap3A_4148 : i32 to index
    %swap3A_4151 = arith.constant 48 : index
    %swap3A_4152 = tpu.vector_load %arg5[%swap3A_4149, %swap3A_4150, %swap3A_4151] {strides = array<i32>} : memref<2x128x128xf32, #tpu.memory_space<vmem>>, vector<1x1x16xf32>,
    %swap3A_4153 = vector.shape_cast %swap3A_4152 : vector<1x1x16xf32> to vector<16xf32>
    %swap3A_4154 = vector.shape_cast %add3A_4146 : vector<16xf32> to vector<1x1x16xf32>
    tpu.vector_store %arg5[%swap3A_4149, %swap3A_4150, %swap3A_4151], %swap3A_4154 {strides = array<i32>} : memref<2x128x128xf32, #tpu.memory_space<vmem>>, vector<1x1x16xf32>,
    %get3A_4155 = arith.constant 1 : i32
    %get3A_4156 = arith.constant 58 : i32
    %get3A_4157 = arith.index_cast %get3A_4155 : i32 to index
    %get3A_4158 = arith.index_cast %get3A_4156 : i32 to index
    %get3A_4159 = arith.constant 48 : index
    %get3A_4160 = tpu.vector_load %arg5[%get3A_4157, %get3A_4158, %get3A_4159] {strides = array<i32>} : memref<2x128x128xf32, #tpu.memory_space<vmem>>, vector<1x1x16xf32>,
    %get3A_4161 = vector.shape_cast %get3A_4160 : vector<1x1x16xf32> to vector<16xf32>
    %eq3A_4162 = arith.constant 10 : i32
    %eq3A_4163 = vector.broadcast %eq3A_4162 : i32 to vector<16xi32>
    %eq3A_4164 = arith.cmpi eq, %iota3A, %eq3A_4163 : vector<16xi32>
    %jit3A_4165 = arith.constant 0.000000e+00 : f32
    %broadcast_in_dim3A_4166 = vector.broadcast %jit3A_4165 : f32 to vector<16xf32>
    %select_n3A_4167 = arith.select %eq3A_4164, %get3A_2, %broadcast_in_dim3A_4166 : vector<16xi1>, vector<16xf32>
    %add3A_4168 = arith.addf %get3A_4161, %select_n3A_4167 : vector<16xf32>
    %swap3A_4169 = arith.constant 1 : i32
    %swap3A_4170 = arith.constant 58 : i32
    %swap3A_4171 = arith.index_cast %swap3A_4169 : i32 to index
    %swap3A_4172 = arith.index_cast %swap3A_4170 : i32 to index
    %swap3A_4173 = arith.constant 48 : index
    %swap3A_4174 = tpu.vector_load %arg5[%swap3A_4171, %swap3A_4172, %swap3A_4173] {strides = array<i32>} : memref<2x128x128xf32, #tpu.memory_space<vmem>>, vector<1x1x16xf32>,
    %swap3A_4175 = vector.shape_cast %swap3A_4174 : vector<1x1x16xf32> to vector<16xf32>
    %swap3A_4176 = vector.shape_cast %add3A_4168 : vector<16xf32> to vector<1x1x16xf32>
    tpu.vector_store %arg5[%swap3A_4171, %swap3A_4172, %swap3A_4173], %swap3A_4176 {strides = array<i32>} : memref<2x128x128xf32, #tpu.memory_space<vmem>>, vector<1x1x16xf32>,
    %get3A_4177 = arith.constant 1 : i32
    %get3A_4178 = arith.constant 59 : i32
    %get3A_4179 = arith.index_cast %get3A_4177 : i32 to index
    %get3A_4180 = arith.index_cast %get3A_4178 : i32 to index
    %get3A_4181 = arith.constant 48 : index
    %get3A_4182 = tpu.vector_load %arg5[%get3A_4179, %get3A_4180, %get3A_4181] {strides = array<i32>} : memref<2x128x128xf32, #tpu.memory_space<vmem>>, vector<1x1x16xf32>,
    %get3A_4183 = vector.shape_cast %get3A_4182 : vector<1x1x16xf32> to vector<16xf32>
    %eq3A_4184 = arith.constant 11 : i32
    %eq3A_4185 = vector.broadcast %eq3A_4184 : i32 to vector<16xi32>
    %eq3A_4186 = arith.cmpi eq, %iota3A, %eq3A_4185 : vector<16xi32>
    %jit3A_4187 = arith.constant 0.000000e+00 : f32
    %broadcast_in_dim3A_4188 = vector.broadcast %jit3A_4187 : f32 to vector<16xf32>
    %select_n3A_4189 = arith.select %eq3A_4186, %get3A_2, %broadcast_in_dim3A_4188 : vector<16xi1>, vector<16xf32>
    %add3A_4190 = arith.addf %get3A_4183, %select_n3A_4189 : vector<16xf32>
    %swap3A_4191 = arith.constant 1 : i32
    %swap3A_4192 = arith.constant 59 : i32
    %swap3A_4193 = arith.index_cast %swap3A_4191 : i32 to index
    %swap3A_4194 = arith.index_cast %swap3A_4192 : i32 to index
    %swap3A_4195 = arith.constant 48 : index
    %swap3A_4196 = tpu.vector_load %arg5[%swap3A_4193, %swap3A_4194, %swap3A_4195] {strides = array<i32>} : memref<2x128x128xf32, #tpu.memory_space<vmem>>, vector<1x1x16xf32>,
    %swap3A_4197 = vector.shape_cast %swap3A_4196 : vector<1x1x16xf32> to vector<16xf32>
    %swap3A_4198 = vector.shape_cast %add3A_4190 : vector<16xf32> to vector<1x1x16xf32>
    tpu.vector_store %arg5[%swap3A_4193, %swap3A_4194, %swap3A_4195], %swap3A_4198 {strides = array<i32>} : memref<2x128x128xf32, #tpu.memory_space<vmem>>, vector<1x1x16xf32>,
    %get3A_4199 = arith.constant 1 : i32
    %get3A_4200 = arith.constant 60 : i32
    %get3A_4201 = arith.index_cast %get3A_4199 : i32 to index
    %get3A_4202 = arith.index_cast %get3A_4200 : i32 to index
    %get3A_4203 = arith.constant 48 : index
    %get3A_4204 = tpu.vector_load %arg5[%get3A_4201, %get3A_4202, %get3A_4203] {strides = array<i32>} : memref<2x128x128xf32, #tpu.memory_space<vmem>>, vector<1x1x16xf32>,
    %get3A_4205 = vector.shape_cast %get3A_4204 : vector<1x1x16xf32> to vector<16xf32>
    %eq3A_4206 = arith.constant 12 : i32
    %eq3A_4207 = vector.broadcast %eq3A_4206 : i32 to vector<16xi32>
    %eq3A_4208 = arith.cmpi eq, %iota3A, %eq3A_4207 : vector<16xi32>
    %jit3A_4209 = arith.constant 0.000000e+00 : f32
    %broadcast_in_dim3A_4210 = vector.broadcast %jit3A_4209 : f32 to vector<16xf32>
    %select_n3A_4211 = arith.select %eq3A_4208, %get3A_2, %broadcast_in_dim3A_4210 : vector<16xi1>, vector<16xf32>
    %add3A_4212 = arith.addf %get3A_4205, %select_n3A_4211 : vector<16xf32>
    %swap3A_4213 = arith.constant 1 : i32
    %swap3A_4214 = arith.constant 60 : i32
    %swap3A_4215 = arith.index_cast %swap3A_4213 : i32 to index
    %swap3A_4216 = arith.index_cast %swap3A_4214 : i32 to index
    %swap3A_4217 = arith.constant 48 : index
    %swap3A_4218 = tpu.vector_load %arg5[%swap3A_4215, %swap3A_4216, %swap3A_4217] {strides = array<i32>} : memref<2x128x128xf32, #tpu.memory_space<vmem>>, vector<1x1x16xf32>,
    %swap3A_4219 = vector.shape_cast %swap3A_4218 : vector<1x1x16xf32> to vector<16xf32>
    %swap3A_4220 = vector.shape_cast %add3A_4212 : vector<16xf32> to vector<1x1x16xf32>
    tpu.vector_store %arg5[%swap3A_4215, %swap3A_4216, %swap3A_4217], %swap3A_4220 {strides = array<i32>} : memref<2x128x128xf32, #tpu.memory_space<vmem>>, vector<1x1x16xf32>,
    %get3A_4221 = arith.constant 1 : i32
    %get3A_4222 = arith.constant 61 : i32
    %get3A_4223 = arith.index_cast %get3A_4221 : i32 to index
    %get3A_4224 = arith.index_cast %get3A_4222 : i32 to index
    %get3A_4225 = arith.constant 48 : index
    %get3A_4226 = tpu.vector_load %arg5[%get3A_4223, %get3A_4224, %get3A_4225] {strides = array<i32>} : memref<2x128x128xf32, #tpu.memory_space<vmem>>, vector<1x1x16xf32>,
    %get3A_4227 = vector.shape_cast %get3A_4226 : vector<1x1x16xf32> to vector<16xf32>
    %eq3A_4228 = arith.constant 13 : i32
    %eq3A_4229 = vector.broadcast %eq3A_4228 : i32 to vector<16xi32>
    %eq3A_4230 = arith.cmpi eq, %iota3A, %eq3A_4229 : vector<16xi32>
    %jit3A_4231 = arith.constant 0.000000e+00 : f32
    %broadcast_in_dim3A_4232 = vector.broadcast %jit3A_4231 : f32 to vector<16xf32>
    %select_n3A_4233 = arith.select %eq3A_4230, %get3A_2, %broadcast_in_dim3A_4232 : vector<16xi1>, vector<16xf32>
    %add3A_4234 = arith.addf %get3A_4227, %select_n3A_4233 : vector<16xf32>
    %swap3A_4235 = arith.constant 1 : i32
    %swap3A_4236 = arith.constant 61 : i32
    %swap3A_4237 = arith.index_cast %swap3A_4235 : i32 to index
    %swap3A_4238 = arith.index_cast %swap3A_4236 : i32 to index
    %swap3A_4239 = arith.constant 48 : index
    %swap3A_4240 = tpu.vector_load %arg5[%swap3A_4237, %swap3A_4238, %swap3A_4239] {strides = array<i32>} : memref<2x128x128xf32, #tpu.memory_space<vmem>>, vector<1x1x16xf32>,
    %swap3A_4241 = vector.shape_cast %swap3A_4240 : vector<1x1x16xf32> to vector<16xf32>
    %swap3A_4242 = vector.shape_cast %add3A_4234 : vector<16xf32> to vector<1x1x16xf32>
    tpu.vector_store %arg5[%swap3A_4237, %swap3A_4238, %swap3A_4239], %swap3A_4242 {strides = array<i32>} : memref<2x128x128xf32, #tpu.memory_space<vmem>>, vector<1x1x16xf32>,
    %get3A_4243 = arith.constant 1 : i32
    %get3A_4244 = arith.constant 62 : i32
    %get3A_4245 = arith.index_cast %get3A_4243 : i32 to index
    %get3A_4246 = arith.index_cast %get3A_4244 : i32 to index
    %get3A_4247 = arith.constant 48 : index
    %get3A_4248 = tpu.vector_load %arg5[%get3A_4245, %get3A_4246, %get3A_4247] {strides = array<i32>} : memref<2x128x128xf32, #tpu.memory_space<vmem>>, vector<1x1x16xf32>,
    %get3A_4249 = vector.shape_cast %get3A_4248 : vector<1x1x16xf32> to vector<16xf32>
    %eq3A_4250 = arith.constant 14 : i32
    %eq3A_4251 = vector.broadcast %eq3A_4250 : i32 to vector<16xi32>
    %eq3A_4252 = arith.cmpi eq, %iota3A, %eq3A_4251 : vector<16xi32>
    %jit3A_4253 = arith.constant 0.000000e+00 : f32
    %broadcast_in_dim3A_4254 = vector.broadcast %jit3A_4253 : f32 to vector<16xf32>
    %select_n3A_4255 = arith.select %eq3A_4252, %get3A_2, %broadcast_in_dim3A_4254 : vector<16xi1>, vector<16xf32>
    %add3A_4256 = arith.addf %get3A_4249, %select_n3A_4255 : vector<16xf32>
    %swap3A_4257 = arith.constant 1 : i32
    %swap3A_4258 = arith.constant 62 : i32
    %swap3A_4259 = arith.index_cast %swap3A_4257 : i32 to index
    %swap3A_4260 = arith.index_cast %swap3A_4258 : i32 to index
    %swap3A_4261 = arith.constant 48 : index
    %swap3A_4262 = tpu.vector_load %arg5[%swap3A_4259, %swap3A_4260, %swap3A_4261] {strides = array<i32>} : memref<2x128x128xf32, #tpu.memory_space<vmem>>, vector<1x1x16xf32>,
    %swap3A_4263 = vector.shape_cast %swap3A_4262 : vector<1x1x16xf32> to vector<16xf32>
    %swap3A_4264 = vector.shape_cast %add3A_4256 : vector<16xf32> to vector<1x1x16xf32>
    tpu.vector_store %arg5[%swap3A_4259, %swap3A_4260, %swap3A_4261], %swap3A_4264 {strides = array<i32>} : memref<2x128x128xf32, #tpu.memory_space<vmem>>, vector<1x1x16xf32>,
    %get3A_4265 = arith.constant 1 : i32
    %get3A_4266 = arith.constant 63 : i32
    %get3A_4267 = arith.index_cast %get3A_4265 : i32 to index
    %get3A_4268 = arith.index_cast %get3A_4266 : i32 to index
    %get3A_4269 = arith.constant 48 : index
    %get3A_4270 = tpu.vector_load %arg5[%get3A_4267, %get3A_4268, %get3A_4269] {strides = array<i32>} : memref<2x128x128xf32, #tpu.memory_space<vmem>>, vector<1x1x16xf32>,
    %get3A_4271 = vector.shape_cast %get3A_4270 : vector<1x1x16xf32> to vector<16xf32>
    %eq3A_4272 = arith.constant 15 : i32
    %eq3A_4273 = vector.broadcast %eq3A_4272 : i32 to vector<16xi32>
    %eq3A_4274 = arith.cmpi eq, %iota3A, %eq3A_4273 : vector<16xi32>
    %jit3A_4275 = arith.constant 0.000000e+00 : f32
    %broadcast_in_dim3A_4276 = vector.broadcast %jit3A_4275 : f32 to vector<16xf32>
    %select_n3A_4277 = arith.select %eq3A_4274, %get3A_2, %broadcast_in_dim3A_4276 : vector<16xi1>, vector<16xf32>
    %add3A_4278 = arith.addf %get3A_4271, %select_n3A_4277 : vector<16xf32>
    %swap3A_4279 = arith.constant 1 : i32
    %swap3A_4280 = arith.constant 63 : i32
    %swap3A_4281 = arith.index_cast %swap3A_4279 : i32 to index
    %swap3A_4282 = arith.index_cast %swap3A_4280 : i32 to index
    %swap3A_4283 = arith.constant 48 : index
    %swap3A_4284 = tpu.vector_load %arg5[%swap3A_4281, %swap3A_4282, %swap3A_4283] {strides = array<i32>} : memref<2x128x128xf32, #tpu.memory_space<vmem>>, vector<1x1x16xf32>,
    %swap3A_4285 = vector.shape_cast %swap3A_4284 : vector<1x1x16xf32> to vector<16xf32>
    %swap3A_4286 = vector.shape_cast %add3A_4278 : vector<16xf32> to vector<1x1x16xf32>
    tpu.vector_store %arg5[%swap3A_4281, %swap3A_4282, %swap3A_4283], %swap3A_4286 {strides = array<i32>} : memref<2x128x128xf32, #tpu.memory_space<vmem>>, vector<1x1x16xf32>,
    %get3A_4287 = arith.constant 1 : i32
    %get3A_4288 = arith.constant 64 : i32
    %get3A_4289 = arith.index_cast %get3A_4287 : i32 to index
    %get3A_4290 = arith.index_cast %get3A_4288 : i32 to index
    %get3A_4291 = arith.constant 64 : index
    %get3A_4292 = tpu.vector_load %arg5[%get3A_4289, %get3A_4290, %get3A_4291] {strides = array<i32>} : memref<2x128x128xf32, #tpu.memory_space<vmem>>, vector<1x1x16xf32>,
    %get3A_4293 = vector.shape_cast %get3A_4292 : vector<1x1x16xf32> to vector<16xf32>
    %eq3A_4294 = arith.constant 0 : i32
    %eq3A_4295 = vector.broadcast %eq3A_4294 : i32 to vector<16xi32>
    %eq3A_4296 = arith.cmpi eq, %iota3A, %eq3A_4295 : vector<16xi32>
    %jit3A_4297 = arith.constant 0.000000e+00 : f32
    %broadcast_in_dim3A_4298 = vector.broadcast %jit3A_4297 : f32 to vector<16xf32>
    %select_n3A_4299 = arith.select %eq3A_4296, %get3A_2, %broadcast_in_dim3A_4298 : vector<16xi1>, vector<16xf32>
    %add3A_4300 = arith.addf %get3A_4293, %select_n3A_4299 : vector<16xf32>
    %swap3A_4301 = arith.constant 1 : i32
    %swap3A_4302 = arith.constant 64 : i32
    %swap3A_4303 = arith.index_cast %swap3A_4301 : i32 to index
    %swap3A_4304 = arith.index_cast %swap3A_4302 : i32 to index
    %swap3A_4305 = arith.constant 64 : index
    %swap3A_4306 = tpu.vector_load %arg5[%swap3A_4303, %swap3A_4304, %swap3A_4305] {strides = array<i32>} : memref<2x128x128xf32, #tpu.memory_space<vmem>>, vector<1x1x16xf32>,
    %swap3A_4307 = vector.shape_cast %swap3A_4306 : vector<1x1x16xf32> to vector<16xf32>
    %swap3A_4308 = vector.shape_cast %add3A_4300 : vector<16xf32> to vector<1x1x16xf32>
    tpu.vector_store %arg5[%swap3A_4303, %swap3A_4304, %swap3A_4305], %swap3A_4308 {strides = array<i32>} : memref<2x128x128xf32, #tpu.memory_space<vmem>>, vector<1x1x16xf32>,
    %get3A_4309 = arith.constant 1 : i32
    %get3A_4310 = arith.constant 65 : i32
    %get3A_4311 = arith.index_cast %get3A_4309 : i32 to index
    %get3A_4312 = arith.index_cast %get3A_4310 : i32 to index
    %get3A_4313 = arith.constant 64 : index
    %get3A_4314 = tpu.vector_load %arg5[%get3A_4311, %get3A_4312, %get3A_4313] {strides = array<i32>} : memref<2x128x128xf32, #tpu.memory_space<vmem>>, vector<1x1x16xf32>,
    %get3A_4315 = vector.shape_cast %get3A_4314 : vector<1x1x16xf32> to vector<16xf32>
    %eq3A_4316 = arith.constant 1 : i32
    %eq3A_4317 = vector.broadcast %eq3A_4316 : i32 to vector<16xi32>
    %eq3A_4318 = arith.cmpi eq, %iota3A, %eq3A_4317 : vector<16xi32>
    %jit3A_4319 = arith.constant 0.000000e+00 : f32
    %broadcast_in_dim3A_4320 = vector.broadcast %jit3A_4319 : f32 to vector<16xf32>
    %select_n3A_4321 = arith.select %eq3A_4318, %get3A_2, %broadcast_in_dim3A_4320 : vector<16xi1>, vector<16xf32>
    %add3A_4322 = arith.addf %get3A_4315, %select_n3A_4321 : vector<16xf32>
    %swap3A_4323 = arith.constant 1 : i32
    %swap3A_4324 = arith.constant 65 : i32
    %swap3A_4325 = arith.index_cast %swap3A_4323 : i32 to index
    %swap3A_4326 = arith.index_cast %swap3A_4324 : i32 to index
    %swap3A_4327 = arith.constant 64 : index
    %swap3A_4328 = tpu.vector_load %arg5[%swap3A_4325, %swap3A_4326, %swap3A_4327] {strides = array<i32>} : memref<2x128x128xf32, #tpu.memory_space<vmem>>, vector<1x1x16xf32>,
    %swap3A_4329 = vector.shape_cast %swap3A_4328 : vector<1x1x16xf32> to vector<16xf32>
    %swap3A_4330 = vector.shape_cast %add3A_4322 : vector<16xf32> to vector<1x1x16xf32>
    tpu.vector_store %arg5[%swap3A_4325, %swap3A_4326, %swap3A_4327], %swap3A_4330 {strides = array<i32>} : memref<2x128x128xf32, #tpu.memory_space<vmem>>, vector<1x1x16xf32>,
    %get3A_4331 = arith.constant 1 : i32
    %get3A_4332 = arith.constant 66 : i32
    %get3A_4333 = arith.index_cast %get3A_4331 : i32 to index
    %get3A_4334 = arith.index_cast %get3A_4332 : i32 to index
    %get3A_4335 = arith.constant 64 : index
    %get3A_4336 = tpu.vector_load %arg5[%get3A_4333, %get3A_4334, %get3A_4335] {strides = array<i32>} : memref<2x128x128xf32, #tpu.memory_space<vmem>>, vector<1x1x16xf32>,
    %get3A_4337 = vector.shape_cast %get3A_4336 : vector<1x1x16xf32> to vector<16xf32>
    %eq3A_4338 = arith.constant 2 : i32
    %eq3A_4339 = vector.broadcast %eq3A_4338 : i32 to vector<16xi32>
    %eq3A_4340 = arith.cmpi eq, %iota3A, %eq3A_4339 : vector<16xi32>
    %jit3A_4341 = arith.constant 0.000000e+00 : f32
    %broadcast_in_dim3A_4342 = vector.broadcast %jit3A_4341 : f32 to vector<16xf32>
    %select_n3A_4343 = arith.select %eq3A_4340, %get3A_2, %broadcast_in_dim3A_4342 : vector<16xi1>, vector<16xf32>
    %add3A_4344 = arith.addf %get3A_4337, %select_n3A_4343 : vector<16xf32>
    %swap3A_4345 = arith.constant 1 : i32
    %swap3A_4346 = arith.constant 66 : i32
    %swap3A_4347 = arith.index_cast %swap3A_4345 : i32 to index
    %swap3A_4348 = arith.index_cast %swap3A_4346 : i32 to index
    %swap3A_4349 = arith.constant 64 : index
    %swap3A_4350 = tpu.vector_load %arg5[%swap3A_4347, %swap3A_4348, %swap3A_4349] {strides = array<i32>} : memref<2x128x128xf32, #tpu.memory_space<vmem>>, vector<1x1x16xf32>,
    %swap3A_4351 = vector.shape_cast %swap3A_4350 : vector<1x1x16xf32> to vector<16xf32>
    %swap3A_4352 = vector.shape_cast %add3A_4344 : vector<16xf32> to vector<1x1x16xf32>
    tpu.vector_store %arg5[%swap3A_4347, %swap3A_4348, %swap3A_4349], %swap3A_4352 {strides = array<i32>} : memref<2x128x128xf32, #tpu.memory_space<vmem>>, vector<1x1x16xf32>,
    %get3A_4353 = arith.constant 1 : i32
    %get3A_4354 = arith.constant 67 : i32
    %get3A_4355 = arith.index_cast %get3A_4353 : i32 to index
    %get3A_4356 = arith.index_cast %get3A_4354 : i32 to index
    %get3A_4357 = arith.constant 64 : index
    %get3A_4358 = tpu.vector_load %arg5[%get3A_4355, %get3A_4356, %get3A_4357] {strides = array<i32>} : memref<2x128x128xf32, #tpu.memory_space<vmem>>, vector<1x1x16xf32>,
    %get3A_4359 = vector.shape_cast %get3A_4358 : vector<1x1x16xf32> to vector<16xf32>
    %eq3A_4360 = arith.constant 3 : i32
    %eq3A_4361 = vector.broadcast %eq3A_4360 : i32 to vector<16xi32>
    %eq3A_4362 = arith.cmpi eq, %iota3A, %eq3A_4361 : vector<16xi32>
    %jit3A_4363 = arith.constant 0.000000e+00 : f32
    %broadcast_in_dim3A_4364 = vector.broadcast %jit3A_4363 : f32 to vector<16xf32>
    %select_n3A_4365 = arith.select %eq3A_4362, %get3A_2, %broadcast_in_dim3A_4364 : vector<16xi1>, vector<16xf32>
    %add3A_4366 = arith.addf %get3A_4359, %select_n3A_4365 : vector<16xf32>
    %swap3A_4367 = arith.constant 1 : i32
    %swap3A_4368 = arith.constant 67 : i32
    %swap3A_4369 = arith.index_cast %swap3A_4367 : i32 to index
    %swap3A_4370 = arith.index_cast %swap3A_4368 : i32 to index
    %swap3A_4371 = arith.constant 64 : index
    %swap3A_4372 = tpu.vector_load %arg5[%swap3A_4369, %swap3A_4370, %swap3A_4371] {strides = array<i32>} : memref<2x128x128xf32, #tpu.memory_space<vmem>>, vector<1x1x16xf32>,
    %swap3A_4373 = vector.shape_cast %swap3A_4372 : vector<1x1x16xf32> to vector<16xf32>
    %swap3A_4374 = vector.shape_cast %add3A_4366 : vector<16xf32> to vector<1x1x16xf32>
    tpu.vector_store %arg5[%swap3A_4369, %swap3A_4370, %swap3A_4371], %swap3A_4374 {strides = array<i32>} : memref<2x128x128xf32, #tpu.memory_space<vmem>>, vector<1x1x16xf32>,
    %get3A_4375 = arith.constant 1 : i32
    %get3A_4376 = arith.constant 68 : i32
    %get3A_4377 = arith.index_cast %get3A_4375 : i32 to index
    %get3A_4378 = arith.index_cast %get3A_4376 : i32 to index
    %get3A_4379 = arith.constant 64 : index
    %get3A_4380 = tpu.vector_load %arg5[%get3A_4377, %get3A_4378, %get3A_4379] {strides = array<i32>} : memref<2x128x128xf32, #tpu.memory_space<vmem>>, vector<1x1x16xf32>,
    %get3A_4381 = vector.shape_cast %get3A_4380 : vector<1x1x16xf32> to vector<16xf32>
    %eq3A_4382 = arith.constant 4 : i32
    %eq3A_4383 = vector.broadcast %eq3A_4382 : i32 to vector<16xi32>
    %eq3A_4384 = arith.cmpi eq, %iota3A, %eq3A_4383 : vector<16xi32>
    %jit3A_4385 = arith.constant 0.000000e+00 : f32
    %broadcast_in_dim3A_4386 = vector.broadcast %jit3A_4385 : f32 to vector<16xf32>
    %select_n3A_4387 = arith.select %eq3A_4384, %get3A_2, %broadcast_in_dim3A_4386 : vector<16xi1>, vector<16xf32>
    %add3A_4388 = arith.addf %get3A_4381, %select_n3A_4387 : vector<16xf32>
    %swap3A_4389 = arith.constant 1 : i32
    %swap3A_4390 = arith.constant 68 : i32
    %swap3A_4391 = arith.index_cast %swap3A_4389 : i32 to index
    %swap3A_4392 = arith.index_cast %swap3A_4390 : i32 to index
    %swap3A_4393 = arith.constant 64 : index
    %swap3A_4394 = tpu.vector_load %arg5[%swap3A_4391, %swap3A_4392, %swap3A_4393] {strides = array<i32>} : memref<2x128x128xf32, #tpu.memory_space<vmem>>, vector<1x1x16xf32>,
    %swap3A_4395 = vector.shape_cast %swap3A_4394 : vector<1x1x16xf32> to vector<16xf32>
    %swap3A_4396 = vector.shape_cast %add3A_4388 : vector<16xf32> to vector<1x1x16xf32>
    tpu.vector_store %arg5[%swap3A_4391, %swap3A_4392, %swap3A_4393], %swap3A_4396 {strides = array<i32>} : memref<2x128x128xf32, #tpu.memory_space<vmem>>, vector<1x1x16xf32>,
    %get3A_4397 = arith.constant 1 : i32
    %get3A_4398 = arith.constant 69 : i32
    %get3A_4399 = arith.index_cast %get3A_4397 : i32 to index
    %get3A_4400 = arith.index_cast %get3A_4398 : i32 to index
    %get3A_4401 = arith.constant 64 : index
    %get3A_4402 = tpu.vector_load %arg5[%get3A_4399, %get3A_4400, %get3A_4401] {strides = array<i32>} : memref<2x128x128xf32, #tpu.memory_space<vmem>>, vector<1x1x16xf32>,
    %get3A_4403 = vector.shape_cast %get3A_4402 : vector<1x1x16xf32> to vector<16xf32>
    %eq3A_4404 = arith.constant 5 : i32
    %eq3A_4405 = vector.broadcast %eq3A_4404 : i32 to vector<16xi32>
    %eq3A_4406 = arith.cmpi eq, %iota3A, %eq3A_4405 : vector<16xi32>
    %jit3A_4407 = arith.constant 0.000000e+00 : f32
    %broadcast_in_dim3A_4408 = vector.broadcast %jit3A_4407 : f32 to vector<16xf32>
    %select_n3A_4409 = arith.select %eq3A_4406, %get3A_2, %broadcast_in_dim3A_4408 : vector<16xi1>, vector<16xf32>
    %add3A_4410 = arith.addf %get3A_4403, %select_n3A_4409 : vector<16xf32>
    %swap3A_4411 = arith.constant 1 : i32
    %swap3A_4412 = arith.constant 69 : i32
    %swap3A_4413 = arith.index_cast %swap3A_4411 : i32 to index
    %swap3A_4414 = arith.index_cast %swap3A_4412 : i32 to index
    %swap3A_4415 = arith.constant 64 : index
    %swap3A_4416 = tpu.vector_load %arg5[%swap3A_4413, %swap3A_4414, %swap3A_4415] {strides = array<i32>} : memref<2x128x128xf32, #tpu.memory_space<vmem>>, vector<1x1x16xf32>,
    %swap3A_4417 = vector.shape_cast %swap3A_4416 : vector<1x1x16xf32> to vector<16xf32>
    %swap3A_4418 = vector.shape_cast %add3A_4410 : vector<16xf32> to vector<1x1x16xf32>
    tpu.vector_store %arg5[%swap3A_4413, %swap3A_4414, %swap3A_4415], %swap3A_4418 {strides = array<i32>} : memref<2x128x128xf32, #tpu.memory_space<vmem>>, vector<1x1x16xf32>,
    %get3A_4419 = arith.constant 1 : i32
    %get3A_4420 = arith.constant 70 : i32
    %get3A_4421 = arith.index_cast %get3A_4419 : i32 to index
    %get3A_4422 = arith.index_cast %get3A_4420 : i32 to index
    %get3A_4423 = arith.constant 64 : index
    %get3A_4424 = tpu.vector_load %arg5[%get3A_4421, %get3A_4422, %get3A_4423] {strides = array<i32>} : memref<2x128x128xf32, #tpu.memory_space<vmem>>, vector<1x1x16xf32>,
    %get3A_4425 = vector.shape_cast %get3A_4424 : vector<1x1x16xf32> to vector<16xf32>
    %eq3A_4426 = arith.constant 6 : i32
    %eq3A_4427 = vector.broadcast %eq3A_4426 : i32 to vector<16xi32>
    %eq3A_4428 = arith.cmpi eq, %iota3A, %eq3A_4427 : vector<16xi32>
    %jit3A_4429 = arith.constant 0.000000e+00 : f32
    %broadcast_in_dim3A_4430 = vector.broadcast %jit3A_4429 : f32 to vector<16xf32>
    %select_n3A_4431 = arith.select %eq3A_4428, %get3A_2, %broadcast_in_dim3A_4430 : vector<16xi1>, vector<16xf32>
    %add3A_4432 = arith.addf %get3A_4425, %select_n3A_4431 : vector<16xf32>
    %swap3A_4433 = arith.constant 1 : i32
    %swap3A_4434 = arith.constant 70 : i32
    %swap3A_4435 = arith.index_cast %swap3A_4433 : i32 to index
    %swap3A_4436 = arith.index_cast %swap3A_4434 : i32 to index
    %swap3A_4437 = arith.constant 64 : index
    %swap3A_4438 = tpu.vector_load %arg5[%swap3A_4435, %swap3A_4436, %swap3A_4437] {strides = array<i32>} : memref<2x128x128xf32, #tpu.memory_space<vmem>>, vector<1x1x16xf32>,
    %swap3A_4439 = vector.shape_cast %swap3A_4438 : vector<1x1x16xf32> to vector<16xf32>
    %swap3A_4440 = vector.shape_cast %add3A_4432 : vector<16xf32> to vector<1x1x16xf32>
    tpu.vector_store %arg5[%swap3A_4435, %swap3A_4436, %swap3A_4437], %swap3A_4440 {strides = array<i32>} : memref<2x128x128xf32, #tpu.memory_space<vmem>>, vector<1x1x16xf32>,
    %get3A_4441 = arith.constant 1 : i32
    %get3A_4442 = arith.constant 71 : i32
    %get3A_4443 = arith.index_cast %get3A_4441 : i32 to index
    %get3A_4444 = arith.index_cast %get3A_4442 : i32 to index
    %get3A_4445 = arith.constant 64 : index
    %get3A_4446 = tpu.vector_load %arg5[%get3A_4443, %get3A_4444, %get3A_4445] {strides = array<i32>} : memref<2x128x128xf32, #tpu.memory_space<vmem>>, vector<1x1x16xf32>,
    %get3A_4447 = vector.shape_cast %get3A_4446 : vector<1x1x16xf32> to vector<16xf32>
    %eq3A_4448 = arith.constant 7 : i32
    %eq3A_4449 = vector.broadcast %eq3A_4448 : i32 to vector<16xi32>
    %eq3A_4450 = arith.cmpi eq, %iota3A, %eq3A_4449 : vector<16xi32>
    %jit3A_4451 = arith.constant 0.000000e+00 : f32
    %broadcast_in_dim3A_4452 = vector.broadcast %jit3A_4451 : f32 to vector<16xf32>
    %select_n3A_4453 = arith.select %eq3A_4450, %get3A_2, %broadcast_in_dim3A_4452 : vector<16xi1>, vector<16xf32>
    %add3A_4454 = arith.addf %get3A_4447, %select_n3A_4453 : vector<16xf32>
    %swap3A_4455 = arith.constant 1 : i32
    %swap3A_4456 = arith.constant 71 : i32
    %swap3A_4457 = arith.index_cast %swap3A_4455 : i32 to index
    %swap3A_4458 = arith.index_cast %swap3A_4456 : i32 to index
    %swap3A_4459 = arith.constant 64 : index
    %swap3A_4460 = tpu.vector_load %arg5[%swap3A_4457, %swap3A_4458, %swap3A_4459] {strides = array<i32>} : memref<2x128x128xf32, #tpu.memory_space<vmem>>, vector<1x1x16xf32>,
    %swap3A_4461 = vector.shape_cast %swap3A_4460 : vector<1x1x16xf32> to vector<16xf32>
    %swap3A_4462 = vector.shape_cast %add3A_4454 : vector<16xf32> to vector<1x1x16xf32>
    tpu.vector_store %arg5[%swap3A_4457, %swap3A_4458, %swap3A_4459], %swap3A_4462 {strides = array<i32>} : memref<2x128x128xf32, #tpu.memory_space<vmem>>, vector<1x1x16xf32>,
    %get3A_4463 = arith.constant 1 : i32
    %get3A_4464 = arith.constant 72 : i32
    %get3A_4465 = arith.index_cast %get3A_4463 : i32 to index
    %get3A_4466 = arith.index_cast %get3A_4464 : i32 to index
    %get3A_4467 = arith.constant 64 : index
    %get3A_4468 = tpu.vector_load %arg5[%get3A_4465, %get3A_4466, %get3A_4467] {strides = array<i32>} : memref<2x128x128xf32, #tpu.memory_space<vmem>>, vector<1x1x16xf32>,
    %get3A_4469 = vector.shape_cast %get3A_4468 : vector<1x1x16xf32> to vector<16xf32>
    %eq3A_4470 = arith.constant 8 : i32
    %eq3A_4471 = vector.broadcast %eq3A_4470 : i32 to vector<16xi32>
    %eq3A_4472 = arith.cmpi eq, %iota3A, %eq3A_4471 : vector<16xi32>
    %jit3A_4473 = arith.constant 0.000000e+00 : f32
    %broadcast_in_dim3A_4474 = vector.broadcast %jit3A_4473 : f32 to vector<16xf32>
    %select_n3A_4475 = arith.select %eq3A_4472, %get3A_2, %broadcast_in_dim3A_4474 : vector<16xi1>, vector<16xf32>
    %add3A_4476 = arith.addf %get3A_4469, %select_n3A_4475 : vector<16xf32>
    %swap3A_4477 = arith.constant 1 : i32
    %swap3A_4478 = arith.constant 72 : i32
    %swap3A_4479 = arith.index_cast %swap3A_4477 : i32 to index
    %swap3A_4480 = arith.index_cast %swap3A_4478 : i32 to index
    %swap3A_4481 = arith.constant 64 : index
    %swap3A_4482 = tpu.vector_load %arg5[%swap3A_4479, %swap3A_4480, %swap3A_4481] {strides = array<i32>} : memref<2x128x128xf32, #tpu.memory_space<vmem>>, vector<1x1x16xf32>,
    %swap3A_4483 = vector.shape_cast %swap3A_4482 : vector<1x1x16xf32> to vector<16xf32>
    %swap3A_4484 = vector.shape_cast %add3A_4476 : vector<16xf32> to vector<1x1x16xf32>
    tpu.vector_store %arg5[%swap3A_4479, %swap3A_4480, %swap3A_4481], %swap3A_4484 {strides = array<i32>} : memref<2x128x128xf32, #tpu.memory_space<vmem>>, vector<1x1x16xf32>,
    %get3A_4485 = arith.constant 1 : i32
    %get3A_4486 = arith.constant 73 : i32
    %get3A_4487 = arith.index_cast %get3A_4485 : i32 to index
    %get3A_4488 = arith.index_cast %get3A_4486 : i32 to index
    %get3A_4489 = arith.constant 64 : index
    %get3A_4490 = tpu.vector_load %arg5[%get3A_4487, %get3A_4488, %get3A_4489] {strides = array<i32>} : memref<2x128x128xf32, #tpu.memory_space<vmem>>, vector<1x1x16xf32>,
    %get3A_4491 = vector.shape_cast %get3A_4490 : vector<1x1x16xf32> to vector<16xf32>
    %eq3A_4492 = arith.constant 9 : i32
    %eq3A_4493 = vector.broadcast %eq3A_4492 : i32 to vector<16xi32>
    %eq3A_4494 = arith.cmpi eq, %iota3A, %eq3A_4493 : vector<16xi32>
    %jit3A_4495 = arith.constant 0.000000e+00 : f32
    %broadcast_in_dim3A_4496 = vector.broadcast %jit3A_4495 : f32 to vector<16xf32>
    %select_n3A_4497 = arith.select %eq3A_4494, %get3A_2, %broadcast_in_dim3A_4496 : vector<16xi1>, vector<16xf32>
    %add3A_4498 = arith.addf %get3A_4491, %select_n3A_4497 : vector<16xf32>
    %swap3A_4499 = arith.constant 1 : i32
    %swap3A_4500 = arith.constant 73 : i32
    %swap3A_4501 = arith.index_cast %swap3A_4499 : i32 to index
    %swap3A_4502 = arith.index_cast %swap3A_4500 : i32 to index
    %swap3A_4503 = arith.constant 64 : index
    %swap3A_4504 = tpu.vector_load %arg5[%swap3A_4501, %swap3A_4502, %swap3A_4503] {strides = array<i32>} : memref<2x128x128xf32, #tpu.memory_space<vmem>>, vector<1x1x16xf32>,
    %swap3A_4505 = vector.shape_cast %swap3A_4504 : vector<1x1x16xf32> to vector<16xf32>
    %swap3A_4506 = vector.shape_cast %add3A_4498 : vector<16xf32> to vector<1x1x16xf32>
    tpu.vector_store %arg5[%swap3A_4501, %swap3A_4502, %swap3A_4503], %swap3A_4506 {strides = array<i32>} : memref<2x128x128xf32, #tpu.memory_space<vmem>>, vector<1x1x16xf32>,
    %get3A_4507 = arith.constant 1 : i32
    %get3A_4508 = arith.constant 74 : i32
    %get3A_4509 = arith.index_cast %get3A_4507 : i32 to index
    %get3A_4510 = arith.index_cast %get3A_4508 : i32 to index
    %get3A_4511 = arith.constant 64 : index
    %get3A_4512 = tpu.vector_load %arg5[%get3A_4509, %get3A_4510, %get3A_4511] {strides = array<i32>} : memref<2x128x128xf32, #tpu.memory_space<vmem>>, vector<1x1x16xf32>,
    %get3A_4513 = vector.shape_cast %get3A_4512 : vector<1x1x16xf32> to vector<16xf32>
    %eq3A_4514 = arith.constant 10 : i32
    %eq3A_4515 = vector.broadcast %eq3A_4514 : i32 to vector<16xi32>
    %eq3A_4516 = arith.cmpi eq, %iota3A, %eq3A_4515 : vector<16xi32>
    %jit3A_4517 = arith.constant 0.000000e+00 : f32
    %broadcast_in_dim3A_4518 = vector.broadcast %jit3A_4517 : f32 to vector<16xf32>
    %select_n3A_4519 = arith.select %eq3A_4516, %get3A_2, %broadcast_in_dim3A_4518 : vector<16xi1>, vector<16xf32>
    %add3A_4520 = arith.addf %get3A_4513, %select_n3A_4519 : vector<16xf32>
    %swap3A_4521 = arith.constant 1 : i32
    %swap3A_4522 = arith.constant 74 : i32
    %swap3A_4523 = arith.index_cast %swap3A_4521 : i32 to index
    %swap3A_4524 = arith.index_cast %swap3A_4522 : i32 to index
    %swap3A_4525 = arith.constant 64 : index
    %swap3A_4526 = tpu.vector_load %arg5[%swap3A_4523, %swap3A_4524, %swap3A_4525] {strides = array<i32>} : memref<2x128x128xf32, #tpu.memory_space<vmem>>, vector<1x1x16xf32>,
    %swap3A_4527 = vector.shape_cast %swap3A_4526 : vector<1x1x16xf32> to vector<16xf32>
    %swap3A_4528 = vector.shape_cast %add3A_4520 : vector<16xf32> to vector<1x1x16xf32>
    tpu.vector_store %arg5[%swap3A_4523, %swap3A_4524, %swap3A_4525], %swap3A_4528 {strides = array<i32>} : memref<2x128x128xf32, #tpu.memory_space<vmem>>, vector<1x1x16xf32>,
    %get3A_4529 = arith.constant 1 : i32
    %get3A_4530 = arith.constant 75 : i32
    %get3A_4531 = arith.index_cast %get3A_4529 : i32 to index
    %get3A_4532 = arith.index_cast %get3A_4530 : i32 to index
    %get3A_4533 = arith.constant 64 : index
    %get3A_4534 = tpu.vector_load %arg5[%get3A_4531, %get3A_4532, %get3A_4533] {strides = array<i32>} : memref<2x128x128xf32, #tpu.memory_space<vmem>>, vector<1x1x16xf32>,
    %get3A_4535 = vector.shape_cast %get3A_4534 : vector<1x1x16xf32> to vector<16xf32>
    %eq3A_4536 = arith.constant 11 : i32
    %eq3A_4537 = vector.broadcast %eq3A_4536 : i32 to vector<16xi32>
    %eq3A_4538 = arith.cmpi eq, %iota3A, %eq3A_4537 : vector<16xi32>
    %jit3A_4539 = arith.constant 0.000000e+00 : f32
    %broadcast_in_dim3A_4540 = vector.broadcast %jit3A_4539 : f32 to vector<16xf32>
    %select_n3A_4541 = arith.select %eq3A_4538, %get3A_2, %broadcast_in_dim3A_4540 : vector<16xi1>, vector<16xf32>
    %add3A_4542 = arith.addf %get3A_4535, %select_n3A_4541 : vector<16xf32>
    %swap3A_4543 = arith.constant 1 : i32
    %swap3A_4544 = arith.constant 75 : i32
    %swap3A_4545 = arith.index_cast %swap3A_4543 : i32 to index
    %swap3A_4546 = arith.index_cast %swap3A_4544 : i32 to index
    %swap3A_4547 = arith.constant 64 : index
    %swap3A_4548 = tpu.vector_load %arg5[%swap3A_4545, %swap3A_4546, %swap3A_4547] {strides = array<i32>} : memref<2x128x128xf32, #tpu.memory_space<vmem>>, vector<1x1x16xf32>,
    %swap3A_4549 = vector.shape_cast %swap3A_4548 : vector<1x1x16xf32> to vector<16xf32>
    %swap3A_4550 = vector.shape_cast %add3A_4542 : vector<16xf32> to vector<1x1x16xf32>
    tpu.vector_store %arg5[%swap3A_4545, %swap3A_4546, %swap3A_4547], %swap3A_4550 {strides = array<i32>} : memref<2x128x128xf32, #tpu.memory_space<vmem>>, vector<1x1x16xf32>,
    %get3A_4551 = arith.constant 1 : i32
    %get3A_4552 = arith.constant 76 : i32
    %get3A_4553 = arith.index_cast %get3A_4551 : i32 to index
    %get3A_4554 = arith.index_cast %get3A_4552 : i32 to index
    %get3A_4555 = arith.constant 64 : index
    %get3A_4556 = tpu.vector_load %arg5[%get3A_4553, %get3A_4554, %get3A_4555] {strides = array<i32>} : memref<2x128x128xf32, #tpu.memory_space<vmem>>, vector<1x1x16xf32>,
    %get3A_4557 = vector.shape_cast %get3A_4556 : vector<1x1x16xf32> to vector<16xf32>
    %eq3A_4558 = arith.constant 12 : i32
    %eq3A_4559 = vector.broadcast %eq3A_4558 : i32 to vector<16xi32>
    %eq3A_4560 = arith.cmpi eq, %iota3A, %eq3A_4559 : vector<16xi32>
    %jit3A_4561 = arith.constant 0.000000e+00 : f32
    %broadcast_in_dim3A_4562 = vector.broadcast %jit3A_4561 : f32 to vector<16xf32>
    %select_n3A_4563 = arith.select %eq3A_4560, %get3A_2, %broadcast_in_dim3A_4562 : vector<16xi1>, vector<16xf32>
    %add3A_4564 = arith.addf %get3A_4557, %select_n3A_4563 : vector<16xf32>
    %swap3A_4565 = arith.constant 1 : i32
    %swap3A_4566 = arith.constant 76 : i32
    %swap3A_4567 = arith.index_cast %swap3A_4565 : i32 to index
    %swap3A_4568 = arith.index_cast %swap3A_4566 : i32 to index
    %swap3A_4569 = arith.constant 64 : index
    %swap3A_4570 = tpu.vector_load %arg5[%swap3A_4567, %swap3A_4568, %swap3A_4569] {strides = array<i32>} : memref<2x128x128xf32, #tpu.memory_space<vmem>>, vector<1x1x16xf32>,
    %swap3A_4571 = vector.shape_cast %swap3A_4570 : vector<1x1x16xf32> to vector<16xf32>
    %swap3A_4572 = vector.shape_cast %add3A_4564 : vector<16xf32> to vector<1x1x16xf32>
    tpu.vector_store %arg5[%swap3A_4567, %swap3A_4568, %swap3A_4569], %swap3A_4572 {strides = array<i32>} : memref<2x128x128xf32, #tpu.memory_space<vmem>>, vector<1x1x16xf32>,
    %get3A_4573 = arith.constant 1 : i32
    %get3A_4574 = arith.constant 77 : i32
    %get3A_4575 = arith.index_cast %get3A_4573 : i32 to index
    %get3A_4576 = arith.index_cast %get3A_4574 : i32 to index
    %get3A_4577 = arith.constant 64 : index
    %get3A_4578 = tpu.vector_load %arg5[%get3A_4575, %get3A_4576, %get3A_4577] {strides = array<i32>} : memref<2x128x128xf32, #tpu.memory_space<vmem>>, vector<1x1x16xf32>,
    %get3A_4579 = vector.shape_cast %get3A_4578 : vector<1x1x16xf32> to vector<16xf32>
    %eq3A_4580 = arith.constant 13 : i32
    %eq3A_4581 = vector.broadcast %eq3A_4580 : i32 to vector<16xi32>
    %eq3A_4582 = arith.cmpi eq, %iota3A, %eq3A_4581 : vector<16xi32>
    %jit3A_4583 = arith.constant 0.000000e+00 : f32
    %broadcast_in_dim3A_4584 = vector.broadcast %jit3A_4583 : f32 to vector<16xf32>
    %select_n3A_4585 = arith.select %eq3A_4582, %get3A_2, %broadcast_in_dim3A_4584 : vector<16xi1>, vector<16xf32>
    %add3A_4586 = arith.addf %get3A_4579, %select_n3A_4585 : vector<16xf32>
    %swap3A_4587 = arith.constant 1 : i32
    %swap3A_4588 = arith.constant 77 : i32
    %swap3A_4589 = arith.index_cast %swap3A_4587 : i32 to index
    %swap3A_4590 = arith.index_cast %swap3A_4588 : i32 to index
    %swap3A_4591 = arith.constant 64 : index
    %swap3A_4592 = tpu.vector_load %arg5[%swap3A_4589, %swap3A_4590, %swap3A_4591] {strides = array<i32>} : memref<2x128x128xf32, #tpu.memory_space<vmem>>, vector<1x1x16xf32>,
    %swap3A_4593 = vector.shape_cast %swap3A_4592 : vector<1x1x16xf32> to vector<16xf32>
    %swap3A_4594 = vector.shape_cast %add3A_4586 : vector<16xf32> to vector<1x1x16xf32>
    tpu.vector_store %arg5[%swap3A_4589, %swap3A_4590, %swap3A_4591], %swap3A_4594 {strides = array<i32>} : memref<2x128x128xf32, #tpu.memory_space<vmem>>, vector<1x1x16xf32>,
    %get3A_4595 = arith.constant 1 : i32
    %get3A_4596 = arith.constant 78 : i32
    %get3A_4597 = arith.index_cast %get3A_4595 : i32 to index
    %get3A_4598 = arith.index_cast %get3A_4596 : i32 to index
    %get3A_4599 = arith.constant 64 : index
    %get3A_4600 = tpu.vector_load %arg5[%get3A_4597, %get3A_4598, %get3A_4599] {strides = array<i32>} : memref<2x128x128xf32, #tpu.memory_space<vmem>>, vector<1x1x16xf32>,
    %get3A_4601 = vector.shape_cast %get3A_4600 : vector<1x1x16xf32> to vector<16xf32>
    %eq3A_4602 = arith.constant 14 : i32
    %eq3A_4603 = vector.broadcast %eq3A_4602 : i32 to vector<16xi32>
    %eq3A_4604 = arith.cmpi eq, %iota3A, %eq3A_4603 : vector<16xi32>
    %jit3A_4605 = arith.constant 0.000000e+00 : f32
    %broadcast_in_dim3A_4606 = vector.broadcast %jit3A_4605 : f32 to vector<16xf32>
    %select_n3A_4607 = arith.select %eq3A_4604, %get3A_2, %broadcast_in_dim3A_4606 : vector<16xi1>, vector<16xf32>
    %add3A_4608 = arith.addf %get3A_4601, %select_n3A_4607 : vector<16xf32>
    %swap3A_4609 = arith.constant 1 : i32
    %swap3A_4610 = arith.constant 78 : i32
    %swap3A_4611 = arith.index_cast %swap3A_4609 : i32 to index
    %swap3A_4612 = arith.index_cast %swap3A_4610 : i32 to index
    %swap3A_4613 = arith.constant 64 : index
    %swap3A_4614 = tpu.vector_load %arg5[%swap3A_4611, %swap3A_4612, %swap3A_4613] {strides = array<i32>} : memref<2x128x128xf32, #tpu.memory_space<vmem>>, vector<1x1x16xf32>,
    %swap3A_4615 = vector.shape_cast %swap3A_4614 : vector<1x1x16xf32> to vector<16xf32>
    %swap3A_4616 = vector.shape_cast %add3A_4608 : vector<16xf32> to vector<1x1x16xf32>
    tpu.vector_store %arg5[%swap3A_4611, %swap3A_4612, %swap3A_4613], %swap3A_4616 {strides = array<i32>} : memref<2x128x128xf32, #tpu.memory_space<vmem>>, vector<1x1x16xf32>,
    %get3A_4617 = arith.constant 1 : i32
    %get3A_4618 = arith.constant 79 : i32
    %get3A_4619 = arith.index_cast %get3A_4617 : i32 to index
    %get3A_4620 = arith.index_cast %get3A_4618 : i32 to index
    %get3A_4621 = arith.constant 64 : index
    %get3A_4622 = tpu.vector_load %arg5[%get3A_4619, %get3A_4620, %get3A_4621] {strides = array<i32>} : memref<2x128x128xf32, #tpu.memory_space<vmem>>, vector<1x1x16xf32>,
    %get3A_4623 = vector.shape_cast %get3A_4622 : vector<1x1x16xf32> to vector<16xf32>
    %eq3A_4624 = arith.constant 15 : i32
    %eq3A_4625 = vector.broadcast %eq3A_4624 : i32 to vector<16xi32>
    %eq3A_4626 = arith.cmpi eq, %iota3A, %eq3A_4625 : vector<16xi32>
    %jit3A_4627 = arith.constant 0.000000e+00 : f32
    %broadcast_in_dim3A_4628 = vector.broadcast %jit3A_4627 : f32 to vector<16xf32>
    %select_n3A_4629 = arith.select %eq3A_4626, %get3A_2, %broadcast_in_dim3A_4628 : vector<16xi1>, vector<16xf32>
    %add3A_4630 = arith.addf %get3A_4623, %select_n3A_4629 : vector<16xf32>
    %swap3A_4631 = arith.constant 1 : i32
    %swap3A_4632 = arith.constant 79 : i32
    %swap3A_4633 = arith.index_cast %swap3A_4631 : i32 to index
    %swap3A_4634 = arith.index_cast %swap3A_4632 : i32 to index
    %swap3A_4635 = arith.constant 64 : index
    %swap3A_4636 = tpu.vector_load %arg5[%swap3A_4633, %swap3A_4634, %swap3A_4635] {strides = array<i32>} : memref<2x128x128xf32, #tpu.memory_space<vmem>>, vector<1x1x16xf32>,
    %swap3A_4637 = vector.shape_cast %swap3A_4636 : vector<1x1x16xf32> to vector<16xf32>
    %swap3A_4638 = vector.shape_cast %add3A_4630 : vector<16xf32> to vector<1x1x16xf32>
    tpu.vector_store %arg5[%swap3A_4633, %swap3A_4634, %swap3A_4635], %swap3A_4638 {strides = array<i32>} : memref<2x128x128xf32, #tpu.memory_space<vmem>>, vector<1x1x16xf32>,
    %get3A_4639 = arith.constant 1 : i32
    %get3A_4640 = arith.constant 80 : i32
    %get3A_4641 = arith.index_cast %get3A_4639 : i32 to index
    %get3A_4642 = arith.index_cast %get3A_4640 : i32 to index
    %get3A_4643 = arith.constant 80 : index
    %get3A_4644 = tpu.vector_load %arg5[%get3A_4641, %get3A_4642, %get3A_4643] {strides = array<i32>} : memref<2x128x128xf32, #tpu.memory_space<vmem>>, vector<1x1x16xf32>,
    %get3A_4645 = vector.shape_cast %get3A_4644 : vector<1x1x16xf32> to vector<16xf32>
    %eq3A_4646 = arith.constant 0 : i32
    %eq3A_4647 = vector.broadcast %eq3A_4646 : i32 to vector<16xi32>
    %eq3A_4648 = arith.cmpi eq, %iota3A, %eq3A_4647 : vector<16xi32>
    %jit3A_4649 = arith.constant 0.000000e+00 : f32
    %broadcast_in_dim3A_4650 = vector.broadcast %jit3A_4649 : f32 to vector<16xf32>
    %select_n3A_4651 = arith.select %eq3A_4648, %get3A_2, %broadcast_in_dim3A_4650 : vector<16xi1>, vector<16xf32>
    %add3A_4652 = arith.addf %get3A_4645, %select_n3A_4651 : vector<16xf32>
    %swap3A_4653 = arith.constant 1 : i32
    %swap3A_4654 = arith.constant 80 : i32
    %swap3A_4655 = arith.index_cast %swap3A_4653 : i32 to index
    %swap3A_4656 = arith.index_cast %swap3A_4654 : i32 to index
    %swap3A_4657 = arith.constant 80 : index
    %swap3A_4658 = tpu.vector_load %arg5[%swap3A_4655, %swap3A_4656, %swap3A_4657] {strides = array<i32>} : memref<2x128x128xf32, #tpu.memory_space<vmem>>, vector<1x1x16xf32>,
    %swap3A_4659 = vector.shape_cast %swap3A_4658 : vector<1x1x16xf32> to vector<16xf32>
    %swap3A_4660 = vector.shape_cast %add3A_4652 : vector<16xf32> to vector<1x1x16xf32>
    tpu.vector_store %arg5[%swap3A_4655, %swap3A_4656, %swap3A_4657], %swap3A_4660 {strides = array<i32>} : memref<2x128x128xf32, #tpu.memory_space<vmem>>, vector<1x1x16xf32>,
    %get3A_4661 = arith.constant 1 : i32
    %get3A_4662 = arith.constant 81 : i32
    %get3A_4663 = arith.index_cast %get3A_4661 : i32 to index
    %get3A_4664 = arith.index_cast %get3A_4662 : i32 to index
    %get3A_4665 = arith.constant 80 : index
    %get3A_4666 = tpu.vector_load %arg5[%get3A_4663, %get3A_4664, %get3A_4665] {strides = array<i32>} : memref<2x128x128xf32, #tpu.memory_space<vmem>>, vector<1x1x16xf32>,
    %get3A_4667 = vector.shape_cast %get3A_4666 : vector<1x1x16xf32> to vector<16xf32>
    %eq3A_4668 = arith.constant 1 : i32
    %eq3A_4669 = vector.broadcast %eq3A_4668 : i32 to vector<16xi32>
    %eq3A_4670 = arith.cmpi eq, %iota3A, %eq3A_4669 : vector<16xi32>
    %jit3A_4671 = arith.constant 0.000000e+00 : f32
    %broadcast_in_dim3A_4672 = vector.broadcast %jit3A_4671 : f32 to vector<16xf32>
    %select_n3A_4673 = arith.select %eq3A_4670, %get3A_2, %broadcast_in_dim3A_4672 : vector<16xi1>, vector<16xf32>
    %add3A_4674 = arith.addf %get3A_4667, %select_n3A_4673 : vector<16xf32>
    %swap3A_4675 = arith.constant 1 : i32
    %swap3A_4676 = arith.constant 81 : i32
    %swap3A_4677 = arith.index_cast %swap3A_4675 : i32 to index
    %swap3A_4678 = arith.index_cast %swap3A_4676 : i32 to index
    %swap3A_4679 = arith.constant 80 : index
    %swap3A_4680 = tpu.vector_load %arg5[%swap3A_4677, %swap3A_4678, %swap3A_4679] {strides = array<i32>} : memref<2x128x128xf32, #tpu.memory_space<vmem>>, vector<1x1x16xf32>,
    %swap3A_4681 = vector.shape_cast %swap3A_4680 : vector<1x1x16xf32> to vector<16xf32>
    %swap3A_4682 = vector.shape_cast %add3A_4674 : vector<16xf32> to vector<1x1x16xf32>
    tpu.vector_store %arg5[%swap3A_4677, %swap3A_4678, %swap3A_4679], %swap3A_4682 {strides = array<i32>} : memref<2x128x128xf32, #tpu.memory_space<vmem>>, vector<1x1x16xf32>,
    %get3A_4683 = arith.constant 1 : i32
    %get3A_4684 = arith.constant 82 : i32
    %get3A_4685 = arith.index_cast %get3A_4683 : i32 to index
    %get3A_4686 = arith.index_cast %get3A_4684 : i32 to index
    %get3A_4687 = arith.constant 80 : index
    %get3A_4688 = tpu.vector_load %arg5[%get3A_4685, %get3A_4686, %get3A_4687] {strides = array<i32>} : memref<2x128x128xf32, #tpu.memory_space<vmem>>, vector<1x1x16xf32>,
    %get3A_4689 = vector.shape_cast %get3A_4688 : vector<1x1x16xf32> to vector<16xf32>
    %eq3A_4690 = arith.constant 2 : i32
    %eq3A_4691 = vector.broadcast %eq3A_4690 : i32 to vector<16xi32>
    %eq3A_4692 = arith.cmpi eq, %iota3A, %eq3A_4691 : vector<16xi32>
    %jit3A_4693 = arith.constant 0.000000e+00 : f32
    %broadcast_in_dim3A_4694 = vector.broadcast %jit3A_4693 : f32 to vector<16xf32>
    %select_n3A_4695 = arith.select %eq3A_4692, %get3A_2, %broadcast_in_dim3A_4694 : vector<16xi1>, vector<16xf32>
    %add3A_4696 = arith.addf %get3A_4689, %select_n3A_4695 : vector<16xf32>
    %swap3A_4697 = arith.constant 1 : i32
    %swap3A_4698 = arith.constant 82 : i32
    %swap3A_4699 = arith.index_cast %swap3A_4697 : i32 to index
    %swap3A_4700 = arith.index_cast %swap3A_4698 : i32 to index
    %swap3A_4701 = arith.constant 80 : index
    %swap3A_4702 = tpu.vector_load %arg5[%swap3A_4699, %swap3A_4700, %swap3A_4701] {strides = array<i32>} : memref<2x128x128xf32, #tpu.memory_space<vmem>>, vector<1x1x16xf32>,
    %swap3A_4703 = vector.shape_cast %swap3A_4702 : vector<1x1x16xf32> to vector<16xf32>
    %swap3A_4704 = vector.shape_cast %add3A_4696 : vector<16xf32> to vector<1x1x16xf32>
    tpu.vector_store %arg5[%swap3A_4699, %swap3A_4700, %swap3A_4701], %swap3A_4704 {strides = array<i32>} : memref<2x128x128xf32, #tpu.memory_space<vmem>>, vector<1x1x16xf32>,
    %get3A_4705 = arith.constant 1 : i32
    %get3A_4706 = arith.constant 83 : i32
    %get3A_4707 = arith.index_cast %get3A_4705 : i32 to index
    %get3A_4708 = arith.index_cast %get3A_4706 : i32 to index
    %get3A_4709 = arith.constant 80 : index
    %get3A_4710 = tpu.vector_load %arg5[%get3A_4707, %get3A_4708, %get3A_4709] {strides = array<i32>} : memref<2x128x128xf32, #tpu.memory_space<vmem>>, vector<1x1x16xf32>,
    %get3A_4711 = vector.shape_cast %get3A_4710 : vector<1x1x16xf32> to vector<16xf32>
    %eq3A_4712 = arith.constant 3 : i32
    %eq3A_4713 = vector.broadcast %eq3A_4712 : i32 to vector<16xi32>
    %eq3A_4714 = arith.cmpi eq, %iota3A, %eq3A_4713 : vector<16xi32>
    %jit3A_4715 = arith.constant 0.000000e+00 : f32
    %broadcast_in_dim3A_4716 = vector.broadcast %jit3A_4715 : f32 to vector<16xf32>
    %select_n3A_4717 = arith.select %eq3A_4714, %get3A_2, %broadcast_in_dim3A_4716 : vector<16xi1>, vector<16xf32>
    %add3A_4718 = arith.addf %get3A_4711, %select_n3A_4717 : vector<16xf32>
    %swap3A_4719 = arith.constant 1 : i32
    %swap3A_4720 = arith.constant 83 : i32
    %swap3A_4721 = arith.index_cast %swap3A_4719 : i32 to index
    %swap3A_4722 = arith.index_cast %swap3A_4720 : i32 to index
    %swap3A_4723 = arith.constant 80 : index
    %swap3A_4724 = tpu.vector_load %arg5[%swap3A_4721, %swap3A_4722, %swap3A_4723] {strides = array<i32>} : memref<2x128x128xf32, #tpu.memory_space<vmem>>, vector<1x1x16xf32>,
    %swap3A_4725 = vector.shape_cast %swap3A_4724 : vector<1x1x16xf32> to vector<16xf32>
    %swap3A_4726 = vector.shape_cast %add3A_4718 : vector<16xf32> to vector<1x1x16xf32>
    tpu.vector_store %arg5[%swap3A_4721, %swap3A_4722, %swap3A_4723], %swap3A_4726 {strides = array<i32>} : memref<2x128x128xf32, #tpu.memory_space<vmem>>, vector<1x1x16xf32>,
    %get3A_4727 = arith.constant 1 : i32
    %get3A_4728 = arith.constant 84 : i32
    %get3A_4729 = arith.index_cast %get3A_4727 : i32 to index
    %get3A_4730 = arith.index_cast %get3A_4728 : i32 to index
    %get3A_4731 = arith.constant 80 : index
    %get3A_4732 = tpu.vector_load %arg5[%get3A_4729, %get3A_4730, %get3A_4731] {strides = array<i32>} : memref<2x128x128xf32, #tpu.memory_space<vmem>>, vector<1x1x16xf32>,
    %get3A_4733 = vector.shape_cast %get3A_4732 : vector<1x1x16xf32> to vector<16xf32>
    %eq3A_4734 = arith.constant 4 : i32
    %eq3A_4735 = vector.broadcast %eq3A_4734 : i32 to vector<16xi32>
    %eq3A_4736 = arith.cmpi eq, %iota3A, %eq3A_4735 : vector<16xi32>
    %jit3A_4737 = arith.constant 0.000000e+00 : f32
    %broadcast_in_dim3A_4738 = vector.broadcast %jit3A_4737 : f32 to vector<16xf32>
    %select_n3A_4739 = arith.select %eq3A_4736, %get3A_2, %broadcast_in_dim3A_4738 : vector<16xi1>, vector<16xf32>
    %add3A_4740 = arith.addf %get3A_4733, %select_n3A_4739 : vector<16xf32>
    %swap3A_4741 = arith.constant 1 : i32
    %swap3A_4742 = arith.constant 84 : i32
    %swap3A_4743 = arith.index_cast %swap3A_4741 : i32 to index
    %swap3A_4744 = arith.index_cast %swap3A_4742 : i32 to index
    %swap3A_4745 = arith.constant 80 : index
    %swap3A_4746 = tpu.vector_load %arg5[%swap3A_4743, %swap3A_4744, %swap3A_4745] {strides = array<i32>} : memref<2x128x128xf32, #tpu.memory_space<vmem>>, vector<1x1x16xf32>,
    %swap3A_4747 = vector.shape_cast %swap3A_4746 : vector<1x1x16xf32> to vector<16xf32>
    %swap3A_4748 = vector.shape_cast %add3A_4740 : vector<16xf32> to vector<1x1x16xf32>
    tpu.vector_store %arg5[%swap3A_4743, %swap3A_4744, %swap3A_4745], %swap3A_4748 {strides = array<i32>} : memref<2x128x128xf32, #tpu.memory_space<vmem>>, vector<1x1x16xf32>,
    %get3A_4749 = arith.constant 1 : i32
    %get3A_4750 = arith.constant 85 : i32
    %get3A_4751 = arith.index_cast %get3A_4749 : i32 to index
    %get3A_4752 = arith.index_cast %get3A_4750 : i32 to index
    %get3A_4753 = arith.constant 80 : index
    %get3A_4754 = tpu.vector_load %arg5[%get3A_4751, %get3A_4752, %get3A_4753] {strides = array<i32>} : memref<2x128x128xf32, #tpu.memory_space<vmem>>, vector<1x1x16xf32>,
    %get3A_4755 = vector.shape_cast %get3A_4754 : vector<1x1x16xf32> to vector<16xf32>
    %eq3A_4756 = arith.constant 5 : i32
    %eq3A_4757 = vector.broadcast %eq3A_4756 : i32 to vector<16xi32>
    %eq3A_4758 = arith.cmpi eq, %iota3A, %eq3A_4757 : vector<16xi32>
    %jit3A_4759 = arith.constant 0.000000e+00 : f32
    %broadcast_in_dim3A_4760 = vector.broadcast %jit3A_4759 : f32 to vector<16xf32>
    %select_n3A_4761 = arith.select %eq3A_4758, %get3A_2, %broadcast_in_dim3A_4760 : vector<16xi1>, vector<16xf32>
    %add3A_4762 = arith.addf %get3A_4755, %select_n3A_4761 : vector<16xf32>
    %swap3A_4763 = arith.constant 1 : i32
    %swap3A_4764 = arith.constant 85 : i32
    %swap3A_4765 = arith.index_cast %swap3A_4763 : i32 to index
    %swap3A_4766 = arith.index_cast %swap3A_4764 : i32 to index
    %swap3A_4767 = arith.constant 80 : index
    %swap3A_4768 = tpu.vector_load %arg5[%swap3A_4765, %swap3A_4766, %swap3A_4767] {strides = array<i32>} : memref<2x128x128xf32, #tpu.memory_space<vmem>>, vector<1x1x16xf32>,
    %swap3A_4769 = vector.shape_cast %swap3A_4768 : vector<1x1x16xf32> to vector<16xf32>
    %swap3A_4770 = vector.shape_cast %add3A_4762 : vector<16xf32> to vector<1x1x16xf32>
    tpu.vector_store %arg5[%swap3A_4765, %swap3A_4766, %swap3A_4767], %swap3A_4770 {strides = array<i32>} : memref<2x128x128xf32, #tpu.memory_space<vmem>>, vector<1x1x16xf32>,
    %get3A_4771 = arith.constant 1 : i32
    %get3A_4772 = arith.constant 86 : i32
    %get3A_4773 = arith.index_cast %get3A_4771 : i32 to index
    %get3A_4774 = arith.index_cast %get3A_4772 : i32 to index
    %get3A_4775 = arith.constant 80 : index
    %get3A_4776 = tpu.vector_load %arg5[%get3A_4773, %get3A_4774, %get3A_4775] {strides = array<i32>} : memref<2x128x128xf32, #tpu.memory_space<vmem>>, vector<1x1x16xf32>,
    %get3A_4777 = vector.shape_cast %get3A_4776 : vector<1x1x16xf32> to vector<16xf32>
    %eq3A_4778 = arith.constant 6 : i32
    %eq3A_4779 = vector.broadcast %eq3A_4778 : i32 to vector<16xi32>
    %eq3A_4780 = arith.cmpi eq, %iota3A, %eq3A_4779 : vector<16xi32>
    %jit3A_4781 = arith.constant 0.000000e+00 : f32
    %broadcast_in_dim3A_4782 = vector.broadcast %jit3A_4781 : f32 to vector<16xf32>
    %select_n3A_4783 = arith.select %eq3A_4780, %get3A_2, %broadcast_in_dim3A_4782 : vector<16xi1>, vector<16xf32>
    %add3A_4784 = arith.addf %get3A_4777, %select_n3A_4783 : vector<16xf32>
    %swap3A_4785 = arith.constant 1 : i32
    %swap3A_4786 = arith.constant 86 : i32
    %swap3A_4787 = arith.index_cast %swap3A_4785 : i32 to index
    %swap3A_4788 = arith.index_cast %swap3A_4786 : i32 to index
    %swap3A_4789 = arith.constant 80 : index
    %swap3A_4790 = tpu.vector_load %arg5[%swap3A_4787, %swap3A_4788, %swap3A_4789] {strides = array<i32>} : memref<2x128x128xf32, #tpu.memory_space<vmem>>, vector<1x1x16xf32>,
    %swap3A_4791 = vector.shape_cast %swap3A_4790 : vector<1x1x16xf32> to vector<16xf32>
    %swap3A_4792 = vector.shape_cast %add3A_4784 : vector<16xf32> to vector<1x1x16xf32>
    tpu.vector_store %arg5[%swap3A_4787, %swap3A_4788, %swap3A_4789], %swap3A_4792 {strides = array<i32>} : memref<2x128x128xf32, #tpu.memory_space<vmem>>, vector<1x1x16xf32>,
    %get3A_4793 = arith.constant 1 : i32
    %get3A_4794 = arith.constant 87 : i32
    %get3A_4795 = arith.index_cast %get3A_4793 : i32 to index
    %get3A_4796 = arith.index_cast %get3A_4794 : i32 to index
    %get3A_4797 = arith.constant 80 : index
    %get3A_4798 = tpu.vector_load %arg5[%get3A_4795, %get3A_4796, %get3A_4797] {strides = array<i32>} : memref<2x128x128xf32, #tpu.memory_space<vmem>>, vector<1x1x16xf32>,
    %get3A_4799 = vector.shape_cast %get3A_4798 : vector<1x1x16xf32> to vector<16xf32>
    %eq3A_4800 = arith.constant 7 : i32
    %eq3A_4801 = vector.broadcast %eq3A_4800 : i32 to vector<16xi32>
    %eq3A_4802 = arith.cmpi eq, %iota3A, %eq3A_4801 : vector<16xi32>
    %jit3A_4803 = arith.constant 0.000000e+00 : f32
    %broadcast_in_dim3A_4804 = vector.broadcast %jit3A_4803 : f32 to vector<16xf32>
    %select_n3A_4805 = arith.select %eq3A_4802, %get3A_2, %broadcast_in_dim3A_4804 : vector<16xi1>, vector<16xf32>
    %add3A_4806 = arith.addf %get3A_4799, %select_n3A_4805 : vector<16xf32>
    %swap3A_4807 = arith.constant 1 : i32
    %swap3A_4808 = arith.constant 87 : i32
    %swap3A_4809 = arith.index_cast %swap3A_4807 : i32 to index
    %swap3A_4810 = arith.index_cast %swap3A_4808 : i32 to index
    %swap3A_4811 = arith.constant 80 : index
    %swap3A_4812 = tpu.vector_load %arg5[%swap3A_4809, %swap3A_4810, %swap3A_4811] {strides = array<i32>} : memref<2x128x128xf32, #tpu.memory_space<vmem>>, vector<1x1x16xf32>,
    %swap3A_4813 = vector.shape_cast %swap3A_4812 : vector<1x1x16xf32> to vector<16xf32>
    %swap3A_4814 = vector.shape_cast %add3A_4806 : vector<16xf32> to vector<1x1x16xf32>
    tpu.vector_store %arg5[%swap3A_4809, %swap3A_4810, %swap3A_4811], %swap3A_4814 {strides = array<i32>} : memref<2x128x128xf32, #tpu.memory_space<vmem>>, vector<1x1x16xf32>,
    %get3A_4815 = arith.constant 1 : i32
    %get3A_4816 = arith.constant 88 : i32
    %get3A_4817 = arith.index_cast %get3A_4815 : i32 to index
    %get3A_4818 = arith.index_cast %get3A_4816 : i32 to index
    %get3A_4819 = arith.constant 80 : index
    %get3A_4820 = tpu.vector_load %arg5[%get3A_4817, %get3A_4818, %get3A_4819] {strides = array<i32>} : memref<2x128x128xf32, #tpu.memory_space<vmem>>, vector<1x1x16xf32>,
    %get3A_4821 = vector.shape_cast %get3A_4820 : vector<1x1x16xf32> to vector<16xf32>
    %eq3A_4822 = arith.constant 8 : i32
    %eq3A_4823 = vector.broadcast %eq3A_4822 : i32 to vector<16xi32>
    %eq3A_4824 = arith.cmpi eq, %iota3A, %eq3A_4823 : vector<16xi32>
    %jit3A_4825 = arith.constant 0.000000e+00 : f32
    %broadcast_in_dim3A_4826 = vector.broadcast %jit3A_4825 : f32 to vector<16xf32>
    %select_n3A_4827 = arith.select %eq3A_4824, %get3A_2, %broadcast_in_dim3A_4826 : vector<16xi1>, vector<16xf32>
    %add3A_4828 = arith.addf %get3A_4821, %select_n3A_4827 : vector<16xf32>
    %swap3A_4829 = arith.constant 1 : i32
    %swap3A_4830 = arith.constant 88 : i32
    %swap3A_4831 = arith.index_cast %swap3A_4829 : i32 to index
    %swap3A_4832 = arith.index_cast %swap3A_4830 : i32 to index
    %swap3A_4833 = arith.constant 80 : index
    %swap3A_4834 = tpu.vector_load %arg5[%swap3A_4831, %swap3A_4832, %swap3A_4833] {strides = array<i32>} : memref<2x128x128xf32, #tpu.memory_space<vmem>>, vector<1x1x16xf32>,
    %swap3A_4835 = vector.shape_cast %swap3A_4834 : vector<1x1x16xf32> to vector<16xf32>
    %swap3A_4836 = vector.shape_cast %add3A_4828 : vector<16xf32> to vector<1x1x16xf32>
    tpu.vector_store %arg5[%swap3A_4831, %swap3A_4832, %swap3A_4833], %swap3A_4836 {strides = array<i32>} : memref<2x128x128xf32, #tpu.memory_space<vmem>>, vector<1x1x16xf32>,
    %get3A_4837 = arith.constant 1 : i32
    %get3A_4838 = arith.constant 89 : i32
    %get3A_4839 = arith.index_cast %get3A_4837 : i32 to index
    %get3A_4840 = arith.index_cast %get3A_4838 : i32 to index
    %get3A_4841 = arith.constant 80 : index
    %get3A_4842 = tpu.vector_load %arg5[%get3A_4839, %get3A_4840, %get3A_4841] {strides = array<i32>} : memref<2x128x128xf32, #tpu.memory_space<vmem>>, vector<1x1x16xf32>,
    %get3A_4843 = vector.shape_cast %get3A_4842 : vector<1x1x16xf32> to vector<16xf32>
    %eq3A_4844 = arith.constant 9 : i32
    %eq3A_4845 = vector.broadcast %eq3A_4844 : i32 to vector<16xi32>
    %eq3A_4846 = arith.cmpi eq, %iota3A, %eq3A_4845 : vector<16xi32>
    %jit3A_4847 = arith.constant 0.000000e+00 : f32
    %broadcast_in_dim3A_4848 = vector.broadcast %jit3A_4847 : f32 to vector<16xf32>
    %select_n3A_4849 = arith.select %eq3A_4846, %get3A_2, %broadcast_in_dim3A_4848 : vector<16xi1>, vector<16xf32>
    %add3A_4850 = arith.addf %get3A_4843, %select_n3A_4849 : vector<16xf32>
    %swap3A_4851 = arith.constant 1 : i32
    %swap3A_4852 = arith.constant 89 : i32
    %swap3A_4853 = arith.index_cast %swap3A_4851 : i32 to index
    %swap3A_4854 = arith.index_cast %swap3A_4852 : i32 to index
    %swap3A_4855 = arith.constant 80 : index
    %swap3A_4856 = tpu.vector_load %arg5[%swap3A_4853, %swap3A_4854, %swap3A_4855] {strides = array<i32>} : memref<2x128x128xf32, #tpu.memory_space<vmem>>, vector<1x1x16xf32>,
    %swap3A_4857 = vector.shape_cast %swap3A_4856 : vector<1x1x16xf32> to vector<16xf32>
    %swap3A_4858 = vector.shape_cast %add3A_4850 : vector<16xf32> to vector<1x1x16xf32>
    tpu.vector_store %arg5[%swap3A_4853, %swap3A_4854, %swap3A_4855], %swap3A_4858 {strides = array<i32>} : memref<2x128x128xf32, #tpu.memory_space<vmem>>, vector<1x1x16xf32>,
    %get3A_4859 = arith.constant 1 : i32
    %get3A_4860 = arith.constant 90 : i32
    %get3A_4861 = arith.index_cast %get3A_4859 : i32 to index
    %get3A_4862 = arith.index_cast %get3A_4860 : i32 to index
    %get3A_4863 = arith.constant 80 : index
    %get3A_4864 = tpu.vector_load %arg5[%get3A_4861, %get3A_4862, %get3A_4863] {strides = array<i32>} : memref<2x128x128xf32, #tpu.memory_space<vmem>>, vector<1x1x16xf32>,
    %get3A_4865 = vector.shape_cast %get3A_4864 : vector<1x1x16xf32> to vector<16xf32>
    %eq3A_4866 = arith.constant 10 : i32
    %eq3A_4867 = vector.broadcast %eq3A_4866 : i32 to vector<16xi32>
    %eq3A_4868 = arith.cmpi eq, %iota3A, %eq3A_4867 : vector<16xi32>
    %jit3A_4869 = arith.constant 0.000000e+00 : f32
    %broadcast_in_dim3A_4870 = vector.broadcast %jit3A_4869 : f32 to vector<16xf32>
    %select_n3A_4871 = arith.select %eq3A_4868, %get3A_2, %broadcast_in_dim3A_4870 : vector<16xi1>, vector<16xf32>
    %add3A_4872 = arith.addf %get3A_4865, %select_n3A_4871 : vector<16xf32>
    %swap3A_4873 = arith.constant 1 : i32
    %swap3A_4874 = arith.constant 90 : i32
    %swap3A_4875 = arith.index_cast %swap3A_4873 : i32 to index
    %swap3A_4876 = arith.index_cast %swap3A_4874 : i32 to index
    %swap3A_4877 = arith.constant 80 : index
    %swap3A_4878 = tpu.vector_load %arg5[%swap3A_4875, %swap3A_4876, %swap3A_4877] {strides = array<i32>} : memref<2x128x128xf32, #tpu.memory_space<vmem>>, vector<1x1x16xf32>,
    %swap3A_4879 = vector.shape_cast %swap3A_4878 : vector<1x1x16xf32> to vector<16xf32>
    %swap3A_4880 = vector.shape_cast %add3A_4872 : vector<16xf32> to vector<1x1x16xf32>
    tpu.vector_store %arg5[%swap3A_4875, %swap3A_4876, %swap3A_4877], %swap3A_4880 {strides = array<i32>} : memref<2x128x128xf32, #tpu.memory_space<vmem>>, vector<1x1x16xf32>,
    %get3A_4881 = arith.constant 1 : i32
    %get3A_4882 = arith.constant 91 : i32
    %get3A_4883 = arith.index_cast %get3A_4881 : i32 to index
    %get3A_4884 = arith.index_cast %get3A_4882 : i32 to index
    %get3A_4885 = arith.constant 80 : index
    %get3A_4886 = tpu.vector_load %arg5[%get3A_4883, %get3A_4884, %get3A_4885] {strides = array<i32>} : memref<2x128x128xf32, #tpu.memory_space<vmem>>, vector<1x1x16xf32>,
    %get3A_4887 = vector.shape_cast %get3A_4886 : vector<1x1x16xf32> to vector<16xf32>
    %eq3A_4888 = arith.constant 11 : i32
    %eq3A_4889 = vector.broadcast %eq3A_4888 : i32 to vector<16xi32>
    %eq3A_4890 = arith.cmpi eq, %iota3A, %eq3A_4889 : vector<16xi32>
    %jit3A_4891 = arith.constant 0.000000e+00 : f32
    %broadcast_in_dim3A_4892 = vector.broadcast %jit3A_4891 : f32 to vector<16xf32>
    %select_n3A_4893 = arith.select %eq3A_4890, %get3A_2, %broadcast_in_dim3A_4892 : vector<16xi1>, vector<16xf32>
    %add3A_4894 = arith.addf %get3A_4887, %select_n3A_4893 : vector<16xf32>
    %swap3A_4895 = arith.constant 1 : i32
    %swap3A_4896 = arith.constant 91 : i32
    %swap3A_4897 = arith.index_cast %swap3A_4895 : i32 to index
    %swap3A_4898 = arith.index_cast %swap3A_4896 : i32 to index
    %swap3A_4899 = arith.constant 80 : index
    %swap3A_4900 = tpu.vector_load %arg5[%swap3A_4897, %swap3A_4898, %swap3A_4899] {strides = array<i32>} : memref<2x128x128xf32, #tpu.memory_space<vmem>>, vector<1x1x16xf32>,
    %swap3A_4901 = vector.shape_cast %swap3A_4900 : vector<1x1x16xf32> to vector<16xf32>
    %swap3A_4902 = vector.shape_cast %add3A_4894 : vector<16xf32> to vector<1x1x16xf32>
    tpu.vector_store %arg5[%swap3A_4897, %swap3A_4898, %swap3A_4899], %swap3A_4902 {strides = array<i32>} : memref<2x128x128xf32, #tpu.memory_space<vmem>>, vector<1x1x16xf32>,
    %get3A_4903 = arith.constant 1 : i32
    %get3A_4904 = arith.constant 92 : i32
    %get3A_4905 = arith.index_cast %get3A_4903 : i32 to index
    %get3A_4906 = arith.index_cast %get3A_4904 : i32 to index
    %get3A_4907 = arith.constant 80 : index
    %get3A_4908 = tpu.vector_load %arg5[%get3A_4905, %get3A_4906, %get3A_4907] {strides = array<i32>} : memref<2x128x128xf32, #tpu.memory_space<vmem>>, vector<1x1x16xf32>,
    %get3A_4909 = vector.shape_cast %get3A_4908 : vector<1x1x16xf32> to vector<16xf32>
    %eq3A_4910 = arith.constant 12 : i32
    %eq3A_4911 = vector.broadcast %eq3A_4910 : i32 to vector<16xi32>
    %eq3A_4912 = arith.cmpi eq, %iota3A, %eq3A_4911 : vector<16xi32>
    %jit3A_4913 = arith.constant 0.000000e+00 : f32
    %broadcast_in_dim3A_4914 = vector.broadcast %jit3A_4913 : f32 to vector<16xf32>
    %select_n3A_4915 = arith.select %eq3A_4912, %get3A_2, %broadcast_in_dim3A_4914 : vector<16xi1>, vector<16xf32>
    %add3A_4916 = arith.addf %get3A_4909, %select_n3A_4915 : vector<16xf32>
    %swap3A_4917 = arith.constant 1 : i32
    %swap3A_4918 = arith.constant 92 : i32
    %swap3A_4919 = arith.index_cast %swap3A_4917 : i32 to index
    %swap3A_4920 = arith.index_cast %swap3A_4918 : i32 to index
    %swap3A_4921 = arith.constant 80 : index
    %swap3A_4922 = tpu.vector_load %arg5[%swap3A_4919, %swap3A_4920, %swap3A_4921] {strides = array<i32>} : memref<2x128x128xf32, #tpu.memory_space<vmem>>, vector<1x1x16xf32>,
    %swap3A_4923 = vector.shape_cast %swap3A_4922 : vector<1x1x16xf32> to vector<16xf32>
    %swap3A_4924 = vector.shape_cast %add3A_4916 : vector<16xf32> to vector<1x1x16xf32>
    tpu.vector_store %arg5[%swap3A_4919, %swap3A_4920, %swap3A_4921], %swap3A_4924 {strides = array<i32>} : memref<2x128x128xf32, #tpu.memory_space<vmem>>, vector<1x1x16xf32>,
    %get3A_4925 = arith.constant 1 : i32
    %get3A_4926 = arith.constant 93 : i32
    %get3A_4927 = arith.index_cast %get3A_4925 : i32 to index
    %get3A_4928 = arith.index_cast %get3A_4926 : i32 to index
    %get3A_4929 = arith.constant 80 : index
    %get3A_4930 = tpu.vector_load %arg5[%get3A_4927, %get3A_4928, %get3A_4929] {strides = array<i32>} : memref<2x128x128xf32, #tpu.memory_space<vmem>>, vector<1x1x16xf32>,
    %get3A_4931 = vector.shape_cast %get3A_4930 : vector<1x1x16xf32> to vector<16xf32>
    %eq3A_4932 = arith.constant 13 : i32
    %eq3A_4933 = vector.broadcast %eq3A_4932 : i32 to vector<16xi32>
    %eq3A_4934 = arith.cmpi eq, %iota3A, %eq3A_4933 : vector<16xi32>
    %jit3A_4935 = arith.constant 0.000000e+00 : f32
    %broadcast_in_dim3A_4936 = vector.broadcast %jit3A_4935 : f32 to vector<16xf32>
    %select_n3A_4937 = arith.select %eq3A_4934, %get3A_2, %broadcast_in_dim3A_4936 : vector<16xi1>, vector<16xf32>
    %add3A_4938 = arith.addf %get3A_4931, %select_n3A_4937 : vector<16xf32>
    %swap3A_4939 = arith.constant 1 : i32
    %swap3A_4940 = arith.constant 93 : i32
    %swap3A_4941 = arith.index_cast %swap3A_4939 : i32 to index
    %swap3A_4942 = arith.index_cast %swap3A_4940 : i32 to index
    %swap3A_4943 = arith.constant 80 : index
    %swap3A_4944 = tpu.vector_load %arg5[%swap3A_4941, %swap3A_4942, %swap3A_4943] {strides = array<i32>} : memref<2x128x128xf32, #tpu.memory_space<vmem>>, vector<1x1x16xf32>,
    %swap3A_4945 = vector.shape_cast %swap3A_4944 : vector<1x1x16xf32> to vector<16xf32>
    %swap3A_4946 = vector.shape_cast %add3A_4938 : vector<16xf32> to vector<1x1x16xf32>
    tpu.vector_store %arg5[%swap3A_4941, %swap3A_4942, %swap3A_4943], %swap3A_4946 {strides = array<i32>} : memref<2x128x128xf32, #tpu.memory_space<vmem>>, vector<1x1x16xf32>,
    %get3A_4947 = arith.constant 1 : i32
    %get3A_4948 = arith.constant 94 : i32
    %get3A_4949 = arith.index_cast %get3A_4947 : i32 to index
    %get3A_4950 = arith.index_cast %get3A_4948 : i32 to index
    %get3A_4951 = arith.constant 80 : index
    %get3A_4952 = tpu.vector_load %arg5[%get3A_4949, %get3A_4950, %get3A_4951] {strides = array<i32>} : memref<2x128x128xf32, #tpu.memory_space<vmem>>, vector<1x1x16xf32>,
    %get3A_4953 = vector.shape_cast %get3A_4952 : vector<1x1x16xf32> to vector<16xf32>
    %eq3A_4954 = arith.constant 14 : i32
    %eq3A_4955 = vector.broadcast %eq3A_4954 : i32 to vector<16xi32>
    %eq3A_4956 = arith.cmpi eq, %iota3A, %eq3A_4955 : vector<16xi32>
    %jit3A_4957 = arith.constant 0.000000e+00 : f32
    %broadcast_in_dim3A_4958 = vector.broadcast %jit3A_4957 : f32 to vector<16xf32>
    %select_n3A_4959 = arith.select %eq3A_4956, %get3A_2, %broadcast_in_dim3A_4958 : vector<16xi1>, vector<16xf32>
    %add3A_4960 = arith.addf %get3A_4953, %select_n3A_4959 : vector<16xf32>
    %swap3A_4961 = arith.constant 1 : i32
    %swap3A_4962 = arith.constant 94 : i32
    %swap3A_4963 = arith.index_cast %swap3A_4961 : i32 to index
    %swap3A_4964 = arith.index_cast %swap3A_4962 : i32 to index
    %swap3A_4965 = arith.constant 80 : index
    %swap3A_4966 = tpu.vector_load %arg5[%swap3A_4963, %swap3A_4964, %swap3A_4965] {strides = array<i32>} : memref<2x128x128xf32, #tpu.memory_space<vmem>>, vector<1x1x16xf32>,
    %swap3A_4967 = vector.shape_cast %swap3A_4966 : vector<1x1x16xf32> to vector<16xf32>
    %swap3A_4968 = vector.shape_cast %add3A_4960 : vector<16xf32> to vector<1x1x16xf32>
    tpu.vector_store %arg5[%swap3A_4963, %swap3A_4964, %swap3A_4965], %swap3A_4968 {strides = array<i32>} : memref<2x128x128xf32, #tpu.memory_space<vmem>>, vector<1x1x16xf32>,
    %get3A_4969 = arith.constant 1 : i32
    %get3A_4970 = arith.constant 95 : i32
    %get3A_4971 = arith.index_cast %get3A_4969 : i32 to index
    %get3A_4972 = arith.index_cast %get3A_4970 : i32 to index
    %get3A_4973 = arith.constant 80 : index
    %get3A_4974 = tpu.vector_load %arg5[%get3A_4971, %get3A_4972, %get3A_4973] {strides = array<i32>} : memref<2x128x128xf32, #tpu.memory_space<vmem>>, vector<1x1x16xf32>,
    %get3A_4975 = vector.shape_cast %get3A_4974 : vector<1x1x16xf32> to vector<16xf32>
    %eq3A_4976 = arith.constant 15 : i32
    %eq3A_4977 = vector.broadcast %eq3A_4976 : i32 to vector<16xi32>
    %eq3A_4978 = arith.cmpi eq, %iota3A, %eq3A_4977 : vector<16xi32>
    %jit3A_4979 = arith.constant 0.000000e+00 : f32
    %broadcast_in_dim3A_4980 = vector.broadcast %jit3A_4979 : f32 to vector<16xf32>
    %select_n3A_4981 = arith.select %eq3A_4978, %get3A_2, %broadcast_in_dim3A_4980 : vector<16xi1>, vector<16xf32>
    %add3A_4982 = arith.addf %get3A_4975, %select_n3A_4981 : vector<16xf32>
    %swap3A_4983 = arith.constant 1 : i32
    %swap3A_4984 = arith.constant 95 : i32
    %swap3A_4985 = arith.index_cast %swap3A_4983 : i32 to index
    %swap3A_4986 = arith.index_cast %swap3A_4984 : i32 to index
    %swap3A_4987 = arith.constant 80 : index
    %swap3A_4988 = tpu.vector_load %arg5[%swap3A_4985, %swap3A_4986, %swap3A_4987] {strides = array<i32>} : memref<2x128x128xf32, #tpu.memory_space<vmem>>, vector<1x1x16xf32>,
    %swap3A_4989 = vector.shape_cast %swap3A_4988 : vector<1x1x16xf32> to vector<16xf32>
    %swap3A_4990 = vector.shape_cast %add3A_4982 : vector<16xf32> to vector<1x1x16xf32>
    tpu.vector_store %arg5[%swap3A_4985, %swap3A_4986, %swap3A_4987], %swap3A_4990 {strides = array<i32>} : memref<2x128x128xf32, #tpu.memory_space<vmem>>, vector<1x1x16xf32>,
    %get3A_4991 = arith.constant 1 : i32
    %get3A_4992 = arith.constant 96 : i32
    %get3A_4993 = arith.index_cast %get3A_4991 : i32 to index
    %get3A_4994 = arith.index_cast %get3A_4992 : i32 to index
    %get3A_4995 = arith.constant 96 : index
    %get3A_4996 = tpu.vector_load %arg5[%get3A_4993, %get3A_4994, %get3A_4995] {strides = array<i32>} : memref<2x128x128xf32, #tpu.memory_space<vmem>>, vector<1x1x16xf32>,
    %get3A_4997 = vector.shape_cast %get3A_4996 : vector<1x1x16xf32> to vector<16xf32>
    %eq3A_4998 = arith.constant 0 : i32
    %eq3A_4999 = vector.broadcast %eq3A_4998 : i32 to vector<16xi32>
    %eq3A_5000 = arith.cmpi eq, %iota3A, %eq3A_4999 : vector<16xi32>
    %jit3A_5001 = arith.constant 0.000000e+00 : f32
    %broadcast_in_dim3A_5002 = vector.broadcast %jit3A_5001 : f32 to vector<16xf32>
    %select_n3A_5003 = arith.select %eq3A_5000, %get3A_2, %broadcast_in_dim3A_5002 : vector<16xi1>, vector<16xf32>
    %add3A_5004 = arith.addf %get3A_4997, %select_n3A_5003 : vector<16xf32>
    %swap3A_5005 = arith.constant 1 : i32
    %swap3A_5006 = arith.constant 96 : i32
    %swap3A_5007 = arith.index_cast %swap3A_5005 : i32 to index
    %swap3A_5008 = arith.index_cast %swap3A_5006 : i32 to index
    %swap3A_5009 = arith.constant 96 : index
    %swap3A_5010 = tpu.vector_load %arg5[%swap3A_5007, %swap3A_5008, %swap3A_5009] {strides = array<i32>} : memref<2x128x128xf32, #tpu.memory_space<vmem>>, vector<1x1x16xf32>,
    %swap3A_5011 = vector.shape_cast %swap3A_5010 : vector<1x1x16xf32> to vector<16xf32>
    %swap3A_5012 = vector.shape_cast %add3A_5004 : vector<16xf32> to vector<1x1x16xf32>
    tpu.vector_store %arg5[%swap3A_5007, %swap3A_5008, %swap3A_5009], %swap3A_5012 {strides = array<i32>} : memref<2x128x128xf32, #tpu.memory_space<vmem>>, vector<1x1x16xf32>,
    %get3A_5013 = arith.constant 1 : i32
    %get3A_5014 = arith.constant 97 : i32
    %get3A_5015 = arith.index_cast %get3A_5013 : i32 to index
    %get3A_5016 = arith.index_cast %get3A_5014 : i32 to index
    %get3A_5017 = arith.constant 96 : index
    %get3A_5018 = tpu.vector_load %arg5[%get3A_5015, %get3A_5016, %get3A_5017] {strides = array<i32>} : memref<2x128x128xf32, #tpu.memory_space<vmem>>, vector<1x1x16xf32>,
    %get3A_5019 = vector.shape_cast %get3A_5018 : vector<1x1x16xf32> to vector<16xf32>
    %eq3A_5020 = arith.constant 1 : i32
    %eq3A_5021 = vector.broadcast %eq3A_5020 : i32 to vector<16xi32>
    %eq3A_5022 = arith.cmpi eq, %iota3A, %eq3A_5021 : vector<16xi32>
    %jit3A_5023 = arith.constant 0.000000e+00 : f32
    %broadcast_in_dim3A_5024 = vector.broadcast %jit3A_5023 : f32 to vector<16xf32>
    %select_n3A_5025 = arith.select %eq3A_5022, %get3A_2, %broadcast_in_dim3A_5024 : vector<16xi1>, vector<16xf32>
    %add3A_5026 = arith.addf %get3A_5019, %select_n3A_5025 : vector<16xf32>
    %swap3A_5027 = arith.constant 1 : i32
    %swap3A_5028 = arith.constant 97 : i32
    %swap3A_5029 = arith.index_cast %swap3A_5027 : i32 to index
    %swap3A_5030 = arith.index_cast %swap3A_5028 : i32 to index
    %swap3A_5031 = arith.constant 96 : index
    %swap3A_5032 = tpu.vector_load %arg5[%swap3A_5029, %swap3A_5030, %swap3A_5031] {strides = array<i32>} : memref<2x128x128xf32, #tpu.memory_space<vmem>>, vector<1x1x16xf32>,
    %swap3A_5033 = vector.shape_cast %swap3A_5032 : vector<1x1x16xf32> to vector<16xf32>
    %swap3A_5034 = vector.shape_cast %add3A_5026 : vector<16xf32> to vector<1x1x16xf32>
    tpu.vector_store %arg5[%swap3A_5029, %swap3A_5030, %swap3A_5031], %swap3A_5034 {strides = array<i32>} : memref<2x128x128xf32, #tpu.memory_space<vmem>>, vector<1x1x16xf32>,
    %get3A_5035 = arith.constant 1 : i32
    %get3A_5036 = arith.constant 98 : i32
    %get3A_5037 = arith.index_cast %get3A_5035 : i32 to index
    %get3A_5038 = arith.index_cast %get3A_5036 : i32 to index
    %get3A_5039 = arith.constant 96 : index
    %get3A_5040 = tpu.vector_load %arg5[%get3A_5037, %get3A_5038, %get3A_5039] {strides = array<i32>} : memref<2x128x128xf32, #tpu.memory_space<vmem>>, vector<1x1x16xf32>,
    %get3A_5041 = vector.shape_cast %get3A_5040 : vector<1x1x16xf32> to vector<16xf32>
    %eq3A_5042 = arith.constant 2 : i32
    %eq3A_5043 = vector.broadcast %eq3A_5042 : i32 to vector<16xi32>
    %eq3A_5044 = arith.cmpi eq, %iota3A, %eq3A_5043 : vector<16xi32>
    %jit3A_5045 = arith.constant 0.000000e+00 : f32
    %broadcast_in_dim3A_5046 = vector.broadcast %jit3A_5045 : f32 to vector<16xf32>
    %select_n3A_5047 = arith.select %eq3A_5044, %get3A_2, %broadcast_in_dim3A_5046 : vector<16xi1>, vector<16xf32>
    %add3A_5048 = arith.addf %get3A_5041, %select_n3A_5047 : vector<16xf32>
    %swap3A_5049 = arith.constant 1 : i32
    %swap3A_5050 = arith.constant 98 : i32
    %swap3A_5051 = arith.index_cast %swap3A_5049 : i32 to index
    %swap3A_5052 = arith.index_cast %swap3A_5050 : i32 to index
    %swap3A_5053 = arith.constant 96 : index
    %swap3A_5054 = tpu.vector_load %arg5[%swap3A_5051, %swap3A_5052, %swap3A_5053] {strides = array<i32>} : memref<2x128x128xf32, #tpu.memory_space<vmem>>, vector<1x1x16xf32>,
    %swap3A_5055 = vector.shape_cast %swap3A_5054 : vector<1x1x16xf32> to vector<16xf32>
    %swap3A_5056 = vector.shape_cast %add3A_5048 : vector<16xf32> to vector<1x1x16xf32>
    tpu.vector_store %arg5[%swap3A_5051, %swap3A_5052, %swap3A_5053], %swap3A_5056 {strides = array<i32>} : memref<2x128x128xf32, #tpu.memory_space<vmem>>, vector<1x1x16xf32>,
    %get3A_5057 = arith.constant 1 : i32
    %get3A_5058 = arith.constant 99 : i32
    %get3A_5059 = arith.index_cast %get3A_5057 : i32 to index
    %get3A_5060 = arith.index_cast %get3A_5058 : i32 to index
    %get3A_5061 = arith.constant 96 : index
    %get3A_5062 = tpu.vector_load %arg5[%get3A_5059, %get3A_5060, %get3A_5061] {strides = array<i32>} : memref<2x128x128xf32, #tpu.memory_space<vmem>>, vector<1x1x16xf32>,
    %get3A_5063 = vector.shape_cast %get3A_5062 : vector<1x1x16xf32> to vector<16xf32>
    %eq3A_5064 = arith.constant 3 : i32
    %eq3A_5065 = vector.broadcast %eq3A_5064 : i32 to vector<16xi32>
    %eq3A_5066 = arith.cmpi eq, %iota3A, %eq3A_5065 : vector<16xi32>
    %jit3A_5067 = arith.constant 0.000000e+00 : f32
    %broadcast_in_dim3A_5068 = vector.broadcast %jit3A_5067 : f32 to vector<16xf32>
    %select_n3A_5069 = arith.select %eq3A_5066, %get3A_2, %broadcast_in_dim3A_5068 : vector<16xi1>, vector<16xf32>
    %add3A_5070 = arith.addf %get3A_5063, %select_n3A_5069 : vector<16xf32>
    %swap3A_5071 = arith.constant 1 : i32
    %swap3A_5072 = arith.constant 99 : i32
    %swap3A_5073 = arith.index_cast %swap3A_5071 : i32 to index
    %swap3A_5074 = arith.index_cast %swap3A_5072 : i32 to index
    %swap3A_5075 = arith.constant 96 : index
    %swap3A_5076 = tpu.vector_load %arg5[%swap3A_5073, %swap3A_5074, %swap3A_5075] {strides = array<i32>} : memref<2x128x128xf32, #tpu.memory_space<vmem>>, vector<1x1x16xf32>,
    %swap3A_5077 = vector.shape_cast %swap3A_5076 : vector<1x1x16xf32> to vector<16xf32>
    %swap3A_5078 = vector.shape_cast %add3A_5070 : vector<16xf32> to vector<1x1x16xf32>
    tpu.vector_store %arg5[%swap3A_5073, %swap3A_5074, %swap3A_5075], %swap3A_5078 {strides = array<i32>} : memref<2x128x128xf32, #tpu.memory_space<vmem>>, vector<1x1x16xf32>,
    %get3A_5079 = arith.constant 1 : i32
    %get3A_5080 = arith.constant 100 : i32
    %get3A_5081 = arith.index_cast %get3A_5079 : i32 to index
    %get3A_5082 = arith.index_cast %get3A_5080 : i32 to index
    %get3A_5083 = arith.constant 96 : index
    %get3A_5084 = tpu.vector_load %arg5[%get3A_5081, %get3A_5082, %get3A_5083] {strides = array<i32>} : memref<2x128x128xf32, #tpu.memory_space<vmem>>, vector<1x1x16xf32>,
    %get3A_5085 = vector.shape_cast %get3A_5084 : vector<1x1x16xf32> to vector<16xf32>
    %eq3A_5086 = arith.constant 4 : i32
    %eq3A_5087 = vector.broadcast %eq3A_5086 : i32 to vector<16xi32>
    %eq3A_5088 = arith.cmpi eq, %iota3A, %eq3A_5087 : vector<16xi32>
    %jit3A_5089 = arith.constant 0.000000e+00 : f32
    %broadcast_in_dim3A_5090 = vector.broadcast %jit3A_5089 : f32 to vector<16xf32>
    %select_n3A_5091 = arith.select %eq3A_5088, %get3A_2, %broadcast_in_dim3A_5090 : vector<16xi1>, vector<16xf32>
    %add3A_5092 = arith.addf %get3A_5085, %select_n3A_5091 : vector<16xf32>
    %swap3A_5093 = arith.constant 1 : i32
    %swap3A_5094 = arith.constant 100 : i32
    %swap3A_5095 = arith.index_cast %swap3A_5093 : i32 to index
    %swap3A_5096 = arith.index_cast %swap3A_5094 : i32 to index
    %swap3A_5097 = arith.constant 96 : index
    %swap3A_5098 = tpu.vector_load %arg5[%swap3A_5095, %swap3A_5096, %swap3A_5097] {strides = array<i32>} : memref<2x128x128xf32, #tpu.memory_space<vmem>>, vector<1x1x16xf32>,
    %swap3A_5099 = vector.shape_cast %swap3A_5098 : vector<1x1x16xf32> to vector<16xf32>
    %swap3A_5100 = vector.shape_cast %add3A_5092 : vector<16xf32> to vector<1x1x16xf32>
    tpu.vector_store %arg5[%swap3A_5095, %swap3A_5096, %swap3A_5097], %swap3A_5100 {strides = array<i32>} : memref<2x128x128xf32, #tpu.memory_space<vmem>>, vector<1x1x16xf32>,
    %get3A_5101 = arith.constant 1 : i32
    %get3A_5102 = arith.constant 101 : i32
    %get3A_5103 = arith.index_cast %get3A_5101 : i32 to index
    %get3A_5104 = arith.index_cast %get3A_5102 : i32 to index
    %get3A_5105 = arith.constant 96 : index
    %get3A_5106 = tpu.vector_load %arg5[%get3A_5103, %get3A_5104, %get3A_5105] {strides = array<i32>} : memref<2x128x128xf32, #tpu.memory_space<vmem>>, vector<1x1x16xf32>,
    %get3A_5107 = vector.shape_cast %get3A_5106 : vector<1x1x16xf32> to vector<16xf32>
    %eq3A_5108 = arith.constant 5 : i32
    %eq3A_5109 = vector.broadcast %eq3A_5108 : i32 to vector<16xi32>
    %eq3A_5110 = arith.cmpi eq, %iota3A, %eq3A_5109 : vector<16xi32>
    %jit3A_5111 = arith.constant 0.000000e+00 : f32
    %broadcast_in_dim3A_5112 = vector.broadcast %jit3A_5111 : f32 to vector<16xf32>
    %select_n3A_5113 = arith.select %eq3A_5110, %get3A_2, %broadcast_in_dim3A_5112 : vector<16xi1>, vector<16xf32>
    %add3A_5114 = arith.addf %get3A_5107, %select_n3A_5113 : vector<16xf32>
    %swap3A_5115 = arith.constant 1 : i32
    %swap3A_5116 = arith.constant 101 : i32
    %swap3A_5117 = arith.index_cast %swap3A_5115 : i32 to index
    %swap3A_5118 = arith.index_cast %swap3A_5116 : i32 to index
    %swap3A_5119 = arith.constant 96 : index
    %swap3A_5120 = tpu.vector_load %arg5[%swap3A_5117, %swap3A_5118, %swap3A_5119] {strides = array<i32>} : memref<2x128x128xf32, #tpu.memory_space<vmem>>, vector<1x1x16xf32>,
    %swap3A_5121 = vector.shape_cast %swap3A_5120 : vector<1x1x16xf32> to vector<16xf32>
    %swap3A_5122 = vector.shape_cast %add3A_5114 : vector<16xf32> to vector<1x1x16xf32>
    tpu.vector_store %arg5[%swap3A_5117, %swap3A_5118, %swap3A_5119], %swap3A_5122 {strides = array<i32>} : memref<2x128x128xf32, #tpu.memory_space<vmem>>, vector<1x1x16xf32>,
    %get3A_5123 = arith.constant 1 : i32
    %get3A_5124 = arith.constant 102 : i32
    %get3A_5125 = arith.index_cast %get3A_5123 : i32 to index
    %get3A_5126 = arith.index_cast %get3A_5124 : i32 to index
    %get3A_5127 = arith.constant 96 : index
    %get3A_5128 = tpu.vector_load %arg5[%get3A_5125, %get3A_5126, %get3A_5127] {strides = array<i32>} : memref<2x128x128xf32, #tpu.memory_space<vmem>>, vector<1x1x16xf32>,
    %get3A_5129 = vector.shape_cast %get3A_5128 : vector<1x1x16xf32> to vector<16xf32>
    %eq3A_5130 = arith.constant 6 : i32
    %eq3A_5131 = vector.broadcast %eq3A_5130 : i32 to vector<16xi32>
    %eq3A_5132 = arith.cmpi eq, %iota3A, %eq3A_5131 : vector<16xi32>
    %jit3A_5133 = arith.constant 0.000000e+00 : f32
    %broadcast_in_dim3A_5134 = vector.broadcast %jit3A_5133 : f32 to vector<16xf32>
    %select_n3A_5135 = arith.select %eq3A_5132, %get3A_2, %broadcast_in_dim3A_5134 : vector<16xi1>, vector<16xf32>
    %add3A_5136 = arith.addf %get3A_5129, %select_n3A_5135 : vector<16xf32>
    %swap3A_5137 = arith.constant 1 : i32
    %swap3A_5138 = arith.constant 102 : i32
    %swap3A_5139 = arith.index_cast %swap3A_5137 : i32 to index
    %swap3A_5140 = arith.index_cast %swap3A_5138 : i32 to index
    %swap3A_5141 = arith.constant 96 : index
    %swap3A_5142 = tpu.vector_load %arg5[%swap3A_5139, %swap3A_5140, %swap3A_5141] {strides = array<i32>} : memref<2x128x128xf32, #tpu.memory_space<vmem>>, vector<1x1x16xf32>,
    %swap3A_5143 = vector.shape_cast %swap3A_5142 : vector<1x1x16xf32> to vector<16xf32>
    %swap3A_5144 = vector.shape_cast %add3A_5136 : vector<16xf32> to vector<1x1x16xf32>
    tpu.vector_store %arg5[%swap3A_5139, %swap3A_5140, %swap3A_5141], %swap3A_5144 {strides = array<i32>} : memref<2x128x128xf32, #tpu.memory_space<vmem>>, vector<1x1x16xf32>,
    %get3A_5145 = arith.constant 1 : i32
    %get3A_5146 = arith.constant 103 : i32
    %get3A_5147 = arith.index_cast %get3A_5145 : i32 to index
    %get3A_5148 = arith.index_cast %get3A_5146 : i32 to index
    %get3A_5149 = arith.constant 96 : index
    %get3A_5150 = tpu.vector_load %arg5[%get3A_5147, %get3A_5148, %get3A_5149] {strides = array<i32>} : memref<2x128x128xf32, #tpu.memory_space<vmem>>, vector<1x1x16xf32>,
    %get3A_5151 = vector.shape_cast %get3A_5150 : vector<1x1x16xf32> to vector<16xf32>
    %eq3A_5152 = arith.constant 7 : i32
    %eq3A_5153 = vector.broadcast %eq3A_5152 : i32 to vector<16xi32>
    %eq3A_5154 = arith.cmpi eq, %iota3A, %eq3A_5153 : vector<16xi32>
    %jit3A_5155 = arith.constant 0.000000e+00 : f32
    %broadcast_in_dim3A_5156 = vector.broadcast %jit3A_5155 : f32 to vector<16xf32>
    %select_n3A_5157 = arith.select %eq3A_5154, %get3A_2, %broadcast_in_dim3A_5156 : vector<16xi1>, vector<16xf32>
    %add3A_5158 = arith.addf %get3A_5151, %select_n3A_5157 : vector<16xf32>
    %swap3A_5159 = arith.constant 1 : i32
    %swap3A_5160 = arith.constant 103 : i32
    %swap3A_5161 = arith.index_cast %swap3A_5159 : i32 to index
    %swap3A_5162 = arith.index_cast %swap3A_5160 : i32 to index
    %swap3A_5163 = arith.constant 96 : index
    %swap3A_5164 = tpu.vector_load %arg5[%swap3A_5161, %swap3A_5162, %swap3A_5163] {strides = array<i32>} : memref<2x128x128xf32, #tpu.memory_space<vmem>>, vector<1x1x16xf32>,
    %swap3A_5165 = vector.shape_cast %swap3A_5164 : vector<1x1x16xf32> to vector<16xf32>
    %swap3A_5166 = vector.shape_cast %add3A_5158 : vector<16xf32> to vector<1x1x16xf32>
    tpu.vector_store %arg5[%swap3A_5161, %swap3A_5162, %swap3A_5163], %swap3A_5166 {strides = array<i32>} : memref<2x128x128xf32, #tpu.memory_space<vmem>>, vector<1x1x16xf32>,
    %get3A_5167 = arith.constant 1 : i32
    %get3A_5168 = arith.constant 104 : i32
    %get3A_5169 = arith.index_cast %get3A_5167 : i32 to index
    %get3A_5170 = arith.index_cast %get3A_5168 : i32 to index
    %get3A_5171 = arith.constant 96 : index
    %get3A_5172 = tpu.vector_load %arg5[%get3A_5169, %get3A_5170, %get3A_5171] {strides = array<i32>} : memref<2x128x128xf32, #tpu.memory_space<vmem>>, vector<1x1x16xf32>,
    %get3A_5173 = vector.shape_cast %get3A_5172 : vector<1x1x16xf32> to vector<16xf32>
    %eq3A_5174 = arith.constant 8 : i32
    %eq3A_5175 = vector.broadcast %eq3A_5174 : i32 to vector<16xi32>
    %eq3A_5176 = arith.cmpi eq, %iota3A, %eq3A_5175 : vector<16xi32>
    %jit3A_5177 = arith.constant 0.000000e+00 : f32
    %broadcast_in_dim3A_5178 = vector.broadcast %jit3A_5177 : f32 to vector<16xf32>
    %select_n3A_5179 = arith.select %eq3A_5176, %get3A_2, %broadcast_in_dim3A_5178 : vector<16xi1>, vector<16xf32>
    %add3A_5180 = arith.addf %get3A_5173, %select_n3A_5179 : vector<16xf32>
    %swap3A_5181 = arith.constant 1 : i32
    %swap3A_5182 = arith.constant 104 : i32
    %swap3A_5183 = arith.index_cast %swap3A_5181 : i32 to index
    %swap3A_5184 = arith.index_cast %swap3A_5182 : i32 to index
    %swap3A_5185 = arith.constant 96 : index
    %swap3A_5186 = tpu.vector_load %arg5[%swap3A_5183, %swap3A_5184, %swap3A_5185] {strides = array<i32>} : memref<2x128x128xf32, #tpu.memory_space<vmem>>, vector<1x1x16xf32>,
    %swap3A_5187 = vector.shape_cast %swap3A_5186 : vector<1x1x16xf32> to vector<16xf32>
    %swap3A_5188 = vector.shape_cast %add3A_5180 : vector<16xf32> to vector<1x1x16xf32>
    tpu.vector_store %arg5[%swap3A_5183, %swap3A_5184, %swap3A_5185], %swap3A_5188 {strides = array<i32>} : memref<2x128x128xf32, #tpu.memory_space<vmem>>, vector<1x1x16xf32>,
    %get3A_5189 = arith.constant 1 : i32
    %get3A_5190 = arith.constant 105 : i32
    %get3A_5191 = arith.index_cast %get3A_5189 : i32 to index
    %get3A_5192 = arith.index_cast %get3A_5190 : i32 to index
    %get3A_5193 = arith.constant 96 : index
    %get3A_5194 = tpu.vector_load %arg5[%get3A_5191, %get3A_5192, %get3A_5193] {strides = array<i32>} : memref<2x128x128xf32, #tpu.memory_space<vmem>>, vector<1x1x16xf32>,
    %get3A_5195 = vector.shape_cast %get3A_5194 : vector<1x1x16xf32> to vector<16xf32>
    %eq3A_5196 = arith.constant 9 : i32
    %eq3A_5197 = vector.broadcast %eq3A_5196 : i32 to vector<16xi32>
    %eq3A_5198 = arith.cmpi eq, %iota3A, %eq3A_5197 : vector<16xi32>
    %jit3A_5199 = arith.constant 0.000000e+00 : f32
    %broadcast_in_dim3A_5200 = vector.broadcast %jit3A_5199 : f32 to vector<16xf32>
    %select_n3A_5201 = arith.select %eq3A_5198, %get3A_2, %broadcast_in_dim3A_5200 : vector<16xi1>, vector<16xf32>
    %add3A_5202 = arith.addf %get3A_5195, %select_n3A_5201 : vector<16xf32>
    %swap3A_5203 = arith.constant 1 : i32
    %swap3A_5204 = arith.constant 105 : i32
    %swap3A_5205 = arith.index_cast %swap3A_5203 : i32 to index
    %swap3A_5206 = arith.index_cast %swap3A_5204 : i32 to index
    %swap3A_5207 = arith.constant 96 : index
    %swap3A_5208 = tpu.vector_load %arg5[%swap3A_5205, %swap3A_5206, %swap3A_5207] {strides = array<i32>} : memref<2x128x128xf32, #tpu.memory_space<vmem>>, vector<1x1x16xf32>,
    %swap3A_5209 = vector.shape_cast %swap3A_5208 : vector<1x1x16xf32> to vector<16xf32>
    %swap3A_5210 = vector.shape_cast %add3A_5202 : vector<16xf32> to vector<1x1x16xf32>
    tpu.vector_store %arg5[%swap3A_5205, %swap3A_5206, %swap3A_5207], %swap3A_5210 {strides = array<i32>} : memref<2x128x128xf32, #tpu.memory_space<vmem>>, vector<1x1x16xf32>,
    %get3A_5211 = arith.constant 1 : i32
    %get3A_5212 = arith.constant 106 : i32
    %get3A_5213 = arith.index_cast %get3A_5211 : i32 to index
    %get3A_5214 = arith.index_cast %get3A_5212 : i32 to index
    %get3A_5215 = arith.constant 96 : index
    %get3A_5216 = tpu.vector_load %arg5[%get3A_5213, %get3A_5214, %get3A_5215] {strides = array<i32>} : memref<2x128x128xf32, #tpu.memory_space<vmem>>, vector<1x1x16xf32>,
    %get3A_5217 = vector.shape_cast %get3A_5216 : vector<1x1x16xf32> to vector<16xf32>
    %eq3A_5218 = arith.constant 10 : i32
    %eq3A_5219 = vector.broadcast %eq3A_5218 : i32 to vector<16xi32>
    %eq3A_5220 = arith.cmpi eq, %iota3A, %eq3A_5219 : vector<16xi32>
    %jit3A_5221 = arith.constant 0.000000e+00 : f32
    %broadcast_in_dim3A_5222 = vector.broadcast %jit3A_5221 : f32 to vector<16xf32>
    %select_n3A_5223 = arith.select %eq3A_5220, %get3A_2, %broadcast_in_dim3A_5222 : vector<16xi1>, vector<16xf32>
    %add3A_5224 = arith.addf %get3A_5217, %select_n3A_5223 : vector<16xf32>
    %swap3A_5225 = arith.constant 1 : i32
    %swap3A_5226 = arith.constant 106 : i32
    %swap3A_5227 = arith.index_cast %swap3A_5225 : i32 to index
    %swap3A_5228 = arith.index_cast %swap3A_5226 : i32 to index
    %swap3A_5229 = arith.constant 96 : index
    %swap3A_5230 = tpu.vector_load %arg5[%swap3A_5227, %swap3A_5228, %swap3A_5229] {strides = array<i32>} : memref<2x128x128xf32, #tpu.memory_space<vmem>>, vector<1x1x16xf32>,
    %swap3A_5231 = vector.shape_cast %swap3A_5230 : vector<1x1x16xf32> to vector<16xf32>
    %swap3A_5232 = vector.shape_cast %add3A_5224 : vector<16xf32> to vector<1x1x16xf32>
    tpu.vector_store %arg5[%swap3A_5227, %swap3A_5228, %swap3A_5229], %swap3A_5232 {strides = array<i32>} : memref<2x128x128xf32, #tpu.memory_space<vmem>>, vector<1x1x16xf32>,
    %get3A_5233 = arith.constant 1 : i32
    %get3A_5234 = arith.constant 107 : i32
    %get3A_5235 = arith.index_cast %get3A_5233 : i32 to index
    %get3A_5236 = arith.index_cast %get3A_5234 : i32 to index
    %get3A_5237 = arith.constant 96 : index
    %get3A_5238 = tpu.vector_load %arg5[%get3A_5235, %get3A_5236, %get3A_5237] {strides = array<i32>} : memref<2x128x128xf32, #tpu.memory_space<vmem>>, vector<1x1x16xf32>,
    %get3A_5239 = vector.shape_cast %get3A_5238 : vector<1x1x16xf32> to vector<16xf32>
    %eq3A_5240 = arith.constant 11 : i32
    %eq3A_5241 = vector.broadcast %eq3A_5240 : i32 to vector<16xi32>
    %eq3A_5242 = arith.cmpi eq, %iota3A, %eq3A_5241 : vector<16xi32>
    %jit3A_5243 = arith.constant 0.000000e+00 : f32
    %broadcast_in_dim3A_5244 = vector.broadcast %jit3A_5243 : f32 to vector<16xf32>
    %select_n3A_5245 = arith.select %eq3A_5242, %get3A_2, %broadcast_in_dim3A_5244 : vector<16xi1>, vector<16xf32>
    %add3A_5246 = arith.addf %get3A_5239, %select_n3A_5245 : vector<16xf32>
    %swap3A_5247 = arith.constant 1 : i32
    %swap3A_5248 = arith.constant 107 : i32
    %swap3A_5249 = arith.index_cast %swap3A_5247 : i32 to index
    %swap3A_5250 = arith.index_cast %swap3A_5248 : i32 to index
    %swap3A_5251 = arith.constant 96 : index
    %swap3A_5252 = tpu.vector_load %arg5[%swap3A_5249, %swap3A_5250, %swap3A_5251] {strides = array<i32>} : memref<2x128x128xf32, #tpu.memory_space<vmem>>, vector<1x1x16xf32>,
    %swap3A_5253 = vector.shape_cast %swap3A_5252 : vector<1x1x16xf32> to vector<16xf32>
    %swap3A_5254 = vector.shape_cast %add3A_5246 : vector<16xf32> to vector<1x1x16xf32>
    tpu.vector_store %arg5[%swap3A_5249, %swap3A_5250, %swap3A_5251], %swap3A_5254 {strides = array<i32>} : memref<2x128x128xf32, #tpu.memory_space<vmem>>, vector<1x1x16xf32>,
    %get3A_5255 = arith.constant 1 : i32
    %get3A_5256 = arith.constant 108 : i32
    %get3A_5257 = arith.index_cast %get3A_5255 : i32 to index
    %get3A_5258 = arith.index_cast %get3A_5256 : i32 to index
    %get3A_5259 = arith.constant 96 : index
    %get3A_5260 = tpu.vector_load %arg5[%get3A_5257, %get3A_5258, %get3A_5259] {strides = array<i32>} : memref<2x128x128xf32, #tpu.memory_space<vmem>>, vector<1x1x16xf32>,
    %get3A_5261 = vector.shape_cast %get3A_5260 : vector<1x1x16xf32> to vector<16xf32>
    %eq3A_5262 = arith.constant 12 : i32
    %eq3A_5263 = vector.broadcast %eq3A_5262 : i32 to vector<16xi32>
    %eq3A_5264 = arith.cmpi eq, %iota3A, %eq3A_5263 : vector<16xi32>
    %jit3A_5265 = arith.constant 0.000000e+00 : f32
    %broadcast_in_dim3A_5266 = vector.broadcast %jit3A_5265 : f32 to vector<16xf32>
    %select_n3A_5267 = arith.select %eq3A_5264, %get3A_2, %broadcast_in_dim3A_5266 : vector<16xi1>, vector<16xf32>
    %add3A_5268 = arith.addf %get3A_5261, %select_n3A_5267 : vector<16xf32>
    %swap3A_5269 = arith.constant 1 : i32
    %swap3A_5270 = arith.constant 108 : i32
    %swap3A_5271 = arith.index_cast %swap3A_5269 : i32 to index
    %swap3A_5272 = arith.index_cast %swap3A_5270 : i32 to index
    %swap3A_5273 = arith.constant 96 : index
    %swap3A_5274 = tpu.vector_load %arg5[%swap3A_5271, %swap3A_5272, %swap3A_5273] {strides = array<i32>} : memref<2x128x128xf32, #tpu.memory_space<vmem>>, vector<1x1x16xf32>,
    %swap3A_5275 = vector.shape_cast %swap3A_5274 : vector<1x1x16xf32> to vector<16xf32>
    %swap3A_5276 = vector.shape_cast %add3A_5268 : vector<16xf32> to vector<1x1x16xf32>
    tpu.vector_store %arg5[%swap3A_5271, %swap3A_5272, %swap3A_5273], %swap3A_5276 {strides = array<i32>} : memref<2x128x128xf32, #tpu.memory_space<vmem>>, vector<1x1x16xf32>,
    %get3A_5277 = arith.constant 1 : i32
    %get3A_5278 = arith.constant 109 : i32
    %get3A_5279 = arith.index_cast %get3A_5277 : i32 to index
    %get3A_5280 = arith.index_cast %get3A_5278 : i32 to index
    %get3A_5281 = arith.constant 96 : index
    %get3A_5282 = tpu.vector_load %arg5[%get3A_5279, %get3A_5280, %get3A_5281] {strides = array<i32>} : memref<2x128x128xf32, #tpu.memory_space<vmem>>, vector<1x1x16xf32>,
    %get3A_5283 = vector.shape_cast %get3A_5282 : vector<1x1x16xf32> to vector<16xf32>
    %eq3A_5284 = arith.constant 13 : i32
    %eq3A_5285 = vector.broadcast %eq3A_5284 : i32 to vector<16xi32>
    %eq3A_5286 = arith.cmpi eq, %iota3A, %eq3A_5285 : vector<16xi32>
    %jit3A_5287 = arith.constant 0.000000e+00 : f32
    %broadcast_in_dim3A_5288 = vector.broadcast %jit3A_5287 : f32 to vector<16xf32>
    %select_n3A_5289 = arith.select %eq3A_5286, %get3A_2, %broadcast_in_dim3A_5288 : vector<16xi1>, vector<16xf32>
    %add3A_5290 = arith.addf %get3A_5283, %select_n3A_5289 : vector<16xf32>
    %swap3A_5291 = arith.constant 1 : i32
    %swap3A_5292 = arith.constant 109 : i32
    %swap3A_5293 = arith.index_cast %swap3A_5291 : i32 to index
    %swap3A_5294 = arith.index_cast %swap3A_5292 : i32 to index
    %swap3A_5295 = arith.constant 96 : index
    %swap3A_5296 = tpu.vector_load %arg5[%swap3A_5293, %swap3A_5294, %swap3A_5295] {strides = array<i32>} : memref<2x128x128xf32, #tpu.memory_space<vmem>>, vector<1x1x16xf32>,
    %swap3A_5297 = vector.shape_cast %swap3A_5296 : vector<1x1x16xf32> to vector<16xf32>
    %swap3A_5298 = vector.shape_cast %add3A_5290 : vector<16xf32> to vector<1x1x16xf32>
    tpu.vector_store %arg5[%swap3A_5293, %swap3A_5294, %swap3A_5295], %swap3A_5298 {strides = array<i32>} : memref<2x128x128xf32, #tpu.memory_space<vmem>>, vector<1x1x16xf32>,
    %get3A_5299 = arith.constant 1 : i32
    %get3A_5300 = arith.constant 110 : i32
    %get3A_5301 = arith.index_cast %get3A_5299 : i32 to index
    %get3A_5302 = arith.index_cast %get3A_5300 : i32 to index
    %get3A_5303 = arith.constant 96 : index
    %get3A_5304 = tpu.vector_load %arg5[%get3A_5301, %get3A_5302, %get3A_5303] {strides = array<i32>} : memref<2x128x128xf32, #tpu.memory_space<vmem>>, vector<1x1x16xf32>,
    %get3A_5305 = vector.shape_cast %get3A_5304 : vector<1x1x16xf32> to vector<16xf32>
    %eq3A_5306 = arith.constant 14 : i32
    %eq3A_5307 = vector.broadcast %eq3A_5306 : i32 to vector<16xi32>
    %eq3A_5308 = arith.cmpi eq, %iota3A, %eq3A_5307 : vector<16xi32>
    %jit3A_5309 = arith.constant 0.000000e+00 : f32
    %broadcast_in_dim3A_5310 = vector.broadcast %jit3A_5309 : f32 to vector<16xf32>
    %select_n3A_5311 = arith.select %eq3A_5308, %get3A_2, %broadcast_in_dim3A_5310 : vector<16xi1>, vector<16xf32>
    %add3A_5312 = arith.addf %get3A_5305, %select_n3A_5311 : vector<16xf32>
    %swap3A_5313 = arith.constant 1 : i32
    %swap3A_5314 = arith.constant 110 : i32
    %swap3A_5315 = arith.index_cast %swap3A_5313 : i32 to index
    %swap3A_5316 = arith.index_cast %swap3A_5314 : i32 to index
    %swap3A_5317 = arith.constant 96 : index
    %swap3A_5318 = tpu.vector_load %arg5[%swap3A_5315, %swap3A_5316, %swap3A_5317] {strides = array<i32>} : memref<2x128x128xf32, #tpu.memory_space<vmem>>, vector<1x1x16xf32>,
    %swap3A_5319 = vector.shape_cast %swap3A_5318 : vector<1x1x16xf32> to vector<16xf32>
    %swap3A_5320 = vector.shape_cast %add3A_5312 : vector<16xf32> to vector<1x1x16xf32>
    tpu.vector_store %arg5[%swap3A_5315, %swap3A_5316, %swap3A_5317], %swap3A_5320 {strides = array<i32>} : memref<2x128x128xf32, #tpu.memory_space<vmem>>, vector<1x1x16xf32>,
    %get3A_5321 = arith.constant 1 : i32
    %get3A_5322 = arith.constant 111 : i32
    %get3A_5323 = arith.index_cast %get3A_5321 : i32 to index
    %get3A_5324 = arith.index_cast %get3A_5322 : i32 to index
    %get3A_5325 = arith.constant 96 : index
    %get3A_5326 = tpu.vector_load %arg5[%get3A_5323, %get3A_5324, %get3A_5325] {strides = array<i32>} : memref<2x128x128xf32, #tpu.memory_space<vmem>>, vector<1x1x16xf32>,
    %get3A_5327 = vector.shape_cast %get3A_5326 : vector<1x1x16xf32> to vector<16xf32>
    %eq3A_5328 = arith.constant 15 : i32
    %eq3A_5329 = vector.broadcast %eq3A_5328 : i32 to vector<16xi32>
    %eq3A_5330 = arith.cmpi eq, %iota3A, %eq3A_5329 : vector<16xi32>
    %jit3A_5331 = arith.constant 0.000000e+00 : f32
    %broadcast_in_dim3A_5332 = vector.broadcast %jit3A_5331 : f32 to vector<16xf32>
    %select_n3A_5333 = arith.select %eq3A_5330, %get3A_2, %broadcast_in_dim3A_5332 : vector<16xi1>, vector<16xf32>
    %add3A_5334 = arith.addf %get3A_5327, %select_n3A_5333 : vector<16xf32>
    %swap3A_5335 = arith.constant 1 : i32
    %swap3A_5336 = arith.constant 111 : i32
    %swap3A_5337 = arith.index_cast %swap3A_5335 : i32 to index
    %swap3A_5338 = arith.index_cast %swap3A_5336 : i32 to index
    %swap3A_5339 = arith.constant 96 : index
    %swap3A_5340 = tpu.vector_load %arg5[%swap3A_5337, %swap3A_5338, %swap3A_5339] {strides = array<i32>} : memref<2x128x128xf32, #tpu.memory_space<vmem>>, vector<1x1x16xf32>,
    %swap3A_5341 = vector.shape_cast %swap3A_5340 : vector<1x1x16xf32> to vector<16xf32>
    %swap3A_5342 = vector.shape_cast %add3A_5334 : vector<16xf32> to vector<1x1x16xf32>
    tpu.vector_store %arg5[%swap3A_5337, %swap3A_5338, %swap3A_5339], %swap3A_5342 {strides = array<i32>} : memref<2x128x128xf32, #tpu.memory_space<vmem>>, vector<1x1x16xf32>,
    %get3A_5343 = arith.constant 1 : i32
    %get3A_5344 = arith.constant 112 : i32
    %get3A_5345 = arith.index_cast %get3A_5343 : i32 to index
    %get3A_5346 = arith.index_cast %get3A_5344 : i32 to index
    %get3A_5347 = arith.constant 112 : index
    %get3A_5348 = tpu.vector_load %arg5[%get3A_5345, %get3A_5346, %get3A_5347] {strides = array<i32>} : memref<2x128x128xf32, #tpu.memory_space<vmem>>, vector<1x1x16xf32>,
    %get3A_5349 = vector.shape_cast %get3A_5348 : vector<1x1x16xf32> to vector<16xf32>
    %eq3A_5350 = arith.constant 0 : i32
    %eq3A_5351 = vector.broadcast %eq3A_5350 : i32 to vector<16xi32>
    %eq3A_5352 = arith.cmpi eq, %iota3A, %eq3A_5351 : vector<16xi32>
    %jit3A_5353 = arith.constant 0.000000e+00 : f32
    %broadcast_in_dim3A_5354 = vector.broadcast %jit3A_5353 : f32 to vector<16xf32>
    %select_n3A_5355 = arith.select %eq3A_5352, %get3A_2, %broadcast_in_dim3A_5354 : vector<16xi1>, vector<16xf32>
    %add3A_5356 = arith.addf %get3A_5349, %select_n3A_5355 : vector<16xf32>
    %swap3A_5357 = arith.constant 1 : i32
    %swap3A_5358 = arith.constant 112 : i32
    %swap3A_5359 = arith.index_cast %swap3A_5357 : i32 to index
    %swap3A_5360 = arith.index_cast %swap3A_5358 : i32 to index
    %swap3A_5361 = arith.constant 112 : index
    %swap3A_5362 = tpu.vector_load %arg5[%swap3A_5359, %swap3A_5360, %swap3A_5361] {strides = array<i32>} : memref<2x128x128xf32, #tpu.memory_space<vmem>>, vector<1x1x16xf32>,
    %swap3A_5363 = vector.shape_cast %swap3A_5362 : vector<1x1x16xf32> to vector<16xf32>
    %swap3A_5364 = vector.shape_cast %add3A_5356 : vector<16xf32> to vector<1x1x16xf32>
    tpu.vector_store %arg5[%swap3A_5359, %swap3A_5360, %swap3A_5361], %swap3A_5364 {strides = array<i32>} : memref<2x128x128xf32, #tpu.memory_space<vmem>>, vector<1x1x16xf32>,
    %get3A_5365 = arith.constant 1 : i32
    %get3A_5366 = arith.constant 113 : i32
    %get3A_5367 = arith.index_cast %get3A_5365 : i32 to index
    %get3A_5368 = arith.index_cast %get3A_5366 : i32 to index
    %get3A_5369 = arith.constant 112 : index
    %get3A_5370 = tpu.vector_load %arg5[%get3A_5367, %get3A_5368, %get3A_5369] {strides = array<i32>} : memref<2x128x128xf32, #tpu.memory_space<vmem>>, vector<1x1x16xf32>,
    %get3A_5371 = vector.shape_cast %get3A_5370 : vector<1x1x16xf32> to vector<16xf32>
    %eq3A_5372 = arith.constant 1 : i32
    %eq3A_5373 = vector.broadcast %eq3A_5372 : i32 to vector<16xi32>
    %eq3A_5374 = arith.cmpi eq, %iota3A, %eq3A_5373 : vector<16xi32>
    %jit3A_5375 = arith.constant 0.000000e+00 : f32
    %broadcast_in_dim3A_5376 = vector.broadcast %jit3A_5375 : f32 to vector<16xf32>
    %select_n3A_5377 = arith.select %eq3A_5374, %get3A_2, %broadcast_in_dim3A_5376 : vector<16xi1>, vector<16xf32>
    %add3A_5378 = arith.addf %get3A_5371, %select_n3A_5377 : vector<16xf32>
    %swap3A_5379 = arith.constant 1 : i32
    %swap3A_5380 = arith.constant 113 : i32
    %swap3A_5381 = arith.index_cast %swap3A_5379 : i32 to index
    %swap3A_5382 = arith.index_cast %swap3A_5380 : i32 to index
    %swap3A_5383 = arith.constant 112 : index
    %swap3A_5384 = tpu.vector_load %arg5[%swap3A_5381, %swap3A_5382, %swap3A_5383] {strides = array<i32>} : memref<2x128x128xf32, #tpu.memory_space<vmem>>, vector<1x1x16xf32>,
    %swap3A_5385 = vector.shape_cast %swap3A_5384 : vector<1x1x16xf32> to vector<16xf32>
    %swap3A_5386 = vector.shape_cast %add3A_5378 : vector<16xf32> to vector<1x1x16xf32>
    tpu.vector_store %arg5[%swap3A_5381, %swap3A_5382, %swap3A_5383], %swap3A_5386 {strides = array<i32>} : memref<2x128x128xf32, #tpu.memory_space<vmem>>, vector<1x1x16xf32>,
    %get3A_5387 = arith.constant 1 : i32
    %get3A_5388 = arith.constant 114 : i32
    %get3A_5389 = arith.index_cast %get3A_5387 : i32 to index
    %get3A_5390 = arith.index_cast %get3A_5388 : i32 to index
    %get3A_5391 = arith.constant 112 : index
    %get3A_5392 = tpu.vector_load %arg5[%get3A_5389, %get3A_5390, %get3A_5391] {strides = array<i32>} : memref<2x128x128xf32, #tpu.memory_space<vmem>>, vector<1x1x16xf32>,
    %get3A_5393 = vector.shape_cast %get3A_5392 : vector<1x1x16xf32> to vector<16xf32>
    %eq3A_5394 = arith.constant 2 : i32
    %eq3A_5395 = vector.broadcast %eq3A_5394 : i32 to vector<16xi32>
    %eq3A_5396 = arith.cmpi eq, %iota3A, %eq3A_5395 : vector<16xi32>
    %jit3A_5397 = arith.constant 0.000000e+00 : f32
    %broadcast_in_dim3A_5398 = vector.broadcast %jit3A_5397 : f32 to vector<16xf32>
    %select_n3A_5399 = arith.select %eq3A_5396, %get3A_2, %broadcast_in_dim3A_5398 : vector<16xi1>, vector<16xf32>
    %add3A_5400 = arith.addf %get3A_5393, %select_n3A_5399 : vector<16xf32>
    %swap3A_5401 = arith.constant 1 : i32
    %swap3A_5402 = arith.constant 114 : i32
    %swap3A_5403 = arith.index_cast %swap3A_5401 : i32 to index
    %swap3A_5404 = arith.index_cast %swap3A_5402 : i32 to index
    %swap3A_5405 = arith.constant 112 : index
    %swap3A_5406 = tpu.vector_load %arg5[%swap3A_5403, %swap3A_5404, %swap3A_5405] {strides = array<i32>} : memref<2x128x128xf32, #tpu.memory_space<vmem>>, vector<1x1x16xf32>,
    %swap3A_5407 = vector.shape_cast %swap3A_5406 : vector<1x1x16xf32> to vector<16xf32>
    %swap3A_5408 = vector.shape_cast %add3A_5400 : vector<16xf32> to vector<1x1x16xf32>
    tpu.vector_store %arg5[%swap3A_5403, %swap3A_5404, %swap3A_5405], %swap3A_5408 {strides = array<i32>} : memref<2x128x128xf32, #tpu.memory_space<vmem>>, vector<1x1x16xf32>,
    %get3A_5409 = arith.constant 1 : i32
    %get3A_5410 = arith.constant 115 : i32
    %get3A_5411 = arith.index_cast %get3A_5409 : i32 to index
    %get3A_5412 = arith.index_cast %get3A_5410 : i32 to index
    %get3A_5413 = arith.constant 112 : index
    %get3A_5414 = tpu.vector_load %arg5[%get3A_5411, %get3A_5412, %get3A_5413] {strides = array<i32>} : memref<2x128x128xf32, #tpu.memory_space<vmem>>, vector<1x1x16xf32>,
    %get3A_5415 = vector.shape_cast %get3A_5414 : vector<1x1x16xf32> to vector<16xf32>
    %eq3A_5416 = arith.constant 3 : i32
    %eq3A_5417 = vector.broadcast %eq3A_5416 : i32 to vector<16xi32>
    %eq3A_5418 = arith.cmpi eq, %iota3A, %eq3A_5417 : vector<16xi32>
    %jit3A_5419 = arith.constant 0.000000e+00 : f32
    %broadcast_in_dim3A_5420 = vector.broadcast %jit3A_5419 : f32 to vector<16xf32>
    %select_n3A_5421 = arith.select %eq3A_5418, %get3A_2, %broadcast_in_dim3A_5420 : vector<16xi1>, vector<16xf32>
    %add3A_5422 = arith.addf %get3A_5415, %select_n3A_5421 : vector<16xf32>
    %swap3A_5423 = arith.constant 1 : i32
    %swap3A_5424 = arith.constant 115 : i32
    %swap3A_5425 = arith.index_cast %swap3A_5423 : i32 to index
    %swap3A_5426 = arith.index_cast %swap3A_5424 : i32 to index
    %swap3A_5427 = arith.constant 112 : index
    %swap3A_5428 = tpu.vector_load %arg5[%swap3A_5425, %swap3A_5426, %swap3A_5427] {strides = array<i32>} : memref<2x128x128xf32, #tpu.memory_space<vmem>>, vector<1x1x16xf32>,
    %swap3A_5429 = vector.shape_cast %swap3A_5428 : vector<1x1x16xf32> to vector<16xf32>
    %swap3A_5430 = vector.shape_cast %add3A_5422 : vector<16xf32> to vector<1x1x16xf32>
    tpu.vector_store %arg5[%swap3A_5425, %swap3A_5426, %swap3A_5427], %swap3A_5430 {strides = array<i32>} : memref<2x128x128xf32, #tpu.memory_space<vmem>>, vector<1x1x16xf32>,
    %get3A_5431 = arith.constant 1 : i32
    %get3A_5432 = arith.constant 116 : i32
    %get3A_5433 = arith.index_cast %get3A_5431 : i32 to index
    %get3A_5434 = arith.index_cast %get3A_5432 : i32 to index
    %get3A_5435 = arith.constant 112 : index
    %get3A_5436 = tpu.vector_load %arg5[%get3A_5433, %get3A_5434, %get3A_5435] {strides = array<i32>} : memref<2x128x128xf32, #tpu.memory_space<vmem>>, vector<1x1x16xf32>,
    %get3A_5437 = vector.shape_cast %get3A_5436 : vector<1x1x16xf32> to vector<16xf32>
    %eq3A_5438 = arith.constant 4 : i32
    %eq3A_5439 = vector.broadcast %eq3A_5438 : i32 to vector<16xi32>
    %eq3A_5440 = arith.cmpi eq, %iota3A, %eq3A_5439 : vector<16xi32>
    %jit3A_5441 = arith.constant 0.000000e+00 : f32
    %broadcast_in_dim3A_5442 = vector.broadcast %jit3A_5441 : f32 to vector<16xf32>
    %select_n3A_5443 = arith.select %eq3A_5440, %get3A_2, %broadcast_in_dim3A_5442 : vector<16xi1>, vector<16xf32>
    %add3A_5444 = arith.addf %get3A_5437, %select_n3A_5443 : vector<16xf32>
    %swap3A_5445 = arith.constant 1 : i32
    %swap3A_5446 = arith.constant 116 : i32
    %swap3A_5447 = arith.index_cast %swap3A_5445 : i32 to index
    %swap3A_5448 = arith.index_cast %swap3A_5446 : i32 to index
    %swap3A_5449 = arith.constant 112 : index
    %swap3A_5450 = tpu.vector_load %arg5[%swap3A_5447, %swap3A_5448, %swap3A_5449] {strides = array<i32>} : memref<2x128x128xf32, #tpu.memory_space<vmem>>, vector<1x1x16xf32>,
    %swap3A_5451 = vector.shape_cast %swap3A_5450 : vector<1x1x16xf32> to vector<16xf32>
    %swap3A_5452 = vector.shape_cast %add3A_5444 : vector<16xf32> to vector<1x1x16xf32>
    tpu.vector_store %arg5[%swap3A_5447, %swap3A_5448, %swap3A_5449], %swap3A_5452 {strides = array<i32>} : memref<2x128x128xf32, #tpu.memory_space<vmem>>, vector<1x1x16xf32>,
    %get3A_5453 = arith.constant 1 : i32
    %get3A_5454 = arith.constant 117 : i32
    %get3A_5455 = arith.index_cast %get3A_5453 : i32 to index
    %get3A_5456 = arith.index_cast %get3A_5454 : i32 to index
    %get3A_5457 = arith.constant 112 : index
    %get3A_5458 = tpu.vector_load %arg5[%get3A_5455, %get3A_5456, %get3A_5457] {strides = array<i32>} : memref<2x128x128xf32, #tpu.memory_space<vmem>>, vector<1x1x16xf32>,
    %get3A_5459 = vector.shape_cast %get3A_5458 : vector<1x1x16xf32> to vector<16xf32>
    %eq3A_5460 = arith.constant 5 : i32
    %eq3A_5461 = vector.broadcast %eq3A_5460 : i32 to vector<16xi32>
    %eq3A_5462 = arith.cmpi eq, %iota3A, %eq3A_5461 : vector<16xi32>
    %jit3A_5463 = arith.constant 0.000000e+00 : f32
    %broadcast_in_dim3A_5464 = vector.broadcast %jit3A_5463 : f32 to vector<16xf32>
    %select_n3A_5465 = arith.select %eq3A_5462, %get3A_2, %broadcast_in_dim3A_5464 : vector<16xi1>, vector<16xf32>
    %add3A_5466 = arith.addf %get3A_5459, %select_n3A_5465 : vector<16xf32>
    %swap3A_5467 = arith.constant 1 : i32
    %swap3A_5468 = arith.constant 117 : i32
    %swap3A_5469 = arith.index_cast %swap3A_5467 : i32 to index
    %swap3A_5470 = arith.index_cast %swap3A_5468 : i32 to index
    %swap3A_5471 = arith.constant 112 : index
    %swap3A_5472 = tpu.vector_load %arg5[%swap3A_5469, %swap3A_5470, %swap3A_5471] {strides = array<i32>} : memref<2x128x128xf32, #tpu.memory_space<vmem>>, vector<1x1x16xf32>,
    %swap3A_5473 = vector.shape_cast %swap3A_5472 : vector<1x1x16xf32> to vector<16xf32>
    %swap3A_5474 = vector.shape_cast %add3A_5466 : vector<16xf32> to vector<1x1x16xf32>
    tpu.vector_store %arg5[%swap3A_5469, %swap3A_5470, %swap3A_5471], %swap3A_5474 {strides = array<i32>} : memref<2x128x128xf32, #tpu.memory_space<vmem>>, vector<1x1x16xf32>,
    %get3A_5475 = arith.constant 1 : i32
    %get3A_5476 = arith.constant 118 : i32
    %get3A_5477 = arith.index_cast %get3A_5475 : i32 to index
    %get3A_5478 = arith.index_cast %get3A_5476 : i32 to index
    %get3A_5479 = arith.constant 112 : index
    %get3A_5480 = tpu.vector_load %arg5[%get3A_5477, %get3A_5478, %get3A_5479] {strides = array<i32>} : memref<2x128x128xf32, #tpu.memory_space<vmem>>, vector<1x1x16xf32>,
    %get3A_5481 = vector.shape_cast %get3A_5480 : vector<1x1x16xf32> to vector<16xf32>
    %eq3A_5482 = arith.constant 6 : i32
    %eq3A_5483 = vector.broadcast %eq3A_5482 : i32 to vector<16xi32>
    %eq3A_5484 = arith.cmpi eq, %iota3A, %eq3A_5483 : vector<16xi32>
    %jit3A_5485 = arith.constant 0.000000e+00 : f32
    %broadcast_in_dim3A_5486 = vector.broadcast %jit3A_5485 : f32 to vector<16xf32>
    %select_n3A_5487 = arith.select %eq3A_5484, %get3A_2, %broadcast_in_dim3A_5486 : vector<16xi1>, vector<16xf32>
    %add3A_5488 = arith.addf %get3A_5481, %select_n3A_5487 : vector<16xf32>
    %swap3A_5489 = arith.constant 1 : i32
    %swap3A_5490 = arith.constant 118 : i32
    %swap3A_5491 = arith.index_cast %swap3A_5489 : i32 to index
    %swap3A_5492 = arith.index_cast %swap3A_5490 : i32 to index
    %swap3A_5493 = arith.constant 112 : index
    %swap3A_5494 = tpu.vector_load %arg5[%swap3A_5491, %swap3A_5492, %swap3A_5493] {strides = array<i32>} : memref<2x128x128xf32, #tpu.memory_space<vmem>>, vector<1x1x16xf32>,
    %swap3A_5495 = vector.shape_cast %swap3A_5494 : vector<1x1x16xf32> to vector<16xf32>
    %swap3A_5496 = vector.shape_cast %add3A_5488 : vector<16xf32> to vector<1x1x16xf32>
    tpu.vector_store %arg5[%swap3A_5491, %swap3A_5492, %swap3A_5493], %swap3A_5496 {strides = array<i32>} : memref<2x128x128xf32, #tpu.memory_space<vmem>>, vector<1x1x16xf32>,
    %get3A_5497 = arith.constant 1 : i32
    %get3A_5498 = arith.constant 119 : i32
    %get3A_5499 = arith.index_cast %get3A_5497 : i32 to index
    %get3A_5500 = arith.index_cast %get3A_5498 : i32 to index
    %get3A_5501 = arith.constant 112 : index
    %get3A_5502 = tpu.vector_load %arg5[%get3A_5499, %get3A_5500, %get3A_5501] {strides = array<i32>} : memref<2x128x128xf32, #tpu.memory_space<vmem>>, vector<1x1x16xf32>,
    %get3A_5503 = vector.shape_cast %get3A_5502 : vector<1x1x16xf32> to vector<16xf32>
    %eq3A_5504 = arith.constant 7 : i32
    %eq3A_5505 = vector.broadcast %eq3A_5504 : i32 to vector<16xi32>
    %eq3A_5506 = arith.cmpi eq, %iota3A, %eq3A_5505 : vector<16xi32>
    %jit3A_5507 = arith.constant 0.000000e+00 : f32
    %broadcast_in_dim3A_5508 = vector.broadcast %jit3A_5507 : f32 to vector<16xf32>
    %select_n3A_5509 = arith.select %eq3A_5506, %get3A_2, %broadcast_in_dim3A_5508 : vector<16xi1>, vector<16xf32>
    %add3A_5510 = arith.addf %get3A_5503, %select_n3A_5509 : vector<16xf32>
    %swap3A_5511 = arith.constant 1 : i32
    %swap3A_5512 = arith.constant 119 : i32
    %swap3A_5513 = arith.index_cast %swap3A_5511 : i32 to index
    %swap3A_5514 = arith.index_cast %swap3A_5512 : i32 to index
    %swap3A_5515 = arith.constant 112 : index
    %swap3A_5516 = tpu.vector_load %arg5[%swap3A_5513, %swap3A_5514, %swap3A_5515] {strides = array<i32>} : memref<2x128x128xf32, #tpu.memory_space<vmem>>, vector<1x1x16xf32>,
    %swap3A_5517 = vector.shape_cast %swap3A_5516 : vector<1x1x16xf32> to vector<16xf32>
    %swap3A_5518 = vector.shape_cast %add3A_5510 : vector<16xf32> to vector<1x1x16xf32>
    tpu.vector_store %arg5[%swap3A_5513, %swap3A_5514, %swap3A_5515], %swap3A_5518 {strides = array<i32>} : memref<2x128x128xf32, #tpu.memory_space<vmem>>, vector<1x1x16xf32>,
    %get3A_5519 = arith.constant 1 : i32
    %get3A_5520 = arith.constant 120 : i32
    %get3A_5521 = arith.index_cast %get3A_5519 : i32 to index
    %get3A_5522 = arith.index_cast %get3A_5520 : i32 to index
    %get3A_5523 = arith.constant 112 : index
    %get3A_5524 = tpu.vector_load %arg5[%get3A_5521, %get3A_5522, %get3A_5523] {strides = array<i32>} : memref<2x128x128xf32, #tpu.memory_space<vmem>>, vector<1x1x16xf32>,
    %get3A_5525 = vector.shape_cast %get3A_5524 : vector<1x1x16xf32> to vector<16xf32>
    %eq3A_5526 = arith.constant 8 : i32
    %eq3A_5527 = vector.broadcast %eq3A_5526 : i32 to vector<16xi32>
    %eq3A_5528 = arith.cmpi eq, %iota3A, %eq3A_5527 : vector<16xi32>
    %jit3A_5529 = arith.constant 0.000000e+00 : f32
    %broadcast_in_dim3A_5530 = vector.broadcast %jit3A_5529 : f32 to vector<16xf32>
    %select_n3A_5531 = arith.select %eq3A_5528, %get3A_2, %broadcast_in_dim3A_5530 : vector<16xi1>, vector<16xf32>
    %add3A_5532 = arith.addf %get3A_5525, %select_n3A_5531 : vector<16xf32>
    %swap3A_5533 = arith.constant 1 : i32
    %swap3A_5534 = arith.constant 120 : i32
    %swap3A_5535 = arith.index_cast %swap3A_5533 : i32 to index
    %swap3A_5536 = arith.index_cast %swap3A_5534 : i32 to index
    %swap3A_5537 = arith.constant 112 : index
    %swap3A_5538 = tpu.vector_load %arg5[%swap3A_5535, %swap3A_5536, %swap3A_5537] {strides = array<i32>} : memref<2x128x128xf32, #tpu.memory_space<vmem>>, vector<1x1x16xf32>,
    %swap3A_5539 = vector.shape_cast %swap3A_5538 : vector<1x1x16xf32> to vector<16xf32>
    %swap3A_5540 = vector.shape_cast %add3A_5532 : vector<16xf32> to vector<1x1x16xf32>
    tpu.vector_store %arg5[%swap3A_5535, %swap3A_5536, %swap3A_5537], %swap3A_5540 {strides = array<i32>} : memref<2x128x128xf32, #tpu.memory_space<vmem>>, vector<1x1x16xf32>,
    %get3A_5541 = arith.constant 1 : i32
    %get3A_5542 = arith.constant 121 : i32
    %get3A_5543 = arith.index_cast %get3A_5541 : i32 to index
    %get3A_5544 = arith.index_cast %get3A_5542 : i32 to index
    %get3A_5545 = arith.constant 112 : index
    %get3A_5546 = tpu.vector_load %arg5[%get3A_5543, %get3A_5544, %get3A_5545] {strides = array<i32>} : memref<2x128x128xf32, #tpu.memory_space<vmem>>, vector<1x1x16xf32>,
    %get3A_5547 = vector.shape_cast %get3A_5546 : vector<1x1x16xf32> to vector<16xf32>
    %eq3A_5548 = arith.constant 9 : i32
    %eq3A_5549 = vector.broadcast %eq3A_5548 : i32 to vector<16xi32>
    %eq3A_5550 = arith.cmpi eq, %iota3A, %eq3A_5549 : vector<16xi32>
    %jit3A_5551 = arith.constant 0.000000e+00 : f32
    %broadcast_in_dim3A_5552 = vector.broadcast %jit3A_5551 : f32 to vector<16xf32>
    %select_n3A_5553 = arith.select %eq3A_5550, %get3A_2, %broadcast_in_dim3A_5552 : vector<16xi1>, vector<16xf32>
    %add3A_5554 = arith.addf %get3A_5547, %select_n3A_5553 : vector<16xf32>
    %swap3A_5555 = arith.constant 1 : i32
    %swap3A_5556 = arith.constant 121 : i32
    %swap3A_5557 = arith.index_cast %swap3A_5555 : i32 to index
    %swap3A_5558 = arith.index_cast %swap3A_5556 : i32 to index
    %swap3A_5559 = arith.constant 112 : index
    %swap3A_5560 = tpu.vector_load %arg5[%swap3A_5557, %swap3A_5558, %swap3A_5559] {strides = array<i32>} : memref<2x128x128xf32, #tpu.memory_space<vmem>>, vector<1x1x16xf32>,
    %swap3A_5561 = vector.shape_cast %swap3A_5560 : vector<1x1x16xf32> to vector<16xf32>
    %swap3A_5562 = vector.shape_cast %add3A_5554 : vector<16xf32> to vector<1x1x16xf32>
    tpu.vector_store %arg5[%swap3A_5557, %swap3A_5558, %swap3A_5559], %swap3A_5562 {strides = array<i32>} : memref<2x128x128xf32, #tpu.memory_space<vmem>>, vector<1x1x16xf32>,
    %get3A_5563 = arith.constant 1 : i32
    %get3A_5564 = arith.constant 122 : i32
    %get3A_5565 = arith.index_cast %get3A_5563 : i32 to index
    %get3A_5566 = arith.index_cast %get3A_5564 : i32 to index
    %get3A_5567 = arith.constant 112 : index
    %get3A_5568 = tpu.vector_load %arg5[%get3A_5565, %get3A_5566, %get3A_5567] {strides = array<i32>} : memref<2x128x128xf32, #tpu.memory_space<vmem>>, vector<1x1x16xf32>,
    %get3A_5569 = vector.shape_cast %get3A_5568 : vector<1x1x16xf32> to vector<16xf32>
    %eq3A_5570 = arith.constant 10 : i32
    %eq3A_5571 = vector.broadcast %eq3A_5570 : i32 to vector<16xi32>
    %eq3A_5572 = arith.cmpi eq, %iota3A, %eq3A_5571 : vector<16xi32>
    %jit3A_5573 = arith.constant 0.000000e+00 : f32
    %broadcast_in_dim3A_5574 = vector.broadcast %jit3A_5573 : f32 to vector<16xf32>
    %select_n3A_5575 = arith.select %eq3A_5572, %get3A_2, %broadcast_in_dim3A_5574 : vector<16xi1>, vector<16xf32>
    %add3A_5576 = arith.addf %get3A_5569, %select_n3A_5575 : vector<16xf32>
    %swap3A_5577 = arith.constant 1 : i32
    %swap3A_5578 = arith.constant 122 : i32
    %swap3A_5579 = arith.index_cast %swap3A_5577 : i32 to index
    %swap3A_5580 = arith.index_cast %swap3A_5578 : i32 to index
    %swap3A_5581 = arith.constant 112 : index
    %swap3A_5582 = tpu.vector_load %arg5[%swap3A_5579, %swap3A_5580, %swap3A_5581] {strides = array<i32>} : memref<2x128x128xf32, #tpu.memory_space<vmem>>, vector<1x1x16xf32>,
    %swap3A_5583 = vector.shape_cast %swap3A_5582 : vector<1x1x16xf32> to vector<16xf32>
    %swap3A_5584 = vector.shape_cast %add3A_5576 : vector<16xf32> to vector<1x1x16xf32>
    tpu.vector_store %arg5[%swap3A_5579, %swap3A_5580, %swap3A_5581], %swap3A_5584 {strides = array<i32>} : memref<2x128x128xf32, #tpu.memory_space<vmem>>, vector<1x1x16xf32>,
    %get3A_5585 = arith.constant 1 : i32
    %get3A_5586 = arith.constant 123 : i32
    %get3A_5587 = arith.index_cast %get3A_5585 : i32 to index
    %get3A_5588 = arith.index_cast %get3A_5586 : i32 to index
    %get3A_5589 = arith.constant 112 : index
    %get3A_5590 = tpu.vector_load %arg5[%get3A_5587, %get3A_5588, %get3A_5589] {strides = array<i32>} : memref<2x128x128xf32, #tpu.memory_space<vmem>>, vector<1x1x16xf32>,
    %get3A_5591 = vector.shape_cast %get3A_5590 : vector<1x1x16xf32> to vector<16xf32>
    %eq3A_5592 = arith.constant 11 : i32
    %eq3A_5593 = vector.broadcast %eq3A_5592 : i32 to vector<16xi32>
    %eq3A_5594 = arith.cmpi eq, %iota3A, %eq3A_5593 : vector<16xi32>
    %jit3A_5595 = arith.constant 0.000000e+00 : f32
    %broadcast_in_dim3A_5596 = vector.broadcast %jit3A_5595 : f32 to vector<16xf32>
    %select_n3A_5597 = arith.select %eq3A_5594, %get3A_2, %broadcast_in_dim3A_5596 : vector<16xi1>, vector<16xf32>
    %add3A_5598 = arith.addf %get3A_5591, %select_n3A_5597 : vector<16xf32>
    %swap3A_5599 = arith.constant 1 : i32
    %swap3A_5600 = arith.constant 123 : i32
    %swap3A_5601 = arith.index_cast %swap3A_5599 : i32 to index
    %swap3A_5602 = arith.index_cast %swap3A_5600 : i32 to index
    %swap3A_5603 = arith.constant 112 : index
    %swap3A_5604 = tpu.vector_load %arg5[%swap3A_5601, %swap3A_5602, %swap3A_5603] {strides = array<i32>} : memref<2x128x128xf32, #tpu.memory_space<vmem>>, vector<1x1x16xf32>,
    %swap3A_5605 = vector.shape_cast %swap3A_5604 : vector<1x1x16xf32> to vector<16xf32>
    %swap3A_5606 = vector.shape_cast %add3A_5598 : vector<16xf32> to vector<1x1x16xf32>
    tpu.vector_store %arg5[%swap3A_5601, %swap3A_5602, %swap3A_5603], %swap3A_5606 {strides = array<i32>} : memref<2x128x128xf32, #tpu.memory_space<vmem>>, vector<1x1x16xf32>,
    %get3A_5607 = arith.constant 1 : i32
    %get3A_5608 = arith.constant 124 : i32
    %get3A_5609 = arith.index_cast %get3A_5607 : i32 to index
    %get3A_5610 = arith.index_cast %get3A_5608 : i32 to index
    %get3A_5611 = arith.constant 112 : index
    %get3A_5612 = tpu.vector_load %arg5[%get3A_5609, %get3A_5610, %get3A_5611] {strides = array<i32>} : memref<2x128x128xf32, #tpu.memory_space<vmem>>, vector<1x1x16xf32>,
    %get3A_5613 = vector.shape_cast %get3A_5612 : vector<1x1x16xf32> to vector<16xf32>
    %eq3A_5614 = arith.constant 12 : i32
    %eq3A_5615 = vector.broadcast %eq3A_5614 : i32 to vector<16xi32>
    %eq3A_5616 = arith.cmpi eq, %iota3A, %eq3A_5615 : vector<16xi32>
    %jit3A_5617 = arith.constant 0.000000e+00 : f32
    %broadcast_in_dim3A_5618 = vector.broadcast %jit3A_5617 : f32 to vector<16xf32>
    %select_n3A_5619 = arith.select %eq3A_5616, %get3A_2, %broadcast_in_dim3A_5618 : vector<16xi1>, vector<16xf32>
    %add3A_5620 = arith.addf %get3A_5613, %select_n3A_5619 : vector<16xf32>
    %swap3A_5621 = arith.constant 1 : i32
    %swap3A_5622 = arith.constant 124 : i32
    %swap3A_5623 = arith.index_cast %swap3A_5621 : i32 to index
    %swap3A_5624 = arith.index_cast %swap3A_5622 : i32 to index
    %swap3A_5625 = arith.constant 112 : index
    %swap3A_5626 = tpu.vector_load %arg5[%swap3A_5623, %swap3A_5624, %swap3A_5625] {strides = array<i32>} : memref<2x128x128xf32, #tpu.memory_space<vmem>>, vector<1x1x16xf32>,
    %swap3A_5627 = vector.shape_cast %swap3A_5626 : vector<1x1x16xf32> to vector<16xf32>
    %swap3A_5628 = vector.shape_cast %add3A_5620 : vector<16xf32> to vector<1x1x16xf32>
    tpu.vector_store %arg5[%swap3A_5623, %swap3A_5624, %swap3A_5625], %swap3A_5628 {strides = array<i32>} : memref<2x128x128xf32, #tpu.memory_space<vmem>>, vector<1x1x16xf32>,
    %get3A_5629 = arith.constant 1 : i32
    %get3A_5630 = arith.constant 125 : i32
    %get3A_5631 = arith.index_cast %get3A_5629 : i32 to index
    %get3A_5632 = arith.index_cast %get3A_5630 : i32 to index
    %get3A_5633 = arith.constant 112 : index
    %get3A_5634 = tpu.vector_load %arg5[%get3A_5631, %get3A_5632, %get3A_5633] {strides = array<i32>} : memref<2x128x128xf32, #tpu.memory_space<vmem>>, vector<1x1x16xf32>,
    %get3A_5635 = vector.shape_cast %get3A_5634 : vector<1x1x16xf32> to vector<16xf32>
    %eq3A_5636 = arith.constant 13 : i32
    %eq3A_5637 = vector.broadcast %eq3A_5636 : i32 to vector<16xi32>
    %eq3A_5638 = arith.cmpi eq, %iota3A, %eq3A_5637 : vector<16xi32>
    %jit3A_5639 = arith.constant 0.000000e+00 : f32
    %broadcast_in_dim3A_5640 = vector.broadcast %jit3A_5639 : f32 to vector<16xf32>
    %select_n3A_5641 = arith.select %eq3A_5638, %get3A_2, %broadcast_in_dim3A_5640 : vector<16xi1>, vector<16xf32>
    %add3A_5642 = arith.addf %get3A_5635, %select_n3A_5641 : vector<16xf32>
    %swap3A_5643 = arith.constant 1 : i32
    %swap3A_5644 = arith.constant 125 : i32
    %swap3A_5645 = arith.index_cast %swap3A_5643 : i32 to index
    %swap3A_5646 = arith.index_cast %swap3A_5644 : i32 to index
    %swap3A_5647 = arith.constant 112 : index
    %swap3A_5648 = tpu.vector_load %arg5[%swap3A_5645, %swap3A_5646, %swap3A_5647] {strides = array<i32>} : memref<2x128x128xf32, #tpu.memory_space<vmem>>, vector<1x1x16xf32>,
    %swap3A_5649 = vector.shape_cast %swap3A_5648 : vector<1x1x16xf32> to vector<16xf32>
    %swap3A_5650 = vector.shape_cast %add3A_5642 : vector<16xf32> to vector<1x1x16xf32>
    tpu.vector_store %arg5[%swap3A_5645, %swap3A_5646, %swap3A_5647], %swap3A_5650 {strides = array<i32>} : memref<2x128x128xf32, #tpu.memory_space<vmem>>, vector<1x1x16xf32>,
    %get3A_5651 = arith.constant 1 : i32
    %get3A_5652 = arith.constant 126 : i32
    %get3A_5653 = arith.index_cast %get3A_5651 : i32 to index
    %get3A_5654 = arith.index_cast %get3A_5652 : i32 to index
    %get3A_5655 = arith.constant 112 : index
    %get3A_5656 = tpu.vector_load %arg5[%get3A_5653, %get3A_5654, %get3A_5655] {strides = array<i32>} : memref<2x128x128xf32, #tpu.memory_space<vmem>>, vector<1x1x16xf32>,
    %get3A_5657 = vector.shape_cast %get3A_5656 : vector<1x1x16xf32> to vector<16xf32>
    %eq3A_5658 = arith.constant 14 : i32
    %eq3A_5659 = vector.broadcast %eq3A_5658 : i32 to vector<16xi32>
    %eq3A_5660 = arith.cmpi eq, %iota3A, %eq3A_5659 : vector<16xi32>
    %jit3A_5661 = arith.constant 0.000000e+00 : f32
    %broadcast_in_dim3A_5662 = vector.broadcast %jit3A_5661 : f32 to vector<16xf32>
    %select_n3A_5663 = arith.select %eq3A_5660, %get3A_2, %broadcast_in_dim3A_5662 : vector<16xi1>, vector<16xf32>
    %add3A_5664 = arith.addf %get3A_5657, %select_n3A_5663 : vector<16xf32>
    %swap3A_5665 = arith.constant 1 : i32
    %swap3A_5666 = arith.constant 126 : i32
    %swap3A_5667 = arith.index_cast %swap3A_5665 : i32 to index
    %swap3A_5668 = arith.index_cast %swap3A_5666 : i32 to index
    %swap3A_5669 = arith.constant 112 : index
    %swap3A_5670 = tpu.vector_load %arg5[%swap3A_5667, %swap3A_5668, %swap3A_5669] {strides = array<i32>} : memref<2x128x128xf32, #tpu.memory_space<vmem>>, vector<1x1x16xf32>,
    %swap3A_5671 = vector.shape_cast %swap3A_5670 : vector<1x1x16xf32> to vector<16xf32>
    %swap3A_5672 = vector.shape_cast %add3A_5664 : vector<16xf32> to vector<1x1x16xf32>
    tpu.vector_store %arg5[%swap3A_5667, %swap3A_5668, %swap3A_5669], %swap3A_5672 {strides = array<i32>} : memref<2x128x128xf32, #tpu.memory_space<vmem>>, vector<1x1x16xf32>,
    %get3A_5673 = arith.constant 1 : i32
    %get3A_5674 = arith.constant 127 : i32
    %get3A_5675 = arith.index_cast %get3A_5673 : i32 to index
    %get3A_5676 = arith.index_cast %get3A_5674 : i32 to index
    %get3A_5677 = arith.constant 112 : index
    %get3A_5678 = tpu.vector_load %arg5[%get3A_5675, %get3A_5676, %get3A_5677] {strides = array<i32>} : memref<2x128x128xf32, #tpu.memory_space<vmem>>, vector<1x1x16xf32>,
    %get3A_5679 = vector.shape_cast %get3A_5678 : vector<1x1x16xf32> to vector<16xf32>
    %eq3A_5680 = arith.constant 15 : i32
    %eq3A_5681 = vector.broadcast %eq3A_5680 : i32 to vector<16xi32>
    %eq3A_5682 = arith.cmpi eq, %iota3A, %eq3A_5681 : vector<16xi32>
    %jit3A_5683 = arith.constant 0.000000e+00 : f32
    %broadcast_in_dim3A_5684 = vector.broadcast %jit3A_5683 : f32 to vector<16xf32>
    %select_n3A_5685 = arith.select %eq3A_5682, %get3A_2, %broadcast_in_dim3A_5684 : vector<16xi1>, vector<16xf32>
    %add3A_5686 = arith.addf %get3A_5679, %select_n3A_5685 : vector<16xf32>
    %swap3A_5687 = arith.constant 1 : i32
    %swap3A_5688 = arith.constant 127 : i32
    %swap3A_5689 = arith.index_cast %swap3A_5687 : i32 to index
    %swap3A_5690 = arith.index_cast %swap3A_5688 : i32 to index
    %swap3A_5691 = arith.constant 112 : index
    %swap3A_5692 = tpu.vector_load %arg5[%swap3A_5689, %swap3A_5690, %swap3A_5691] {strides = array<i32>} : memref<2x128x128xf32, #tpu.memory_space<vmem>>, vector<1x1x16xf32>,
    %swap3A_5693 = vector.shape_cast %swap3A_5692 : vector<1x1x16xf32> to vector<16xf32>
    %swap3A_5694 = vector.shape_cast %add3A_5686 : vector<16xf32> to vector<1x1x16xf32>
    tpu.vector_store %arg5[%swap3A_5689, %swap3A_5690, %swap3A_5691], %swap3A_5694 {strides = array<i32>} : memref<2x128x128xf32, #tpu.memory_space<vmem>>, vector<1x1x16xf32>,
    %mul3A_5695 = arith.constant 256 : i32
    %mul3A_5696 = arith.muli %add3A, %mul3A_5695 : i32
    %add3A_5697 = arith.constant 128 : i32
    %add3A_5698 = arith.addi %mul3A_5696, %add3A_5697 : i32
    %dma_start3A_5699 = arith.constant 1 : i32
    %dma_start3A_5700 = arith.constant 0 : i32
    %dma_start3A_5701 = arith.constant 0 : i32
    %dma_start3A_5702 = tpu.memref_slice %arg5[%dma_start3A_5699, %dma_start3A_5700, %dma_start3A_5701] : memref<2x128x128xf32, #tpu.memory_space<vmem>> -> memref<1x128x128xf32, #tpu.memory_space<vmem>>
    %dma_start3A_5703 = tpu.memref_squeeze %dma_start3A_5702 : memref<1x128x128xf32, #tpu.memory_space<vmem>> -> memref<128x128xf32, #tpu.memory_space<vmem>>
    %dma_start3A_5704 = tpu.memref_slice %arg2[%add3A_5698, %add3A_5698] : memref<8192x8192xf32, #tpu.memory_space<hbm>> -> memref<128x128xf32, #tpu.memory_space<hbm>>
    %dma_start3A_5705 = tpu.memref_slice %arg2[%add3A_5698, %add3A_5698] : memref<8192x8192xf32, #tpu.memory_space<hbm>> -> memref<128x128xf32, #tpu.memory_space<hbm>>
    %dma_start3A_5706 = arith.constant 0 : i32
    %dma_start3A_5707 = arith.constant 0 : i32
    %dma_start3A_5708 = tpu.memref_slice %arg5[%dma_start3A_5699, %dma_start3A_5706, %dma_start3A_5707] : memref<2x128x128xf32, #tpu.memory_space<vmem>> -> memref<1x128x128xf32, #tpu.memory_space<vmem>>
    %dma_start3A_5709 = tpu.memref_squeeze %dma_start3A_5708 : memref<1x128x128xf32, #tpu.memory_space<vmem>> -> memref<128x128xf32, #tpu.memory_space<vmem>>
    tpu.enqueue_dma source(%dma_start3A_5709 : memref<128x128xf32, #tpu.memory_space<vmem>>) target(%dma_start3A_5705 : memref<128x128xf32, #tpu.memory_space<hbm>>) target_semaphore(%arg7 : memref<!tpu.dma_semaphore, #tpu.memory_space<semaphore_mem>>)
    %dma_wait3A_5710 = arith.constant 0 : i32
    %dma_wait3A_5711 = arith.constant 0 : i32
    %dma_wait3A_5712 = arith.constant 0 : i32
    %dma_wait3A_5713 = tpu.memref_slice %arg5[%dma_wait3A_5710, %dma_wait3A_5711, %dma_wait3A_5712] : memref<2x128x128xf32, #tpu.memory_space<vmem>> -> memref<1x128x128xf32, #tpu.memory_space<vmem>>
    %dma_wait3A_5714 = tpu.memref_squeeze %dma_wait3A_5713 : memref<1x128x128xf32, #tpu.memory_space<vmem>> -> memref<128x128xf32, #tpu.memory_space<vmem>>
    %dma_wait3A_5715 = tpu.memref_slice %arg2[%add3A_2867, %add3A_2867] : memref<8192x8192xf32, #tpu.memory_space<hbm>> -> memref<128x128xf32, #tpu.memory_space<hbm>>
    %dma_wait3A_5716 = tpu.memref_slice %arg2[%add3A_2867, %add3A_2867] : memref<8192x8192xf32, #tpu.memory_space<hbm>> -> memref<128x128xf32, #tpu.memory_space<hbm>>
    %dma_wait3A_5717 = arith.constant 0 : i32
    %dma_wait3A_5718 = arith.constant 0 : i32
    %dma_wait3A_5719 = tpu.memref_slice %arg5[%dma_wait3A_5710, %dma_wait3A_5717, %dma_wait3A_5718] : memref<2x128x128xf32, #tpu.memory_space<vmem>> -> memref<1x128x128xf32, #tpu.memory_space<vmem>>
    %dma_wait3A_5720 = tpu.memref_squeeze %dma_wait3A_5719 : memref<1x128x128xf32, #tpu.memory_space<vmem>> -> memref<128x128xf32, #tpu.memory_space<vmem>>
    tpu.wait_dma2 semaphore(%arg7 : memref<!tpu.dma_semaphore, #tpu.memory_space<semaphore_mem>>) src(%dma_wait3A_5720 : memref<128x128xf32, #tpu.memory_space<vmem>>) dst(%dma_wait3A_5716 : memref<128x128xf32, #tpu.memory_space<hbm>>)
    %dma_wait3A_5721 = arith.constant 1 : i32
    %dma_wait3A_5722 = arith.constant 0 : i32
    %dma_wait3A_5723 = arith.constant 0 : i32
    %dma_wait3A_5724 = tpu.memref_slice %arg5[%dma_wait3A_5721, %dma_wait3A_5722, %dma_wait3A_5723] : memref<2x128x128xf32, #tpu.memory_space<vmem>> -> memref<1x128x128xf32, #tpu.memory_space<vmem>>
    %dma_wait3A_5725 = tpu.memref_squeeze %dma_wait3A_5724 : memref<1x128x128xf32, #tpu.memory_space<vmem>> -> memref<128x128xf32, #tpu.memory_space<vmem>>
    %dma_wait3A_5726 = tpu.memref_slice %arg2[%add3A_5698, %add3A_5698] : memref<8192x8192xf32, #tpu.memory_space<hbm>> -> memref<128x128xf32, #tpu.memory_space<hbm>>
    %dma_wait3A_5727 = tpu.memref_slice %arg2[%add3A_5698, %add3A_5698] : memref<8192x8192xf32, #tpu.memory_space<hbm>> -> memref<128x128xf32, #tpu.memory_space<hbm>>
    %dma_wait3A_5728 = arith.constant 0 : i32
    %dma_wait3A_5729 = arith.constant 0 : i32
    %dma_wait3A_5730 = tpu.memref_slice %arg5[%dma_wait3A_5721, %dma_wait3A_5728, %dma_wait3A_5729] : memref<2x128x128xf32, #tpu.memory_space<vmem>> -> memref<1x128x128xf32, #tpu.memory_space<vmem>>
    %dma_wait3A_5731 = tpu.memref_squeeze %dma_wait3A_5730 : memref<1x128x128xf32, #tpu.memory_space<vmem>> -> memref<128x128xf32, #tpu.memory_space<vmem>>
    tpu.wait_dma2 semaphore(%arg7 : memref<!tpu.dma_semaphore, #tpu.memory_space<semaphore_mem>>) src(%dma_wait3A_5731 : memref<128x128xf32, #tpu.memory_space<vmem>>) dst(%dma_wait3A_5727 : memref<128x128xf32, #tpu.memory_space<hbm>>)
    return
  }
}

module attributes {stable_mosaic.version = 14 : i64} {
  func.func @_copy_body(%arg0: i32, %arg1: memref<256x8192xf32, #tpu.memory_space<vmem>>, %arg2: memref<256x8192xf32, #tpu.memory_space<vmem>>) attributes {dimension_semantics = [#tpu.dimension_semantics<parallel>], iteration_bounds = array<i64: 32>, scalar_prefetch = 0 : i64, scratch_operands = 0 : i64, tpu.core_type = #tpu.core_type<tc>, window_params = [{transform_indices = @transform_0, window_bounds = array<i64: 256, 8192>}, {transform_indices = @transform_1, window_bounds = array<i64: 256, 8192>}]} {
    %get3A = arith.constant 0 : index
    %get3A_0 = arith.constant 0 : index
    %get3A_1 = vector.load %arg1[%get3A, %get3A_0] : memref<256x8192xf32, #tpu.memory_space<vmem>>, vector<256x8192xf32>
    %swap3A = arith.constant 0 : index
    %swap3A_2 = arith.constant 0 : index
    %swap3A_3 = vector.load %arg2[%swap3A, %swap3A_2] : memref<256x8192xf32, #tpu.memory_space<vmem>>, vector<256x8192xf32>
    tpu.vector_store %arg2[%swap3A, %swap3A_2], %get3A_1 {strides = array<i32>} : memref<256x8192xf32, #tpu.memory_space<vmem>>, vector<256x8192xf32>,
    return
  }
  func.func @transform_0(%arg0: i32) -> (i32, i32) {
    %c0_i32 = arith.constant 0 : i32
    %c0_i32_0 = arith.constant 0 : i32
    return %arg0, %c0_i32 : i32, i32
  }
  func.func @transform_1(%arg0: i32) -> (i32, i32) {
    %c0_i32 = arith.constant 0 : i32
    %c0_i32_0 = arith.constant 0 : i32
    return %arg0, %c0_i32 : i32, i32
  }
}

</mosaic_0001>

<sc_bundles>
// kernel: kernel.4.cloned.1.call-start
scs
__scs_entry_jumppad:
0x0: {  	(pc) =	sbr.rel $0x88, $3  }
0x1: {  	(tag) =	ssettag $0x0;
	lr =	simm.s32 $0x1  }
0x2: {  	[smem:$0x3F9F] =	sst lr;
	_ =	strace $0xD0000000  }
0x3: {  	_ = 	snop  }
0x4: {  	_ = 	snop  }
0x5: {  	_ = 	snop  }
0x6: {  	_ = 	snop  }
0x7: {  	_ = 	snop  }
__scs_overlays_trampoline_lowered:
0x8: {  	[smem:$0x3FAE] =	sst s0  }
0x9: {  	[smem:$0x3FAF] =	sst s1  }
0xa: {  	[smem:$0x3FB0] =	sst s2  }
0xb: {  	[smem:$0x3FB1] =	sst s3  }
0xc: {  	[smem:$0x3FB2] =	sst s4  }
0xd: {  	[smem:$0x3FB3] =	sst s5  }
0xe: {  	[smem:$0x3FB4] =	sst s6  }
0xf: {  	[smem:$0x3FB5] =	sst s7  }
0x10: {  	[smem:$0x3FB6] =	sst s8  }
0x11: {  	[smem:$0x3FB7] =	sst s9;
	s0 =	simm.s32 @!p0 $0x0  }
0x12: {  	s1 =	sld [smem:$0x3F9D];
	s0 =	simm.s32 @p0 $0x1  }
0x13: {  	[smem:$0x3FB8] =	sst s0;
	s0 =	simm.s32 @!p1 $0x0  }
0x14: {  	s2 =	sld [smem:$0x3F9C];
	s0 =	simm.s32 @p1 $0x1  }
0x15: {  	[smem:$0x3FB9] =	sst s0;
	s0 =	simm.s32 @!p2 $0x0  }
0x16: {  	s3 =	sld [smem:$0x3FDB];
	s0 =	simm.s32 @p2 $0x1  }
0x17: {  	s4 =	simm.s32 $0x1BF5;
	[smem:$0x3FBB] =	sst s0  }
0x18: {  	s0 =	sld [smem:$0x3F9E];
	_ =	swait.ge [sflag:s4], $0x0  }
0x19: {  	s7 =	sld [smem:$0x3F9F]  }
0x1a: {  	s8 =	sadd.s32 $0xFFFFE003, lr  }
0x1b: {  	s9 =	sadd.s32 $0xFFFFFEF7, lr;
	s5 =	simm.s32 $0xFFFFFFFF;
	p2 =	slt.u32 s8, $0xFFFFF086  }
0x1c: {  	p1 =	slt.u32 s9, $0xF7A;
	s5 =	simm.s32 @!p2 $0x0  }
0x1d: {  	s5 =	simm.s32 @p1 $0x1;
	p0 =	seq.s32 s7, s2  }
0x1e: {  	s7 =	smul.u32 @!p0 $0xF7A, s2;
	p2 =	seq.s32 @!p0 s5, $0x0  }
0x1f: {  	s9 =	smul.u32 $0xF7A, s1;
	s8 =	simm.s32 @!p0 $0x1BF5;
	p2 =	por !p2, p0  }
0x20: {  	[sflag:s8] =	ssyncset.s32 @!p0 $0xFFFFF086;
	s6 =	sadd.s32 @!p0 s3, s7;
	s7 =	simm.s32 @!p0 $0x108  }
0x21: {  	s3 =	sadd.s32 s3, s9;
	s6 =	sadd.s32 @!p0 $0x88, s6;
	s7 =	simm.s32 @p2 $0x1082  }
0x22: {  	[simem:s7], [sflag:s8] =	dma.local @!p0 [hbm:s6], $0xF7A  }
0x23: {  	s9 =	sor.u32 $0xD0000000, s2;
	s6 =	simm.s32 $0x108;
	_ =	swait.ge @!p0 [sflag:s8], $0x0  }
0x24: {  	s3 =	sadd.s32 $0x88, s3;
	s6 =	simm.s32 @!p1 $0x1082;
	[sflag:s4] =	ssyncset.s32 $0xFFFFF086  }
0x25: {  	[simem:s6], [sflag:s4] =	dma.local [hbm:s3], $0xF7A  }
0x26: {  	[smem:$0x3F9F] =	sst s1;
	(tag) =	ssettag s2;
	_ =	strace s9  }
0x27: {  	s1 =	sld [smem:$0x3FAF]  }
0x28: {  	s2 =	sld [smem:$0x3FB0]  }
0x29: {  	s4 =	sld [smem:$0x3FB2]  }
0x2a: {  	p0 =	seq.s32 s5, $0x0;
	s5 =	sld [smem:$0x3FB3]  }
0x2b: {  	s6 =	sld [smem:$0x3FB4]  }
0x2c: {  	s7 =	sld [smem:$0x3FB5]  }
0x2d: {  	s3 =	simm.s32 $0x108;
	s8 =	sld [smem:$0x3FB6]  }
0x2e: {  	s3 =	simm.s32 @!p0 $0x1082;
	s9 =	sld [smem:$0x3FB7]  }
0x2f: {  	lr =	sadd.s32 s0, s3;
	s0 =	sld [smem:$0x3FAE]  }
0x30: {  	s3 =	sld [smem:$0x3FB1]  }
0x31: {  	[smem:$0x3FBA] =	sst s10  }
0x32: {  	s10 =	sld [smem:$0x3FB8];
	_ =	sdelay $0x3  }
0x33: {  	p0 =	seq.s32 s10, $0x1;
	s10 =	sld [smem:$0x3FBA];
	_ =	sdelay $0x3  }
0x34: {  	[smem:$0x3FBA] =	sst s10  }
0x35: {  	s10 =	sld [smem:$0x3FB9];
	_ =	sdelay $0x3  }
0x36: {  	p1 =	seq.s32 s10, $0x1;
	s10 =	sld [smem:$0x3FBA];
	_ =	sdelay $0x3  }
0x37: {  	[smem:$0x3FBA] =	sst s10  }
0x38: {  	s10 =	sld [smem:$0x3FBB]  }
0x39: {  	_ = 	snop;
	(pc) =	sbr.ind lr, $3  }
0x3a: {  	_ = 	snop  }
0x3b: {  	_ = 	snop  }
0x3c: {  	p2 =	seq.s32 s10, $0x1;
	s10 =	sld [smem:$0x3FBA]  }
0x3d: {  	_ =	shalt  }
0x3e: {  	_ =	shalt  }
0x3f: {  	_ =	shalt  }
0x40: {  	_ =	shalt  }
0x41: {  	_ =	shalt  }
0x42: {  	_ =	shalt  }
0x43: {  	_ =	shalt  }
0x44: {  	_ =	shalt  }
0x45: {  	_ =	shalt  }
0x46: {  	_ =	shalt  }
0x47: {  	_ =	shalt  }
0x48: {  	_ =	shalt  }
0x49: {  	_ =	shalt  }
0x4a: {  	_ =	shalt  }
0x4b: {  	_ =	shalt  }
0x4c: {  	_ =	shalt  }
0x4d: {  	_ =	shalt  }
0x4e: {  	_ =	shalt  }
0x4f: {  	_ =	shalt  }
0x50: {  	_ =	shalt  }
0x51: {  	_ =	shalt  }
0x52: {  	_ =	shalt  }
0x53: {  	_ =	shalt  }
0x54: {  	_ =	shalt  }
0x55: {  	_ =	shalt  }
0x56: {  	_ =	shalt  }
0x57: {  	_ =	shalt  }
0x58: {  	_ =	shalt  }
0x59: {  	_ =	shalt  }
0x5a: {  	_ =	shalt  }
0x5b: {  	_ =	shalt  }
0x5c: {  	_ =	shalt  }
0x5d: {  	_ =	shalt  }
0x5e: {  	_ =	shalt  }
0x5f: {  	_ =	shalt  }
0x60: {  	_ =	shalt  }
0x61: {  	_ =	shalt  }
0x62: {  	_ =	shalt  }
0x63: {  	_ =	shalt  }
0x64: {  	_ =	shalt  }
0x65: {  	_ =	shalt  }
0x66: {  	_ =	shalt  }
0x67: {  	_ =	shalt  }
0x68: {  	_ =	shalt  }
0x69: {  	_ =	shalt  }
0x6a: {  	_ =	shalt  }
0x6b: {  	_ =	shalt  }
0x6c: {  	_ =	shalt  }
0x6d: {  	_ =	shalt  }
0x6e: {  	_ =	shalt  }
0x6f: {  	_ =	shalt  }
0x70: {  	_ =	shalt  }
0x71: {  	_ =	shalt  }
0x72: {  	_ =	shalt  }
0x73: {  	_ =	shalt  }
0x74: {  	_ =	shalt  }
0x75: {  	_ =	shalt  }
0x76: {  	_ =	shalt  }
0x77: {  	_ =	shalt  }
0x78: {  	_ =	shalt  }
0x79: {  	_ =	shalt  }
0x7a: {  	_ =	shalt  }
0x7b: {  	_ =	shalt  }
0x7c: {  	_ =	shalt  }
0x7d: {  	_ =	shalt  }
0x7e: {  	_ =	shalt  }
0x7f: {  	_ =	shalt  }
0x80: {  	_ =	shalt  }
0x81: {  	_ =	shalt  }
0x82: {  	_ =	shalt  }
0x83: {  	_ =	shalt  }
0x84: {  	_ =	shalt  }
0x85: {  	_ =	shalt  }
0x86: {  	_ =	shalt  }
0x87: {  	_ =	shalt  }
.Lfunc_end0:
.L_simem_size_0:
called_computation_lowered:
.L_overlay_start_0:
0x88: {  	s2 =	sld [smem:$0x3FD9]  }
0x89: {  	s3 =	sld [smem:$0x3FFE];
	_ =	sdelay $0x1  }
0x8a: {  	s1 =	srdreg.scid  }
0x8b: {  	s0 =	sand.u32 $0x1, s1  }
0x8c: {  	s17 =	sshll.u32 s0, $0xA;
	s2 =	sadd.s32 s3, s2  }
0x8d: {  	s2 =	sadd.s32 s2, s17  }
0x8e: {  	[smem:$0x3FC6] =	sst s2  }
0x8f: {  	_ = 	snop  }
0x90: {  	s2 =	sld [smem:$0x3FD0];
	(tm) =	ssettm $0x1  }
0x91: {  	s18 =	sld [smem:$0x3FFB];
	_ =	sdelay $0x3  }
0x92: {  	_ =	strace s18  }
0x93: {  	s3 =	sld [smem:$0x3FFC];
	_ =	sdelay $0x3  }
0x94: {  	_ =	strace s3  }
0x95: {  	s3 =	sld [smem:$0x3FFD];
	_ =	sdelay $0x3  }
0x96: {  	_ =	strace s3  }
0x97: {  	_ =	strace $0x8FFFFFFF  }
0x98: {  	s19 =	sld [smem:$0x3FDB];
	_ =	sdelay $0x1  }
0x99: {  	s4 =	simm.s32 $_scs_section_size  }
0x9a: {  	s5 =	simm.s32 $_size__tile_overlayer_lowered;
	s6 =	simm.s32 $_tile_overlayer_lowered  }
0x9b: {  	s22 =	simm.s32 $0x1BFF;
	s21 =	sshll.u32 s6, $0x1;
	s3 =	sadd.s32 s4, s19  }
0x9c: {  	s7 =	simm.s32 $0x0;
	s20 =	sshll.u32 s5, $0x1;
	s5 =	sadd.s32 s21, s3  }
0x9d: {  	[timem:s7], [sflag:s22] =	dma.local [hbm:s5], s20  }
0x9e: {  	_ =	swait.ge [sflag:s22], s20  }
0x9f: {  	s4 =	ssub.s32 $0x0, s20;
	[sflag:s22] =	ssyncset.done $0x0  }
0xa0: {  	[sflag:s22] =	ssyncadd.s32 s4;
	_ =	sdelay $0x1  }
0xa1: {  	s23 =	simm.s32 $0x1B8B  }
0xa2: {  	_ =	swait.ge [sflag:s23], $0x1  }
0xa3: {  	[sflag:s23] =	ssyncset.done $0x0  }
0xa4: {  	s25 =	simm.s32 $0x1B8E;
	s24 =	sld [smem:$0x3FFE];
	[sflag:s23] =	ssyncadd.s32 $0xFFFFFFFF  }
0xa5: {  	s26 =	simm.s32 $execute0_lowered;
	[smem:$0x3FD2] =	sst s25  }
0xa6: {  	s5 =	sshll.u32 s26, $0x1;
	_ =	strace $0x80000046;
	[dreg:$0x1] =	wrdreg $0xFFFFFFFF  }
0xa7: {  	s28 =	simm.s32 $_size_execute0_lowered;
	s3 =	sadd.s32 s3, s5;
	[dreg:$0x0] =	wrdreg $0x0  }
0xa8: {  	s5 =	sshll.u32 s28, $0x1;
	[dreg:$0x2] =	wrdreg s3  }
0xa9: {  	[dreg:$0x3] =	wrdreg s5  }
0xaa: {  	[dreg:$0x4] =	wrdreg $0xC0  }
0xab: {  	_ =	task [dreg:s7], $0x5FFFF  }
0xac: {  	[dreg:$0x1] =	wrdreg $0xFFFFFFFF  }
0xad: {  	[dreg:$0x0] =	wrdreg $0x60  }
0xae: {  	[dreg:$0x2] =	wrdreg s2  }
0xaf: {  	[dreg:$0x3] =	wrdreg s24  }
0xb0: {  	[dreg:$0x4] =	wrdreg $0x9  }
0xb1: {  	_ =	task.clear_ibuf [dreg:s7], $0x5FFFF;
	_ =	strace $0x90000046  }
0xb2: {  	s29 =	simm.s32 $0x9;
	_ =	strace $0x80000048  }
0xb3: {  	_ =	swait.ge [sflag:s29], $0x1  }
0xb4: {  	[sflag:s29] =	ssyncadd.s32 $0xFFFFFFFF  }
0xb5: {  	_ =	strace $0x90000048  }
0xb6: {  	_ =	sfence  }
0xb7: {  	s30 =	sld [smem:$0x0];
	_ =	sdelay $0x2  }
0xb8: {  	s31 =	sshll.u32 s1, $0xD;
	s1 =	sshrl.u32 s1, $0x2  }
0xb9: {  	s3 =	sand.u32 $0x4000, s31;
	s1 =	sadd.s32 s1, s30  }
0xba: {  	s0 =	sor.u32 s3, s0;
	s1 =	sshll.u32 s1, $0x11  }
0xbb: {  	s0 =	sor.u32 s1, s0  }
0xbc: {  	s0 =	sadd.s32 $0x8F2B, s0  }
0xbd: {  	[sflag:s0] =	ssyncadd.remote.s32 $0x1  }
0xbe: {  	_ =	sfence.sel $0xFFFF  }
0xbf: {  	[dreg:$0x0] =	wrdreg $0xFFFFFFFF;
	(pc) =	sbr.abs _section_cstart, $3  }
0xc0: {  	[dreg:$0x1] =	wrdreg $0xFFFFFFFF  }
0xc1: {  	_ =	task.clear_ibuf [dreg:s7], $0x2FFFF;
	_ =	strace $0x9FFFFFFF  }
0xc2: {  	(tm) =	ssettm $0x7FFFFFFF  }
0xc3: {  	_ =	shalt  }
tec
execute0_lowered:
.L_overlay_start_1:
0x0: {  	(tag) =	ssettag $0x1  }
0x1: {  	s1 =	srdreg.scid;
	s4 =	rddreg [dreg:$0x0]  }
0x2: {  	s0 =	stileid.u32;
	s5 =	rddreg [dreg:$0x1];
	s2 =	simm.s32 $0x0  }
0x3: {  	s10 =	simm.s32 $0x10000;
	s11 =	simm.s32 $0x4000;
	s3 =	sand.u32 $0x1, s1  }
0x4: {  	s6 =	sshll.u32 s0, $0x9;
	s1 =	rddreg [dreg:$0x2];
	s7 =	sshll.u32 s3, $0x8  }
0x5: {  	vm0 =	vmmov $0x1;
	s12 =	simm.s32 $0x1;
	[smem:$0x7FF] =	sst s2;
	s6 =	sor.u32 s7, s6  }
0x6: {  	vm1 =	vcmask $0x308;
	vm2 =	vcmask $0x70C;
	vm3 =	vcmask $0xB10;
	_ =	strace $0x80000047;
	s8 =	ssub.s32 $0x2, s3;
	s7 =	smul.u32 $0x2008, s6  }
0x7: {  	vm4 =	vcmask $0xF14;
	vm5 =	vcmask $0x1318;
	vm6 =	vcmask $0x171C;
	s3 =	sadd.s32 $0x600, s5;
	s9 =	sshrl.u32 s8, $0x1;
	s6 =	smul.u32 $0x401, s6  }
0x8: {  	vm7 =	vcmask $0x1B20;
	vm8 =	vcmask $0x1F24;
	vm9 =	vcmask $0x2328;
	s8 =	ssub.s32 s8, s9;
	s9 =	simm.s32 $0x400;
	s7 =	sshrl.u32 s7, $0x3  }
0x9: {  	vm10 =	vcmask $0x272C;
	vm11 =	vcmask $0x2B30;
	vm12 =	vcmask $0x2F34;
	s31 =	sadd.s32 s4, s7;
	s4 =	sadd.s32 s4, s6;
	s6 =	smax.u32 s8, $0x1  }
0xa: {  	vm13 =	vcmask $0x3338;
	vm14 =	vcmask $0x373C;
	vm15 =	vmmov $0x7fff;
	s7 =	simm.s32 $0x8000;
	s8 =	simm.s32 $0x2;
	s5 =	sadd.s32 $0x20080, s31  }
.LBB2_1:
0xb: {  	[tilespmem:s7], [sflag:$0x2] =	stream.linear.gather [hbm4b:s3+s2], $0x80, $0x38;
	[tilespmem:$0x8080] =	vst v63  }
0xc: {  	_ =	swait.ge [sflag:s8], $0x80  }
0xd: {  	[sflag:s8] =	ssyncset.done $0x0  }
0xe: {  	[sflag:s8] =	ssyncadd.s32 $0xFFFFFF80  }
0xf: {  	v15 =	vld [tilespmem:$0x8000];
	[tilespmem:s2], [sflag:$0x1] =	stream.strided.gather [hbm4b:s4+s9], $0x4000, s10, s9, $0x38  }
0x10: {  	_ = 	snop  }
0x11: {  	[tilespmem:s11], [sflag:$0x1] =	stream.strided.gather [hbm4b:s5+s9], $0x4000, s10, s9, $0x38;
	[tilespmem:$0x8080] =	vst v63  }
0x12: {  	_ =	swait.ge [sflag:s12], $0x4000  }
0x13: {  	[sflag:s12] =	ssyncset.done $0x0  }
0x14: {  	[sflag:s12] =	ssyncadd.s32 $0xFFFFC000  }
0x15: {  	_ =	swait.ge [sflag:s12], $0x4000  }
0x16: {  	[sflag:s12] =	ssyncset.done $0x0  }
0x17: {  	[sflag:s12] =	ssyncadd.s32 $0xFFFFC000  }
0x18: {  	v1 =	vld [tilespmem:$0x0]  }
0x19: {  	v2 =	vld [tilespmem:$0x80]  }
0x1a: {  	v3 =	vld [tilespmem:$0x100]  }
0x1b: {  	v4 =	vld [tilespmem:$0x180]  }
0x1c: {  	v0 =	vnsel vm0, $0x0, v15;
	v9 =	vld [tilespmem:$0x300]  }
0x1d: {  	v5 =	vld [tilespmem:$0x200];
	v6 =	vadd.f32 v1, v0;
	v1 =	vsel vm1, $0x0, v15  }
0x1e: {  	v11 =	vld [tilespmem:$0x400];
	v8 =	vadd.f32 v2, v1;
	v2 =	vsel vm2, $0x0, v15  }
0x1f: {  	v7 =	vld [tilespmem:$0x280];
	[tilespmem:$0x0] =	vst v6;
	v21 =	vadd.f32 v3, v2;
	v3 =	vsel vm3, $0x0, v15  }
0x20: {  	v10 =	vld [tilespmem:$0x380];
	v6 =	vsel vm6, $0x0, v15;
	[tilespmem:$0x80] =	vst v8;
	v22 =	vadd.f32 v4, v3  }
0x21: {  	v4 =	vsel vm4, $0x0, v15;
	v9 =	vadd.f32 v9, v6;
	[tilespmem:$0x100] =	vst v21  }
0x22: {  	v8 =	vsel vm8, $0x0, v15;
	v12 =	vadd.f32 v5, v4;
	[tilespmem:$0x180] =	vst v22  }
0x23: {  	v5 =	vsel vm5, $0x0, v15;
	v24 =	vadd.f32 v11, v8;
	[tilespmem:$0x300] =	vst v9  }
0x24: {  	v23 =	vadd.f32 v7, v5;
	v7 =	vsel vm7, $0x0, v15;
	[tilespmem:$0x200] =	vst v12  }
0x25: {  	v10 =	vadd.f32 v10, v7;
	[tilespmem:$0x400] =	vst v24  }
0x26: {  	[tilespmem:$0x280] =	vst v23  }
0x27: {  	[tilespmem:$0x380] =	vst v10  }
0x28: {  	v10 =	vld [tilespmem:$0x480]  }
0x29: {  	v26 =	vld [tilespmem:$0x580]  }
0x2a: {  	v13 =	vld [tilespmem:$0x600]  }
0x2b: {  	v20 =	vld [tilespmem:$0x810]  }
0x2c: {  	v9 =	vsel vm9, $0x0, v15;
	v21 =	vld [tilespmem:$0x890]  }
0x2d: {  	v11 =	vsel vm11, $0x0, v15;
	v22 =	vld [tilespmem:$0x910];
	v16 =	vadd.f32 v10, v9  }
0x2e: {  	v12 =	vsel vm12, $0x0, v15;
	v30 =	vld [tilespmem:$0x990];
	v27 =	vadd.f32 v26, v11  }
0x2f: {  	v32 =	vld [tilespmem:$0xA10];
	v28 =	vadd.f32 v13, v12;
	[tilespmem:$0x480] =	vst v16  }
0x30: {  	v34 =	vld [tilespmem:$0xA90];
	v33 =	vadd.f32 v20, v0;
	[tilespmem:$0x580] =	vst v27  }
0x31: {  	v36 =	vld [tilespmem:$0xB10];
	v35 =	vadd.f32 v21, v1;
	[tilespmem:$0x600] =	vst v28  }
0x32: {  	v38 =	vld [tilespmem:$0xB90];
	v37 =	vadd.f32 v22, v2;
	[tilespmem:$0x810] =	vst v33  }
0x33: {  	v40 =	vld [tilespmem:$0xC10];
	v39 =	vadd.f32 v30, v3;
	[tilespmem:$0x890] =	vst v35  }
0x34: {  	v42 =	vld [tilespmem:$0xC90];
	v41 =	vadd.f32 v32, v4;
	[tilespmem:$0x910] =	vst v37  }
0x35: {  	v46 =	vld [tilespmem:$0xD90];
	v43 =	vadd.f32 v34, v5;
	[tilespmem:$0x990] =	vst v39  }
0x36: {  	v48 =	vld [tilespmem:$0xE10];
	v45 =	vadd.f32 v36, v6;
	[tilespmem:$0xA10] =	vst v41  }
0x37: {  	v25 =	vld [tilespmem:$0x500];
	v47 =	vadd.f32 v38, v7;
	[tilespmem:$0xA90] =	vst v43  }
0x38: {  	v14 =	vld [tilespmem:$0x680];
	v49 =	vadd.f32 v40, v8;
	[tilespmem:$0xB10] =	vst v45  }
0x39: {  	v44 =	vld [tilespmem:$0xD10];
	v51 =	vadd.f32 v42, v9;
	[tilespmem:$0xB90] =	vst v47  }
0x3a: {  	v50 =	vld [tilespmem:$0xE90];
	v55 =	vadd.f32 v46, v11;
	[tilespmem:$0xC10] =	vst v49  }
0x3b: {  	v56 =	vld [tilespmem:$0x1020];
	v10 =	vsel vm10, $0x0, v15;
	v57 =	vadd.f32 v48, v12;
	[tilespmem:$0xC90] =	vst v51  }
0x3c: {  	v17 =	vld [tilespmem:$0x700];
	v13 =	vsel vm13, $0x0, v15;
	v18 =	vadd.f32 v25, v10;
	[tilespmem:$0xD90] =	vst v55  }
0x3d: {  	v19 =	vld [tilespmem:$0x780];
	v29 =	vadd.f32 v14, v13;
	[tilespmem:$0xE10] =	vst v57  }
0x3e: {  	v52 =	vld [tilespmem:$0xF10];
	v53 =	vadd.f32 v44, v10;
	[tilespmem:$0x500] =	vst v18  }
0x3f: {  	v54 =	vld [tilespmem:$0xF90];
	v59 =	vadd.f32 v50, v13;
	[tilespmem:$0x680] =	vst v29  }
0x40: {  	v58 =	vld [tilespmem:$0x10A0];
	v14 =	vsel vm14, $0x0, v15;
	v25 =	vadd.f32 v56, v0;
	[tilespmem:$0xD10] =	vst v53  }
0x41: {  	v24 =	vld [tilespmem:$0x1220];
	v15 =	vsel vm15, $0x0, v15;
	v17 =	vadd.f32 v17, v14;
	[tilespmem:$0xE90] =	vst v59  }
0x42: {  	v60 =	vld [tilespmem:$0x1120];
	v31 =	vadd.f32 v19, v15;
	[tilespmem:$0x1020] =	vst v25  }
0x43: {  	v62 =	vld [tilespmem:$0x11A0];
	v61 =	vadd.f32 v52, v14;
	[tilespmem:$0x700] =	vst v17  }
0x44: {  	v26 =	vld [tilespmem:$0x12A0];
	v63 =	vadd.f32 v54, v15;
	[tilespmem:$0x780] =	vst v31  }
0x45: {  	v30 =	vld [tilespmem:$0x13A0];
	v27 =	vadd.f32 v58, v1;
	[tilespmem:$0xF10] =	vst v61  }
0x46: {  	v32 =	vld [tilespmem:$0x1420];
	v33 =	vadd.f32 v24, v4;
	[tilespmem:$0xF90] =	vst v63  }
0x47: {  	v34 =	vld [tilespmem:$0x14A0];
	v29 =	vadd.f32 v60, v2;
	[tilespmem:$0x10A0] =	vst v27  }
0x48: {  	v36 =	vld [tilespmem:$0x1520];
	v31 =	vadd.f32 v62, v3;
	[tilespmem:$0x1220] =	vst v33  }
0x49: {  	v38 =	vld [tilespmem:$0x15A0];
	[tilespmem:$0x1120] =	vst v29;
	v35 =	vadd.f32 v26, v5  }
0x4a: {  	v40 =	vld [tilespmem:$0x1620];
	v39 =	vadd.f32 v30, v7;
	[tilespmem:$0x11A0] =	vst v31  }
0x4b: {  	v42 =	vld [tilespmem:$0x16A0];
	v41 =	vadd.f32 v32, v8;
	[tilespmem:$0x12A0] =	vst v35  }
0x4c: {  	v46 =	vld [tilespmem:$0x17A0];
	v43 =	vadd.f32 v34, v9;
	[tilespmem:$0x13A0] =	vst v39  }
0x4d: {  	v48 =	vld [tilespmem:$0x1830];
	v45 =	vadd.f32 v36, v10;
	[tilespmem:$0x1420] =	vst v41  }
0x4e: {  	v44 =	vld [tilespmem:$0x1720];
	v47 =	vadd.f32 v38, v11;
	[tilespmem:$0x14A0] =	vst v43  }
0x4f: {  	v50 =	vld [tilespmem:$0x18B0];
	v49 =	vadd.f32 v40, v12;
	[tilespmem:$0x1520] =	vst v45  }
0x50: {  	v56 =	vld [tilespmem:$0x1A30];
	v51 =	vadd.f32 v42, v13;
	[tilespmem:$0x15A0] =	vst v47  }
0x51: {  	v28 =	vld [tilespmem:$0x1320];
	v55 =	vadd.f32 v46, v15;
	[tilespmem:$0x1620] =	vst v49  }
0x52: {  	v52 =	vld [tilespmem:$0x1930];
	v57 =	vadd.f32 v48, v0;
	[tilespmem:$0x16A0] =	vst v51  }
0x53: {  	v54 =	vld [tilespmem:$0x19B0];
	v53 =	vadd.f32 v44, v14;
	[tilespmem:$0x17A0] =	vst v55  }
0x54: {  	v58 =	vld [tilespmem:$0x1AB0];
	v59 =	vadd.f32 v50, v1;
	[tilespmem:$0x1830] =	vst v57  }
0x55: {  	v24 =	vld [tilespmem:$0x1C30];
	v25 =	vadd.f32 v56, v4;
	[tilespmem:$0x1720] =	vst v53  }
0x56: {  	v60 =	vld [tilespmem:$0x1B30];
	v37 =	vadd.f32 v28, v6;
	[tilespmem:$0x18B0] =	vst v59  }
0x57: {  	v62 =	vld [tilespmem:$0x1BB0];
	v61 =	vadd.f32 v52, v2;
	[tilespmem:$0x1A30] =	vst v25  }
0x58: {  	v26 =	vld [tilespmem:$0x1CB0];
	v63 =	vadd.f32 v54, v3;
	[tilespmem:$0x1320] =	vst v37  }
0x59: {  	v30 =	vld [tilespmem:$0x1DB0];
	v27 =	vadd.f32 v58, v5;
	[tilespmem:$0x1930] =	vst v61  }
0x5a: {  	v32 =	vld [tilespmem:$0x1E30];
	v33 =	vadd.f32 v24, v8;
	[tilespmem:$0x19B0] =	vst v63  }
0x5b: {  	v34 =	vld [tilespmem:$0x1EB0];
	v29 =	vadd.f32 v60, v6;
	[tilespmem:$0x1AB0] =	vst v27  }
0x5c: {  	v36 =	vld [tilespmem:$0x1F30];
	v31 =	vadd.f32 v62, v7;
	[tilespmem:$0x1C30] =	vst v33  }
0x5d: {  	v38 =	vld [tilespmem:$0x1FB0];
	[tilespmem:$0x1B30] =	vst v29;
	v35 =	vadd.f32 v26, v9  }
0x5e: {  	v40 =	vld [tilespmem:$0x2040];
	v39 =	vadd.f32 v30, v11;
	[tilespmem:$0x1BB0] =	vst v31  }
0x5f: {  	v42 =	vld [tilespmem:$0x20C0];
	v41 =	vadd.f32 v32, v12;
	[tilespmem:$0x1CB0] =	vst v35  }
0x60: {  	v46 =	vld [tilespmem:$0x21C0];
	v43 =	vadd.f32 v34, v13;
	[tilespmem:$0x1DB0] =	vst v39  }
0x61: {  	v48 =	vld [tilespmem:$0x2240];
	v45 =	vadd.f32 v36, v14;
	[tilespmem:$0x1E30] =	vst v41  }
0x62: {  	v44 =	vld [tilespmem:$0x2140];
	v47 =	vadd.f32 v38, v15;
	[tilespmem:$0x1EB0] =	vst v43  }
0x63: {  	v50 =	vld [tilespmem:$0x22C0];
	v49 =	vadd.f32 v40, v0;
	[tilespmem:$0x1F30] =	vst v45  }
0x64: {  	v56 =	vld [tilespmem:$0x2440];
	v51 =	vadd.f32 v42, v1;
	[tilespmem:$0x1FB0] =	vst v47  }
0x65: {  	v28 =	vld [tilespmem:$0x1D30];
	v55 =	vadd.f32 v46, v3;
	[tilespmem:$0x2040] =	vst v49  }
0x66: {  	v52 =	vld [tilespmem:$0x2340];
	v57 =	vadd.f32 v48, v4;
	[tilespmem:$0x20C0] =	vst v51  }
0x67: {  	v54 =	vld [tilespmem:$0x23C0];
	v53 =	vadd.f32 v44, v2;
	[tilespmem:$0x21C0] =	vst v55  }
0x68: {  	v58 =	vld [tilespmem:$0x24C0];
	v59 =	vadd.f32 v50, v5;
	[tilespmem:$0x2240] =	vst v57  }
0x69: {  	v24 =	vld [tilespmem:$0x2640];
	v25 =	vadd.f32 v56, v8;
	[tilespmem:$0x2140] =	vst v53  }
0x6a: {  	v60 =	vld [tilespmem:$0x2540];
	v37 =	vadd.f32 v28, v10;
	[tilespmem:$0x22C0] =	vst v59  }
0x6b: {  	v62 =	vld [tilespmem:$0x25C0];
	v61 =	vadd.f32 v52, v6;
	[tilespmem:$0x2440] =	vst v25  }
0x6c: {  	v26 =	vld [tilespmem:$0x26C0];
	v63 =	vadd.f32 v54, v7;
	[tilespmem:$0x1D30] =	vst v37  }
0x6d: {  	v30 =	vld [tilespmem:$0x27C0];
	v27 =	vadd.f32 v58, v9;
	[tilespmem:$0x2340] =	vst v61  }
0x6e: {  	v32 =	vld [tilespmem:$0x2850];
	v33 =	vadd.f32 v24, v12;
	[tilespmem:$0x23C0] =	vst v63  }
0x6f: {  	v34 =	vld [tilespmem:$0x28D0];
	v29 =	vadd.f32 v60, v10;
	[tilespmem:$0x24C0] =	vst v27  }
0x70: {  	v36 =	vld [tilespmem:$0x2950];
	v31 =	vadd.f32 v62, v11;
	[tilespmem:$0x2640] =	vst v33  }
0x71: {  	v38 =	vld [tilespmem:$0x29D0];
	[tilespmem:$0x2540] =	vst v29;
	v35 =	vadd.f32 v26, v13  }
0x72: {  	v40 =	vld [tilespmem:$0x2A50];
	v39 =	vadd.f32 v30, v15;
	[tilespmem:$0x25C0] =	vst v31  }
0x73: {  	v42 =	vld [tilespmem:$0x2AD0];
	v41 =	vadd.f32 v32, v0;
	[tilespmem:$0x26C0] =	vst v35  }
0x74: {  	v46 =	vld [tilespmem:$0x2BD0];
	v43 =	vadd.f32 v34, v1;
	[tilespmem:$0x27C0] =	vst v39  }
0x75: {  	v48 =	vld [tilespmem:$0x2C50];
	v45 =	vadd.f32 v36, v2;
	[tilespmem:$0x2850] =	vst v41  }
0x76: {  	v44 =	vld [tilespmem:$0x2B50];
	v47 =	vadd.f32 v38, v3;
	[tilespmem:$0x28D0] =	vst v43  }
0x77: {  	v50 =	vld [tilespmem:$0x2CD0];
	v49 =	vadd.f32 v40, v4;
	[tilespmem:$0x2950] =	vst v45  }
0x78: {  	v56 =	vld [tilespmem:$0x2E50];
	v51 =	vadd.f32 v42, v5;
	[tilespmem:$0x29D0] =	vst v47  }
0x79: {  	v28 =	vld [tilespmem:$0x2740];
	v55 =	vadd.f32 v46, v7;
	[tilespmem:$0x2A50] =	vst v49  }
0x7a: {  	v52 =	vld [tilespmem:$0x2D50];
	v57 =	vadd.f32 v48, v8;
	[tilespmem:$0x2AD0] =	vst v51  }
0x7b: {  	v54 =	vld [tilespmem:$0x2DD0];
	v53 =	vadd.f32 v44, v6;
	[tilespmem:$0x2BD0] =	vst v55  }
0x7c: {  	v58 =	vld [tilespmem:$0x2ED0];
	v59 =	vadd.f32 v50, v9;
	[tilespmem:$0x2C50] =	vst v57  }
0x7d: {  	v24 =	vld [tilespmem:$0x3060];
	v25 =	vadd.f32 v56, v12;
	[tilespmem:$0x2B50] =	vst v53  }
0x7e: {  	v60 =	vld [tilespmem:$0x2F50];
	v37 =	vadd.f32 v28, v14;
	[tilespmem:$0x2CD0] =	vst v59  }
0x7f: {  	v62 =	vld [tilespmem:$0x2FD0];
	v61 =	vadd.f32 v52, v10;
	[tilespmem:$0x2E50] =	vst v25  }
0x80: {  	v26 =	vld [tilespmem:$0x30E0];
	v63 =	vadd.f32 v54, v11;
	[tilespmem:$0x2740] =	vst v37  }
0x81: {  	v30 =	vld [tilespmem:$0x31E0];
	v27 =	vadd.f32 v58, v13;
	[tilespmem:$0x2D50] =	vst v61  }
0x82: {  	v32 =	vld [tilespmem:$0x3260];
	v33 =	vadd.f32 v24, v0;
	[tilespmem:$0x2DD0] =	vst v63  }
0x83: {  	v34 =	vld [tilespmem:$0x32E0];
	v29 =	vadd.f32 v60, v14;
	[tilespmem:$0x2ED0] =	vst v27  }
0x84: {  	v36 =	vld [tilespmem:$0x3360];
	v31 =	vadd.f32 v62, v15;
	[tilespmem:$0x3060] =	vst v33  }
0x85: {  	v38 =	vld [tilespmem:$0x33E0];
	[tilespmem:$0x2F50] =	vst v29;
	v35 =	vadd.f32 v26, v1  }
0x86: {  	v40 =	vld [tilespmem:$0x3460];
	v39 =	vadd.f32 v30, v3;
	[tilespmem:$0x2FD0] =	vst v31  }
0x87: {  	v42 =	vld [tilespmem:$0x34E0];
	v41 =	vadd.f32 v32, v4;
	[tilespmem:$0x30E0] =	vst v35  }
0x88: {  	v46 =	vld [tilespmem:$0x35E0];
	v43 =	vadd.f32 v34, v5;
	[tilespmem:$0x31E0] =	vst v39  }
0x89: {  	v48 =	vld [tilespmem:$0x3660];
	v45 =	vadd.f32 v36, v6;
	[tilespmem:$0x3260] =	vst v41  }
0x8a: {  	v44 =	vld [tilespmem:$0x3560];
	v47 =	vadd.f32 v38, v7;
	[tilespmem:$0x32E0] =	vst v43  }
0x8b: {  	v50 =	vld [tilespmem:$0x36E0];
	v49 =	vadd.f32 v40, v8;
	[tilespmem:$0x3360] =	vst v45  }
0x8c: {  	v56 =	vld [tilespmem:$0x3870];
	v51 =	vadd.f32 v42, v9;
	[tilespmem:$0x33E0] =	vst v47  }
0x8d: {  	v28 =	vld [tilespmem:$0x3160];
	v55 =	vadd.f32 v46, v11;
	[tilespmem:$0x3460] =	vst v49  }
0x8e: {  	v52 =	vld [tilespmem:$0x3760];
	v57 =	vadd.f32 v48, v12;
	[tilespmem:$0x34E0] =	vst v51  }
0x8f: {  	v54 =	vld [tilespmem:$0x37E0];
	v53 =	vadd.f32 v44, v10;
	[tilespmem:$0x35E0] =	vst v55  }
0x90: {  	v58 =	vld [tilespmem:$0x38F0];
	v59 =	vadd.f32 v50, v13;
	[tilespmem:$0x3660] =	vst v57  }
0x91: {  	v24 =	vld [tilespmem:$0x3A70];
	v25 =	vadd.f32 v56, v0;
	[tilespmem:$0x3560] =	vst v53  }
0x92: {  	v60 =	vld [tilespmem:$0x3970];
	v37 =	vadd.f32 v28, v2;
	[tilespmem:$0x36E0] =	vst v59  }
0x93: {  	v62 =	vld [tilespmem:$0x39F0];
	v61 =	vadd.f32 v52, v14;
	[tilespmem:$0x3870] =	vst v25  }
0x94: {  	v26 =	vld [tilespmem:$0x3AF0];
	v63 =	vadd.f32 v54, v15;
	[tilespmem:$0x3160] =	vst v37  }
0x95: {  	v30 =	vld [tilespmem:$0x3BF0];
	v27 =	vadd.f32 v58, v1;
	[tilespmem:$0x3760] =	vst v61  }
0x96: {  	v32 =	vld [tilespmem:$0x3C70];
	v33 =	vadd.f32 v24, v4;
	[tilespmem:$0x37E0] =	vst v63  }
0x97: {  	v34 =	vld [tilespmem:$0x3CF0];
	v29 =	vadd.f32 v60, v2;
	[tilespmem:$0x38F0] =	vst v27  }
0x98: {  	v36 =	vld [tilespmem:$0x3D70];
	v31 =	vadd.f32 v62, v3;
	[tilespmem:$0x3A70] =	vst v33  }
0x99: {  	v38 =	vld [tilespmem:$0x3DF0];
	[tilespmem:$0x3970] =	vst v29;
	v35 =	vadd.f32 v26, v5  }
0x9a: {  	v40 =	vld [tilespmem:$0x3E70];
	v39 =	vadd.f32 v30, v7;
	[tilespmem:$0x39F0] =	vst v31  }
0x9b: {  	v42 =	vld [tilespmem:$0x3EF0];
	v41 =	vadd.f32 v32, v8;
	[tilespmem:$0x3AF0] =	vst v35  }
0x9c: {  	v46 =	vld [tilespmem:$0x3FF0];
	v43 =	vadd.f32 v34, v9;
	[tilespmem:$0x3BF0] =	vst v39  }
0x9d: {  	v44 =	vld [tilespmem:$0x3F70];
	v45 =	vadd.f32 v36, v10;
	[tilespmem:$0x3C70] =	vst v41  }
0x9e: {  	v28 =	vld [tilespmem:$0x3B70];
	v47 =	vadd.f32 v38, v11;
	[tilespmem:$0x3CF0] =	vst v43  }
0x9f: {  	v48 =	vadd.f32 v40, v12;
	[tilespmem:$0x3D70] =	vst v45  }
0xa0: {  	v49 =	vadd.f32 v42, v13;
	[tilespmem:$0x3DF0] =	vst v47  }
0xa1: {  	v51 =	vadd.f32 v46, v15;
	[tilespmem:$0x3E70] =	vst v48  }
0xa2: {  	v50 =	vadd.f32 v44, v14;
	[tilespmem:$0x3EF0] =	vst v49  }
0xa3: {  	v37 =	vadd.f32 v28, v6;
	[tilespmem:$0x3FF0] =	vst v51  }
0xa4: {  	[tilespmem:$0x3F70] =	vst v50  }
0xa5: {  	[tilespmem:$0x3B70] =	vst v37  }
0xa6: {  	[hbm4b:s4+s9] =	stream.strided.scatter [tilespmem:s2], [sflag:$0x1], $0x4000, s10, s9, $0x38;
	[tilespmem:$0x8080] =	vst v63  }
0xa7: {  	v52 =	vld [tilespmem:$0x4000]  }
0xa8: {  	v53 =	vld [tilespmem:$0x4080]  }
0xa9: {  	v54 =	vld [tilespmem:$0x4100]  }
0xaa: {  	v55 =	vld [tilespmem:$0x4180]  }
0xab: {  	v56 =	vld [tilespmem:$0x4200]  }
0xac: {  	v57 =	vld [tilespmem:$0x4280];
	v16 =	vadd.f32 v52, v0  }
0xad: {  	v58 =	vld [tilespmem:$0x4300];
	v17 =	vadd.f32 v53, v1  }
0xae: {  	v60 =	vld [tilespmem:$0x4380];
	v59 =	vadd.f32 v54, v2;
	[tilespmem:$0x4000] =	vst v16  }
0xaf: {  	v62 =	vld [tilespmem:$0x4400];
	v61 =	vadd.f32 v55, v3;
	[tilespmem:$0x4080] =	vst v17  }
0xb0: {  	v24 =	vld [tilespmem:$0x4480];
	v63 =	vadd.f32 v56, v4;
	[tilespmem:$0x4100] =	vst v59  }
0xb1: {  	v26 =	vld [tilespmem:$0x4500];
	v25 =	vadd.f32 v57, v5;
	[tilespmem:$0x4180] =	vst v61  }
0xb2: {  	v28 =	vld [tilespmem:$0x4580];
	v27 =	vadd.f32 v58, v6;
	[tilespmem:$0x4200] =	vst v63  }
0xb3: {  	v30 =	vld [tilespmem:$0x4600];
	v29 =	vadd.f32 v60, v7;
	[tilespmem:$0x4280] =	vst v25  }
0xb4: {  	v32 =	vld [tilespmem:$0x4680];
	v31 =	vadd.f32 v62, v8;
	[tilespmem:$0x4300] =	vst v27  }
0xb5: {  	v34 =	vld [tilespmem:$0x4700];
	v33 =	vadd.f32 v24, v9;
	[tilespmem:$0x4380] =	vst v29  }
0xb6: {  	v36 =	vld [tilespmem:$0x4780];
	v35 =	vadd.f32 v26, v10;
	[tilespmem:$0x4400] =	vst v31  }
0xb7: {  	v38 =	vld [tilespmem:$0x4810];
	v37 =	vadd.f32 v28, v11;
	[tilespmem:$0x4480] =	vst v33  }
0xb8: {  	v40 =	vld [tilespmem:$0x4890];
	v39 =	vadd.f32 v30, v12;
	[tilespmem:$0x4500] =	vst v35  }
0xb9: {  	v42 =	vld [tilespmem:$0x4910];
	v41 =	vadd.f32 v32, v13;
	[tilespmem:$0x4580] =	vst v37  }
0xba: {  	v44 =	vld [tilespmem:$0x4990];
	v43 =	vadd.f32 v34, v14;
	[tilespmem:$0x4600] =	vst v39  }
0xbb: {  	v46 =	vld [tilespmem:$0x4A10];
	v45 =	vadd.f32 v36, v15;
	[tilespmem:$0x4680] =	vst v41  }
0xbc: {  	v48 =	vld [tilespmem:$0x4A90];
	v47 =	vadd.f32 v38, v0;
	[tilespmem:$0x4700] =	vst v43  }
0xbd: {  	v50 =	vld [tilespmem:$0x4B10];
	v49 =	vadd.f32 v40, v1;
	[tilespmem:$0x4780] =	vst v45  }
0xbe: {  	v51 =	vadd.f32 v42, v2;
	v52 =	vld [tilespmem:$0x4B90];
	[tilespmem:$0x4810] =	vst v47  }
0xbf: {  	v53 =	vadd.f32 v44, v3;
	v54 =	vld [tilespmem:$0x4C10];
	[tilespmem:$0x4890] =	vst v49  }
0xc0: {  	v55 =	vadd.f32 v46, v4;
	v56 =	vld [tilespmem:$0x4C90];
	[tilespmem:$0x4910] =	vst v51  }
0xc1: {  	v57 =	vadd.f32 v48, v5;
	v58 =	vld [tilespmem:$0x4D10];
	[tilespmem:$0x4990] =	vst v53  }
0xc2: {  	v60 =	vld [tilespmem:$0x4D90];
	[tilespmem:$0x4A10] =	vst v55;
	v59 =	vadd.f32 v50, v6  }
0xc3: {  	v62 =	vld [tilespmem:$0x4E10];
	[tilespmem:$0x4A90] =	vst v57;
	v61 =	vadd.f32 v52, v7  }
0xc4: {  	v24 =	vld [tilespmem:$0x4E90];
	[tilespmem:$0x4B10] =	vst v59;
	v63 =	vadd.f32 v54, v8  }
0xc5: {  	v26 =	vld [tilespmem:$0x4F10];
	v25 =	vadd.f32 v56, v9;
	[tilespmem:$0x4B90] =	vst v61  }
0xc6: {  	v28 =	vld [tilespmem:$0x4F90];
	v27 =	vadd.f32 v58, v10;
	[tilespmem:$0x4C10] =	vst v63  }
0xc7: {  	v30 =	vld [tilespmem:$0x5020];
	v29 =	vadd.f32 v60, v11;
	[tilespmem:$0x4C90] =	vst v25  }
0xc8: {  	v32 =	vld [tilespmem:$0x50A0];
	v31 =	vadd.f32 v62, v12;
	[tilespmem:$0x4D10] =	vst v27  }
0xc9: {  	v34 =	vld [tilespmem:$0x5120];
	v33 =	vadd.f32 v24, v13;
	[tilespmem:$0x4D90] =	vst v29  }
0xca: {  	v36 =	vld [tilespmem:$0x51A0];
	v35 =	vadd.f32 v26, v14;
	[tilespmem:$0x4E10] =	vst v31  }
0xcb: {  	v38 =	vld [tilespmem:$0x5220];
	v37 =	vadd.f32 v28, v15;
	[tilespmem:$0x4E90] =	vst v33  }
0xcc: {  	v40 =	vld [tilespmem:$0x52A0];
	v39 =	vadd.f32 v30, v0;
	[tilespmem:$0x4F10] =	vst v35  }
0xcd: {  	v42 =	vld [tilespmem:$0x5320];
	v41 =	vadd.f32 v32, v1;
	[tilespmem:$0x4F90] =	vst v37  }
0xce: {  	v44 =	vld [tilespmem:$0x53A0];
	v43 =	vadd.f32 v34, v2;
	[tilespmem:$0x5020] =	vst v39  }
0xcf: {  	v46 =	vld [tilespmem:$0x5420];
	v45 =	vadd.f32 v36, v3;
	[tilespmem:$0x50A0] =	vst v41  }
0xd0: {  	v48 =	vld [tilespmem:$0x54A0];
	v47 =	vadd.f32 v38, v4;
	[tilespmem:$0x5120] =	vst v43  }
0xd1: {  	v50 =	vld [tilespmem:$0x5520];
	v49 =	vadd.f32 v40, v5;
	[tilespmem:$0x51A0] =	vst v45  }
0xd2: {  	v51 =	vadd.f32 v42, v6;
	v52 =	vld [tilespmem:$0x55A0];
	[tilespmem:$0x5220] =	vst v47  }
0xd3: {  	v53 =	vadd.f32 v44, v7;
	v54 =	vld [tilespmem:$0x5620];
	[tilespmem:$0x52A0] =	vst v49  }
0xd4: {  	v55 =	vadd.f32 v46, v8;
	v56 =	vld [tilespmem:$0x56A0];
	[tilespmem:$0x5320] =	vst v51  }
0xd5: {  	v57 =	vadd.f32 v48, v9;
	v58 =	vld [tilespmem:$0x5720];
	[tilespmem:$0x53A0] =	vst v53  }
0xd6: {  	v60 =	vld [tilespmem:$0x57A0];
	[tilespmem:$0x5420] =	vst v55;
	v59 =	vadd.f32 v50, v10  }
0xd7: {  	v62 =	vld [tilespmem:$0x5830];
	[tilespmem:$0x54A0] =	vst v57;
	v61 =	vadd.f32 v52, v11  }
0xd8: {  	v24 =	vld [tilespmem:$0x58B0];
	[tilespmem:$0x5520] =	vst v59;
	v63 =	vadd.f32 v54, v12  }
0xd9: {  	v26 =	vld [tilespmem:$0x5930];
	v25 =	vadd.f32 v56, v13;
	[tilespmem:$0x55A0] =	vst v61  }
0xda: {  	v28 =	vld [tilespmem:$0x59B0];
	v27 =	vadd.f32 v58, v14;
	[tilespmem:$0x5620] =	vst v63  }
0xdb: {  	v30 =	vld [tilespmem:$0x5A30];
	v29 =	vadd.f32 v60, v15;
	[tilespmem:$0x56A0] =	vst v25  }
0xdc: {  	v32 =	vld [tilespmem:$0x5AB0];
	v31 =	vadd.f32 v62, v0;
	[tilespmem:$0x5720] =	vst v27  }
0xdd: {  	v34 =	vld [tilespmem:$0x5B30];
	v33 =	vadd.f32 v24, v1;
	[tilespmem:$0x57A0] =	vst v29  }
0xde: {  	v36 =	vld [tilespmem:$0x5BB0];
	v35 =	vadd.f32 v26, v2;
	[tilespmem:$0x5830] =	vst v31  }
0xdf: {  	v38 =	vld [tilespmem:$0x5C30];
	v37 =	vadd.f32 v28, v3;
	[tilespmem:$0x58B0] =	vst v33  }
0xe0: {  	v40 =	vld [tilespmem:$0x5CB0];
	v39 =	vadd.f32 v30, v4;
	[tilespmem:$0x5930] =	vst v35  }
0xe1: {  	v42 =	vld [tilespmem:$0x5D30];
	v41 =	vadd.f32 v32, v5;
	[tilespmem:$0x59B0] =	vst v37  }
0xe2: {  	v44 =	vld [tilespmem:$0x5DB0];
	v43 =	vadd.f32 v34, v6;
	[tilespmem:$0x5A30] =	vst v39  }
0xe3: {  	v46 =	vld [tilespmem:$0x5E30];
	v45 =	vadd.f32 v36, v7;
	[tilespmem:$0x5AB0] =	vst v41  }
0xe4: {  	v48 =	vld [tilespmem:$0x5EB0];
	v47 =	vadd.f32 v38, v8;
	[tilespmem:$0x5B30] =	vst v43  }
0xe5: {  	v50 =	vld [tilespmem:$0x5F30];
	v49 =	vadd.f32 v40, v9;
	[tilespmem:$0x5BB0] =	vst v45  }
0xe6: {  	v51 =	vadd.f32 v42, v10;
	v52 =	vld [tilespmem:$0x5FB0];
	[tilespmem:$0x5C30] =	vst v47  }
0xe7: {  	v53 =	vadd.f32 v44, v11;
	v54 =	vld [tilespmem:$0x6040];
	[tilespmem:$0x5CB0] =	vst v49  }
0xe8: {  	v55 =	vadd.f32 v46, v12;
	v56 =	vld [tilespmem:$0x60C0];
	[tilespmem:$0x5D30] =	vst v51  }
0xe9: {  	v57 =	vadd.f32 v48, v13;
	v58 =	vld [tilespmem:$0x6140];
	[tilespmem:$0x5DB0] =	vst v53  }
0xea: {  	v60 =	vld [tilespmem:$0x61C0];
	[tilespmem:$0x5E30] =	vst v55;
	v59 =	vadd.f32 v50, v14  }
0xeb: {  	v62 =	vld [tilespmem:$0x6240];
	[tilespmem:$0x5EB0] =	vst v57;
	v61 =	vadd.f32 v52, v15  }
0xec: {  	v24 =	vld [tilespmem:$0x62C0];
	[tilespmem:$0x5F30] =	vst v59;
	v63 =	vadd.f32 v54, v0  }
0xed: {  	v26 =	vld [tilespmem:$0x6340];
	v25 =	vadd.f32 v56, v1;
	[tilespmem:$0x5FB0] =	vst v61  }
0xee: {  	v28 =	vld [tilespmem:$0x63C0];
	v27 =	vadd.f32 v58, v2;
	[tilespmem:$0x6040] =	vst v63  }
0xef: {  	v30 =	vld [tilespmem:$0x6440];
	v29 =	vadd.f32 v60, v3;
	[tilespmem:$0x60C0] =	vst v25  }
0xf0: {  	v32 =	vld [tilespmem:$0x64C0];
	v31 =	vadd.f32 v62, v4;
	[tilespmem:$0x6140] =	vst v27  }
0xf1: {  	v34 =	vld [tilespmem:$0x6540];
	v33 =	vadd.f32 v24, v5;
	[tilespmem:$0x61C0] =	vst v29  }
0xf2: {  	v36 =	vld [tilespmem:$0x65C0];
	v35 =	vadd.f32 v26, v6;
	[tilespmem:$0x6240] =	vst v31  }
0xf3: {  	v38 =	vld [tilespmem:$0x6640];
	v37 =	vadd.f32 v28, v7;
	[tilespmem:$0x62C0] =	vst v33  }
0xf4: {  	v40 =	vld [tilespmem:$0x66C0];
	v39 =	vadd.f32 v30, v8;
	[tilespmem:$0x6340] =	vst v35  }
0xf5: {  	v42 =	vld [tilespmem:$0x6740];
	v41 =	vadd.f32 v32, v9;
	[tilespmem:$0x63C0] =	vst v37  }
0xf6: {  	v44 =	vld [tilespmem:$0x67C0];
	v43 =	vadd.f32 v34, v10;
	[tilespmem:$0x6440] =	vst v39  }
0xf7: {  	v46 =	vld [tilespmem:$0x6850];
	v45 =	vadd.f32 v36, v11;
	[tilespmem:$0x64C0] =	vst v41  }
0xf8: {  	v48 =	vld [tilespmem:$0x68D0];
	v47 =	vadd.f32 v38, v12;
	[tilespmem:$0x6540] =	vst v43  }
0xf9: {  	v50 =	vld [tilespmem:$0x6950];
	v49 =	vadd.f32 v40, v13;
	[tilespmem:$0x65C0] =	vst v45  }
0xfa: {  	v51 =	vadd.f32 v42, v14;
	v52 =	vld [tilespmem:$0x69D0];
	[tilespmem:$0x6640] =	vst v47  }
0xfb: {  	v53 =	vadd.f32 v44, v15;
	v54 =	vld [tilespmem:$0x6A50];
	[tilespmem:$0x66C0] =	vst v49  }
0xfc: {  	v55 =	vadd.f32 v46, v0;
	v56 =	vld [tilespmem:$0x6AD0];
	[tilespmem:$0x6740] =	vst v51  }
0xfd: {  	v57 =	vadd.f32 v48, v1;
	v58 =	vld [tilespmem:$0x6B50];
	[tilespmem:$0x67C0] =	vst v53  }
0xfe: {  	v60 =	vld [tilespmem:$0x6BD0];
	[tilespmem:$0x6850] =	vst v55;
	v59 =	vadd.f32 v50, v2  }
0xff: {  	v62 =	vld [tilespmem:$0x6C50];
	[tilespmem:$0x68D0] =	vst v57;
	v61 =	vadd.f32 v52, v3  }
0x100: {  	v24 =	vld [tilespmem:$0x6CD0];
	[tilespmem:$0x6950] =	vst v59;
	v63 =	vadd.f32 v54, v4  }
0x101: {  	v26 =	vld [tilespmem:$0x6D50];
	v25 =	vadd.f32 v56, v5;
	[tilespmem:$0x69D0] =	vst v61  }
0x102: {  	v28 =	vld [tilespmem:$0x6DD0];
	v27 =	vadd.f32 v58, v6;
	[tilespmem:$0x6A50] =	vst v63  }
0x103: {  	v30 =	vld [tilespmem:$0x6E50];
	v29 =	vadd.f32 v60, v7;
	[tilespmem:$0x6AD0] =	vst v25  }
0x104: {  	v32 =	vld [tilespmem:$0x6ED0];
	v31 =	vadd.f32 v62, v8;
	[tilespmem:$0x6B50] =	vst v27  }
0x105: {  	v34 =	vld [tilespmem:$0x6F50];
	v33 =	vadd.f32 v24, v9;
	[tilespmem:$0x6BD0] =	vst v29  }
0x106: {  	v36 =	vld [tilespmem:$0x6FD0];
	v35 =	vadd.f32 v26, v10;
	[tilespmem:$0x6C50] =	vst v31  }
0x107: {  	v38 =	vld [tilespmem:$0x7060];
	v37 =	vadd.f32 v28, v11;
	[tilespmem:$0x6CD0] =	vst v33  }
0x108: {  	v40 =	vld [tilespmem:$0x70E0];
	v39 =	vadd.f32 v30, v12;
	[tilespmem:$0x6D50] =	vst v35  }
0x109: {  	v42 =	vld [tilespmem:$0x7160];
	v41 =	vadd.f32 v32, v13;
	[tilespmem:$0x6DD0] =	vst v37  }
0x10a: {  	v44 =	vld [tilespmem:$0x71E0];
	v43 =	vadd.f32 v34, v14;
	[tilespmem:$0x6E50] =	vst v39  }
0x10b: {  	v46 =	vld [tilespmem:$0x7260];
	v45 =	vadd.f32 v36, v15;
	[tilespmem:$0x6ED0] =	vst v41  }
0x10c: {  	v48 =	vld [tilespmem:$0x72E0];
	v47 =	vadd.f32 v38, v0;
	[tilespmem:$0x6F50] =	vst v43  }
0x10d: {  	v50 =	vld [tilespmem:$0x7360];
	v49 =	vadd.f32 v40, v1;
	[tilespmem:$0x6FD0] =	vst v45  }
0x10e: {  	v51 =	vadd.f32 v42, v2;
	v52 =	vld [tilespmem:$0x73E0];
	[tilespmem:$0x7060] =	vst v47  }
0x10f: {  	v53 =	vadd.f32 v44, v3;
	v54 =	vld [tilespmem:$0x7460];
	[tilespmem:$0x70E0] =	vst v49  }
0x110: {  	v55 =	vadd.f32 v46, v4;
	v56 =	vld [tilespmem:$0x74E0];
	[tilespmem:$0x7160] =	vst v51  }
0x111: {  	v57 =	vadd.f32 v48, v5;
	v58 =	vld [tilespmem:$0x7560];
	[tilespmem:$0x71E0] =	vst v53  }
0x112: {  	v60 =	vld [tilespmem:$0x75E0];
	[tilespmem:$0x7260] =	vst v55;
	v59 =	vadd.f32 v50, v6  }
0x113: {  	v62 =	vld [tilespmem:$0x7660];
	[tilespmem:$0x72E0] =	vst v57;
	v61 =	vadd.f32 v52, v7  }
0x114: {  	v24 =	vld [tilespmem:$0x76E0];
	[tilespmem:$0x7360] =	vst v59;
	v63 =	vadd.f32 v54, v8  }
0x115: {  	v26 =	vld [tilespmem:$0x7760];
	v25 =	vadd.f32 v56, v9;
	[tilespmem:$0x73E0] =	vst v61  }
0x116: {  	v28 =	vld [tilespmem:$0x77E0];
	v27 =	vadd.f32 v58, v10;
	[tilespmem:$0x7460] =	vst v63  }
0x117: {  	v30 =	vld [tilespmem:$0x7870];
	v29 =	vadd.f32 v60, v11;
	[tilespmem:$0x74E0] =	vst v25  }
0x118: {  	v32 =	vld [tilespmem:$0x78F0];
	v31 =	vadd.f32 v62, v12;
	[tilespmem:$0x7560] =	vst v27  }
0x119: {  	v34 =	vld [tilespmem:$0x7970];
	v33 =	vadd.f32 v24, v13;
	[tilespmem:$0x75E0] =	vst v29  }
0x11a: {  	v36 =	vld [tilespmem:$0x79F0];
	v35 =	vadd.f32 v26, v14;
	[tilespmem:$0x7660] =	vst v31  }
0x11b: {  	v38 =	vld [tilespmem:$0x7A70];
	v37 =	vadd.f32 v28, v15;
	[tilespmem:$0x76E0] =	vst v33  }
0x11c: {  	v40 =	vld [tilespmem:$0x7B70];
	v0 =	vadd.f32 v30, v0;
	[tilespmem:$0x7760] =	vst v35  }
0x11d: {  	v42 =	vld [tilespmem:$0x7BF0];
	v1 =	vadd.f32 v32, v1;
	[tilespmem:$0x77E0] =	vst v37  }
0x11e: {  	v44 =	vld [tilespmem:$0x7C70];
	v41 =	vadd.f32 v34, v2;
	[tilespmem:$0x7870] =	vst v0  }
0x11f: {  	v46 =	vld [tilespmem:$0x7CF0];
	v43 =	vadd.f32 v36, v3;
	[tilespmem:$0x78F0] =	vst v1  }
0x120: {  	v48 =	vld [tilespmem:$0x7D70];
	v45 =	vadd.f32 v38, v4;
	[tilespmem:$0x7970] =	vst v41  }
0x121: {  	v39 =	vld [tilespmem:$0x7AF0];
	v49 =	vadd.f32 v40, v6;
	[tilespmem:$0x79F0] =	vst v43  }
0x122: {  	v50 =	vld [tilespmem:$0x7DF0];
	v51 =	vadd.f32 v42, v7;
	[tilespmem:$0x7A70] =	vst v45  }
0x123: {  	v52 =	vld [tilespmem:$0x7E70];
	v53 =	vadd.f32 v44, v8;
	[tilespmem:$0x7B70] =	vst v49  }
0x124: {  	v54 =	vld [tilespmem:$0x7EF0];
	v55 =	vadd.f32 v46, v9;
	[tilespmem:$0x7BF0] =	vst v51  }
0x125: {  	v56 =	vld [tilespmem:$0x7F70];
	v57 =	vadd.f32 v48, v10;
	[tilespmem:$0x7C70] =	vst v53  }
0x126: {  	v58 =	vld [tilespmem:$0x7FF0];
	v47 =	vadd.f32 v39, v5;
	[tilespmem:$0x7CF0] =	vst v55  }
0x127: {  	v59 =	vadd.f32 v50, v11;
	[tilespmem:$0x7D70] =	vst v57  }
0x128: {  	[tilespmem:$0x7AF0] =	vst v47;
	v60 =	vadd.f32 v52, v12  }
0x129: {  	[tilespmem:$0x7DF0] =	vst v59;
	v61 =	vadd.f32 v54, v13  }
0x12a: {  	v62 =	vadd.f32 v56, v14;
	[tilespmem:$0x7E70] =	vst v60  }
0x12b: {  	v63 =	vadd.f32 v58, v15;
	[tilespmem:$0x7EF0] =	vst v61  }
0x12c: {  	[tilespmem:$0x7F70] =	vst v62  }
0x12d: {  	[tilespmem:$0x7FF0] =	vst v63  }
0x12e: {  	[hbm4b:s5+s9] =	stream.strided.scatter [tilespmem:s11], [sflag:$0x1], $0x4000, s10, s9, $0x38;
	[tilespmem:$0x8080] =	vst v63  }
0x12f: {  	p0 =	sne.s32 s6, $0x1;
	_ =	swait.ge [sflag:s12], $0x4000  }
.Ltmp0:
0x130: {  	[sflag:s12] =	ssyncset.done $0x0;
	(pc) =	sbr.rel @p0 .LBB2_1-.Ltmp0, $4  }
0x131: {  	[sflag:s12] =	ssyncadd.s32 $0xFFFFC000  }
0x132: {  	_ =	swait.ge [sflag:s12], $0x4000  }
0x133: {  	[sflag:s12] =	ssyncset.done $0x0  }
0x134: {  	s6 =	sadd.s32 $0xFFFFFFFF, s6;
	[sflag:s12] =	ssyncadd.s32 $0xFFFFC000  }
0x135: {  	_ =	sfence.sel $0x180000  }
0x136: {  	[bflag:$0x0] =	sbarrier.arrive $0xFFFF  }
0x137: {  	p0 =	sne.s32 s0, $0x0;
	_ =	strace $0x90000047  }
0x138: {  	s0 =	sadd.s32 @!p0 $0x100000, s1;
	[bflag:$0x2] =	sbarrier.arrive $0xFFFF  }
0x139: {  	[sflag:s0] =	ssyncadd.tile.s32 @!p0 $0x1;
	_ =	shalt  }
.Lfunc_end2:
_tile_overlayer_lowered:
.L_overlay_start_2:
0x13a: {  	(tag) =	ssettag $0x2  }
0x13b: {  	s0 =	rddreg [dreg:$0x0];
	s2 =	stileid.u32  }
0x13c: {  	s1 =	rddreg [dreg:$0x1];
	p0 =	sne.s32 s2, $0x0  }
0x13d: {  	s3 =	rddreg [dreg:$0x2];
	[bflag:$0x3] =	sbarrier.arrive $0xFFFF;
	s2 =	simm.s32 @!p0 $0x1C02  }
0x13e: {  	[timem:s3], [sflag:s2] =	dma.local @!p0 [hbm:s0], s1  }
0x13f: {  	s0 =	simm.s32 @!p0 $0x2  }
0x140: {  	_ =	swait.ge @!p0 [sflag:s0], s1  }
0x141: {  	s1 =	ssub.s32 @!p0 $0x0, s1;
	[sflag:s0] =	ssyncset.done @!p0 $0x0  }
0x142: {  	[sflag:s0] =	ssyncadd.s32 @!p0 s1  }
0x143: {  	[bflag:$0x3] =	sbarrier.arrive $0xFFFF  }
0x144: {  	_ =	shalt  }

</sc_bundles>
